<compile_context>
chip_gen: v7x
topology: tpu7x:2x2x1
jax: 0.10.2.dev20260603
libtpu: 0.0.44.dev20260713+nightly
codegen_flags: <defaults>
</compile_context>

<pallas_src>
import functools

import numpy as np
import jax
import jax.numpy as jnp
from jax import lax
from jax.experimental import pallas as pl
from jax.experimental.pallas import tpu as pltpu
from jax.experimental.pallas import tpu_sc as plsc

BETA = 1.0
GAMMA = 1.0
DELTA = 0.0
INTERPOLATE_N = 4
LAMBD = 0.05


def _interp_weights(n=INTERPOLATE_N):
    t = np.linspace(0.0, 1.0, n)
    a, b = np.meshgrid(t, t, indexing="ij")
    w = np.stack([a, b, 1.0 - a - b], axis=-1).reshape(-1, 3)
    return np.asarray(w[w[:, 2] >= 0], dtype=np.float32)


_W = _interp_weights()
_K = _W.shape[0]


@functools.lru_cache(maxsize=None)
def _make_sampler(B, M, F):
    info = plsc.get_sparse_core_info()
    NC, NS = 1, info.num_subcores
    NW = NC * NS
    WPB = NW // B
    FPW = F // WPB
    G = FPW // 16
    SPW = FPW * _K

    mesh = plsc.VectorSubcoreMesh(
        core_axis_name="c", subcore_axis_name="s", num_cores=NC
    )

    S = F * _K

    CVL = ((B * M * 3 + 7) // 8) * 8

    @functools.partial(
        pl.kernel,
        mesh=mesh,
        compiler_params=pltpu.CompilerParams(
            needs_layout_passes=False, skip_device_barrier=True
        ),
        out_type=jax.ShapeDtypeStruct((B * 3 * S,), jnp.float32),
        scratch_types=[
            pltpu.VMEM((CVL,), jnp.int32),
            pltpu.VMEM((FPW * 3,), jnp.int32),
            pltpu.VMEM((3 * SPW,), jnp.float32),
            pltpu.SemaphoreType.DMA,
        ],
    )
    def sampler(packed_hbm, out_hbm, cv_v, cf_v, out_v, sem):
        wid = lax.axis_index("s") * NC + lax.axis_index("c")
        b = wid // WPB
        wb = wid % WPB
        cf_off = pl.multiple_of(
            CVL + b * (F * 3) + wb * (FPW * 3), 8
        )
        in_copies = [
            pltpu.async_copy(packed_hbm.at[pl.ds(0, CVL)], cv_v, sem),
            pltpu.async_copy(packed_hbm.at[pl.ds(cf_off, FPW * 3)], cf_v, sem),
        ]
        for cp in in_copies:
            cp.wait()
        cv_base = b * (M * 3)
        iota = lax.broadcasted_iota(jnp.int32, (16,), 0)
        for g in range(G):
            verts = []
            for j in range(3):
                idx = plsc.load_gather(cf_v, [iota * 3 + (g * 48 + j)])
                verts.append(
                    [
                        plsc.bitcast(
                            plsc.load_gather(
                                cv_v, [idx * 3 + (cv_base + c)]
                            ),
                            jnp.float32,
                        )
                        for c in range(3)
                    ]
                )
            for k in range(_K):
                for c in range(3):
                    val = None
                    for j in range(3):
                        wkj = float(_W[k, j])
                        if wkj == 0.0:
                            continue
                        term = verts[j][c] if wkj == 1.0 else wkj * verts[j][c]
                        val = term if val is None else val + term
                    out_v[pl.ds(c * SPW + k * FPW + g * 16, 16)] = val
        copies = [
            pltpu.async_copy(
                out_v.at[pl.ds(c * SPW, SPW)],
                out_hbm.at[
                    pl.ds(
                        pl.multiple_of(b * (3 * S) + c * S + wb * SPW, 8), SPW
                    )
                ],
                sem,
            )
            for c in range(3)
        ]
        for cp in copies:
            cp.wait()

    return sampler


@functools.lru_cache(maxsize=None)
def _make_chamfer(B, M, S, N, s_blk):
    nsb = S // s_blk
    gamma_eff = float(GAMMA + DELTA * M)

    def body(cs_ref, sh_ref, loss_ref, s2c_ref, acc_ref):
        b = pl.program_id(0)
        s = pl.program_id(1)

        @pl.when(s == 0)
        def _init():
            s2c_ref[...] = jnp.full_like(s2c_ref[...], jnp.inf)
            acc_ref[0, 0] = 0.0
            acc_ref[1, 0] = -jnp.inf

        csx = cs_ref[pl.ds(0 * S + s * s_blk, s_blk)][None, :]
        csy = cs_ref[pl.ds(1 * S + s * s_blk, s_blk)][None, :]
        csz = cs_ref[pl.ds(2 * S + s * s_blk, s_blk)][None, :]
        cs2 = csx * csx + csy * csy + csz * csz
        shx = sh_ref[0, :, 0:1]
        shy = sh_ref[0, :, 1:2]
        shz = sh_ref[0, :, 2:3]
        sh2 = shx * shx + shy * shy + shz * shz
        lhs = jnp.concatenate(
            [-2.0 * shx, -2.0 * shy, -2.0 * shz, jnp.ones_like(shx), sh2],
            axis=1,
        )
        rhs = jnp.concatenate(
            [csx, csy, csz, cs2, jnp.ones_like(csx)], axis=0
        )
        lh = lhs.astype(jnp.bfloat16)
        ll = (lhs - lh.astype(jnp.float32)).astype(jnp.bfloat16)
        rh = rhs.astype(jnp.bfloat16)
        rl = (rhs - rh.astype(jnp.float32)).astype(jnp.bfloat16)
        lhs_cat = jnp.concatenate([lh, lh, ll], axis=1)
        rhs_cat = jnp.concatenate([rh, rl, rh], axis=0)

        half = s_blk // 4
        m = None
        for h in range(4):
            d = jnp.dot(
                lhs_cat,
                rhs_cat[:, h * half : (h + 1) * half],
                preferred_element_type=jnp.float32,
            )
            c2s = jnp.min(d, axis=0)
            c2s = jnp.where(c2s > LAMBD, c2s, 0.0)
            acc_ref[0, 0] += jnp.sum(c2s)
            acc_ref[1, 0] = jnp.maximum(acc_ref[1, 0], jnp.max(c2s))
            for i in range(half // 128):
                blk = d[:, i * 128 : (i + 1) * 128]
                m = blk if m is None else jnp.minimum(m, blk)
        s2c_ref[...] = jnp.minimum(s2c_ref[...], m)

        @pl.when(s == nsb - 1)
        def _finalize():
            s2c = jnp.min(s2c_ref[...], axis=1, keepdims=True)
            s2c = jnp.where(s2c > LAMBD, s2c, 0.0)
            loss_b = (
                jnp.mean(s2c) * gamma_eff
                + acc_ref[0, 0] / S
                + BETA * acc_ref[1, 0]
            )

            @pl.when(b == 0)
            def _():
                loss_ref[0, 0] = loss_b / B

            @pl.when(b != 0)
            def _():
                loss_ref[0, 0] += loss_b / B

    return pl.pallas_call(
        body,
        grid=(B, nsb),
        in_specs=[
            pl.BlockSpec((3 * S,), lambda b, s: (b,)),
            pl.BlockSpec((1, N, 3), lambda b, s: (b, 0, 0)),
        ],
        out_specs=pl.BlockSpec(memory_space=pltpu.SMEM),
        out_shape=jax.ShapeDtypeStruct((1, 1), jnp.float32),
        scratch_shapes=[
            pltpu.VMEM((N, 128), jnp.float32),
            pltpu.SMEM((2, 1), jnp.float32),
        ],
    )


def kernel(cage_v, cage_f, shape):
    B, M, _ = cage_v.shape
    F = cage_f.shape[1]
    N = shape.shape[1]
    S = F * _K

    cv_i32 = jax.lax.bitcast_convert_type(cage_v, jnp.int32).reshape(-1)
    pad = (-(B * M * 3)) % 8
    if pad:
        cv_i32 = jnp.pad(cv_i32, (0, pad))
    packed = jnp.concatenate([cv_i32, cage_f.reshape(-1)])

    cs = _make_sampler(B, M, F)(packed)
    loss = _make_chamfer(B, M, S, N, 5120)(cs, shape)
    return loss[0, 0]

# --- scband reference (transcript-rebuilt; emitter-appended) ---
"""Pipeline reference for scband-interpolated-cdtri-mesh-9758165696609 (READ-ONLY COPY).

The authoritative reference and input builder live on the scoring server;
editing this copy changes nothing except your own understanding.
"""

import jax, jax.numpy as jnp
import numpy as np

BETA = 1.0
GAMMA = 1.0
DELTA = 0.0
INTERPOLATE_N = 4
LAMBD = 0.05


def _sample_weights(n=INTERPOLATE_N):
    # mirrors: t = linspace(0,1,n); meshgrid(t,t) (ij); stack (a, b, 1-a-b); keep rows with w[:,2] >= 0
    t = np.linspace(0.0, 1.0, n)
    a, b = np.meshgrid(t, t, indexing='ij')
    w = np.stack([a, b, 1.0 - a - b], axis=-1).reshape(-1, 3)
    w = w[w[:, 2] >= 0]
    return jnp.asarray(w, dtype=jnp.float32)  # [K, 3], K=10 for n=4


def _hardshrink(x, lambd=LAMBD):
    return jnp.where(jnp.abs(x) > lambd, x, jnp.zeros_like(x))


def setup_inputs(seed: int = 0) -> dict:
    key = jax.random.key(seed)
    k1, k2, k3 = jax.random.split(key, 3)
    cage_v = jax.random.normal(k1, (2, 642, 3), dtype=jnp.float32)
    cage_f = jax.random.randint(k2, (2, 1024, 3), 0, 642, dtype=jnp.int32)
    shape = jax.random.normal(k3, (2, 2048, 3), dtype=jnp.float32)
    return {"cage_v": cage_v, "cage_f": cage_f, "shape": shape}


def reference(cage_v, cage_f, shape):
    B, M, D = cage_v.shape
    F = cage_f.shape[1]
    N = shape.shape[1]
    w = _sample_weights(INTERPOLATE_N)            # [K, 3]
    K = w.shape[0]
    # gather face vertices: torch.gather(cage_v, 1, cage_f.reshape(B,F*3,1).expand(..,3))
    idx = cage_f.reshape(B, F * 3)
    face_v = cage_v[jnp.arange(B)[:, None], idx]  # [B, F*3, 3]
    face_v = face_v.reshape(B, F, 1, 3, 3)        # [B, F, 1, 3(verts), 3(xyz)]
    sw = w[None, None, :, :, None]                # [1, 1, K, 3, 1]
    cage_sampled = jnp.sum(sw * face_v, axis=-2).reshape(B, -1, 3)  # [B, F*K, 3]
    # nndistance(cage_sampled, shape): squared nearest-neighbor distances both directions
    d = jnp.sum((cage_sampled[:, :, None, :] - shape[:, None, :, :]) ** 2, axis=-1)  # [B, S, N]
    cage2shape = jnp.min(d, axis=2)   # [B, S]
    shape2cage = jnp.min(d, axis=1)   # [B, N]
    shape2cage = _hardshrink(shape2cage)
    cage2shape = _hardshrink(cage2shape)
    loss = (jnp.mean(shape2cage, axis=1) * (GAMMA + DELTA * M)
            + jnp.mean(cage2shape, axis=1)
            + BETA * jnp.max(cage2shape, axis=1))
    return jnp.mean(loss)

if __name__ == "__main__":
    import jax
    _d = setup_inputs()
    print(jax.jit(kernel)(*tuple(_d.values())))

</pallas_src>

<mosaic_0001>
#map = affine_map<(d0, d1) -> (0)>
module attributes {stable_mosaic.version = 14 : i64} {
  func.func @sampler(%arg0: i32, %arg1: i32, %arg2: memref<10000xi32, #tpu.memory_space<hbm>>, %arg3: memref<61440xf32, #tpu.memory_space<hbm>>, %arg4: memref<3856xi32, #tpu.memory_space<vmem>>, %arg5: memref<384xi32, #tpu.memory_space<vmem>>, %arg6: memref<3840xf32, #tpu.memory_space<vmem>>, %arg7: memref<!tpu.dma_semaphore, #tpu.memory_space<semaphore_mem>>) attributes {dimension_semantics = [#tpu.dimension_semantics<core_parallel>, #tpu.dimension_semantics<subcore_parallel>], iteration_bounds = array<i64: 1, 16>, scalar_prefetch = 0 : i64, scratch_operands = 4 : i64, tpu.core_type = #tpu.core_type<sc_vector_subcore>, window_params = [{transform_indices = #map}, {transform_indices = #map}]} {
    %mul3A = arith.constant 1 : i32
    %mul3A_0 = arith.muli %arg1, %mul3A : i32
    %add3A = arith.addi %mul3A_0, %arg0 : i32
    %jit3A = arith.constant 8 : i32
    %div3A = arith.divsi %add3A, %jit3A : i32
    %sign3A = arith.constant 0 : i32
    %sign3A_1 = arith.cmpi sgt, %add3A, %sign3A : i32
    %sign3A_2 = arith.extui %sign3A_1 : i1 to i32
    %sign3A_3 = arith.constant 0 : i32
    %sign3A_4 = arith.cmpi slt, %add3A, %sign3A_3 : i32
    %sign3A_5 = arith.extui %sign3A_4 : i1 to i32
    %sign3A_6 = arith.subi %sign3A_2, %sign3A_5 : i32
    %sign3A_7 = arith.constant 0 : i32
    %sign3A_8 = arith.cmpi sgt, %jit3A, %sign3A_7 : i32
    %sign3A_9 = arith.extui %sign3A_8 : i1 to i32
    %sign3A_10 = arith.constant 0 : i32
    %sign3A_11 = arith.cmpi slt, %jit3A, %sign3A_10 : i32
    %sign3A_12 = arith.extui %sign3A_11 : i1 to i32
    %sign3A_13 = arith.subi %sign3A_9, %sign3A_12 : i32
    %ne3A = arith.cmpi ne, %sign3A_6, %sign3A_13 : i32
    %rem3A = arith.remsi %add3A, %jit3A : i32
    %ne3A_14 = arith.constant 0 : i32
    %ne3A_15 = arith.cmpi ne, %rem3A, %ne3A_14 : i32
    %and3A = arith.andi %ne3A, %ne3A_15 : i1
    %sub3A = arith.constant 1 : i32
    %sub3A_16 = arith.subi %div3A, %sub3A : i32
    %select_n3A = arith.select %and3A, %sub3A_16, %div3A : i32
    %jit3A_17 = arith.constant 8 : i32
    %eq3A = arith.constant 0 : i32
    %eq3A_18 = arith.cmpi eq, %jit3A_17, %eq3A : i32
    %jit3A_19 = arith.constant 1 : i32
    %select_n3A_20 = arith.select %eq3A_18, %jit3A_19, %jit3A_17 : i32
    %rem3A_21 = arith.remsi %add3A, %select_n3A_20 : i32
    %ne3A_22 = arith.constant 0 : i32
    %ne3A_23 = arith.cmpi ne, %rem3A_21, %ne3A_22 : i32
    %lt3A = arith.constant 0 : i32
    %lt3A_24 = arith.cmpi slt, %rem3A_21, %lt3A : i32
    %lt3A_25 = arith.constant 0 : i32
    %lt3A_26 = arith.cmpi slt, %select_n3A_20, %lt3A_25 : i32
    %ne3A_27 = arith.xori %lt3A_24, %lt3A_26 : i1
    %and3A_28 = arith.andi %ne3A_27, %ne3A_23 : i1
    %add3A_29 = arith.addi %rem3A_21, %select_n3A_20 : i32
    %select_n3A_30 = arith.select %and3A_28, %add3A_29, %rem3A_21 : i32
    %mul3A_31 = arith.constant 3072 : i32
    %mul3A_32 = arith.muli %select_n3A, %mul3A_31 : i32
    %add3A_33 = arith.constant 3856 : i32
    %add3A_34 = arith.addi %add3A_33, %mul3A_32 : i32
    %mul3A_35 = arith.constant 384 : i32
    %mul3A_36 = arith.muli %select_n3A_30, %mul3A_35 : i32
    %add3A_37 = arith.addi %add3A_34, %mul3A_36 : i32
    %multiple_of3A = tpu.assume_multiple %add3A_37, 8 : i32
    %dma_start3A = arith.constant 0 : i32
    %dma_start3A_38 = tpu.memref_slice %arg2[%dma_start3A] : memref<10000xi32, #tpu.memory_space<hbm>> -> memref<3856xi32, #tpu.memory_space<hbm>>
    %dma_start3A_39 = arith.constant 0 : i32
    %dma_start3A_40 = tpu.memref_slice %arg2[%dma_start3A_39] : memref<10000xi32, #tpu.memory_space<hbm>> -> memref<3856xi32, #tpu.memory_space<hbm>>
    tpu.enqueue_dma source(%dma_start3A_40 : memref<3856xi32, #tpu.memory_space<hbm>>) target(%arg4 : memref<3856xi32, #tpu.memory_space<vmem>>) target_semaphore(%arg7 : memref<!tpu.dma_semaphore, #tpu.memory_space<semaphore_mem>>)
    %dma_start3A_41 = tpu.memref_slice %arg2[%multiple_of3A] : memref<10000xi32, #tpu.memory_space<hbm>> -> memref<384xi32, #tpu.memory_space<hbm>>
    %dma_start3A_42 = tpu.memref_slice %arg2[%multiple_of3A] : memref<10000xi32, #tpu.memory_space<hbm>> -> memref<384xi32, #tpu.memory_space<hbm>>
    tpu.enqueue_dma source(%dma_start3A_42 : memref<384xi32, #tpu.memory_space<hbm>>) target(%arg5 : memref<384xi32, #tpu.memory_space<vmem>>) target_semaphore(%arg7 : memref<!tpu.dma_semaphore, #tpu.memory_space<semaphore_mem>>)
    %dma_wait3A = arith.constant 0 : i32
    %dma_wait3A_43 = tpu.memref_slice %arg2[%dma_wait3A] : memref<10000xi32, #tpu.memory_space<hbm>> -> memref<3856xi32, #tpu.memory_space<hbm>>
    %dma_wait3A_44 = arith.constant 0 : i32
    %dma_wait3A_45 = tpu.memref_slice %arg2[%dma_wait3A_44] : memref<10000xi32, #tpu.memory_space<hbm>> -> memref<3856xi32, #tpu.memory_space<hbm>>
    tpu.wait_dma2 semaphore(%arg7 : memref<!tpu.dma_semaphore, #tpu.memory_space<semaphore_mem>>) src(%dma_wait3A_45 : memref<3856xi32, #tpu.memory_space<hbm>>) dst(%arg4 : memref<3856xi32, #tpu.memory_space<vmem>>)
    %dma_wait3A_46 = tpu.memref_slice %arg2[%multiple_of3A] : memref<10000xi32, #tpu.memory_space<hbm>> -> memref<384xi32, #tpu.memory_space<hbm>>
    %dma_wait3A_47 = tpu.memref_slice %arg2[%multiple_of3A] : memref<10000xi32, #tpu.memory_space<hbm>> -> memref<384xi32, #tpu.memory_space<hbm>>
    tpu.wait_dma2 semaphore(%arg7 : memref<!tpu.dma_semaphore, #tpu.memory_space<semaphore_mem>>) src(%dma_wait3A_47 : memref<384xi32, #tpu.memory_space<hbm>>) dst(%arg5 : memref<384xi32, #tpu.memory_space<vmem>>)
    %mul3A_48 = arith.constant 1926 : i32
    %mul3A_49 = arith.muli %select_n3A, %mul3A_48 : i32
    %iota3A = tpu.iota {dimensions = array<i32: 0>} : vector<16xi32>
    %mul3A_50 = arith.constant 3 : i32
    %mul3A_51 = vector.broadcast %mul3A_50 : i32 to vector<16xi32>
    %mul3A_52 = arith.muli %iota3A, %mul3A_51 : vector<16xi32>
    %add3A_53 = arith.constant 0 : i32
    %add3A_54 = vector.broadcast %add3A_53 : i32 to vector<16xi32>
    %add3A_55 = arith.addi %mul3A_52, %add3A_54 : vector<16xi32>
    %gather3A = tpu.vector_load_idx %arg5[%add3A_55] : memref<384xi32, #tpu.memory_space<vmem>>[vector<16xi32>], vector<16xi32>,
    %mul3A_56 = arith.constant 3 : i32
    %mul3A_57 = vector.broadcast %mul3A_56 : i32 to vector<16xi32>
    %mul3A_58 = arith.muli %gather3A, %mul3A_57 : vector<16xi32>
    %add3A_59 = arith.constant 0 : i32
    %add3A_60 = arith.addi %mul3A_49, %add3A_59 : i32
    %add3A_61 = vector.broadcast %add3A_60 : i32 to vector<16xi32>
    %add3A_62 = arith.addi %mul3A_58, %add3A_61 : vector<16xi32>
    %gather3A_63 = tpu.vector_load_idx %arg4[%add3A_62] : memref<3856xi32, #tpu.memory_space<vmem>>[vector<16xi32>], vector<16xi32>,
    %bitcast3A = vector.bitcast %gather3A_63 : vector<16xi32> to vector<16xf32>
    %mul3A_64 = arith.constant 3 : i32
    %mul3A_65 = vector.broadcast %mul3A_64 : i32 to vector<16xi32>
    %mul3A_66 = arith.muli %gather3A, %mul3A_65 : vector<16xi32>
    %add3A_67 = arith.constant 1 : i32
    %add3A_68 = arith.addi %mul3A_49, %add3A_67 : i32
    %add3A_69 = vector.broadcast %add3A_68 : i32 to vector<16xi32>
    %add3A_70 = arith.addi %mul3A_66, %add3A_69 : vector<16xi32>
    %gather3A_71 = tpu.vector_load_idx %arg4[%add3A_70] : memref<3856xi32, #tpu.memory_space<vmem>>[vector<16xi32>], vector<16xi32>,
    %bitcast3A_72 = vector.bitcast %gather3A_71 : vector<16xi32> to vector<16xf32>
    %mul3A_73 = arith.constant 3 : i32
    %mul3A_74 = vector.broadcast %mul3A_73 : i32 to vector<16xi32>
    %mul3A_75 = arith.muli %gather3A, %mul3A_74 : vector<16xi32>
    %add3A_76 = arith.constant 2 : i32
    %add3A_77 = arith.addi %mul3A_49, %add3A_76 : i32
    %add3A_78 = vector.broadcast %add3A_77 : i32 to vector<16xi32>
    %add3A_79 = arith.addi %mul3A_75, %add3A_78 : vector<16xi32>
    %gather3A_80 = tpu.vector_load_idx %arg4[%add3A_79] : memref<3856xi32, #tpu.memory_space<vmem>>[vector<16xi32>], vector<16xi32>,
    %bitcast3A_81 = vector.bitcast %gather3A_80 : vector<16xi32> to vector<16xf32>
    %mul3A_82 = arith.constant 3 : i32
    %mul3A_83 = vector.broadcast %mul3A_82 : i32 to vector<16xi32>
    %mul3A_84 = arith.muli %iota3A, %mul3A_83 : vector<16xi32>
    %add3A_85 = arith.constant 1 : i32
    %add3A_86 = vector.broadcast %add3A_85 : i32 to vector<16xi32>
    %add3A_87 = arith.addi %mul3A_84, %add3A_86 : vector<16xi32>
    %gather3A_88 = tpu.vector_load_idx %arg5[%add3A_87] : memref<384xi32, #tpu.memory_space<vmem>>[vector<16xi32>], vector<16xi32>,
    %mul3A_89 = arith.constant 3 : i32
    %mul3A_90 = vector.broadcast %mul3A_89 : i32 to vector<16xi32>
    %mul3A_91 = arith.muli %gather3A_88, %mul3A_90 : vector<16xi32>
    %add3A_92 = arith.constant 0 : i32
    %add3A_93 = arith.addi %mul3A_49, %add3A_92 : i32
    %add3A_94 = vector.broadcast %add3A_93 : i32 to vector<16xi32>
    %add3A_95 = arith.addi %mul3A_91, %add3A_94 : vector<16xi32>
    %gather3A_96 = tpu.vector_load_idx %arg4[%add3A_95] : memref<3856xi32, #tpu.memory_space<vmem>>[vector<16xi32>], vector<16xi32>,
    %bitcast3A_97 = vector.bitcast %gather3A_96 : vector<16xi32> to vector<16xf32>
    %mul3A_98 = arith.constant 3 : i32
    %mul3A_99 = vector.broadcast %mul3A_98 : i32 to vector<16xi32>
    %mul3A_100 = arith.muli %gather3A_88, %mul3A_99 : vector<16xi32>
    %add3A_101 = arith.constant 1 : i32
    %add3A_102 = arith.addi %mul3A_49, %add3A_101 : i32
    %add3A_103 = vector.broadcast %add3A_102 : i32 to vector<16xi32>
    %add3A_104 = arith.addi %mul3A_100, %add3A_103 : vector<16xi32>
    %gather3A_105 = tpu.vector_load_idx %arg4[%add3A_104] : memref<3856xi32, #tpu.memory_space<vmem>>[vector<16xi32>], vector<16xi32>,
    %bitcast3A_106 = vector.bitcast %gather3A_105 : vector<16xi32> to vector<16xf32>
    %mul3A_107 = arith.constant 3 : i32
    %mul3A_108 = vector.broadcast %mul3A_107 : i32 to vector<16xi32>
    %mul3A_109 = arith.muli %gather3A_88, %mul3A_108 : vector<16xi32>
    %add3A_110 = arith.constant 2 : i32
    %add3A_111 = arith.addi %mul3A_49, %add3A_110 : i32
    %add3A_112 = vector.broadcast %add3A_111 : i32 to vector<16xi32>
    %add3A_113 = arith.addi %mul3A_109, %add3A_112 : vector<16xi32>
    %gather3A_114 = tpu.vector_load_idx %arg4[%add3A_113] : memref<3856xi32, #tpu.memory_space<vmem>>[vector<16xi32>], vector<16xi32>,
    %bitcast3A_115 = vector.bitcast %gather3A_114 : vector<16xi32> to vector<16xf32>
    %mul3A_116 = arith.constant 3 : i32
    %mul3A_117 = vector.broadcast %mul3A_116 : i32 to vector<16xi32>
    %mul3A_118 = arith.muli %iota3A, %mul3A_117 : vector<16xi32>
    %add3A_119 = arith.constant 2 : i32
    %add3A_120 = vector.broadcast %add3A_119 : i32 to vector<16xi32>
    %add3A_121 = arith.addi %mul3A_118, %add3A_120 : vector<16xi32>
    %gather3A_122 = tpu.vector_load_idx %arg5[%add3A_121] : memref<384xi32, #tpu.memory_space<vmem>>[vector<16xi32>], vector<16xi32>,
    %mul3A_123 = arith.constant 3 : i32
    %mul3A_124 = vector.broadcast %mul3A_123 : i32 to vector<16xi32>
    %mul3A_125 = arith.muli %gather3A_122, %mul3A_124 : vector<16xi32>
    %add3A_126 = arith.constant 0 : i32
    %add3A_127 = arith.addi %mul3A_49, %add3A_126 : i32
    %add3A_128 = vector.broadcast %add3A_127 : i32 to vector<16xi32>
    %add3A_129 = arith.addi %mul3A_125, %add3A_128 : vector<16xi32>
    %gather3A_130 = tpu.vector_load_idx %arg4[%add3A_129] : memref<3856xi32, #tpu.memory_space<vmem>>[vector<16xi32>], vector<16xi32>,
    %bitcast3A_131 = vector.bitcast %gather3A_130 : vector<16xi32> to vector<16xf32>
    %mul3A_132 = arith.constant 3 : i32
    %mul3A_133 = vector.broadcast %mul3A_132 : i32 to vector<16xi32>
    %mul3A_134 = arith.muli %gather3A_122, %mul3A_133 : vector<16xi32>
    %add3A_135 = arith.constant 1 : i32
    %add3A_136 = arith.addi %mul3A_49, %add3A_135 : i32
    %add3A_137 = vector.broadcast %add3A_136 : i32 to vector<16xi32>
    %add3A_138 = arith.addi %mul3A_134, %add3A_137 : vector<16xi32>
    %gather3A_139 = tpu.vector_load_idx %arg4[%add3A_138] : memref<3856xi32, #tpu.memory_space<vmem>>[vector<16xi32>], vector<16xi32>,
    %bitcast3A_140 = vector.bitcast %gather3A_139 : vector<16xi32> to vector<16xf32>
    %mul3A_141 = arith.constant 3 : i32
    %mul3A_142 = vector.broadcast %mul3A_141 : i32 to vector<16xi32>
    %mul3A_143 = arith.muli %gather3A_122, %mul3A_142 : vector<16xi32>
    %add3A_144 = arith.constant 2 : i32
    %add3A_145 = arith.addi %mul3A_49, %add3A_144 : i32
    %add3A_146 = vector.broadcast %add3A_145 : i32 to vector<16xi32>
    %add3A_147 = arith.addi %mul3A_143, %add3A_146 : vector<16xi32>
    %gather3A_148 = tpu.vector_load_idx %arg4[%add3A_147] : memref<3856xi32, #tpu.memory_space<vmem>>[vector<16xi32>], vector<16xi32>,
    %bitcast3A_149 = vector.bitcast %gather3A_148 : vector<16xi32> to vector<16xf32>
    %swap3A = arith.constant 0 : index
    %swap3A_150 = tpu.vector_load %arg6[%swap3A] {strides = array<i32>} : memref<3840xf32, #tpu.memory_space<vmem>>, vector<16xf32>,
    tpu.vector_store %arg6[%swap3A], %bitcast3A_131 {strides = array<i32>} : memref<3840xf32, #tpu.memory_space<vmem>>, vector<16xf32>,
    %swap3A_151 = arith.constant 1280 : index
    %swap3A_152 = tpu.vector_load %arg6[%swap3A_151] {strides = array<i32>} : memref<3840xf32, #tpu.memory_space<vmem>>, vector<16xf32>,
    tpu.vector_store %arg6[%swap3A_151], %bitcast3A_140 {strides = array<i32>} : memref<3840xf32, #tpu.memory_space<vmem>>, vector<16xf32>,
    %swap3A_153 = arith.constant 2560 : index
    %swap3A_154 = tpu.vector_load %arg6[%swap3A_153] {strides = array<i32>} : memref<3840xf32, #tpu.memory_space<vmem>>, vector<16xf32>,
    tpu.vector_store %arg6[%swap3A_153], %bitcast3A_149 {strides = array<i32>} : memref<3840xf32, #tpu.memory_space<vmem>>, vector<16xf32>,
    %mul3A_155 = arith.constant 0.333333343 : f32
    %mul3A_156 = vector.broadcast %mul3A_155 : f32 to vector<16xf32>
    %mul3A_157 = arith.mulf %mul3A_156, %bitcast3A_97 : vector<16xf32>
    %mul3A_158 = arith.constant 0.666666686 : f32
    %mul3A_159 = vector.broadcast %mul3A_158 : f32 to vector<16xf32>
    %mul3A_160 = arith.mulf %mul3A_159, %bitcast3A_131 : vector<16xf32>
    %add3A_161 = arith.addf %mul3A_157, %mul3A_160 : vector<16xf32>
    %swap3A_162 = arith.constant 128 : index
    %swap3A_163 = tpu.vector_load %arg6[%swap3A_162] {strides = array<i32>} : memref<3840xf32, #tpu.memory_space<vmem>>, vector<16xf32>,
    tpu.vector_store %arg6[%swap3A_162], %add3A_161 {strides = array<i32>} : memref<3840xf32, #tpu.memory_space<vmem>>, vector<16xf32>,
    %mul3A_164 = arith.constant 0.333333343 : f32
    %mul3A_165 = vector.broadcast %mul3A_164 : f32 to vector<16xf32>
    %mul3A_166 = arith.mulf %mul3A_165, %bitcast3A_106 : vector<16xf32>
    %mul3A_167 = arith.constant 0.666666686 : f32
    %mul3A_168 = vector.broadcast %mul3A_167 : f32 to vector<16xf32>
    %mul3A_169 = arith.mulf %mul3A_168, %bitcast3A_140 : vector<16xf32>
    %add3A_170 = arith.addf %mul3A_166, %mul3A_169 : vector<16xf32>
    %swap3A_171 = arith.constant 1408 : index
    %swap3A_172 = tpu.vector_load %arg6[%swap3A_171] {strides = array<i32>} : memref<3840xf32, #tpu.memory_space<vmem>>, vector<16xf32>,
    tpu.vector_store %arg6[%swap3A_171], %add3A_170 {strides = array<i32>} : memref<3840xf32, #tpu.memory_space<vmem>>, vector<16xf32>,
    %mul3A_173 = arith.constant 0.333333343 : f32
    %mul3A_174 = vector.broadcast %mul3A_173 : f32 to vector<16xf32>
    %mul3A_175 = arith.mulf %mul3A_174, %bitcast3A_115 : vector<16xf32>
    %mul3A_176 = arith.constant 0.666666686 : f32
    %mul3A_177 = vector.broadcast %mul3A_176 : f32 to vector<16xf32>
    %mul3A_178 = arith.mulf %mul3A_177, %bitcast3A_149 : vector<16xf32>
    %add3A_179 = arith.addf %mul3A_175, %mul3A_178 : vector<16xf32>
    %swap3A_180 = arith.constant 2688 : index
    %swap3A_181 = tpu.vector_load %arg6[%swap3A_180] {strides = array<i32>} : memref<3840xf32, #tpu.memory_space<vmem>>, vector<16xf32>,
    tpu.vector_store %arg6[%swap3A_180], %add3A_179 {strides = array<i32>} : memref<3840xf32, #tpu.memory_space<vmem>>, vector<16xf32>,
    %mul3A_182 = arith.constant 0.666666686 : f32
    %mul3A_183 = vector.broadcast %mul3A_182 : f32 to vector<16xf32>
    %mul3A_184 = arith.mulf %mul3A_183, %bitcast3A_97 : vector<16xf32>
    %mul3A_185 = arith.constant 0.333333343 : f32
    %mul3A_186 = vector.broadcast %mul3A_185 : f32 to vector<16xf32>
    %mul3A_187 = arith.mulf %mul3A_186, %bitcast3A_131 : vector<16xf32>
    %add3A_188 = arith.addf %mul3A_184, %mul3A_187 : vector<16xf32>
    %swap3A_189 = arith.constant 256 : index
    %swap3A_190 = tpu.vector_load %arg6[%swap3A_189] {strides = array<i32>} : memref<3840xf32, #tpu.memory_space<vmem>>, vector<16xf32>,
    tpu.vector_store %arg6[%swap3A_189], %add3A_188 {strides = array<i32>} : memref<3840xf32, #tpu.memory_space<vmem>>, vector<16xf32>,
    %mul3A_191 = arith.constant 0.666666686 : f32
    %mul3A_192 = vector.broadcast %mul3A_191 : f32 to vector<16xf32>
    %mul3A_193 = arith.mulf %mul3A_192, %bitcast3A_106 : vector<16xf32>
    %mul3A_194 = arith.constant 0.333333343 : f32
    %mul3A_195 = vector.broadcast %mul3A_194 : f32 to vector<16xf32>
    %mul3A_196 = arith.mulf %mul3A_195, %bitcast3A_140 : vector<16xf32>
    %add3A_197 = arith.addf %mul3A_193, %mul3A_196 : vector<16xf32>
    %swap3A_198 = arith.constant 1536 : index
    %swap3A_199 = tpu.vector_load %arg6[%swap3A_198] {strides = array<i32>} : memref<3840xf32, #tpu.memory_space<vmem>>, vector<16xf32>,
    tpu.vector_store %arg6[%swap3A_198], %add3A_197 {strides = array<i32>} : memref<3840xf32, #tpu.memory_space<vmem>>, vector<16xf32>,
    %mul3A_200 = arith.constant 0.666666686 : f32
    %mul3A_201 = vector.broadcast %mul3A_200 : f32 to vector<16xf32>
    %mul3A_202 = arith.mulf %mul3A_201, %bitcast3A_115 : vector<16xf32>
    %mul3A_203 = arith.constant 0.333333343 : f32
    %mul3A_204 = vector.broadcast %mul3A_203 : f32 to vector<16xf32>
    %mul3A_205 = arith.mulf %mul3A_204, %bitcast3A_149 : vector<16xf32>
    %add3A_206 = arith.addf %mul3A_202, %mul3A_205 : vector<16xf32>
    %swap3A_207 = arith.constant 2816 : index
    %swap3A_208 = tpu.vector_load %arg6[%swap3A_207] {strides = array<i32>} : memref<3840xf32, #tpu.memory_space<vmem>>, vector<16xf32>,
    tpu.vector_store %arg6[%swap3A_207], %add3A_206 {strides = array<i32>} : memref<3840xf32, #tpu.memory_space<vmem>>, vector<16xf32>,
    %swap3A_209 = arith.constant 384 : index
    %swap3A_210 = tpu.vector_load %arg6[%swap3A_209] {strides = array<i32>} : memref<3840xf32, #tpu.memory_space<vmem>>, vector<16xf32>,
    tpu.vector_store %arg6[%swap3A_209], %bitcast3A_97 {strides = array<i32>} : memref<3840xf32, #tpu.memory_space<vmem>>, vector<16xf32>,
    %swap3A_211 = arith.constant 1664 : index
    %swap3A_212 = tpu.vector_load %arg6[%swap3A_211] {strides = array<i32>} : memref<3840xf32, #tpu.memory_space<vmem>>, vector<16xf32>,
    tpu.vector_store %arg6[%swap3A_211], %bitcast3A_106 {strides = array<i32>} : memref<3840xf32, #tpu.memory_space<vmem>>, vector<16xf32>,
    %swap3A_213 = arith.constant 2944 : index
    %swap3A_214 = tpu.vector_load %arg6[%swap3A_213] {strides = array<i32>} : memref<3840xf32, #tpu.memory_space<vmem>>, vector<16xf32>,
    tpu.vector_store %arg6[%swap3A_213], %bitcast3A_115 {strides = array<i32>} : memref<3840xf32, #tpu.memory_space<vmem>>, vector<16xf32>,
    %mul3A_215 = arith.constant 0.333333343 : f32
    %mul3A_216 = vector.broadcast %mul3A_215 : f32 to vector<16xf32>
    %mul3A_217 = arith.mulf %mul3A_216, %bitcast3A : vector<16xf32>
    %mul3A_218 = arith.constant 0.666666686 : f32
    %mul3A_219 = vector.broadcast %mul3A_218 : f32 to vector<16xf32>
    %mul3A_220 = arith.mulf %mul3A_219, %bitcast3A_131 : vector<16xf32>
    %add3A_221 = arith.addf %mul3A_217, %mul3A_220 : vector<16xf32>
    %swap3A_222 = arith.constant 512 : index
    %swap3A_223 = tpu.vector_load %arg6[%swap3A_222] {strides = array<i32>} : memref<3840xf32, #tpu.memory_space<vmem>>, vector<16xf32>,
    tpu.vector_store %arg6[%swap3A_222], %add3A_221 {strides = array<i32>} : memref<3840xf32, #tpu.memory_space<vmem>>, vector<16xf32>,
    %mul3A_224 = arith.constant 0.333333343 : f32
    %mul3A_225 = vector.broadcast %mul3A_224 : f32 to vector<16xf32>
    %mul3A_226 = arith.mulf %mul3A_225, %bitcast3A_72 : vector<16xf32>
    %mul3A_227 = arith.constant 0.666666686 : f32
    %mul3A_228 = vector.broadcast %mul3A_227 : f32 to vector<16xf32>
    %mul3A_229 = arith.mulf %mul3A_228, %bitcast3A_140 : vector<16xf32>
    %add3A_230 = arith.addf %mul3A_226, %mul3A_229 : vector<16xf32>
    %swap3A_231 = arith.constant 1792 : index
    %swap3A_232 = tpu.vector_load %arg6[%swap3A_231] {strides = array<i32>} : memref<3840xf32, #tpu.memory_space<vmem>>, vector<16xf32>,
    tpu.vector_store %arg6[%swap3A_231], %add3A_230 {strides = array<i32>} : memref<3840xf32, #tpu.memory_space<vmem>>, vector<16xf32>,
    %mul3A_233 = arith.constant 0.333333343 : f32
    %mul3A_234 = vector.broadcast %mul3A_233 : f32 to vector<16xf32>
    %mul3A_235 = arith.mulf %mul3A_234, %bitcast3A_81 : vector<16xf32>
    %mul3A_236 = arith.constant 0.666666686 : f32
    %mul3A_237 = vector.broadcast %mul3A_236 : f32 to vector<16xf32>
    %mul3A_238 = arith.mulf %mul3A_237, %bitcast3A_149 : vector<16xf32>
    %add3A_239 = arith.addf %mul3A_235, %mul3A_238 : vector<16xf32>
    %swap3A_240 = arith.constant 3072 : index
    %swap3A_241 = tpu.vector_load %arg6[%swap3A_240] {strides = array<i32>} : memref<3840xf32, #tpu.memory_space<vmem>>, vector<16xf32>,
    tpu.vector_store %arg6[%swap3A_240], %add3A_239 {strides = array<i32>} : memref<3840xf32, #tpu.memory_space<vmem>>, vector<16xf32>,
    %mul3A_242 = arith.constant 0.333333343 : f32
    %mul3A_243 = vector.broadcast %mul3A_242 : f32 to vector<16xf32>
    %mul3A_244 = arith.mulf %mul3A_243, %bitcast3A : vector<16xf32>
    %mul3A_245 = arith.constant 0.333333343 : f32
    %mul3A_246 = vector.broadcast %mul3A_245 : f32 to vector<16xf32>
    %mul3A_247 = arith.mulf %mul3A_246, %bitcast3A_97 : vector<16xf32>
    %add3A_248 = arith.addf %mul3A_244, %mul3A_247 : vector<16xf32>
    %mul3A_249 = arith.constant 0.333333343 : f32
    %mul3A_250 = vector.broadcast %mul3A_249 : f32 to vector<16xf32>
    %mul3A_251 = arith.mulf %mul3A_250, %bitcast3A_131 : vector<16xf32>
    %add3A_252 = arith.addf %add3A_248, %mul3A_251 : vector<16xf32>
    %swap3A_253 = arith.constant 640 : index
    %swap3A_254 = tpu.vector_load %arg6[%swap3A_253] {strides = array<i32>} : memref<3840xf32, #tpu.memory_space<vmem>>, vector<16xf32>,
    tpu.vector_store %arg6[%swap3A_253], %add3A_252 {strides = array<i32>} : memref<3840xf32, #tpu.memory_space<vmem>>, vector<16xf32>,
    %mul3A_255 = arith.constant 0.333333343 : f32
    %mul3A_256 = vector.broadcast %mul3A_255 : f32 to vector<16xf32>
    %mul3A_257 = arith.mulf %mul3A_256, %bitcast3A_72 : vector<16xf32>
    %mul3A_258 = arith.constant 0.333333343 : f32
    %mul3A_259 = vector.broadcast %mul3A_258 : f32 to vector<16xf32>
    %mul3A_260 = arith.mulf %mul3A_259, %bitcast3A_106 : vector<16xf32>
    %add3A_261 = arith.addf %mul3A_257, %mul3A_260 : vector<16xf32>
    %mul3A_262 = arith.constant 0.333333343 : f32
    %mul3A_263 = vector.broadcast %mul3A_262 : f32 to vector<16xf32>
    %mul3A_264 = arith.mulf %mul3A_263, %bitcast3A_140 : vector<16xf32>
    %add3A_265 = arith.addf %add3A_261, %mul3A_264 : vector<16xf32>
    %swap3A_266 = arith.constant 1920 : index
    %swap3A_267 = tpu.vector_load %arg6[%swap3A_266] {strides = array<i32>} : memref<3840xf32, #tpu.memory_space<vmem>>, vector<16xf32>,
    tpu.vector_store %arg6[%swap3A_266], %add3A_265 {strides = array<i32>} : memref<3840xf32, #tpu.memory_space<vmem>>, vector<16xf32>,
    %mul3A_268 = arith.constant 0.333333343 : f32
    %mul3A_269 = vector.broadcast %mul3A_268 : f32 to vector<16xf32>
    %mul3A_270 = arith.mulf %mul3A_269, %bitcast3A_81 : vector<16xf32>
    %mul3A_271 = arith.constant 0.333333343 : f32
    %mul3A_272 = vector.broadcast %mul3A_271 : f32 to vector<16xf32>
    %mul3A_273 = arith.mulf %mul3A_272, %bitcast3A_115 : vector<16xf32>
    %add3A_274 = arith.addf %mul3A_270, %mul3A_273 : vector<16xf32>
    %mul3A_275 = arith.constant 0.333333343 : f32
    %mul3A_276 = vector.broadcast %mul3A_275 : f32 to vector<16xf32>
    %mul3A_277 = arith.mulf %mul3A_276, %bitcast3A_149 : vector<16xf32>
    %add3A_278 = arith.addf %add3A_274, %mul3A_277 : vector<16xf32>
    %swap3A_279 = arith.constant 3200 : index
    %swap3A_280 = tpu.vector_load %arg6[%swap3A_279] {strides = array<i32>} : memref<3840xf32, #tpu.memory_space<vmem>>, vector<16xf32>,
    tpu.vector_store %arg6[%swap3A_279], %add3A_278 {strides = array<i32>} : memref<3840xf32, #tpu.memory_space<vmem>>, vector<16xf32>,
    %mul3A_281 = arith.constant 0.333333343 : f32
    %mul3A_282 = vector.broadcast %mul3A_281 : f32 to vector<16xf32>
    %mul3A_283 = arith.mulf %mul3A_282, %bitcast3A : vector<16xf32>
    %mul3A_284 = arith.constant 0.666666686 : f32
    %mul3A_285 = vector.broadcast %mul3A_284 : f32 to vector<16xf32>
    %mul3A_286 = arith.mulf %mul3A_285, %bitcast3A_97 : vector<16xf32>
    %add3A_287 = arith.addf %mul3A_283, %mul3A_286 : vector<16xf32>
    %mul3A_288 = arith.constant 1.11022302E-16 : f32
    %mul3A_289 = vector.broadcast %mul3A_288 : f32 to vector<16xf32>
    %mul3A_290 = arith.mulf %mul3A_289, %bitcast3A_131 : vector<16xf32>
    %add3A_291 = arith.addf %add3A_287, %mul3A_290 : vector<16xf32>
    %swap3A_292 = arith.constant 768 : index
    %swap3A_293 = tpu.vector_load %arg6[%swap3A_292] {strides = array<i32>} : memref<3840xf32, #tpu.memory_space<vmem>>, vector<16xf32>,
    tpu.vector_store %arg6[%swap3A_292], %add3A_291 {strides = array<i32>} : memref<3840xf32, #tpu.memory_space<vmem>>, vector<16xf32>,
    %mul3A_294 = arith.constant 0.333333343 : f32
    %mul3A_295 = vector.broadcast %mul3A_294 : f32 to vector<16xf32>
    %mul3A_296 = arith.mulf %mul3A_295, %bitcast3A_72 : vector<16xf32>
    %mul3A_297 = arith.constant 0.666666686 : f32
    %mul3A_298 = vector.broadcast %mul3A_297 : f32 to vector<16xf32>
    %mul3A_299 = arith.mulf %mul3A_298, %bitcast3A_106 : vector<16xf32>
    %add3A_300 = arith.addf %mul3A_296, %mul3A_299 : vector<16xf32>
    %mul3A_301 = arith.constant 1.11022302E-16 : f32
    %mul3A_302 = vector.broadcast %mul3A_301 : f32 to vector<16xf32>
    %mul3A_303 = arith.mulf %mul3A_302, %bitcast3A_140 : vector<16xf32>
    %add3A_304 = arith.addf %add3A_300, %mul3A_303 : vector<16xf32>
    %swap3A_305 = arith.constant 2048 : index
    %swap3A_306 = tpu.vector_load %arg6[%swap3A_305] {strides = array<i32>} : memref<3840xf32, #tpu.memory_space<vmem>>, vector<16xf32>,
    tpu.vector_store %arg6[%swap3A_305], %add3A_304 {strides = array<i32>} : memref<3840xf32, #tpu.memory_space<vmem>>, vector<16xf32>,
    %mul3A_307 = arith.constant 0.333333343 : f32
    %mul3A_308 = vector.broadcast %mul3A_307 : f32 to vector<16xf32>
    %mul3A_309 = arith.mulf %mul3A_308, %bitcast3A_81 : vector<16xf32>
    %mul3A_310 = arith.constant 0.666666686 : f32
    %mul3A_311 = vector.broadcast %mul3A_310 : f32 to vector<16xf32>
    %mul3A_312 = arith.mulf %mul3A_311, %bitcast3A_115 : vector<16xf32>
    %add3A_313 = arith.addf %mul3A_309, %mul3A_312 : vector<16xf32>
    %mul3A_314 = arith.constant 1.11022302E-16 : f32
    %mul3A_315 = vector.broadcast %mul3A_314 : f32 to vector<16xf32>
    %mul3A_316 = arith.mulf %mul3A_315, %bitcast3A_149 : vector<16xf32>
    %add3A_317 = arith.addf %add3A_313, %mul3A_316 : vector<16xf32>
    %swap3A_318 = arith.constant 3328 : index
    %swap3A_319 = tpu.vector_load %arg6[%swap3A_318] {strides = array<i32>} : memref<3840xf32, #tpu.memory_space<vmem>>, vector<16xf32>,
    tpu.vector_store %arg6[%swap3A_318], %add3A_317 {strides = array<i32>} : memref<3840xf32, #tpu.memory_space<vmem>>, vector<16xf32>,
    %mul3A_320 = arith.constant 0.666666686 : f32
    %mul3A_321 = vector.broadcast %mul3A_320 : f32 to vector<16xf32>
    %mul3A_322 = arith.mulf %mul3A_321, %bitcast3A : vector<16xf32>
    %mul3A_323 = arith.constant 0.333333343 : f32
    %mul3A_324 = vector.broadcast %mul3A_323 : f32 to vector<16xf32>
    %mul3A_325 = arith.mulf %mul3A_324, %bitcast3A_131 : vector<16xf32>
    %add3A_326 = arith.addf %mul3A_322, %mul3A_325 : vector<16xf32>
    %swap3A_327 = arith.constant 896 : index
    %swap3A_328 = tpu.vector_load %arg6[%swap3A_327] {strides = array<i32>} : memref<3840xf32, #tpu.memory_space<vmem>>, vector<16xf32>,
    tpu.vector_store %arg6[%swap3A_327], %add3A_326 {strides = array<i32>} : memref<3840xf32, #tpu.memory_space<vmem>>, vector<16xf32>,
    %mul3A_329 = arith.constant 0.666666686 : f32
    %mul3A_330 = vector.broadcast %mul3A_329 : f32 to vector<16xf32>
    %mul3A_331 = arith.mulf %mul3A_330, %bitcast3A_72 : vector<16xf32>
    %mul3A_332 = arith.constant 0.333333343 : f32
    %mul3A_333 = vector.broadcast %mul3A_332 : f32 to vector<16xf32>
    %mul3A_334 = arith.mulf %mul3A_333, %bitcast3A_140 : vector<16xf32>
    %add3A_335 = arith.addf %mul3A_331, %mul3A_334 : vector<16xf32>
    %swap3A_336 = arith.constant 2176 : index
    %swap3A_337 = tpu.vector_load %arg6[%swap3A_336] {strides = array<i32>} : memref<3840xf32, #tpu.memory_space<vmem>>, vector<16xf32>,
    tpu.vector_store %arg6[%swap3A_336], %add3A_335 {strides = array<i32>} : memref<3840xf32, #tpu.memory_space<vmem>>, vector<16xf32>,
    %mul3A_338 = arith.constant 0.666666686 : f32
    %mul3A_339 = vector.broadcast %mul3A_338 : f32 to vector<16xf32>
    %mul3A_340 = arith.mulf %mul3A_339, %bitcast3A_81 : vector<16xf32>
    %mul3A_341 = arith.constant 0.333333343 : f32
    %mul3A_342 = vector.broadcast %mul3A_341 : f32 to vector<16xf32>
    %mul3A_343 = arith.mulf %mul3A_342, %bitcast3A_149 : vector<16xf32>
    %add3A_344 = arith.addf %mul3A_340, %mul3A_343 : vector<16xf32>
    %swap3A_345 = arith.constant 3456 : index
    %swap3A_346 = tpu.vector_load %arg6[%swap3A_345] {strides = array<i32>} : memref<3840xf32, #tpu.memory_space<vmem>>, vector<16xf32>,
    tpu.vector_store %arg6[%swap3A_345], %add3A_344 {strides = array<i32>} : memref<3840xf32, #tpu.memory_space<vmem>>, vector<16xf32>,
    %mul3A_347 = arith.constant 0.666666686 : f32
    %mul3A_348 = vector.broadcast %mul3A_347 : f32 to vector<16xf32>
    %mul3A_349 = arith.mulf %mul3A_348, %bitcast3A : vector<16xf32>
    %mul3A_350 = arith.constant 0.333333343 : f32
    %mul3A_351 = vector.broadcast %mul3A_350 : f32 to vector<16xf32>
    %mul3A_352 = arith.mulf %mul3A_351, %bitcast3A_97 : vector<16xf32>
    %add3A_353 = arith.addf %mul3A_349, %mul3A_352 : vector<16xf32>
    %mul3A_354 = arith.constant 5.55111512E-17 : f32
    %mul3A_355 = vector.broadcast %mul3A_354 : f32 to vector<16xf32>
    %mul3A_356 = arith.mulf %mul3A_355, %bitcast3A_131 : vector<16xf32>
    %add3A_357 = arith.addf %add3A_353, %mul3A_356 : vector<16xf32>
    %swap3A_358 = arith.constant 1024 : index
    %swap3A_359 = tpu.vector_load %arg6[%swap3A_358] {strides = array<i32>} : memref<3840xf32, #tpu.memory_space<vmem>>, vector<16xf32>,
    tpu.vector_store %arg6[%swap3A_358], %add3A_357 {strides = array<i32>} : memref<3840xf32, #tpu.memory_space<vmem>>, vector<16xf32>,
    %mul3A_360 = arith.constant 0.666666686 : f32
    %mul3A_361 = vector.broadcast %mul3A_360 : f32 to vector<16xf32>
    %mul3A_362 = arith.mulf %mul3A_361, %bitcast3A_72 : vector<16xf32>
    %mul3A_363 = arith.constant 0.333333343 : f32
    %mul3A_364 = vector.broadcast %mul3A_363 : f32 to vector<16xf32>
    %mul3A_365 = arith.mulf %mul3A_364, %bitcast3A_106 : vector<16xf32>
    %add3A_366 = arith.addf %mul3A_362, %mul3A_365 : vector<16xf32>
    %mul3A_367 = arith.constant 5.55111512E-17 : f32
    %mul3A_368 = vector.broadcast %mul3A_367 : f32 to vector<16xf32>
    %mul3A_369 = arith.mulf %mul3A_368, %bitcast3A_140 : vector<16xf32>
    %add3A_370 = arith.addf %add3A_366, %mul3A_369 : vector<16xf32>
    %swap3A_371 = arith.constant 2304 : index
    %swap3A_372 = tpu.vector_load %arg6[%swap3A_371] {strides = array<i32>} : memref<3840xf32, #tpu.memory_space<vmem>>, vector<16xf32>,
    tpu.vector_store %arg6[%swap3A_371], %add3A_370 {strides = array<i32>} : memref<3840xf32, #tpu.memory_space<vmem>>, vector<16xf32>,
    %mul3A_373 = arith.constant 0.666666686 : f32
    %mul3A_374 = vector.broadcast %mul3A_373 : f32 to vector<16xf32>
    %mul3A_375 = arith.mulf %mul3A_374, %bitcast3A_81 : vector<16xf32>
    %mul3A_376 = arith.constant 0.333333343 : f32
    %mul3A_377 = vector.broadcast %mul3A_376 : f32 to vector<16xf32>
    %mul3A_378 = arith.mulf %mul3A_377, %bitcast3A_115 : vector<16xf32>
    %add3A_379 = arith.addf %mul3A_375, %mul3A_378 : vector<16xf32>
    %mul3A_380 = arith.constant 5.55111512E-17 : f32
    %mul3A_381 = vector.broadcast %mul3A_380 : f32 to vector<16xf32>
    %mul3A_382 = arith.mulf %mul3A_381, %bitcast3A_149 : vector<16xf32>
    %add3A_383 = arith.addf %add3A_379, %mul3A_382 : vector<16xf32>
    %swap3A_384 = arith.constant 3584 : index
    %swap3A_385 = tpu.vector_load %arg6[%swap3A_384] {strides = array<i32>} : memref<3840xf32, #tpu.memory_space<vmem>>, vector<16xf32>,
    tpu.vector_store %arg6[%swap3A_384], %add3A_383 {strides = array<i32>} : memref<3840xf32, #tpu.memory_space<vmem>>, vector<16xf32>,
    %swap3A_386 = arith.constant 1152 : index
    %swap3A_387 = tpu.vector_load %arg6[%swap3A_386] {strides = array<i32>} : memref<3840xf32, #tpu.memory_space<vmem>>, vector<16xf32>,
    tpu.vector_store %arg6[%swap3A_386], %bitcast3A {strides = array<i32>} : memref<3840xf32, #tpu.memory_space<vmem>>, vector<16xf32>,
    %swap3A_388 = arith.constant 2432 : index
    %swap3A_389 = tpu.vector_load %arg6[%swap3A_388] {strides = array<i32>} : memref<3840xf32, #tpu.memory_space<vmem>>, vector<16xf32>,
    tpu.vector_store %arg6[%swap3A_388], %bitcast3A_72 {strides = array<i32>} : memref<3840xf32, #tpu.memory_space<vmem>>, vector<16xf32>,
    %swap3A_390 = arith.constant 3712 : index
    %swap3A_391 = tpu.vector_load %arg6[%swap3A_390] {strides = array<i32>} : memref<3840xf32, #tpu.memory_space<vmem>>, vector<16xf32>,
    tpu.vector_store %arg6[%swap3A_390], %bitcast3A_81 {strides = array<i32>} : memref<3840xf32, #tpu.memory_space<vmem>>, vector<16xf32>,
    %mul3A_392 = arith.constant 3 : i32
    %mul3A_393 = vector.broadcast %mul3A_392 : i32 to vector<16xi32>
    %mul3A_394 = arith.muli %iota3A, %mul3A_393 : vector<16xi32>
    %add3A_395 = arith.constant 48 : i32
    %add3A_396 = vector.broadcast %add3A_395 : i32 to vector<16xi32>
    %add3A_397 = arith.addi %mul3A_394, %add3A_396 : vector<16xi32>
    %gather3A_398 = tpu.vector_load_idx %arg5[%add3A_397] : memref<384xi32, #tpu.memory_space<vmem>>[vector<16xi32>], vector<16xi32>,
    %mul3A_399 = arith.constant 3 : i32
    %mul3A_400 = vector.broadcast %mul3A_399 : i32 to vector<16xi32>
    %mul3A_401 = arith.muli %gather3A_398, %mul3A_400 : vector<16xi32>
    %add3A_402 = arith.constant 0 : i32
    %add3A_403 = arith.addi %mul3A_49, %add3A_402 : i32
    %add3A_404 = vector.broadcast %add3A_403 : i32 to vector<16xi32>
    %add3A_405 = arith.addi %mul3A_401, %add3A_404 : vector<16xi32>
    %gather3A_406 = tpu.vector_load_idx %arg4[%add3A_405] : memref<3856xi32, #tpu.memory_space<vmem>>[vector<16xi32>], vector<16xi32>,
    %bitcast3A_407 = vector.bitcast %gather3A_406 : vector<16xi32> to vector<16xf32>
    %mul3A_408 = arith.constant 3 : i32
    %mul3A_409 = vector.broadcast %mul3A_408 : i32 to vector<16xi32>
    %mul3A_410 = arith.muli %gather3A_398, %mul3A_409 : vector<16xi32>
    %add3A_411 = arith.constant 1 : i32
    %add3A_412 = arith.addi %mul3A_49, %add3A_411 : i32
    %add3A_413 = vector.broadcast %add3A_412 : i32 to vector<16xi32>
    %add3A_414 = arith.addi %mul3A_410, %add3A_413 : vector<16xi32>
    %gather3A_415 = tpu.vector_load_idx %arg4[%add3A_414] : memref<3856xi32, #tpu.memory_space<vmem>>[vector<16xi32>], vector<16xi32>,
    %bitcast3A_416 = vector.bitcast %gather3A_415 : vector<16xi32> to vector<16xf32>
    %mul3A_417 = arith.constant 3 : i32
    %mul3A_418 = vector.broadcast %mul3A_417 : i32 to vector<16xi32>
    %mul3A_419 = arith.muli %gather3A_398, %mul3A_418 : vector<16xi32>
    %add3A_420 = arith.constant 2 : i32
    %add3A_421 = arith.addi %mul3A_49, %add3A_420 : i32
    %add3A_422 = vector.broadcast %add3A_421 : i32 to vector<16xi32>
    %add3A_423 = arith.addi %mul3A_419, %add3A_422 : vector<16xi32>
    %gather3A_424 = tpu.vector_load_idx %arg4[%add3A_423] : memref<3856xi32, #tpu.memory_space<vmem>>[vector<16xi32>], vector<16xi32>,
    %bitcast3A_425 = vector.bitcast %gather3A_424 : vector<16xi32> to vector<16xf32>
    %mul3A_426 = arith.constant 3 : i32
    %mul3A_427 = vector.broadcast %mul3A_426 : i32 to vector<16xi32>
    %mul3A_428 = arith.muli %iota3A, %mul3A_427 : vector<16xi32>
    %add3A_429 = arith.constant 49 : i32
    %add3A_430 = vector.broadcast %add3A_429 : i32 to vector<16xi32>
    %add3A_431 = arith.addi %mul3A_428, %add3A_430 : vector<16xi32>
    %gather3A_432 = tpu.vector_load_idx %arg5[%add3A_431] : memref<384xi32, #tpu.memory_space<vmem>>[vector<16xi32>], vector<16xi32>,
    %mul3A_433 = arith.constant 3 : i32
    %mul3A_434 = vector.broadcast %mul3A_433 : i32 to vector<16xi32>
    %mul3A_435 = arith.muli %gather3A_432, %mul3A_434 : vector<16xi32>
    %add3A_436 = arith.constant 0 : i32
    %add3A_437 = arith.addi %mul3A_49, %add3A_436 : i32
    %add3A_438 = vector.broadcast %add3A_437 : i32 to vector<16xi32>
    %add3A_439 = arith.addi %mul3A_435, %add3A_438 : vector<16xi32>
    %gather3A_440 = tpu.vector_load_idx %arg4[%add3A_439] : memref<3856xi32, #tpu.memory_space<vmem>>[vector<16xi32>], vector<16xi32>,
    %bitcast3A_441 = vector.bitcast %gather3A_440 : vector<16xi32> to vector<16xf32>
    %mul3A_442 = arith.constant 3 : i32
    %mul3A_443 = vector.broadcast %mul3A_442 : i32 to vector<16xi32>
    %mul3A_444 = arith.muli %gather3A_432, %mul3A_443 : vector<16xi32>
    %add3A_445 = arith.constant 1 : i32
    %add3A_446 = arith.addi %mul3A_49, %add3A_445 : i32
    %add3A_447 = vector.broadcast %add3A_446 : i32 to vector<16xi32>
    %add3A_448 = arith.addi %mul3A_444, %add3A_447 : vector<16xi32>
    %gather3A_449 = tpu.vector_load_idx %arg4[%add3A_448] : memref<3856xi32, #tpu.memory_space<vmem>>[vector<16xi32>], vector<16xi32>,
    %bitcast3A_450 = vector.bitcast %gather3A_449 : vector<16xi32> to vector<16xf32>
    %mul3A_451 = arith.constant 3 : i32
    %mul3A_452 = vector.broadcast %mul3A_451 : i32 to vector<16xi32>
    %mul3A_453 = arith.muli %gather3A_432, %mul3A_452 : vector<16xi32>
    %add3A_454 = arith.constant 2 : i32
    %add3A_455 = arith.addi %mul3A_49, %add3A_454 : i32
    %add3A_456 = vector.broadcast %add3A_455 : i32 to vector<16xi32>
    %add3A_457 = arith.addi %mul3A_453, %add3A_456 : vector<16xi32>
    %gather3A_458 = tpu.vector_load_idx %arg4[%add3A_457] : memref<3856xi32, #tpu.memory_space<vmem>>[vector<16xi32>], vector<16xi32>,
    %bitcast3A_459 = vector.bitcast %gather3A_458 : vector<16xi32> to vector<16xf32>
    %mul3A_460 = arith.constant 3 : i32
    %mul3A_461 = vector.broadcast %mul3A_460 : i32 to vector<16xi32>
    %mul3A_462 = arith.muli %iota3A, %mul3A_461 : vector<16xi32>
    %add3A_463 = arith.constant 50 : i32
    %add3A_464 = vector.broadcast %add3A_463 : i32 to vector<16xi32>
    %add3A_465 = arith.addi %mul3A_462, %add3A_464 : vector<16xi32>
    %gather3A_466 = tpu.vector_load_idx %arg5[%add3A_465] : memref<384xi32, #tpu.memory_space<vmem>>[vector<16xi32>], vector<16xi32>,
    %mul3A_467 = arith.constant 3 : i32
    %mul3A_468 = vector.broadcast %mul3A_467 : i32 to vector<16xi32>
    %mul3A_469 = arith.muli %gather3A_466, %mul3A_468 : vector<16xi32>
    %add3A_470 = arith.constant 0 : i32
    %add3A_471 = arith.addi %mul3A_49, %add3A_470 : i32
    %add3A_472 = vector.broadcast %add3A_471 : i32 to vector<16xi32>
    %add3A_473 = arith.addi %mul3A_469, %add3A_472 : vector<16xi32>
    %gather3A_474 = tpu.vector_load_idx %arg4[%add3A_473] : memref<3856xi32, #tpu.memory_space<vmem>>[vector<16xi32>], vector<16xi32>,
    %bitcast3A_475 = vector.bitcast %gather3A_474 : vector<16xi32> to vector<16xf32>
    %mul3A_476 = arith.constant 3 : i32
    %mul3A_477 = vector.broadcast %mul3A_476 : i32 to vector<16xi32>
    %mul3A_478 = arith.muli %gather3A_466, %mul3A_477 : vector<16xi32>
    %add3A_479 = arith.constant 1 : i32
    %add3A_480 = arith.addi %mul3A_49, %add3A_479 : i32
    %add3A_481 = vector.broadcast %add3A_480 : i32 to vector<16xi32>
    %add3A_482 = arith.addi %mul3A_478, %add3A_481 : vector<16xi32>
    %gather3A_483 = tpu.vector_load_idx %arg4[%add3A_482] : memref<3856xi32, #tpu.memory_space<vmem>>[vector<16xi32>], vector<16xi32>,
    %bitcast3A_484 = vector.bitcast %gather3A_483 : vector<16xi32> to vector<16xf32>
    %mul3A_485 = arith.constant 3 : i32
    %mul3A_486 = vector.broadcast %mul3A_485 : i32 to vector<16xi32>
    %mul3A_487 = arith.muli %gather3A_466, %mul3A_486 : vector<16xi32>
    %add3A_488 = arith.constant 2 : i32
    %add3A_489 = arith.addi %mul3A_49, %add3A_488 : i32
    %add3A_490 = vector.broadcast %add3A_489 : i32 to vector<16xi32>
    %add3A_491 = arith.addi %mul3A_487, %add3A_490 : vector<16xi32>
    %gather3A_492 = tpu.vector_load_idx %arg4[%add3A_491] : memref<3856xi32, #tpu.memory_space<vmem>>[vector<16xi32>], vector<16xi32>,
    %bitcast3A_493 = vector.bitcast %gather3A_492 : vector<16xi32> to vector<16xf32>
    %swap3A_494 = arith.constant 16 : index
    %swap3A_495 = tpu.vector_load %arg6[%swap3A_494] {strides = array<i32>} : memref<3840xf32, #tpu.memory_space<vmem>>, vector<16xf32>,
    tpu.vector_store %arg6[%swap3A_494], %bitcast3A_475 {strides = array<i32>} : memref<3840xf32, #tpu.memory_space<vmem>>, vector<16xf32>,
    %swap3A_496 = arith.constant 1296 : index
    %swap3A_497 = tpu.vector_load %arg6[%swap3A_496] {strides = array<i32>} : memref<3840xf32, #tpu.memory_space<vmem>>, vector<16xf32>,
    tpu.vector_store %arg6[%swap3A_496], %bitcast3A_484 {strides = array<i32>} : memref<3840xf32, #tpu.memory_space<vmem>>, vector<16xf32>,
    %swap3A_498 = arith.constant 2576 : index
    %swap3A_499 = tpu.vector_load %arg6[%swap3A_498] {strides = array<i32>} : memref<3840xf32, #tpu.memory_space<vmem>>, vector<16xf32>,
    tpu.vector_store %arg6[%swap3A_498], %bitcast3A_493 {strides = array<i32>} : memref<3840xf32, #tpu.memory_space<vmem>>, vector<16xf32>,
    %mul3A_500 = arith.constant 0.333333343 : f32
    %mul3A_501 = vector.broadcast %mul3A_500 : f32 to vector<16xf32>
    %mul3A_502 = arith.mulf %mul3A_501, %bitcast3A_441 : vector<16xf32>
    %mul3A_503 = arith.constant 0.666666686 : f32
    %mul3A_504 = vector.broadcast %mul3A_503 : f32 to vector<16xf32>
    %mul3A_505 = arith.mulf %mul3A_504, %bitcast3A_475 : vector<16xf32>
    %add3A_506 = arith.addf %mul3A_502, %mul3A_505 : vector<16xf32>
    %swap3A_507 = arith.constant 144 : index
    %swap3A_508 = tpu.vector_load %arg6[%swap3A_507] {strides = array<i32>} : memref<3840xf32, #tpu.memory_space<vmem>>, vector<16xf32>,
    tpu.vector_store %arg6[%swap3A_507], %add3A_506 {strides = array<i32>} : memref<3840xf32, #tpu.memory_space<vmem>>, vector<16xf32>,
    %mul3A_509 = arith.constant 0.333333343 : f32
    %mul3A_510 = vector.broadcast %mul3A_509 : f32 to vector<16xf32>
    %mul3A_511 = arith.mulf %mul3A_510, %bitcast3A_450 : vector<16xf32>
    %mul3A_512 = arith.constant 0.666666686 : f32
    %mul3A_513 = vector.broadcast %mul3A_512 : f32 to vector<16xf32>
    %mul3A_514 = arith.mulf %mul3A_513, %bitcast3A_484 : vector<16xf32>
    %add3A_515 = arith.addf %mul3A_511, %mul3A_514 : vector<16xf32>
    %swap3A_516 = arith.constant 1424 : index
    %swap3A_517 = tpu.vector_load %arg6[%swap3A_516] {strides = array<i32>} : memref<3840xf32, #tpu.memory_space<vmem>>, vector<16xf32>,
    tpu.vector_store %arg6[%swap3A_516], %add3A_515 {strides = array<i32>} : memref<3840xf32, #tpu.memory_space<vmem>>, vector<16xf32>,
    %mul3A_518 = arith.constant 0.333333343 : f32
    %mul3A_519 = vector.broadcast %mul3A_518 : f32 to vector<16xf32>
    %mul3A_520 = arith.mulf %mul3A_519, %bitcast3A_459 : vector<16xf32>
    %mul3A_521 = arith.constant 0.666666686 : f32
    %mul3A_522 = vector.broadcast %mul3A_521 : f32 to vector<16xf32>
    %mul3A_523 = arith.mulf %mul3A_522, %bitcast3A_493 : vector<16xf32>
    %add3A_524 = arith.addf %mul3A_520, %mul3A_523 : vector<16xf32>
    %swap3A_525 = arith.constant 2704 : index
    %swap3A_526 = tpu.vector_load %arg6[%swap3A_525] {strides = array<i32>} : memref<3840xf32, #tpu.memory_space<vmem>>, vector<16xf32>,
    tpu.vector_store %arg6[%swap3A_525], %add3A_524 {strides = array<i32>} : memref<3840xf32, #tpu.memory_space<vmem>>, vector<16xf32>,
    %mul3A_527 = arith.constant 0.666666686 : f32
    %mul3A_528 = vector.broadcast %mul3A_527 : f32 to vector<16xf32>
    %mul3A_529 = arith.mulf %mul3A_528, %bitcast3A_441 : vector<16xf32>
    %mul3A_530 = arith.constant 0.333333343 : f32
    %mul3A_531 = vector.broadcast %mul3A_530 : f32 to vector<16xf32>
    %mul3A_532 = arith.mulf %mul3A_531, %bitcast3A_475 : vector<16xf32>
    %add3A_533 = arith.addf %mul3A_529, %mul3A_532 : vector<16xf32>
    %swap3A_534 = arith.constant 272 : index
    %swap3A_535 = tpu.vector_load %arg6[%swap3A_534] {strides = array<i32>} : memref<3840xf32, #tpu.memory_space<vmem>>, vector<16xf32>,
    tpu.vector_store %arg6[%swap3A_534], %add3A_533 {strides = array<i32>} : memref<3840xf32, #tpu.memory_space<vmem>>, vector<16xf32>,
    %mul3A_536 = arith.constant 0.666666686 : f32
    %mul3A_537 = vector.broadcast %mul3A_536 : f32 to vector<16xf32>
    %mul3A_538 = arith.mulf %mul3A_537, %bitcast3A_450 : vector<16xf32>
    %mul3A_539 = arith.constant 0.333333343 : f32
    %mul3A_540 = vector.broadcast %mul3A_539 : f32 to vector<16xf32>
    %mul3A_541 = arith.mulf %mul3A_540, %bitcast3A_484 : vector<16xf32>
    %add3A_542 = arith.addf %mul3A_538, %mul3A_541 : vector<16xf32>
    %swap3A_543 = arith.constant 1552 : index
    %swap3A_544 = tpu.vector_load %arg6[%swap3A_543] {strides = array<i32>} : memref<3840xf32, #tpu.memory_space<vmem>>, vector<16xf32>,
    tpu.vector_store %arg6[%swap3A_543], %add3A_542 {strides = array<i32>} : memref<3840xf32, #tpu.memory_space<vmem>>, vector<16xf32>,
    %mul3A_545 = arith.constant 0.666666686 : f32
    %mul3A_546 = vector.broadcast %mul3A_545 : f32 to vector<16xf32>
    %mul3A_547 = arith.mulf %mul3A_546, %bitcast3A_459 : vector<16xf32>
    %mul3A_548 = arith.constant 0.333333343 : f32
    %mul3A_549 = vector.broadcast %mul3A_548 : f32 to vector<16xf32>
    %mul3A_550 = arith.mulf %mul3A_549, %bitcast3A_493 : vector<16xf32>
    %add3A_551 = arith.addf %mul3A_547, %mul3A_550 : vector<16xf32>
    %swap3A_552 = arith.constant 2832 : index
    %swap3A_553 = tpu.vector_load %arg6[%swap3A_552] {strides = array<i32>} : memref<3840xf32, #tpu.memory_space<vmem>>, vector<16xf32>,
    tpu.vector_store %arg6[%swap3A_552], %add3A_551 {strides = array<i32>} : memref<3840xf32, #tpu.memory_space<vmem>>, vector<16xf32>,
    %swap3A_554 = arith.constant 400 : index
    %swap3A_555 = tpu.vector_load %arg6[%swap3A_554] {strides = array<i32>} : memref<3840xf32, #tpu.memory_space<vmem>>, vector<16xf32>,
    tpu.vector_store %arg6[%swap3A_554], %bitcast3A_441 {strides = array<i32>} : memref<3840xf32, #tpu.memory_space<vmem>>, vector<16xf32>,
    %swap3A_556 = arith.constant 1680 : index
    %swap3A_557 = tpu.vector_load %arg6[%swap3A_556] {strides = array<i32>} : memref<3840xf32, #tpu.memory_space<vmem>>, vector<16xf32>,
    tpu.vector_store %arg6[%swap3A_556], %bitcast3A_450 {strides = array<i32>} : memref<3840xf32, #tpu.memory_space<vmem>>, vector<16xf32>,
    %swap3A_558 = arith.constant 2960 : index
    %swap3A_559 = tpu.vector_load %arg6[%swap3A_558] {strides = array<i32>} : memref<3840xf32, #tpu.memory_space<vmem>>, vector<16xf32>,
    tpu.vector_store %arg6[%swap3A_558], %bitcast3A_459 {strides = array<i32>} : memref<3840xf32, #tpu.memory_space<vmem>>, vector<16xf32>,
    %mul3A_560 = arith.constant 0.333333343 : f32
    %mul3A_561 = vector.broadcast %mul3A_560 : f32 to vector<16xf32>
    %mul3A_562 = arith.mulf %mul3A_561, %bitcast3A_407 : vector<16xf32>
    %mul3A_563 = arith.constant 0.666666686 : f32
    %mul3A_564 = vector.broadcast %mul3A_563 : f32 to vector<16xf32>
    %mul3A_565 = arith.mulf %mul3A_564, %bitcast3A_475 : vector<16xf32>
    %add3A_566 = arith.addf %mul3A_562, %mul3A_565 : vector<16xf32>
    %swap3A_567 = arith.constant 528 : index
    %swap3A_568 = tpu.vector_load %arg6[%swap3A_567] {strides = array<i32>} : memref<3840xf32, #tpu.memory_space<vmem>>, vector<16xf32>,
    tpu.vector_store %arg6[%swap3A_567], %add3A_566 {strides = array<i32>} : memref<3840xf32, #tpu.memory_space<vmem>>, vector<16xf32>,
    %mul3A_569 = arith.constant 0.333333343 : f32
    %mul3A_570 = vector.broadcast %mul3A_569 : f32 to vector<16xf32>
    %mul3A_571 = arith.mulf %mul3A_570, %bitcast3A_416 : vector<16xf32>
    %mul3A_572 = arith.constant 0.666666686 : f32
    %mul3A_573 = vector.broadcast %mul3A_572 : f32 to vector<16xf32>
    %mul3A_574 = arith.mulf %mul3A_573, %bitcast3A_484 : vector<16xf32>
    %add3A_575 = arith.addf %mul3A_571, %mul3A_574 : vector<16xf32>
    %swap3A_576 = arith.constant 1808 : index
    %swap3A_577 = tpu.vector_load %arg6[%swap3A_576] {strides = array<i32>} : memref<3840xf32, #tpu.memory_space<vmem>>, vector<16xf32>,
    tpu.vector_store %arg6[%swap3A_576], %add3A_575 {strides = array<i32>} : memref<3840xf32, #tpu.memory_space<vmem>>, vector<16xf32>,
    %mul3A_578 = arith.constant 0.333333343 : f32
    %mul3A_579 = vector.broadcast %mul3A_578 : f32 to vector<16xf32>
    %mul3A_580 = arith.mulf %mul3A_579, %bitcast3A_425 : vector<16xf32>
    %mul3A_581 = arith.constant 0.666666686 : f32
    %mul3A_582 = vector.broadcast %mul3A_581 : f32 to vector<16xf32>
    %mul3A_583 = arith.mulf %mul3A_582, %bitcast3A_493 : vector<16xf32>
    %add3A_584 = arith.addf %mul3A_580, %mul3A_583 : vector<16xf32>
    %swap3A_585 = arith.constant 3088 : index
    %swap3A_586 = tpu.vector_load %arg6[%swap3A_585] {strides = array<i32>} : memref<3840xf32, #tpu.memory_space<vmem>>, vector<16xf32>,
    tpu.vector_store %arg6[%swap3A_585], %add3A_584 {strides = array<i32>} : memref<3840xf32, #tpu.memory_space<vmem>>, vector<16xf32>,
    %mul3A_587 = arith.constant 0.333333343 : f32
    %mul3A_588 = vector.broadcast %mul3A_587 : f32 to vector<16xf32>
    %mul3A_589 = arith.mulf %mul3A_588, %bitcast3A_407 : vector<16xf32>
    %mul3A_590 = arith.constant 0.333333343 : f32
    %mul3A_591 = vector.broadcast %mul3A_590 : f32 to vector<16xf32>
    %mul3A_592 = arith.mulf %mul3A_591, %bitcast3A_441 : vector<16xf32>
    %add3A_593 = arith.addf %mul3A_589, %mul3A_592 : vector<16xf32>
    %mul3A_594 = arith.constant 0.333333343 : f32
    %mul3A_595 = vector.broadcast %mul3A_594 : f32 to vector<16xf32>
    %mul3A_596 = arith.mulf %mul3A_595, %bitcast3A_475 : vector<16xf32>
    %add3A_597 = arith.addf %add3A_593, %mul3A_596 : vector<16xf32>
    %swap3A_598 = arith.constant 656 : index
    %swap3A_599 = tpu.vector_load %arg6[%swap3A_598] {strides = array<i32>} : memref<3840xf32, #tpu.memory_space<vmem>>, vector<16xf32>,
    tpu.vector_store %arg6[%swap3A_598], %add3A_597 {strides = array<i32>} : memref<3840xf32, #tpu.memory_space<vmem>>, vector<16xf32>,
    %mul3A_600 = arith.constant 0.333333343 : f32
    %mul3A_601 = vector.broadcast %mul3A_600 : f32 to vector<16xf32>
    %mul3A_602 = arith.mulf %mul3A_601, %bitcast3A_416 : vector<16xf32>
    %mul3A_603 = arith.constant 0.333333343 : f32
    %mul3A_604 = vector.broadcast %mul3A_603 : f32 to vector<16xf32>
    %mul3A_605 = arith.mulf %mul3A_604, %bitcast3A_450 : vector<16xf32>
    %add3A_606 = arith.addf %mul3A_602, %mul3A_605 : vector<16xf32>
    %mul3A_607 = arith.constant 0.333333343 : f32
    %mul3A_608 = vector.broadcast %mul3A_607 : f32 to vector<16xf32>
    %mul3A_609 = arith.mulf %mul3A_608, %bitcast3A_484 : vector<16xf32>
    %add3A_610 = arith.addf %add3A_606, %mul3A_609 : vector<16xf32>
    %swap3A_611 = arith.constant 1936 : index
    %swap3A_612 = tpu.vector_load %arg6[%swap3A_611] {strides = array<i32>} : memref<3840xf32, #tpu.memory_space<vmem>>, vector<16xf32>,
    tpu.vector_store %arg6[%swap3A_611], %add3A_610 {strides = array<i32>} : memref<3840xf32, #tpu.memory_space<vmem>>, vector<16xf32>,
    %mul3A_613 = arith.constant 0.333333343 : f32
    %mul3A_614 = vector.broadcast %mul3A_613 : f32 to vector<16xf32>
    %mul3A_615 = arith.mulf %mul3A_614, %bitcast3A_425 : vector<16xf32>
    %mul3A_616 = arith.constant 0.333333343 : f32
    %mul3A_617 = vector.broadcast %mul3A_616 : f32 to vector<16xf32>
    %mul3A_618 = arith.mulf %mul3A_617, %bitcast3A_459 : vector<16xf32>
    %add3A_619 = arith.addf %mul3A_615, %mul3A_618 : vector<16xf32>
    %mul3A_620 = arith.constant 0.333333343 : f32
    %mul3A_621 = vector.broadcast %mul3A_620 : f32 to vector<16xf32>
    %mul3A_622 = arith.mulf %mul3A_621, %bitcast3A_493 : vector<16xf32>
    %add3A_623 = arith.addf %add3A_619, %mul3A_622 : vector<16xf32>
    %swap3A_624 = arith.constant 3216 : index
    %swap3A_625 = tpu.vector_load %arg6[%swap3A_624] {strides = array<i32>} : memref<3840xf32, #tpu.memory_space<vmem>>, vector<16xf32>,
    tpu.vector_store %arg6[%swap3A_624], %add3A_623 {strides = array<i32>} : memref<3840xf32, #tpu.memory_space<vmem>>, vector<16xf32>,
    %mul3A_626 = arith.constant 0.333333343 : f32
    %mul3A_627 = vector.broadcast %mul3A_626 : f32 to vector<16xf32>
    %mul3A_628 = arith.mulf %mul3A_627, %bitcast3A_407 : vector<16xf32>
    %mul3A_629 = arith.constant 0.666666686 : f32
    %mul3A_630 = vector.broadcast %mul3A_629 : f32 to vector<16xf32>
    %mul3A_631 = arith.mulf %mul3A_630, %bitcast3A_441 : vector<16xf32>
    %add3A_632 = arith.addf %mul3A_628, %mul3A_631 : vector<16xf32>
    %mul3A_633 = arith.constant 1.11022302E-16 : f32
    %mul3A_634 = vector.broadcast %mul3A_633 : f32 to vector<16xf32>
    %mul3A_635 = arith.mulf %mul3A_634, %bitcast3A_475 : vector<16xf32>
    %add3A_636 = arith.addf %add3A_632, %mul3A_635 : vector<16xf32>
    %swap3A_637 = arith.constant 784 : index
    %swap3A_638 = tpu.vector_load %arg6[%swap3A_637] {strides = array<i32>} : memref<3840xf32, #tpu.memory_space<vmem>>, vector<16xf32>,
    tpu.vector_store %arg6[%swap3A_637], %add3A_636 {strides = array<i32>} : memref<3840xf32, #tpu.memory_space<vmem>>, vector<16xf32>,
    %mul3A_639 = arith.constant 0.333333343 : f32
    %mul3A_640 = vector.broadcast %mul3A_639 : f32 to vector<16xf32>
    %mul3A_641 = arith.mulf %mul3A_640, %bitcast3A_416 : vector<16xf32>
    %mul3A_642 = arith.constant 0.666666686 : f32
    %mul3A_643 = vector.broadcast %mul3A_642 : f32 to vector<16xf32>
    %mul3A_644 = arith.mulf %mul3A_643, %bitcast3A_450 : vector<16xf32>
    %add3A_645 = arith.addf %mul3A_641, %mul3A_644 : vector<16xf32>
    %mul3A_646 = arith.constant 1.11022302E-16 : f32
    %mul3A_647 = vector.broadcast %mul3A_646 : f32 to vector<16xf32>
    %mul3A_648 = arith.mulf %mul3A_647, %bitcast3A_484 : vector<16xf32>
    %add3A_649 = arith.addf %add3A_645, %mul3A_648 : vector<16xf32>
    %swap3A_650 = arith.constant 2064 : index
    %swap3A_651 = tpu.vector_load %arg6[%swap3A_650] {strides = array<i32>} : memref<3840xf32, #tpu.memory_space<vmem>>, vector<16xf32>,
    tpu.vector_store %arg6[%swap3A_650], %add3A_649 {strides = array<i32>} : memref<3840xf32, #tpu.memory_space<vmem>>, vector<16xf32>,
    %mul3A_652 = arith.constant 0.333333343 : f32
    %mul3A_653 = vector.broadcast %mul3A_652 : f32 to vector<16xf32>
    %mul3A_654 = arith.mulf %mul3A_653, %bitcast3A_425 : vector<16xf32>
    %mul3A_655 = arith.constant 0.666666686 : f32
    %mul3A_656 = vector.broadcast %mul3A_655 : f32 to vector<16xf32>
    %mul3A_657 = arith.mulf %mul3A_656, %bitcast3A_459 : vector<16xf32>
    %add3A_658 = arith.addf %mul3A_654, %mul3A_657 : vector<16xf32>
    %mul3A_659 = arith.constant 1.11022302E-16 : f32
    %mul3A_660 = vector.broadcast %mul3A_659 : f32 to vector<16xf32>
    %mul3A_661 = arith.mulf %mul3A_660, %bitcast3A_493 : vector<16xf32>
    %add3A_662 = arith.addf %add3A_658, %mul3A_661 : vector<16xf32>
    %swap3A_663 = arith.constant 3344 : index
    %swap3A_664 = tpu.vector_load %arg6[%swap3A_663] {strides = array<i32>} : memref<3840xf32, #tpu.memory_space<vmem>>, vector<16xf32>,
    tpu.vector_store %arg6[%swap3A_663], %add3A_662 {strides = array<i32>} : memref<3840xf32, #tpu.memory_space<vmem>>, vector<16xf32>,
    %mul3A_665 = arith.constant 0.666666686 : f32
    %mul3A_666 = vector.broadcast %mul3A_665 : f32 to vector<16xf32>
    %mul3A_667 = arith.mulf %mul3A_666, %bitcast3A_407 : vector<16xf32>
    %mul3A_668 = arith.constant 0.333333343 : f32
    %mul3A_669 = vector.broadcast %mul3A_668 : f32 to vector<16xf32>
    %mul3A_670 = arith.mulf %mul3A_669, %bitcast3A_475 : vector<16xf32>
    %add3A_671 = arith.addf %mul3A_667, %mul3A_670 : vector<16xf32>
    %swap3A_672 = arith.constant 912 : index
    %swap3A_673 = tpu.vector_load %arg6[%swap3A_672] {strides = array<i32>} : memref<3840xf32, #tpu.memory_space<vmem>>, vector<16xf32>,
    tpu.vector_store %arg6[%swap3A_672], %add3A_671 {strides = array<i32>} : memref<3840xf32, #tpu.memory_space<vmem>>, vector<16xf32>,
    %mul3A_674 = arith.constant 0.666666686 : f32
    %mul3A_675 = vector.broadcast %mul3A_674 : f32 to vector<16xf32>
    %mul3A_676 = arith.mulf %mul3A_675, %bitcast3A_416 : vector<16xf32>
    %mul3A_677 = arith.constant 0.333333343 : f32
    %mul3A_678 = vector.broadcast %mul3A_677 : f32 to vector<16xf32>
    %mul3A_679 = arith.mulf %mul3A_678, %bitcast3A_484 : vector<16xf32>
    %add3A_680 = arith.addf %mul3A_676, %mul3A_679 : vector<16xf32>
    %swap3A_681 = arith.constant 2192 : index
    %swap3A_682 = tpu.vector_load %arg6[%swap3A_681] {strides = array<i32>} : memref<3840xf32, #tpu.memory_space<vmem>>, vector<16xf32>,
    tpu.vector_store %arg6[%swap3A_681], %add3A_680 {strides = array<i32>} : memref<3840xf32, #tpu.memory_space<vmem>>, vector<16xf32>,
    %mul3A_683 = arith.constant 0.666666686 : f32
    %mul3A_684 = vector.broadcast %mul3A_683 : f32 to vector<16xf32>
    %mul3A_685 = arith.mulf %mul3A_684, %bitcast3A_425 : vector<16xf32>
    %mul3A_686 = arith.constant 0.333333343 : f32
    %mul3A_687 = vector.broadcast %mul3A_686 : f32 to vector<16xf32>
    %mul3A_688 = arith.mulf %mul3A_687, %bitcast3A_493 : vector<16xf32>
    %add3A_689 = arith.addf %mul3A_685, %mul3A_688 : vector<16xf32>
    %swap3A_690 = arith.constant 3472 : index
    %swap3A_691 = tpu.vector_load %arg6[%swap3A_690] {strides = array<i32>} : memref<3840xf32, #tpu.memory_space<vmem>>, vector<16xf32>,
    tpu.vector_store %arg6[%swap3A_690], %add3A_689 {strides = array<i32>} : memref<3840xf32, #tpu.memory_space<vmem>>, vector<16xf32>,
    %mul3A_692 = arith.constant 0.666666686 : f32
    %mul3A_693 = vector.broadcast %mul3A_692 : f32 to vector<16xf32>
    %mul3A_694 = arith.mulf %mul3A_693, %bitcast3A_407 : vector<16xf32>
    %mul3A_695 = arith.constant 0.333333343 : f32
    %mul3A_696 = vector.broadcast %mul3A_695 : f32 to vector<16xf32>
    %mul3A_697 = arith.mulf %mul3A_696, %bitcast3A_441 : vector<16xf32>
    %add3A_698 = arith.addf %mul3A_694, %mul3A_697 : vector<16xf32>
    %mul3A_699 = arith.constant 5.55111512E-17 : f32
    %mul3A_700 = vector.broadcast %mul3A_699 : f32 to vector<16xf32>
    %mul3A_701 = arith.mulf %mul3A_700, %bitcast3A_475 : vector<16xf32>
    %add3A_702 = arith.addf %add3A_698, %mul3A_701 : vector<16xf32>
    %swap3A_703 = arith.constant 1040 : index
    %swap3A_704 = tpu.vector_load %arg6[%swap3A_703] {strides = array<i32>} : memref<3840xf32, #tpu.memory_space<vmem>>, vector<16xf32>,
    tpu.vector_store %arg6[%swap3A_703], %add3A_702 {strides = array<i32>} : memref<3840xf32, #tpu.memory_space<vmem>>, vector<16xf32>,
    %mul3A_705 = arith.constant 0.666666686 : f32
    %mul3A_706 = vector.broadcast %mul3A_705 : f32 to vector<16xf32>
    %mul3A_707 = arith.mulf %mul3A_706, %bitcast3A_416 : vector<16xf32>
    %mul3A_708 = arith.constant 0.333333343 : f32
    %mul3A_709 = vector.broadcast %mul3A_708 : f32 to vector<16xf32>
    %mul3A_710 = arith.mulf %mul3A_709, %bitcast3A_450 : vector<16xf32>
    %add3A_711 = arith.addf %mul3A_707, %mul3A_710 : vector<16xf32>
    %mul3A_712 = arith.constant 5.55111512E-17 : f32
    %mul3A_713 = vector.broadcast %mul3A_712 : f32 to vector<16xf32>
    %mul3A_714 = arith.mulf %mul3A_713, %bitcast3A_484 : vector<16xf32>
    %add3A_715 = arith.addf %add3A_711, %mul3A_714 : vector<16xf32>
    %swap3A_716 = arith.constant 2320 : index
    %swap3A_717 = tpu.vector_load %arg6[%swap3A_716] {strides = array<i32>} : memref<3840xf32, #tpu.memory_space<vmem>>, vector<16xf32>,
    tpu.vector_store %arg6[%swap3A_716], %add3A_715 {strides = array<i32>} : memref<3840xf32, #tpu.memory_space<vmem>>, vector<16xf32>,
    %mul3A_718 = arith.constant 0.666666686 : f32
    %mul3A_719 = vector.broadcast %mul3A_718 : f32 to vector<16xf32>
    %mul3A_720 = arith.mulf %mul3A_719, %bitcast3A_425 : vector<16xf32>
    %mul3A_721 = arith.constant 0.333333343 : f32
    %mul3A_722 = vector.broadcast %mul3A_721 : f32 to vector<16xf32>
    %mul3A_723 = arith.mulf %mul3A_722, %bitcast3A_459 : vector<16xf32>
    %add3A_724 = arith.addf %mul3A_720, %mul3A_723 : vector<16xf32>
    %mul3A_725 = arith.constant 5.55111512E-17 : f32
    %mul3A_726 = vector.broadcast %mul3A_725 : f32 to vector<16xf32>
    %mul3A_727 = arith.mulf %mul3A_726, %bitcast3A_493 : vector<16xf32>
    %add3A_728 = arith.addf %add3A_724, %mul3A_727 : vector<16xf32>
    %swap3A_729 = arith.constant 3600 : index
    %swap3A_730 = tpu.vector_load %arg6[%swap3A_729] {strides = array<i32>} : memref<3840xf32, #tpu.memory_space<vmem>>, vector<16xf32>,
    tpu.vector_store %arg6[%swap3A_729], %add3A_728 {strides = array<i32>} : memref<3840xf32, #tpu.memory_space<vmem>>, vector<16xf32>,
    %swap3A_731 = arith.constant 1168 : index
    %swap3A_732 = tpu.vector_load %arg6[%swap3A_731] {strides = array<i32>} : memref<3840xf32, #tpu.memory_space<vmem>>, vector<16xf32>,
    tpu.vector_store %arg6[%swap3A_731], %bitcast3A_407 {strides = array<i32>} : memref<3840xf32, #tpu.memory_space<vmem>>, vector<16xf32>,
    %swap3A_733 = arith.constant 2448 : index
    %swap3A_734 = tpu.vector_load %arg6[%swap3A_733] {strides = array<i32>} : memref<3840xf32, #tpu.memory_space<vmem>>, vector<16xf32>,
    tpu.vector_store %arg6[%swap3A_733], %bitcast3A_416 {strides = array<i32>} : memref<3840xf32, #tpu.memory_space<vmem>>, vector<16xf32>,
    %swap3A_735 = arith.constant 3728 : index
    %swap3A_736 = tpu.vector_load %arg6[%swap3A_735] {strides = array<i32>} : memref<3840xf32, #tpu.memory_space<vmem>>, vector<16xf32>,
    tpu.vector_store %arg6[%swap3A_735], %bitcast3A_425 {strides = array<i32>} : memref<3840xf32, #tpu.memory_space<vmem>>, vector<16xf32>,
    %mul3A_737 = arith.constant 3 : i32
    %mul3A_738 = vector.broadcast %mul3A_737 : i32 to vector<16xi32>
    %mul3A_739 = arith.muli %iota3A, %mul3A_738 : vector<16xi32>
    %add3A_740 = arith.constant 96 : i32
    %add3A_741 = vector.broadcast %add3A_740 : i32 to vector<16xi32>
    %add3A_742 = arith.addi %mul3A_739, %add3A_741 : vector<16xi32>
    %gather3A_743 = tpu.vector_load_idx %arg5[%add3A_742] : memref<384xi32, #tpu.memory_space<vmem>>[vector<16xi32>], vector<16xi32>,
    %mul3A_744 = arith.constant 3 : i32
    %mul3A_745 = vector.broadcast %mul3A_744 : i32 to vector<16xi32>
    %mul3A_746 = arith.muli %gather3A_743, %mul3A_745 : vector<16xi32>
    %add3A_747 = arith.constant 0 : i32
    %add3A_748 = arith.addi %mul3A_49, %add3A_747 : i32
    %add3A_749 = vector.broadcast %add3A_748 : i32 to vector<16xi32>
    %add3A_750 = arith.addi %mul3A_746, %add3A_749 : vector<16xi32>
    %gather3A_751 = tpu.vector_load_idx %arg4[%add3A_750] : memref<3856xi32, #tpu.memory_space<vmem>>[vector<16xi32>], vector<16xi32>,
    %bitcast3A_752 = vector.bitcast %gather3A_751 : vector<16xi32> to vector<16xf32>
    %mul3A_753 = arith.constant 3 : i32
    %mul3A_754 = vector.broadcast %mul3A_753 : i32 to vector<16xi32>
    %mul3A_755 = arith.muli %gather3A_743, %mul3A_754 : vector<16xi32>
    %add3A_756 = arith.constant 1 : i32
    %add3A_757 = arith.addi %mul3A_49, %add3A_756 : i32
    %add3A_758 = vector.broadcast %add3A_757 : i32 to vector<16xi32>
    %add3A_759 = arith.addi %mul3A_755, %add3A_758 : vector<16xi32>
    %gather3A_760 = tpu.vector_load_idx %arg4[%add3A_759] : memref<3856xi32, #tpu.memory_space<vmem>>[vector<16xi32>], vector<16xi32>,
    %bitcast3A_761 = vector.bitcast %gather3A_760 : vector<16xi32> to vector<16xf32>
    %mul3A_762 = arith.constant 3 : i32
    %mul3A_763 = vector.broadcast %mul3A_762 : i32 to vector<16xi32>
    %mul3A_764 = arith.muli %gather3A_743, %mul3A_763 : vector<16xi32>
    %add3A_765 = arith.constant 2 : i32
    %add3A_766 = arith.addi %mul3A_49, %add3A_765 : i32
    %add3A_767 = vector.broadcast %add3A_766 : i32 to vector<16xi32>
    %add3A_768 = arith.addi %mul3A_764, %add3A_767 : vector<16xi32>
    %gather3A_769 = tpu.vector_load_idx %arg4[%add3A_768] : memref<3856xi32, #tpu.memory_space<vmem>>[vector<16xi32>], vector<16xi32>,
    %bitcast3A_770 = vector.bitcast %gather3A_769 : vector<16xi32> to vector<16xf32>
    %mul3A_771 = arith.constant 3 : i32
    %mul3A_772 = vector.broadcast %mul3A_771 : i32 to vector<16xi32>
    %mul3A_773 = arith.muli %iota3A, %mul3A_772 : vector<16xi32>
    %add3A_774 = arith.constant 97 : i32
    %add3A_775 = vector.broadcast %add3A_774 : i32 to vector<16xi32>
    %add3A_776 = arith.addi %mul3A_773, %add3A_775 : vector<16xi32>
    %gather3A_777 = tpu.vector_load_idx %arg5[%add3A_776] : memref<384xi32, #tpu.memory_space<vmem>>[vector<16xi32>], vector<16xi32>,
    %mul3A_778 = arith.constant 3 : i32
    %mul3A_779 = vector.broadcast %mul3A_778 : i32 to vector<16xi32>
    %mul3A_780 = arith.muli %gather3A_777, %mul3A_779 : vector<16xi32>
    %add3A_781 = arith.constant 0 : i32
    %add3A_782 = arith.addi %mul3A_49, %add3A_781 : i32
    %add3A_783 = vector.broadcast %add3A_782 : i32 to vector<16xi32>
    %add3A_784 = arith.addi %mul3A_780, %add3A_783 : vector<16xi32>
    %gather3A_785 = tpu.vector_load_idx %arg4[%add3A_784] : memref<3856xi32, #tpu.memory_space<vmem>>[vector<16xi32>], vector<16xi32>,
    %bitcast3A_786 = vector.bitcast %gather3A_785 : vector<16xi32> to vector<16xf32>
    %mul3A_787 = arith.constant 3 : i32
    %mul3A_788 = vector.broadcast %mul3A_787 : i32 to vector<16xi32>
    %mul3A_789 = arith.muli %gather3A_777, %mul3A_788 : vector<16xi32>
    %add3A_790 = arith.constant 1 : i32
    %add3A_791 = arith.addi %mul3A_49, %add3A_790 : i32
    %add3A_792 = vector.broadcast %add3A_791 : i32 to vector<16xi32>
    %add3A_793 = arith.addi %mul3A_789, %add3A_792 : vector<16xi32>
    %gather3A_794 = tpu.vector_load_idx %arg4[%add3A_793] : memref<3856xi32, #tpu.memory_space<vmem>>[vector<16xi32>], vector<16xi32>,
    %bitcast3A_795 = vector.bitcast %gather3A_794 : vector<16xi32> to vector<16xf32>
    %mul3A_796 = arith.constant 3 : i32
    %mul3A_797 = vector.broadcast %mul3A_796 : i32 to vector<16xi32>
    %mul3A_798 = arith.muli %gather3A_777, %mul3A_797 : vector<16xi32>
    %add3A_799 = arith.constant 2 : i32
    %add3A_800 = arith.addi %mul3A_49, %add3A_799 : i32
    %add3A_801 = vector.broadcast %add3A_800 : i32 to vector<16xi32>
    %add3A_802 = arith.addi %mul3A_798, %add3A_801 : vector<16xi32>
    %gather3A_803 = tpu.vector_load_idx %arg4[%add3A_802] : memref<3856xi32, #tpu.memory_space<vmem>>[vector<16xi32>], vector<16xi32>,
    %bitcast3A_804 = vector.bitcast %gather3A_803 : vector<16xi32> to vector<16xf32>
    %mul3A_805 = arith.constant 3 : i32
    %mul3A_806 = vector.broadcast %mul3A_805 : i32 to vector<16xi32>
    %mul3A_807 = arith.muli %iota3A, %mul3A_806 : vector<16xi32>
    %add3A_808 = arith.constant 98 : i32
    %add3A_809 = vector.broadcast %add3A_808 : i32 to vector<16xi32>
    %add3A_810 = arith.addi %mul3A_807, %add3A_809 : vector<16xi32>
    %gather3A_811 = tpu.vector_load_idx %arg5[%add3A_810] : memref<384xi32, #tpu.memory_space<vmem>>[vector<16xi32>], vector<16xi32>,
    %mul3A_812 = arith.constant 3 : i32
    %mul3A_813 = vector.broadcast %mul3A_812 : i32 to vector<16xi32>
    %mul3A_814 = arith.muli %gather3A_811, %mul3A_813 : vector<16xi32>
    %add3A_815 = arith.constant 0 : i32
    %add3A_816 = arith.addi %mul3A_49, %add3A_815 : i32
    %add3A_817 = vector.broadcast %add3A_816 : i32 to vector<16xi32>
    %add3A_818 = arith.addi %mul3A_814, %add3A_817 : vector<16xi32>
    %gather3A_819 = tpu.vector_load_idx %arg4[%add3A_818] : memref<3856xi32, #tpu.memory_space<vmem>>[vector<16xi32>], vector<16xi32>,
    %bitcast3A_820 = vector.bitcast %gather3A_819 : vector<16xi32> to vector<16xf32>
    %mul3A_821 = arith.constant 3 : i32
    %mul3A_822 = vector.broadcast %mul3A_821 : i32 to vector<16xi32>
    %mul3A_823 = arith.muli %gather3A_811, %mul3A_822 : vector<16xi32>
    %add3A_824 = arith.constant 1 : i32
    %add3A_825 = arith.addi %mul3A_49, %add3A_824 : i32
    %add3A_826 = vector.broadcast %add3A_825 : i32 to vector<16xi32>
    %add3A_827 = arith.addi %mul3A_823, %add3A_826 : vector<16xi32>
    %gather3A_828 = tpu.vector_load_idx %arg4[%add3A_827] : memref<3856xi32, #tpu.memory_space<vmem>>[vector<16xi32>], vector<16xi32>,
    %bitcast3A_829 = vector.bitcast %gather3A_828 : vector<16xi32> to vector<16xf32>
    %mul3A_830 = arith.constant 3 : i32
    %mul3A_831 = vector.broadcast %mul3A_830 : i32 to vector<16xi32>
    %mul3A_832 = arith.muli %gather3A_811, %mul3A_831 : vector<16xi32>
    %add3A_833 = arith.constant 2 : i32
    %add3A_834 = arith.addi %mul3A_49, %add3A_833 : i32
    %add3A_835 = vector.broadcast %add3A_834 : i32 to vector<16xi32>
    %add3A_836 = arith.addi %mul3A_832, %add3A_835 : vector<16xi32>
    %gather3A_837 = tpu.vector_load_idx %arg4[%add3A_836] : memref<3856xi32, #tpu.memory_space<vmem>>[vector<16xi32>], vector<16xi32>,
    %bitcast3A_838 = vector.bitcast %gather3A_837 : vector<16xi32> to vector<16xf32>
    %swap3A_839 = arith.constant 32 : index
    %swap3A_840 = tpu.vector_load %arg6[%swap3A_839] {strides = array<i32>} : memref<3840xf32, #tpu.memory_space<vmem>>, vector<16xf32>,
    tpu.vector_store %arg6[%swap3A_839], %bitcast3A_820 {strides = array<i32>} : memref<3840xf32, #tpu.memory_space<vmem>>, vector<16xf32>,
    %swap3A_841 = arith.constant 1312 : index
    %swap3A_842 = tpu.vector_load %arg6[%swap3A_841] {strides = array<i32>} : memref<3840xf32, #tpu.memory_space<vmem>>, vector<16xf32>,
    tpu.vector_store %arg6[%swap3A_841], %bitcast3A_829 {strides = array<i32>} : memref<3840xf32, #tpu.memory_space<vmem>>, vector<16xf32>,
    %swap3A_843 = arith.constant 2592 : index
    %swap3A_844 = tpu.vector_load %arg6[%swap3A_843] {strides = array<i32>} : memref<3840xf32, #tpu.memory_space<vmem>>, vector<16xf32>,
    tpu.vector_store %arg6[%swap3A_843], %bitcast3A_838 {strides = array<i32>} : memref<3840xf32, #tpu.memory_space<vmem>>, vector<16xf32>,
    %mul3A_845 = arith.constant 0.333333343 : f32
    %mul3A_846 = vector.broadcast %mul3A_845 : f32 to vector<16xf32>
    %mul3A_847 = arith.mulf %mul3A_846, %bitcast3A_786 : vector<16xf32>
    %mul3A_848 = arith.constant 0.666666686 : f32
    %mul3A_849 = vector.broadcast %mul3A_848 : f32 to vector<16xf32>
    %mul3A_850 = arith.mulf %mul3A_849, %bitcast3A_820 : vector<16xf32>
    %add3A_851 = arith.addf %mul3A_847, %mul3A_850 : vector<16xf32>
    %swap3A_852 = arith.constant 160 : index
    %swap3A_853 = tpu.vector_load %arg6[%swap3A_852] {strides = array<i32>} : memref<3840xf32, #tpu.memory_space<vmem>>, vector<16xf32>,
    tpu.vector_store %arg6[%swap3A_852], %add3A_851 {strides = array<i32>} : memref<3840xf32, #tpu.memory_space<vmem>>, vector<16xf32>,
    %mul3A_854 = arith.constant 0.333333343 : f32
    %mul3A_855 = vector.broadcast %mul3A_854 : f32 to vector<16xf32>
    %mul3A_856 = arith.mulf %mul3A_855, %bitcast3A_795 : vector<16xf32>
    %mul3A_857 = arith.constant 0.666666686 : f32
    %mul3A_858 = vector.broadcast %mul3A_857 : f32 to vector<16xf32>
    %mul3A_859 = arith.mulf %mul3A_858, %bitcast3A_829 : vector<16xf32>
    %add3A_860 = arith.addf %mul3A_856, %mul3A_859 : vector<16xf32>
    %swap3A_861 = arith.constant 1440 : index
    %swap3A_862 = tpu.vector_load %arg6[%swap3A_861] {strides = array<i32>} : memref<3840xf32, #tpu.memory_space<vmem>>, vector<16xf32>,
    tpu.vector_store %arg6[%swap3A_861], %add3A_860 {strides = array<i32>} : memref<3840xf32, #tpu.memory_space<vmem>>, vector<16xf32>,
    %mul3A_863 = arith.constant 0.333333343 : f32
    %mul3A_864 = vector.broadcast %mul3A_863 : f32 to vector<16xf32>
    %mul3A_865 = arith.mulf %mul3A_864, %bitcast3A_804 : vector<16xf32>
    %mul3A_866 = arith.constant 0.666666686 : f32
    %mul3A_867 = vector.broadcast %mul3A_866 : f32 to vector<16xf32>
    %mul3A_868 = arith.mulf %mul3A_867, %bitcast3A_838 : vector<16xf32>
    %add3A_869 = arith.addf %mul3A_865, %mul3A_868 : vector<16xf32>
    %swap3A_870 = arith.constant 2720 : index
    %swap3A_871 = tpu.vector_load %arg6[%swap3A_870] {strides = array<i32>} : memref<3840xf32, #tpu.memory_space<vmem>>, vector<16xf32>,
    tpu.vector_store %arg6[%swap3A_870], %add3A_869 {strides = array<i32>} : memref<3840xf32, #tpu.memory_space<vmem>>, vector<16xf32>,
    %mul3A_872 = arith.constant 0.666666686 : f32
    %mul3A_873 = vector.broadcast %mul3A_872 : f32 to vector<16xf32>
    %mul3A_874 = arith.mulf %mul3A_873, %bitcast3A_786 : vector<16xf32>
    %mul3A_875 = arith.constant 0.333333343 : f32
    %mul3A_876 = vector.broadcast %mul3A_875 : f32 to vector<16xf32>
    %mul3A_877 = arith.mulf %mul3A_876, %bitcast3A_820 : vector<16xf32>
    %add3A_878 = arith.addf %mul3A_874, %mul3A_877 : vector<16xf32>
    %swap3A_879 = arith.constant 288 : index
    %swap3A_880 = tpu.vector_load %arg6[%swap3A_879] {strides = array<i32>} : memref<3840xf32, #tpu.memory_space<vmem>>, vector<16xf32>,
    tpu.vector_store %arg6[%swap3A_879], %add3A_878 {strides = array<i32>} : memref<3840xf32, #tpu.memory_space<vmem>>, vector<16xf32>,
    %mul3A_881 = arith.constant 0.666666686 : f32
    %mul3A_882 = vector.broadcast %mul3A_881 : f32 to vector<16xf32>
    %mul3A_883 = arith.mulf %mul3A_882, %bitcast3A_795 : vector<16xf32>
    %mul3A_884 = arith.constant 0.333333343 : f32
    %mul3A_885 = vector.broadcast %mul3A_884 : f32 to vector<16xf32>
    %mul3A_886 = arith.mulf %mul3A_885, %bitcast3A_829 : vector<16xf32>
    %add3A_887 = arith.addf %mul3A_883, %mul3A_886 : vector<16xf32>
    %swap3A_888 = arith.constant 1568 : index
    %swap3A_889 = tpu.vector_load %arg6[%swap3A_888] {strides = array<i32>} : memref<3840xf32, #tpu.memory_space<vmem>>, vector<16xf32>,
    tpu.vector_store %arg6[%swap3A_888], %add3A_887 {strides = array<i32>} : memref<3840xf32, #tpu.memory_space<vmem>>, vector<16xf32>,
    %mul3A_890 = arith.constant 0.666666686 : f32
    %mul3A_891 = vector.broadcast %mul3A_890 : f32 to vector<16xf32>
    %mul3A_892 = arith.mulf %mul3A_891, %bitcast3A_804 : vector<16xf32>
    %mul3A_893 = arith.constant 0.333333343 : f32
    %mul3A_894 = vector.broadcast %mul3A_893 : f32 to vector<16xf32>
    %mul3A_895 = arith.mulf %mul3A_894, %bitcast3A_838 : vector<16xf32>
    %add3A_896 = arith.addf %mul3A_892, %mul3A_895 : vector<16xf32>
    %swap3A_897 = arith.constant 2848 : index
    %swap3A_898 = tpu.vector_load %arg6[%swap3A_897] {strides = array<i32>} : memref<3840xf32, #tpu.memory_space<vmem>>, vector<16xf32>,
    tpu.vector_store %arg6[%swap3A_897], %add3A_896 {strides = array<i32>} : memref<3840xf32, #tpu.memory_space<vmem>>, vector<16xf32>,
    %swap3A_899 = arith.constant 416 : index
    %swap3A_900 = tpu.vector_load %arg6[%swap3A_899] {strides = array<i32>} : memref<3840xf32, #tpu.memory_space<vmem>>, vector<16xf32>,
    tpu.vector_store %arg6[%swap3A_899], %bitcast3A_786 {strides = array<i32>} : memref<3840xf32, #tpu.memory_space<vmem>>, vector<16xf32>,
    %swap3A_901 = arith.constant 1696 : index
    %swap3A_902 = tpu.vector_load %arg6[%swap3A_901] {strides = array<i32>} : memref<3840xf32, #tpu.memory_space<vmem>>, vector<16xf32>,
    tpu.vector_store %arg6[%swap3A_901], %bitcast3A_795 {strides = array<i32>} : memref<3840xf32, #tpu.memory_space<vmem>>, vector<16xf32>,
    %swap3A_903 = arith.constant 2976 : index
    %swap3A_904 = tpu.vector_load %arg6[%swap3A_903] {strides = array<i32>} : memref<3840xf32, #tpu.memory_space<vmem>>, vector<16xf32>,
    tpu.vector_store %arg6[%swap3A_903], %bitcast3A_804 {strides = array<i32>} : memref<3840xf32, #tpu.memory_space<vmem>>, vector<16xf32>,
    %mul3A_905 = arith.constant 0.333333343 : f32
    %mul3A_906 = vector.broadcast %mul3A_905 : f32 to vector<16xf32>
    %mul3A_907 = arith.mulf %mul3A_906, %bitcast3A_752 : vector<16xf32>
    %mul3A_908 = arith.constant 0.666666686 : f32
    %mul3A_909 = vector.broadcast %mul3A_908 : f32 to vector<16xf32>
    %mul3A_910 = arith.mulf %mul3A_909, %bitcast3A_820 : vector<16xf32>
    %add3A_911 = arith.addf %mul3A_907, %mul3A_910 : vector<16xf32>
    %swap3A_912 = arith.constant 544 : index
    %swap3A_913 = tpu.vector_load %arg6[%swap3A_912] {strides = array<i32>} : memref<3840xf32, #tpu.memory_space<vmem>>, vector<16xf32>,
    tpu.vector_store %arg6[%swap3A_912], %add3A_911 {strides = array<i32>} : memref<3840xf32, #tpu.memory_space<vmem>>, vector<16xf32>,
    %mul3A_914 = arith.constant 0.333333343 : f32
    %mul3A_915 = vector.broadcast %mul3A_914 : f32 to vector<16xf32>
    %mul3A_916 = arith.mulf %mul3A_915, %bitcast3A_761 : vector<16xf32>
    %mul3A_917 = arith.constant 0.666666686 : f32
    %mul3A_918 = vector.broadcast %mul3A_917 : f32 to vector<16xf32>
    %mul3A_919 = arith.mulf %mul3A_918, %bitcast3A_829 : vector<16xf32>
    %add3A_920 = arith.addf %mul3A_916, %mul3A_919 : vector<16xf32>
    %swap3A_921 = arith.constant 1824 : index
    %swap3A_922 = tpu.vector_load %arg6[%swap3A_921] {strides = array<i32>} : memref<3840xf32, #tpu.memory_space<vmem>>, vector<16xf32>,
    tpu.vector_store %arg6[%swap3A_921], %add3A_920 {strides = array<i32>} : memref<3840xf32, #tpu.memory_space<vmem>>, vector<16xf32>,
    %mul3A_923 = arith.constant 0.333333343 : f32
    %mul3A_924 = vector.broadcast %mul3A_923 : f32 to vector<16xf32>
    %mul3A_925 = arith.mulf %mul3A_924, %bitcast3A_770 : vector<16xf32>
    %mul3A_926 = arith.constant 0.666666686 : f32
    %mul3A_927 = vector.broadcast %mul3A_926 : f32 to vector<16xf32>
    %mul3A_928 = arith.mulf %mul3A_927, %bitcast3A_838 : vector<16xf32>
    %add3A_929 = arith.addf %mul3A_925, %mul3A_928 : vector<16xf32>
    %swap3A_930 = arith.constant 3104 : index
    %swap3A_931 = tpu.vector_load %arg6[%swap3A_930] {strides = array<i32>} : memref<3840xf32, #tpu.memory_space<vmem>>, vector<16xf32>,
    tpu.vector_store %arg6[%swap3A_930], %add3A_929 {strides = array<i32>} : memref<3840xf32, #tpu.memory_space<vmem>>, vector<16xf32>,
    %mul3A_932 = arith.constant 0.333333343 : f32
    %mul3A_933 = vector.broadcast %mul3A_932 : f32 to vector<16xf32>
    %mul3A_934 = arith.mulf %mul3A_933, %bitcast3A_752 : vector<16xf32>
    %mul3A_935 = arith.constant 0.333333343 : f32
    %mul3A_936 = vector.broadcast %mul3A_935 : f32 to vector<16xf32>
    %mul3A_937 = arith.mulf %mul3A_936, %bitcast3A_786 : vector<16xf32>
    %add3A_938 = arith.addf %mul3A_934, %mul3A_937 : vector<16xf32>
    %mul3A_939 = arith.constant 0.333333343 : f32
    %mul3A_940 = vector.broadcast %mul3A_939 : f32 to vector<16xf32>
    %mul3A_941 = arith.mulf %mul3A_940, %bitcast3A_820 : vector<16xf32>
    %add3A_942 = arith.addf %add3A_938, %mul3A_941 : vector<16xf32>
    %swap3A_943 = arith.constant 672 : index
    %swap3A_944 = tpu.vector_load %arg6[%swap3A_943] {strides = array<i32>} : memref<3840xf32, #tpu.memory_space<vmem>>, vector<16xf32>,
    tpu.vector_store %arg6[%swap3A_943], %add3A_942 {strides = array<i32>} : memref<3840xf32, #tpu.memory_space<vmem>>, vector<16xf32>,
    %mul3A_945 = arith.constant 0.333333343 : f32
    %mul3A_946 = vector.broadcast %mul3A_945 : f32 to vector<16xf32>
    %mul3A_947 = arith.mulf %mul3A_946, %bitcast3A_761 : vector<16xf32>
    %mul3A_948 = arith.constant 0.333333343 : f32
    %mul3A_949 = vector.broadcast %mul3A_948 : f32 to vector<16xf32>
    %mul3A_950 = arith.mulf %mul3A_949, %bitcast3A_795 : vector<16xf32>
    %add3A_951 = arith.addf %mul3A_947, %mul3A_950 : vector<16xf32>
    %mul3A_952 = arith.constant 0.333333343 : f32
    %mul3A_953 = vector.broadcast %mul3A_952 : f32 to vector<16xf32>
    %mul3A_954 = arith.mulf %mul3A_953, %bitcast3A_829 : vector<16xf32>
    %add3A_955 = arith.addf %add3A_951, %mul3A_954 : vector<16xf32>
    %swap3A_956 = arith.constant 1952 : index
    %swap3A_957 = tpu.vector_load %arg6[%swap3A_956] {strides = array<i32>} : memref<3840xf32, #tpu.memory_space<vmem>>, vector<16xf32>,
    tpu.vector_store %arg6[%swap3A_956], %add3A_955 {strides = array<i32>} : memref<3840xf32, #tpu.memory_space<vmem>>, vector<16xf32>,
    %mul3A_958 = arith.constant 0.333333343 : f32
    %mul3A_959 = vector.broadcast %mul3A_958 : f32 to vector<16xf32>
    %mul3A_960 = arith.mulf %mul3A_959, %bitcast3A_770 : vector<16xf32>
    %mul3A_961 = arith.constant 0.333333343 : f32
    %mul3A_962 = vector.broadcast %mul3A_961 : f32 to vector<16xf32>
    %mul3A_963 = arith.mulf %mul3A_962, %bitcast3A_804 : vector<16xf32>
    %add3A_964 = arith.addf %mul3A_960, %mul3A_963 : vector<16xf32>
    %mul3A_965 = arith.constant 0.333333343 : f32
    %mul3A_966 = vector.broadcast %mul3A_965 : f32 to vector<16xf32>
    %mul3A_967 = arith.mulf %mul3A_966, %bitcast3A_838 : vector<16xf32>
    %add3A_968 = arith.addf %add3A_964, %mul3A_967 : vector<16xf32>
    %swap3A_969 = arith.constant 3232 : index
    %swap3A_970 = tpu.vector_load %arg6[%swap3A_969] {strides = array<i32>} : memref<3840xf32, #tpu.memory_space<vmem>>, vector<16xf32>,
    tpu.vector_store %arg6[%swap3A_969], %add3A_968 {strides = array<i32>} : memref<3840xf32, #tpu.memory_space<vmem>>, vector<16xf32>,
    %mul3A_971 = arith.constant 0.333333343 : f32
    %mul3A_972 = vector.broadcast %mul3A_971 : f32 to vector<16xf32>
    %mul3A_973 = arith.mulf %mul3A_972, %bitcast3A_752 : vector<16xf32>
    %mul3A_974 = arith.constant 0.666666686 : f32
    %mul3A_975 = vector.broadcast %mul3A_974 : f32 to vector<16xf32>
    %mul3A_976 = arith.mulf %mul3A_975, %bitcast3A_786 : vector<16xf32>
    %add3A_977 = arith.addf %mul3A_973, %mul3A_976 : vector<16xf32>
    %mul3A_978 = arith.constant 1.11022302E-16 : f32
    %mul3A_979 = vector.broadcast %mul3A_978 : f32 to vector<16xf32>
    %mul3A_980 = arith.mulf %mul3A_979, %bitcast3A_820 : vector<16xf32>
    %add3A_981 = arith.addf %add3A_977, %mul3A_980 : vector<16xf32>
    %swap3A_982 = arith.constant 800 : index
    %swap3A_983 = tpu.vector_load %arg6[%swap3A_982] {strides = array<i32>} : memref<3840xf32, #tpu.memory_space<vmem>>, vector<16xf32>,
    tpu.vector_store %arg6[%swap3A_982], %add3A_981 {strides = array<i32>} : memref<3840xf32, #tpu.memory_space<vmem>>, vector<16xf32>,
    %mul3A_984 = arith.constant 0.333333343 : f32
    %mul3A_985 = vector.broadcast %mul3A_984 : f32 to vector<16xf32>
    %mul3A_986 = arith.mulf %mul3A_985, %bitcast3A_761 : vector<16xf32>
    %mul3A_987 = arith.constant 0.666666686 : f32
    %mul3A_988 = vector.broadcast %mul3A_987 : f32 to vector<16xf32>
    %mul3A_989 = arith.mulf %mul3A_988, %bitcast3A_795 : vector<16xf32>
    %add3A_990 = arith.addf %mul3A_986, %mul3A_989 : vector<16xf32>
    %mul3A_991 = arith.constant 1.11022302E-16 : f32
    %mul3A_992 = vector.broadcast %mul3A_991 : f32 to vector<16xf32>
    %mul3A_993 = arith.mulf %mul3A_992, %bitcast3A_829 : vector<16xf32>
    %add3A_994 = arith.addf %add3A_990, %mul3A_993 : vector<16xf32>
    %swap3A_995 = arith.constant 2080 : index
    %swap3A_996 = tpu.vector_load %arg6[%swap3A_995] {strides = array<i32>} : memref<3840xf32, #tpu.memory_space<vmem>>, vector<16xf32>,
    tpu.vector_store %arg6[%swap3A_995], %add3A_994 {strides = array<i32>} : memref<3840xf32, #tpu.memory_space<vmem>>, vector<16xf32>,
    %mul3A_997 = arith.constant 0.333333343 : f32
    %mul3A_998 = vector.broadcast %mul3A_997 : f32 to vector<16xf32>
    %mul3A_999 = arith.mulf %mul3A_998, %bitcast3A_770 : vector<16xf32>
    %mul3A_1000 = arith.constant 0.666666686 : f32
    %mul3A_1001 = vector.broadcast %mul3A_1000 : f32 to vector<16xf32>
    %mul3A_1002 = arith.mulf %mul3A_1001, %bitcast3A_804 : vector<16xf32>
    %add3A_1003 = arith.addf %mul3A_999, %mul3A_1002 : vector<16xf32>
    %mul3A_1004 = arith.constant 1.11022302E-16 : f32
    %mul3A_1005 = vector.broadcast %mul3A_1004 : f32 to vector<16xf32>
    %mul3A_1006 = arith.mulf %mul3A_1005, %bitcast3A_838 : vector<16xf32>
    %add3A_1007 = arith.addf %add3A_1003, %mul3A_1006 : vector<16xf32>
    %swap3A_1008 = arith.constant 3360 : index
    %swap3A_1009 = tpu.vector_load %arg6[%swap3A_1008] {strides = array<i32>} : memref<3840xf32, #tpu.memory_space<vmem>>, vector<16xf32>,
    tpu.vector_store %arg6[%swap3A_1008], %add3A_1007 {strides = array<i32>} : memref<3840xf32, #tpu.memory_space<vmem>>, vector<16xf32>,
    %mul3A_1010 = arith.constant 0.666666686 : f32
    %mul3A_1011 = vector.broadcast %mul3A_1010 : f32 to vector<16xf32>
    %mul3A_1012 = arith.mulf %mul3A_1011, %bitcast3A_752 : vector<16xf32>
    %mul3A_1013 = arith.constant 0.333333343 : f32
    %mul3A_1014 = vector.broadcast %mul3A_1013 : f32 to vector<16xf32>
    %mul3A_1015 = arith.mulf %mul3A_1014, %bitcast3A_820 : vector<16xf32>
    %add3A_1016 = arith.addf %mul3A_1012, %mul3A_1015 : vector<16xf32>
    %swap3A_1017 = arith.constant 928 : index
    %swap3A_1018 = tpu.vector_load %arg6[%swap3A_1017] {strides = array<i32>} : memref<3840xf32, #tpu.memory_space<vmem>>, vector<16xf32>,
    tpu.vector_store %arg6[%swap3A_1017], %add3A_1016 {strides = array<i32>} : memref<3840xf32, #tpu.memory_space<vmem>>, vector<16xf32>,
    %mul3A_1019 = arith.constant 0.666666686 : f32
    %mul3A_1020 = vector.broadcast %mul3A_1019 : f32 to vector<16xf32>
    %mul3A_1021 = arith.mulf %mul3A_1020, %bitcast3A_761 : vector<16xf32>
    %mul3A_1022 = arith.constant 0.333333343 : f32
    %mul3A_1023 = vector.broadcast %mul3A_1022 : f32 to vector<16xf32>
    %mul3A_1024 = arith.mulf %mul3A_1023, %bitcast3A_829 : vector<16xf32>
    %add3A_1025 = arith.addf %mul3A_1021, %mul3A_1024 : vector<16xf32>
    %swap3A_1026 = arith.constant 2208 : index
    %swap3A_1027 = tpu.vector_load %arg6[%swap3A_1026] {strides = array<i32>} : memref<3840xf32, #tpu.memory_space<vmem>>, vector<16xf32>,
    tpu.vector_store %arg6[%swap3A_1026], %add3A_1025 {strides = array<i32>} : memref<3840xf32, #tpu.memory_space<vmem>>, vector<16xf32>,
    %mul3A_1028 = arith.constant 0.666666686 : f32
    %mul3A_1029 = vector.broadcast %mul3A_1028 : f32 to vector<16xf32>
    %mul3A_1030 = arith.mulf %mul3A_1029, %bitcast3A_770 : vector<16xf32>
    %mul3A_1031 = arith.constant 0.333333343 : f32
    %mul3A_1032 = vector.broadcast %mul3A_1031 : f32 to vector<16xf32>
    %mul3A_1033 = arith.mulf %mul3A_1032, %bitcast3A_838 : vector<16xf32>
    %add3A_1034 = arith.addf %mul3A_1030, %mul3A_1033 : vector<16xf32>
    %swap3A_1035 = arith.constant 3488 : index
    %swap3A_1036 = tpu.vector_load %arg6[%swap3A_1035] {strides = array<i32>} : memref<3840xf32, #tpu.memory_space<vmem>>, vector<16xf32>,
    tpu.vector_store %arg6[%swap3A_1035], %add3A_1034 {strides = array<i32>} : memref<3840xf32, #tpu.memory_space<vmem>>, vector<16xf32>,
    %mul3A_1037 = arith.constant 0.666666686 : f32
    %mul3A_1038 = vector.broadcast %mul3A_1037 : f32 to vector<16xf32>
    %mul3A_1039 = arith.mulf %mul3A_1038, %bitcast3A_752 : vector<16xf32>
    %mul3A_1040 = arith.constant 0.333333343 : f32
    %mul3A_1041 = vector.broadcast %mul3A_1040 : f32 to vector<16xf32>
    %mul3A_1042 = arith.mulf %mul3A_1041, %bitcast3A_786 : vector<16xf32>
    %add3A_1043 = arith.addf %mul3A_1039, %mul3A_1042 : vector<16xf32>
    %mul3A_1044 = arith.constant 5.55111512E-17 : f32
    %mul3A_1045 = vector.broadcast %mul3A_1044 : f32 to vector<16xf32>
    %mul3A_1046 = arith.mulf %mul3A_1045, %bitcast3A_820 : vector<16xf32>
    %add3A_1047 = arith.addf %add3A_1043, %mul3A_1046 : vector<16xf32>
    %swap3A_1048 = arith.constant 1056 : index
    %swap3A_1049 = tpu.vector_load %arg6[%swap3A_1048] {strides = array<i32>} : memref<3840xf32, #tpu.memory_space<vmem>>, vector<16xf32>,
    tpu.vector_store %arg6[%swap3A_1048], %add3A_1047 {strides = array<i32>} : memref<3840xf32, #tpu.memory_space<vmem>>, vector<16xf32>,
    %mul3A_1050 = arith.constant 0.666666686 : f32
    %mul3A_1051 = vector.broadcast %mul3A_1050 : f32 to vector<16xf32>
    %mul3A_1052 = arith.mulf %mul3A_1051, %bitcast3A_761 : vector<16xf32>
    %mul3A_1053 = arith.constant 0.333333343 : f32
    %mul3A_1054 = vector.broadcast %mul3A_1053 : f32 to vector<16xf32>
    %mul3A_1055 = arith.mulf %mul3A_1054, %bitcast3A_795 : vector<16xf32>
    %add3A_1056 = arith.addf %mul3A_1052, %mul3A_1055 : vector<16xf32>
    %mul3A_1057 = arith.constant 5.55111512E-17 : f32
    %mul3A_1058 = vector.broadcast %mul3A_1057 : f32 to vector<16xf32>
    %mul3A_1059 = arith.mulf %mul3A_1058, %bitcast3A_829 : vector<16xf32>
    %add3A_1060 = arith.addf %add3A_1056, %mul3A_1059 : vector<16xf32>
    %swap3A_1061 = arith.constant 2336 : index
    %swap3A_1062 = tpu.vector_load %arg6[%swap3A_1061] {strides = array<i32>} : memref<3840xf32, #tpu.memory_space<vmem>>, vector<16xf32>,
    tpu.vector_store %arg6[%swap3A_1061], %add3A_1060 {strides = array<i32>} : memref<3840xf32, #tpu.memory_space<vmem>>, vector<16xf32>,
    %mul3A_1063 = arith.constant 0.666666686 : f32
    %mul3A_1064 = vector.broadcast %mul3A_1063 : f32 to vector<16xf32>
    %mul3A_1065 = arith.mulf %mul3A_1064, %bitcast3A_770 : vector<16xf32>
    %mul3A_1066 = arith.constant 0.333333343 : f32
    %mul3A_1067 = vector.broadcast %mul3A_1066 : f32 to vector<16xf32>
    %mul3A_1068 = arith.mulf %mul3A_1067, %bitcast3A_804 : vector<16xf32>
    %add3A_1069 = arith.addf %mul3A_1065, %mul3A_1068 : vector<16xf32>
    %mul3A_1070 = arith.constant 5.55111512E-17 : f32
    %mul3A_1071 = vector.broadcast %mul3A_1070 : f32 to vector<16xf32>
    %mul3A_1072 = arith.mulf %mul3A_1071, %bitcast3A_838 : vector<16xf32>
    %add3A_1073 = arith.addf %add3A_1069, %mul3A_1072 : vector<16xf32>
    %swap3A_1074 = arith.constant 3616 : index
    %swap3A_1075 = tpu.vector_load %arg6[%swap3A_1074] {strides = array<i32>} : memref<3840xf32, #tpu.memory_space<vmem>>, vector<16xf32>,
    tpu.vector_store %arg6[%swap3A_1074], %add3A_1073 {strides = array<i32>} : memref<3840xf32, #tpu.memory_space<vmem>>, vector<16xf32>,
    %swap3A_1076 = arith.constant 1184 : index
    %swap3A_1077 = tpu.vector_load %arg6[%swap3A_1076] {strides = array<i32>} : memref<3840xf32, #tpu.memory_space<vmem>>, vector<16xf32>,
    tpu.vector_store %arg6[%swap3A_1076], %bitcast3A_752 {strides = array<i32>} : memref<3840xf32, #tpu.memory_space<vmem>>, vector<16xf32>,
    %swap3A_1078 = arith.constant 2464 : index
    %swap3A_1079 = tpu.vector_load %arg6[%swap3A_1078] {strides = array<i32>} : memref<3840xf32, #tpu.memory_space<vmem>>, vector<16xf32>,
    tpu.vector_store %arg6[%swap3A_1078], %bitcast3A_761 {strides = array<i32>} : memref<3840xf32, #tpu.memory_space<vmem>>, vector<16xf32>,
    %swap3A_1080 = arith.constant 3744 : index
    %swap3A_1081 = tpu.vector_load %arg6[%swap3A_1080] {strides = array<i32>} : memref<3840xf32, #tpu.memory_space<vmem>>, vector<16xf32>,
    tpu.vector_store %arg6[%swap3A_1080], %bitcast3A_770 {strides = array<i32>} : memref<3840xf32, #tpu.memory_space<vmem>>, vector<16xf32>,
    %mul3A_1082 = arith.constant 3 : i32
    %mul3A_1083 = vector.broadcast %mul3A_1082 : i32 to vector<16xi32>
    %mul3A_1084 = arith.muli %iota3A, %mul3A_1083 : vector<16xi32>
    %add3A_1085 = arith.constant 144 : i32
    %add3A_1086 = vector.broadcast %add3A_1085 : i32 to vector<16xi32>
    %add3A_1087 = arith.addi %mul3A_1084, %add3A_1086 : vector<16xi32>
    %gather3A_1088 = tpu.vector_load_idx %arg5[%add3A_1087] : memref<384xi32, #tpu.memory_space<vmem>>[vector<16xi32>], vector<16xi32>,
    %mul3A_1089 = arith.constant 3 : i32
    %mul3A_1090 = vector.broadcast %mul3A_1089 : i32 to vector<16xi32>
    %mul3A_1091 = arith.muli %gather3A_1088, %mul3A_1090 : vector<16xi32>
    %add3A_1092 = arith.constant 0 : i32
    %add3A_1093 = arith.addi %mul3A_49, %add3A_1092 : i32
    %add3A_1094 = vector.broadcast %add3A_1093 : i32 to vector<16xi32>
    %add3A_1095 = arith.addi %mul3A_1091, %add3A_1094 : vector<16xi32>
    %gather3A_1096 = tpu.vector_load_idx %arg4[%add3A_1095] : memref<3856xi32, #tpu.memory_space<vmem>>[vector<16xi32>], vector<16xi32>,
    %bitcast3A_1097 = vector.bitcast %gather3A_1096 : vector<16xi32> to vector<16xf32>
    %mul3A_1098 = arith.constant 3 : i32
    %mul3A_1099 = vector.broadcast %mul3A_1098 : i32 to vector<16xi32>
    %mul3A_1100 = arith.muli %gather3A_1088, %mul3A_1099 : vector<16xi32>
    %add3A_1101 = arith.constant 1 : i32
    %add3A_1102 = arith.addi %mul3A_49, %add3A_1101 : i32
    %add3A_1103 = vector.broadcast %add3A_1102 : i32 to vector<16xi32>
    %add3A_1104 = arith.addi %mul3A_1100, %add3A_1103 : vector<16xi32>
    %gather3A_1105 = tpu.vector_load_idx %arg4[%add3A_1104] : memref<3856xi32, #tpu.memory_space<vmem>>[vector<16xi32>], vector<16xi32>,
    %bitcast3A_1106 = vector.bitcast %gather3A_1105 : vector<16xi32> to vector<16xf32>
    %mul3A_1107 = arith.constant 3 : i32
    %mul3A_1108 = vector.broadcast %mul3A_1107 : i32 to vector<16xi32>
    %mul3A_1109 = arith.muli %gather3A_1088, %mul3A_1108 : vector<16xi32>
    %add3A_1110 = arith.constant 2 : i32
    %add3A_1111 = arith.addi %mul3A_49, %add3A_1110 : i32
    %add3A_1112 = vector.broadcast %add3A_1111 : i32 to vector<16xi32>
    %add3A_1113 = arith.addi %mul3A_1109, %add3A_1112 : vector<16xi32>
    %gather3A_1114 = tpu.vector_load_idx %arg4[%add3A_1113] : memref<3856xi32, #tpu.memory_space<vmem>>[vector<16xi32>], vector<16xi32>,
    %bitcast3A_1115 = vector.bitcast %gather3A_1114 : vector<16xi32> to vector<16xf32>
    %mul3A_1116 = arith.constant 3 : i32
    %mul3A_1117 = vector.broadcast %mul3A_1116 : i32 to vector<16xi32>
    %mul3A_1118 = arith.muli %iota3A, %mul3A_1117 : vector<16xi32>
    %add3A_1119 = arith.constant 145 : i32
    %add3A_1120 = vector.broadcast %add3A_1119 : i32 to vector<16xi32>
    %add3A_1121 = arith.addi %mul3A_1118, %add3A_1120 : vector<16xi32>
    %gather3A_1122 = tpu.vector_load_idx %arg5[%add3A_1121] : memref<384xi32, #tpu.memory_space<vmem>>[vector<16xi32>], vector<16xi32>,
    %mul3A_1123 = arith.constant 3 : i32
    %mul3A_1124 = vector.broadcast %mul3A_1123 : i32 to vector<16xi32>
    %mul3A_1125 = arith.muli %gather3A_1122, %mul3A_1124 : vector<16xi32>
    %add3A_1126 = arith.constant 0 : i32
    %add3A_1127 = arith.addi %mul3A_49, %add3A_1126 : i32
    %add3A_1128 = vector.broadcast %add3A_1127 : i32 to vector<16xi32>
    %add3A_1129 = arith.addi %mul3A_1125, %add3A_1128 : vector<16xi32>
    %gather3A_1130 = tpu.vector_load_idx %arg4[%add3A_1129] : memref<3856xi32, #tpu.memory_space<vmem>>[vector<16xi32>], vector<16xi32>,
    %bitcast3A_1131 = vector.bitcast %gather3A_1130 : vector<16xi32> to vector<16xf32>
    %mul3A_1132 = arith.constant 3 : i32
    %mul3A_1133 = vector.broadcast %mul3A_1132 : i32 to vector<16xi32>
    %mul3A_1134 = arith.muli %gather3A_1122, %mul3A_1133 : vector<16xi32>
    %add3A_1135 = arith.constant 1 : i32
    %add3A_1136 = arith.addi %mul3A_49, %add3A_1135 : i32
    %add3A_1137 = vector.broadcast %add3A_1136 : i32 to vector<16xi32>
    %add3A_1138 = arith.addi %mul3A_1134, %add3A_1137 : vector<16xi32>
    %gather3A_1139 = tpu.vector_load_idx %arg4[%add3A_1138] : memref<3856xi32, #tpu.memory_space<vmem>>[vector<16xi32>], vector<16xi32>,
    %bitcast3A_1140 = vector.bitcast %gather3A_1139 : vector<16xi32> to vector<16xf32>
    %mul3A_1141 = arith.constant 3 : i32
    %mul3A_1142 = vector.broadcast %mul3A_1141 : i32 to vector<16xi32>
    %mul3A_1143 = arith.muli %gather3A_1122, %mul3A_1142 : vector<16xi32>
    %add3A_1144 = arith.constant 2 : i32
    %add3A_1145 = arith.addi %mul3A_49, %add3A_1144 : i32
    %add3A_1146 = vector.broadcast %add3A_1145 : i32 to vector<16xi32>
    %add3A_1147 = arith.addi %mul3A_1143, %add3A_1146 : vector<16xi32>
    %gather3A_1148 = tpu.vector_load_idx %arg4[%add3A_1147] : memref<3856xi32, #tpu.memory_space<vmem>>[vector<16xi32>], vector<16xi32>,
    %bitcast3A_1149 = vector.bitcast %gather3A_1148 : vector<16xi32> to vector<16xf32>
    %mul3A_1150 = arith.constant 3 : i32
    %mul3A_1151 = vector.broadcast %mul3A_1150 : i32 to vector<16xi32>
    %mul3A_1152 = arith.muli %iota3A, %mul3A_1151 : vector<16xi32>
    %add3A_1153 = arith.constant 146 : i32
    %add3A_1154 = vector.broadcast %add3A_1153 : i32 to vector<16xi32>
    %add3A_1155 = arith.addi %mul3A_1152, %add3A_1154 : vector<16xi32>
    %gather3A_1156 = tpu.vector_load_idx %arg5[%add3A_1155] : memref<384xi32, #tpu.memory_space<vmem>>[vector<16xi32>], vector<16xi32>,
    %mul3A_1157 = arith.constant 3 : i32
    %mul3A_1158 = vector.broadcast %mul3A_1157 : i32 to vector<16xi32>
    %mul3A_1159 = arith.muli %gather3A_1156, %mul3A_1158 : vector<16xi32>
    %add3A_1160 = arith.constant 0 : i32
    %add3A_1161 = arith.addi %mul3A_49, %add3A_1160 : i32
    %add3A_1162 = vector.broadcast %add3A_1161 : i32 to vector<16xi32>
    %add3A_1163 = arith.addi %mul3A_1159, %add3A_1162 : vector<16xi32>
    %gather3A_1164 = tpu.vector_load_idx %arg4[%add3A_1163] : memref<3856xi32, #tpu.memory_space<vmem>>[vector<16xi32>], vector<16xi32>,
    %bitcast3A_1165 = vector.bitcast %gather3A_1164 : vector<16xi32> to vector<16xf32>
    %mul3A_1166 = arith.constant 3 : i32
    %mul3A_1167 = vector.broadcast %mul3A_1166 : i32 to vector<16xi32>
    %mul3A_1168 = arith.muli %gather3A_1156, %mul3A_1167 : vector<16xi32>
    %add3A_1169 = arith.constant 1 : i32
    %add3A_1170 = arith.addi %mul3A_49, %add3A_1169 : i32
    %add3A_1171 = vector.broadcast %add3A_1170 : i32 to vector<16xi32>
    %add3A_1172 = arith.addi %mul3A_1168, %add3A_1171 : vector<16xi32>
    %gather3A_1173 = tpu.vector_load_idx %arg4[%add3A_1172] : memref<3856xi32, #tpu.memory_space<vmem>>[vector<16xi32>], vector<16xi32>,
    %bitcast3A_1174 = vector.bitcast %gather3A_1173 : vector<16xi32> to vector<16xf32>
    %mul3A_1175 = arith.constant 3 : i32
    %mul3A_1176 = vector.broadcast %mul3A_1175 : i32 to vector<16xi32>
    %mul3A_1177 = arith.muli %gather3A_1156, %mul3A_1176 : vector<16xi32>
    %add3A_1178 = arith.constant 2 : i32
    %add3A_1179 = arith.addi %mul3A_49, %add3A_1178 : i32
    %add3A_1180 = vector.broadcast %add3A_1179 : i32 to vector<16xi32>
    %add3A_1181 = arith.addi %mul3A_1177, %add3A_1180 : vector<16xi32>
    %gather3A_1182 = tpu.vector_load_idx %arg4[%add3A_1181] : memref<3856xi32, #tpu.memory_space<vmem>>[vector<16xi32>], vector<16xi32>,
    %bitcast3A_1183 = vector.bitcast %gather3A_1182 : vector<16xi32> to vector<16xf32>
    %swap3A_1184 = arith.constant 48 : index
    %swap3A_1185 = tpu.vector_load %arg6[%swap3A_1184] {strides = array<i32>} : memref<3840xf32, #tpu.memory_space<vmem>>, vector<16xf32>,
    tpu.vector_store %arg6[%swap3A_1184], %bitcast3A_1165 {strides = array<i32>} : memref<3840xf32, #tpu.memory_space<vmem>>, vector<16xf32>,
    %swap3A_1186 = arith.constant 1328 : index
    %swap3A_1187 = tpu.vector_load %arg6[%swap3A_1186] {strides = array<i32>} : memref<3840xf32, #tpu.memory_space<vmem>>, vector<16xf32>,
    tpu.vector_store %arg6[%swap3A_1186], %bitcast3A_1174 {strides = array<i32>} : memref<3840xf32, #tpu.memory_space<vmem>>, vector<16xf32>,
    %swap3A_1188 = arith.constant 2608 : index
    %swap3A_1189 = tpu.vector_load %arg6[%swap3A_1188] {strides = array<i32>} : memref<3840xf32, #tpu.memory_space<vmem>>, vector<16xf32>,
    tpu.vector_store %arg6[%swap3A_1188], %bitcast3A_1183 {strides = array<i32>} : memref<3840xf32, #tpu.memory_space<vmem>>, vector<16xf32>,
    %mul3A_1190 = arith.constant 0.333333343 : f32
    %mul3A_1191 = vector.broadcast %mul3A_1190 : f32 to vector<16xf32>
    %mul3A_1192 = arith.mulf %mul3A_1191, %bitcast3A_1131 : vector<16xf32>
    %mul3A_1193 = arith.constant 0.666666686 : f32
    %mul3A_1194 = vector.broadcast %mul3A_1193 : f32 to vector<16xf32>
    %mul3A_1195 = arith.mulf %mul3A_1194, %bitcast3A_1165 : vector<16xf32>
    %add3A_1196 = arith.addf %mul3A_1192, %mul3A_1195 : vector<16xf32>
    %swap3A_1197 = arith.constant 176 : index
    %swap3A_1198 = tpu.vector_load %arg6[%swap3A_1197] {strides = array<i32>} : memref<3840xf32, #tpu.memory_space<vmem>>, vector<16xf32>,
    tpu.vector_store %arg6[%swap3A_1197], %add3A_1196 {strides = array<i32>} : memref<3840xf32, #tpu.memory_space<vmem>>, vector<16xf32>,
    %mul3A_1199 = arith.constant 0.333333343 : f32
    %mul3A_1200 = vector.broadcast %mul3A_1199 : f32 to vector<16xf32>
    %mul3A_1201 = arith.mulf %mul3A_1200, %bitcast3A_1140 : vector<16xf32>
    %mul3A_1202 = arith.constant 0.666666686 : f32
    %mul3A_1203 = vector.broadcast %mul3A_1202 : f32 to vector<16xf32>
    %mul3A_1204 = arith.mulf %mul3A_1203, %bitcast3A_1174 : vector<16xf32>
    %add3A_1205 = arith.addf %mul3A_1201, %mul3A_1204 : vector<16xf32>
    %swap3A_1206 = arith.constant 1456 : index
    %swap3A_1207 = tpu.vector_load %arg6[%swap3A_1206] {strides = array<i32>} : memref<3840xf32, #tpu.memory_space<vmem>>, vector<16xf32>,
    tpu.vector_store %arg6[%swap3A_1206], %add3A_1205 {strides = array<i32>} : memref<3840xf32, #tpu.memory_space<vmem>>, vector<16xf32>,
    %mul3A_1208 = arith.constant 0.333333343 : f32
    %mul3A_1209 = vector.broadcast %mul3A_1208 : f32 to vector<16xf32>
    %mul3A_1210 = arith.mulf %mul3A_1209, %bitcast3A_1149 : vector<16xf32>
    %mul3A_1211 = arith.constant 0.666666686 : f32
    %mul3A_1212 = vector.broadcast %mul3A_1211 : f32 to vector<16xf32>
    %mul3A_1213 = arith.mulf %mul3A_1212, %bitcast3A_1183 : vector<16xf32>
    %add3A_1214 = arith.addf %mul3A_1210, %mul3A_1213 : vector<16xf32>
    %swap3A_1215 = arith.constant 2736 : index
    %swap3A_1216 = tpu.vector_load %arg6[%swap3A_1215] {strides = array<i32>} : memref<3840xf32, #tpu.memory_space<vmem>>, vector<16xf32>,
    tpu.vector_store %arg6[%swap3A_1215], %add3A_1214 {strides = array<i32>} : memref<3840xf32, #tpu.memory_space<vmem>>, vector<16xf32>,
    %mul3A_1217 = arith.constant 0.666666686 : f32
    %mul3A_1218 = vector.broadcast %mul3A_1217 : f32 to vector<16xf32>
    %mul3A_1219 = arith.mulf %mul3A_1218, %bitcast3A_1131 : vector<16xf32>
    %mul3A_1220 = arith.constant 0.333333343 : f32
    %mul3A_1221 = vector.broadcast %mul3A_1220 : f32 to vector<16xf32>
    %mul3A_1222 = arith.mulf %mul3A_1221, %bitcast3A_1165 : vector<16xf32>
    %add3A_1223 = arith.addf %mul3A_1219, %mul3A_1222 : vector<16xf32>
    %swap3A_1224 = arith.constant 304 : index
    %swap3A_1225 = tpu.vector_load %arg6[%swap3A_1224] {strides = array<i32>} : memref<3840xf32, #tpu.memory_space<vmem>>, vector<16xf32>,
    tpu.vector_store %arg6[%swap3A_1224], %add3A_1223 {strides = array<i32>} : memref<3840xf32, #tpu.memory_space<vmem>>, vector<16xf32>,
    %mul3A_1226 = arith.constant 0.666666686 : f32
    %mul3A_1227 = vector.broadcast %mul3A_1226 : f32 to vector<16xf32>
    %mul3A_1228 = arith.mulf %mul3A_1227, %bitcast3A_1140 : vector<16xf32>
    %mul3A_1229 = arith.constant 0.333333343 : f32
    %mul3A_1230 = vector.broadcast %mul3A_1229 : f32 to vector<16xf32>
    %mul3A_1231 = arith.mulf %mul3A_1230, %bitcast3A_1174 : vector<16xf32>
    %add3A_1232 = arith.addf %mul3A_1228, %mul3A_1231 : vector<16xf32>
    %swap3A_1233 = arith.constant 1584 : index
    %swap3A_1234 = tpu.vector_load %arg6[%swap3A_1233] {strides = array<i32>} : memref<3840xf32, #tpu.memory_space<vmem>>, vector<16xf32>,
    tpu.vector_store %arg6[%swap3A_1233], %add3A_1232 {strides = array<i32>} : memref<3840xf32, #tpu.memory_space<vmem>>, vector<16xf32>,
    %mul3A_1235 = arith.constant 0.666666686 : f32
    %mul3A_1236 = vector.broadcast %mul3A_1235 : f32 to vector<16xf32>
    %mul3A_1237 = arith.mulf %mul3A_1236, %bitcast3A_1149 : vector<16xf32>
    %mul3A_1238 = arith.constant 0.333333343 : f32
    %mul3A_1239 = vector.broadcast %mul3A_1238 : f32 to vector<16xf32>
    %mul3A_1240 = arith.mulf %mul3A_1239, %bitcast3A_1183 : vector<16xf32>
    %add3A_1241 = arith.addf %mul3A_1237, %mul3A_1240 : vector<16xf32>
    %swap3A_1242 = arith.constant 2864 : index
    %swap3A_1243 = tpu.vector_load %arg6[%swap3A_1242] {strides = array<i32>} : memref<3840xf32, #tpu.memory_space<vmem>>, vector<16xf32>,
    tpu.vector_store %arg6[%swap3A_1242], %add3A_1241 {strides = array<i32>} : memref<3840xf32, #tpu.memory_space<vmem>>, vector<16xf32>,
    %swap3A_1244 = arith.constant 432 : index
    %swap3A_1245 = tpu.vector_load %arg6[%swap3A_1244] {strides = array<i32>} : memref<3840xf32, #tpu.memory_space<vmem>>, vector<16xf32>,
    tpu.vector_store %arg6[%swap3A_1244], %bitcast3A_1131 {strides = array<i32>} : memref<3840xf32, #tpu.memory_space<vmem>>, vector<16xf32>,
    %swap3A_1246 = arith.constant 1712 : index
    %swap3A_1247 = tpu.vector_load %arg6[%swap3A_1246] {strides = array<i32>} : memref<3840xf32, #tpu.memory_space<vmem>>, vector<16xf32>,
    tpu.vector_store %arg6[%swap3A_1246], %bitcast3A_1140 {strides = array<i32>} : memref<3840xf32, #tpu.memory_space<vmem>>, vector<16xf32>,
    %swap3A_1248 = arith.constant 2992 : index
    %swap3A_1249 = tpu.vector_load %arg6[%swap3A_1248] {strides = array<i32>} : memref<3840xf32, #tpu.memory_space<vmem>>, vector<16xf32>,
    tpu.vector_store %arg6[%swap3A_1248], %bitcast3A_1149 {strides = array<i32>} : memref<3840xf32, #tpu.memory_space<vmem>>, vector<16xf32>,
    %mul3A_1250 = arith.constant 0.333333343 : f32
    %mul3A_1251 = vector.broadcast %mul3A_1250 : f32 to vector<16xf32>
    %mul3A_1252 = arith.mulf %mul3A_1251, %bitcast3A_1097 : vector<16xf32>
    %mul3A_1253 = arith.constant 0.666666686 : f32
    %mul3A_1254 = vector.broadcast %mul3A_1253 : f32 to vector<16xf32>
    %mul3A_1255 = arith.mulf %mul3A_1254, %bitcast3A_1165 : vector<16xf32>
    %add3A_1256 = arith.addf %mul3A_1252, %mul3A_1255 : vector<16xf32>
    %swap3A_1257 = arith.constant 560 : index
    %swap3A_1258 = tpu.vector_load %arg6[%swap3A_1257] {strides = array<i32>} : memref<3840xf32, #tpu.memory_space<vmem>>, vector<16xf32>,
    tpu.vector_store %arg6[%swap3A_1257], %add3A_1256 {strides = array<i32>} : memref<3840xf32, #tpu.memory_space<vmem>>, vector<16xf32>,
    %mul3A_1259 = arith.constant 0.333333343 : f32
    %mul3A_1260 = vector.broadcast %mul3A_1259 : f32 to vector<16xf32>
    %mul3A_1261 = arith.mulf %mul3A_1260, %bitcast3A_1106 : vector<16xf32>
    %mul3A_1262 = arith.constant 0.666666686 : f32
    %mul3A_1263 = vector.broadcast %mul3A_1262 : f32 to vector<16xf32>
    %mul3A_1264 = arith.mulf %mul3A_1263, %bitcast3A_1174 : vector<16xf32>
    %add3A_1265 = arith.addf %mul3A_1261, %mul3A_1264 : vector<16xf32>
    %swap3A_1266 = arith.constant 1840 : index
    %swap3A_1267 = tpu.vector_load %arg6[%swap3A_1266] {strides = array<i32>} : memref<3840xf32, #tpu.memory_space<vmem>>, vector<16xf32>,
    tpu.vector_store %arg6[%swap3A_1266], %add3A_1265 {strides = array<i32>} : memref<3840xf32, #tpu.memory_space<vmem>>, vector<16xf32>,
    %mul3A_1268 = arith.constant 0.333333343 : f32
    %mul3A_1269 = vector.broadcast %mul3A_1268 : f32 to vector<16xf32>
    %mul3A_1270 = arith.mulf %mul3A_1269, %bitcast3A_1115 : vector<16xf32>
    %mul3A_1271 = arith.constant 0.666666686 : f32
    %mul3A_1272 = vector.broadcast %mul3A_1271 : f32 to vector<16xf32>
    %mul3A_1273 = arith.mulf %mul3A_1272, %bitcast3A_1183 : vector<16xf32>
    %add3A_1274 = arith.addf %mul3A_1270, %mul3A_1273 : vector<16xf32>
    %swap3A_1275 = arith.constant 3120 : index
    %swap3A_1276 = tpu.vector_load %arg6[%swap3A_1275] {strides = array<i32>} : memref<3840xf32, #tpu.memory_space<vmem>>, vector<16xf32>,
    tpu.vector_store %arg6[%swap3A_1275], %add3A_1274 {strides = array<i32>} : memref<3840xf32, #tpu.memory_space<vmem>>, vector<16xf32>,
    %mul3A_1277 = arith.constant 0.333333343 : f32
    %mul3A_1278 = vector.broadcast %mul3A_1277 : f32 to vector<16xf32>
    %mul3A_1279 = arith.mulf %mul3A_1278, %bitcast3A_1097 : vector<16xf32>
    %mul3A_1280 = arith.constant 0.333333343 : f32
    %mul3A_1281 = vector.broadcast %mul3A_1280 : f32 to vector<16xf32>
    %mul3A_1282 = arith.mulf %mul3A_1281, %bitcast3A_1131 : vector<16xf32>
    %add3A_1283 = arith.addf %mul3A_1279, %mul3A_1282 : vector<16xf32>
    %mul3A_1284 = arith.constant 0.333333343 : f32
    %mul3A_1285 = vector.broadcast %mul3A_1284 : f32 to vector<16xf32>
    %mul3A_1286 = arith.mulf %mul3A_1285, %bitcast3A_1165 : vector<16xf32>
    %add3A_1287 = arith.addf %add3A_1283, %mul3A_1286 : vector<16xf32>
    %swap3A_1288 = arith.constant 688 : index
    %swap3A_1289 = tpu.vector_load %arg6[%swap3A_1288] {strides = array<i32>} : memref<3840xf32, #tpu.memory_space<vmem>>, vector<16xf32>,
    tpu.vector_store %arg6[%swap3A_1288], %add3A_1287 {strides = array<i32>} : memref<3840xf32, #tpu.memory_space<vmem>>, vector<16xf32>,
    %mul3A_1290 = arith.constant 0.333333343 : f32
    %mul3A_1291 = vector.broadcast %mul3A_1290 : f32 to vector<16xf32>
    %mul3A_1292 = arith.mulf %mul3A_1291, %bitcast3A_1106 : vector<16xf32>
    %mul3A_1293 = arith.constant 0.333333343 : f32
    %mul3A_1294 = vector.broadcast %mul3A_1293 : f32 to vector<16xf32>
    %mul3A_1295 = arith.mulf %mul3A_1294, %bitcast3A_1140 : vector<16xf32>
    %add3A_1296 = arith.addf %mul3A_1292, %mul3A_1295 : vector<16xf32>
    %mul3A_1297 = arith.constant 0.333333343 : f32
    %mul3A_1298 = vector.broadcast %mul3A_1297 : f32 to vector<16xf32>
    %mul3A_1299 = arith.mulf %mul3A_1298, %bitcast3A_1174 : vector<16xf32>
    %add3A_1300 = arith.addf %add3A_1296, %mul3A_1299 : vector<16xf32>
    %swap3A_1301 = arith.constant 1968 : index
    %swap3A_1302 = tpu.vector_load %arg6[%swap3A_1301] {strides = array<i32>} : memref<3840xf32, #tpu.memory_space<vmem>>, vector<16xf32>,
    tpu.vector_store %arg6[%swap3A_1301], %add3A_1300 {strides = array<i32>} : memref<3840xf32, #tpu.memory_space<vmem>>, vector<16xf32>,
    %mul3A_1303 = arith.constant 0.333333343 : f32
    %mul3A_1304 = vector.broadcast %mul3A_1303 : f32 to vector<16xf32>
    %mul3A_1305 = arith.mulf %mul3A_1304, %bitcast3A_1115 : vector<16xf32>
    %mul3A_1306 = arith.constant 0.333333343 : f32
    %mul3A_1307 = vector.broadcast %mul3A_1306 : f32 to vector<16xf32>
    %mul3A_1308 = arith.mulf %mul3A_1307, %bitcast3A_1149 : vector<16xf32>
    %add3A_1309 = arith.addf %mul3A_1305, %mul3A_1308 : vector<16xf32>
    %mul3A_1310 = arith.constant 0.333333343 : f32
    %mul3A_1311 = vector.broadcast %mul3A_1310 : f32 to vector<16xf32>
    %mul3A_1312 = arith.mulf %mul3A_1311, %bitcast3A_1183 : vector<16xf32>
    %add3A_1313 = arith.addf %add3A_1309, %mul3A_1312 : vector<16xf32>
    %swap3A_1314 = arith.constant 3248 : index
    %swap3A_1315 = tpu.vector_load %arg6[%swap3A_1314] {strides = array<i32>} : memref<3840xf32, #tpu.memory_space<vmem>>, vector<16xf32>,
    tpu.vector_store %arg6[%swap3A_1314], %add3A_1313 {strides = array<i32>} : memref<3840xf32, #tpu.memory_space<vmem>>, vector<16xf32>,
    %mul3A_1316 = arith.constant 0.333333343 : f32
    %mul3A_1317 = vector.broadcast %mul3A_1316 : f32 to vector<16xf32>
    %mul3A_1318 = arith.mulf %mul3A_1317, %bitcast3A_1097 : vector<16xf32>
    %mul3A_1319 = arith.constant 0.666666686 : f32
    %mul3A_1320 = vector.broadcast %mul3A_1319 : f32 to vector<16xf32>
    %mul3A_1321 = arith.mulf %mul3A_1320, %bitcast3A_1131 : vector<16xf32>
    %add3A_1322 = arith.addf %mul3A_1318, %mul3A_1321 : vector<16xf32>
    %mul3A_1323 = arith.constant 1.11022302E-16 : f32
    %mul3A_1324 = vector.broadcast %mul3A_1323 : f32 to vector<16xf32>
    %mul3A_1325 = arith.mulf %mul3A_1324, %bitcast3A_1165 : vector<16xf32>
    %add3A_1326 = arith.addf %add3A_1322, %mul3A_1325 : vector<16xf32>
    %swap3A_1327 = arith.constant 816 : index
    %swap3A_1328 = tpu.vector_load %arg6[%swap3A_1327] {strides = array<i32>} : memref<3840xf32, #tpu.memory_space<vmem>>, vector<16xf32>,
    tpu.vector_store %arg6[%swap3A_1327], %add3A_1326 {strides = array<i32>} : memref<3840xf32, #tpu.memory_space<vmem>>, vector<16xf32>,
    %mul3A_1329 = arith.constant 0.333333343 : f32
    %mul3A_1330 = vector.broadcast %mul3A_1329 : f32 to vector<16xf32>
    %mul3A_1331 = arith.mulf %mul3A_1330, %bitcast3A_1106 : vector<16xf32>
    %mul3A_1332 = arith.constant 0.666666686 : f32
    %mul3A_1333 = vector.broadcast %mul3A_1332 : f32 to vector<16xf32>
    %mul3A_1334 = arith.mulf %mul3A_1333, %bitcast3A_1140 : vector<16xf32>
    %add3A_1335 = arith.addf %mul3A_1331, %mul3A_1334 : vector<16xf32>
    %mul3A_1336 = arith.constant 1.11022302E-16 : f32
    %mul3A_1337 = vector.broadcast %mul3A_1336 : f32 to vector<16xf32>
    %mul3A_1338 = arith.mulf %mul3A_1337, %bitcast3A_1174 : vector<16xf32>
    %add3A_1339 = arith.addf %add3A_1335, %mul3A_1338 : vector<16xf32>
    %swap3A_1340 = arith.constant 2096 : index
    %swap3A_1341 = tpu.vector_load %arg6[%swap3A_1340] {strides = array<i32>} : memref<3840xf32, #tpu.memory_space<vmem>>, vector<16xf32>,
    tpu.vector_store %arg6[%swap3A_1340], %add3A_1339 {strides = array<i32>} : memref<3840xf32, #tpu.memory_space<vmem>>, vector<16xf32>,
    %mul3A_1342 = arith.constant 0.333333343 : f32
    %mul3A_1343 = vector.broadcast %mul3A_1342 : f32 to vector<16xf32>
    %mul3A_1344 = arith.mulf %mul3A_1343, %bitcast3A_1115 : vector<16xf32>
    %mul3A_1345 = arith.constant 0.666666686 : f32
    %mul3A_1346 = vector.broadcast %mul3A_1345 : f32 to vector<16xf32>
    %mul3A_1347 = arith.mulf %mul3A_1346, %bitcast3A_1149 : vector<16xf32>
    %add3A_1348 = arith.addf %mul3A_1344, %mul3A_1347 : vector<16xf32>
    %mul3A_1349 = arith.constant 1.11022302E-16 : f32
    %mul3A_1350 = vector.broadcast %mul3A_1349 : f32 to vector<16xf32>
    %mul3A_1351 = arith.mulf %mul3A_1350, %bitcast3A_1183 : vector<16xf32>
    %add3A_1352 = arith.addf %add3A_1348, %mul3A_1351 : vector<16xf32>
    %swap3A_1353 = arith.constant 3376 : index
    %swap3A_1354 = tpu.vector_load %arg6[%swap3A_1353] {strides = array<i32>} : memref<3840xf32, #tpu.memory_space<vmem>>, vector<16xf32>,
    tpu.vector_store %arg6[%swap3A_1353], %add3A_1352 {strides = array<i32>} : memref<3840xf32, #tpu.memory_space<vmem>>, vector<16xf32>,
    %mul3A_1355 = arith.constant 0.666666686 : f32
    %mul3A_1356 = vector.broadcast %mul3A_1355 : f32 to vector<16xf32>
    %mul3A_1357 = arith.mulf %mul3A_1356, %bitcast3A_1097 : vector<16xf32>
    %mul3A_1358 = arith.constant 0.333333343 : f32
    %mul3A_1359 = vector.broadcast %mul3A_1358 : f32 to vector<16xf32>
    %mul3A_1360 = arith.mulf %mul3A_1359, %bitcast3A_1165 : vector<16xf32>
    %add3A_1361 = arith.addf %mul3A_1357, %mul3A_1360 : vector<16xf32>
    %swap3A_1362 = arith.constant 944 : index
    %swap3A_1363 = tpu.vector_load %arg6[%swap3A_1362] {strides = array<i32>} : memref<3840xf32, #tpu.memory_space<vmem>>, vector<16xf32>,
    tpu.vector_store %arg6[%swap3A_1362], %add3A_1361 {strides = array<i32>} : memref<3840xf32, #tpu.memory_space<vmem>>, vector<16xf32>,
    %mul3A_1364 = arith.constant 0.666666686 : f32
    %mul3A_1365 = vector.broadcast %mul3A_1364 : f32 to vector<16xf32>
    %mul3A_1366 = arith.mulf %mul3A_1365, %bitcast3A_1106 : vector<16xf32>
    %mul3A_1367 = arith.constant 0.333333343 : f32
    %mul3A_1368 = vector.broadcast %mul3A_1367 : f32 to vector<16xf32>
    %mul3A_1369 = arith.mulf %mul3A_1368, %bitcast3A_1174 : vector<16xf32>
    %add3A_1370 = arith.addf %mul3A_1366, %mul3A_1369 : vector<16xf32>
    %swap3A_1371 = arith.constant 2224 : index
    %swap3A_1372 = tpu.vector_load %arg6[%swap3A_1371] {strides = array<i32>} : memref<3840xf32, #tpu.memory_space<vmem>>, vector<16xf32>,
    tpu.vector_store %arg6[%swap3A_1371], %add3A_1370 {strides = array<i32>} : memref<3840xf32, #tpu.memory_space<vmem>>, vector<16xf32>,
    %mul3A_1373 = arith.constant 0.666666686 : f32
    %mul3A_1374 = vector.broadcast %mul3A_1373 : f32 to vector<16xf32>
    %mul3A_1375 = arith.mulf %mul3A_1374, %bitcast3A_1115 : vector<16xf32>
    %mul3A_1376 = arith.constant 0.333333343 : f32
    %mul3A_1377 = vector.broadcast %mul3A_1376 : f32 to vector<16xf32>
    %mul3A_1378 = arith.mulf %mul3A_1377, %bitcast3A_1183 : vector<16xf32>
    %add3A_1379 = arith.addf %mul3A_1375, %mul3A_1378 : vector<16xf32>
    %swap3A_1380 = arith.constant 3504 : index
    %swap3A_1381 = tpu.vector_load %arg6[%swap3A_1380] {strides = array<i32>} : memref<3840xf32, #tpu.memory_space<vmem>>, vector<16xf32>,
    tpu.vector_store %arg6[%swap3A_1380], %add3A_1379 {strides = array<i32>} : memref<3840xf32, #tpu.memory_space<vmem>>, vector<16xf32>,
    %mul3A_1382 = arith.constant 0.666666686 : f32
    %mul3A_1383 = vector.broadcast %mul3A_1382 : f32 to vector<16xf32>
    %mul3A_1384 = arith.mulf %mul3A_1383, %bitcast3A_1097 : vector<16xf32>
    %mul3A_1385 = arith.constant 0.333333343 : f32
    %mul3A_1386 = vector.broadcast %mul3A_1385 : f32 to vector<16xf32>
    %mul3A_1387 = arith.mulf %mul3A_1386, %bitcast3A_1131 : vector<16xf32>
    %add3A_1388 = arith.addf %mul3A_1384, %mul3A_1387 : vector<16xf32>
    %mul3A_1389 = arith.constant 5.55111512E-17 : f32
    %mul3A_1390 = vector.broadcast %mul3A_1389 : f32 to vector<16xf32>
    %mul3A_1391 = arith.mulf %mul3A_1390, %bitcast3A_1165 : vector<16xf32>
    %add3A_1392 = arith.addf %add3A_1388, %mul3A_1391 : vector<16xf32>
    %swap3A_1393 = arith.constant 1072 : index
    %swap3A_1394 = tpu.vector_load %arg6[%swap3A_1393] {strides = array<i32>} : memref<3840xf32, #tpu.memory_space<vmem>>, vector<16xf32>,
    tpu.vector_store %arg6[%swap3A_1393], %add3A_1392 {strides = array<i32>} : memref<3840xf32, #tpu.memory_space<vmem>>, vector<16xf32>,
    %mul3A_1395 = arith.constant 0.666666686 : f32
    %mul3A_1396 = vector.broadcast %mul3A_1395 : f32 to vector<16xf32>
    %mul3A_1397 = arith.mulf %mul3A_1396, %bitcast3A_1106 : vector<16xf32>
    %mul3A_1398 = arith.constant 0.333333343 : f32
    %mul3A_1399 = vector.broadcast %mul3A_1398 : f32 to vector<16xf32>
    %mul3A_1400 = arith.mulf %mul3A_1399, %bitcast3A_1140 : vector<16xf32>
    %add3A_1401 = arith.addf %mul3A_1397, %mul3A_1400 : vector<16xf32>
    %mul3A_1402 = arith.constant 5.55111512E-17 : f32
    %mul3A_1403 = vector.broadcast %mul3A_1402 : f32 to vector<16xf32>
    %mul3A_1404 = arith.mulf %mul3A_1403, %bitcast3A_1174 : vector<16xf32>
    %add3A_1405 = arith.addf %add3A_1401, %mul3A_1404 : vector<16xf32>
    %swap3A_1406 = arith.constant 2352 : index
    %swap3A_1407 = tpu.vector_load %arg6[%swap3A_1406] {strides = array<i32>} : memref<3840xf32, #tpu.memory_space<vmem>>, vector<16xf32>,
    tpu.vector_store %arg6[%swap3A_1406], %add3A_1405 {strides = array<i32>} : memref<3840xf32, #tpu.memory_space<vmem>>, vector<16xf32>,
    %mul3A_1408 = arith.constant 0.666666686 : f32
    %mul3A_1409 = vector.broadcast %mul3A_1408 : f32 to vector<16xf32>
    %mul3A_1410 = arith.mulf %mul3A_1409, %bitcast3A_1115 : vector<16xf32>
    %mul3A_1411 = arith.constant 0.333333343 : f32
    %mul3A_1412 = vector.broadcast %mul3A_1411 : f32 to vector<16xf32>
    %mul3A_1413 = arith.mulf %mul3A_1412, %bitcast3A_1149 : vector<16xf32>
    %add3A_1414 = arith.addf %mul3A_1410, %mul3A_1413 : vector<16xf32>
    %mul3A_1415 = arith.constant 5.55111512E-17 : f32
    %mul3A_1416 = vector.broadcast %mul3A_1415 : f32 to vector<16xf32>
    %mul3A_1417 = arith.mulf %mul3A_1416, %bitcast3A_1183 : vector<16xf32>
    %add3A_1418 = arith.addf %add3A_1414, %mul3A_1417 : vector<16xf32>
    %swap3A_1419 = arith.constant 3632 : index
    %swap3A_1420 = tpu.vector_load %arg6[%swap3A_1419] {strides = array<i32>} : memref<3840xf32, #tpu.memory_space<vmem>>, vector<16xf32>,
    tpu.vector_store %arg6[%swap3A_1419], %add3A_1418 {strides = array<i32>} : memref<3840xf32, #tpu.memory_space<vmem>>, vector<16xf32>,
    %swap3A_1421 = arith.constant 1200 : index
    %swap3A_1422 = tpu.vector_load %arg6[%swap3A_1421] {strides = array<i32>} : memref<3840xf32, #tpu.memory_space<vmem>>, vector<16xf32>,
    tpu.vector_store %arg6[%swap3A_1421], %bitcast3A_1097 {strides = array<i32>} : memref<3840xf32, #tpu.memory_space<vmem>>, vector<16xf32>,
    %swap3A_1423 = arith.constant 2480 : index
    %swap3A_1424 = tpu.vector_load %arg6[%swap3A_1423] {strides = array<i32>} : memref<3840xf32, #tpu.memory_space<vmem>>, vector<16xf32>,
    tpu.vector_store %arg6[%swap3A_1423], %bitcast3A_1106 {strides = array<i32>} : memref<3840xf32, #tpu.memory_space<vmem>>, vector<16xf32>,
    %swap3A_1425 = arith.constant 3760 : index
    %swap3A_1426 = tpu.vector_load %arg6[%swap3A_1425] {strides = array<i32>} : memref<3840xf32, #tpu.memory_space<vmem>>, vector<16xf32>,
    tpu.vector_store %arg6[%swap3A_1425], %bitcast3A_1115 {strides = array<i32>} : memref<3840xf32, #tpu.memory_space<vmem>>, vector<16xf32>,
    %mul3A_1427 = arith.constant 3 : i32
    %mul3A_1428 = vector.broadcast %mul3A_1427 : i32 to vector<16xi32>
    %mul3A_1429 = arith.muli %iota3A, %mul3A_1428 : vector<16xi32>
    %add3A_1430 = arith.constant 192 : i32
    %add3A_1431 = vector.broadcast %add3A_1430 : i32 to vector<16xi32>
    %add3A_1432 = arith.addi %mul3A_1429, %add3A_1431 : vector<16xi32>
    %gather3A_1433 = tpu.vector_load_idx %arg5[%add3A_1432] : memref<384xi32, #tpu.memory_space<vmem>>[vector<16xi32>], vector<16xi32>,
    %mul3A_1434 = arith.constant 3 : i32
    %mul3A_1435 = vector.broadcast %mul3A_1434 : i32 to vector<16xi32>
    %mul3A_1436 = arith.muli %gather3A_1433, %mul3A_1435 : vector<16xi32>
    %add3A_1437 = arith.constant 0 : i32
    %add3A_1438 = arith.addi %mul3A_49, %add3A_1437 : i32
    %add3A_1439 = vector.broadcast %add3A_1438 : i32 to vector<16xi32>
    %add3A_1440 = arith.addi %mul3A_1436, %add3A_1439 : vector<16xi32>
    %gather3A_1441 = tpu.vector_load_idx %arg4[%add3A_1440] : memref<3856xi32, #tpu.memory_space<vmem>>[vector<16xi32>], vector<16xi32>,
    %bitcast3A_1442 = vector.bitcast %gather3A_1441 : vector<16xi32> to vector<16xf32>
    %mul3A_1443 = arith.constant 3 : i32
    %mul3A_1444 = vector.broadcast %mul3A_1443 : i32 to vector<16xi32>
    %mul3A_1445 = arith.muli %gather3A_1433, %mul3A_1444 : vector<16xi32>
    %add3A_1446 = arith.constant 1 : i32
    %add3A_1447 = arith.addi %mul3A_49, %add3A_1446 : i32
    %add3A_1448 = vector.broadcast %add3A_1447 : i32 to vector<16xi32>
    %add3A_1449 = arith.addi %mul3A_1445, %add3A_1448 : vector<16xi32>
    %gather3A_1450 = tpu.vector_load_idx %arg4[%add3A_1449] : memref<3856xi32, #tpu.memory_space<vmem>>[vector<16xi32>], vector<16xi32>,
    %bitcast3A_1451 = vector.bitcast %gather3A_1450 : vector<16xi32> to vector<16xf32>
    %mul3A_1452 = arith.constant 3 : i32
    %mul3A_1453 = vector.broadcast %mul3A_1452 : i32 to vector<16xi32>
    %mul3A_1454 = arith.muli %gather3A_1433, %mul3A_1453 : vector<16xi32>
    %add3A_1455 = arith.constant 2 : i32
    %add3A_1456 = arith.addi %mul3A_49, %add3A_1455 : i32
    %add3A_1457 = vector.broadcast %add3A_1456 : i32 to vector<16xi32>
    %add3A_1458 = arith.addi %mul3A_1454, %add3A_1457 : vector<16xi32>
    %gather3A_1459 = tpu.vector_load_idx %arg4[%add3A_1458] : memref<3856xi32, #tpu.memory_space<vmem>>[vector<16xi32>], vector<16xi32>,
    %bitcast3A_1460 = vector.bitcast %gather3A_1459 : vector<16xi32> to vector<16xf32>
    %mul3A_1461 = arith.constant 3 : i32
    %mul3A_1462 = vector.broadcast %mul3A_1461 : i32 to vector<16xi32>
    %mul3A_1463 = arith.muli %iota3A, %mul3A_1462 : vector<16xi32>
    %add3A_1464 = arith.constant 193 : i32
    %add3A_1465 = vector.broadcast %add3A_1464 : i32 to vector<16xi32>
    %add3A_1466 = arith.addi %mul3A_1463, %add3A_1465 : vector<16xi32>
    %gather3A_1467 = tpu.vector_load_idx %arg5[%add3A_1466] : memref<384xi32, #tpu.memory_space<vmem>>[vector<16xi32>], vector<16xi32>,
    %mul3A_1468 = arith.constant 3 : i32
    %mul3A_1469 = vector.broadcast %mul3A_1468 : i32 to vector<16xi32>
    %mul3A_1470 = arith.muli %gather3A_1467, %mul3A_1469 : vector<16xi32>
    %add3A_1471 = arith.constant 0 : i32
    %add3A_1472 = arith.addi %mul3A_49, %add3A_1471 : i32
    %add3A_1473 = vector.broadcast %add3A_1472 : i32 to vector<16xi32>
    %add3A_1474 = arith.addi %mul3A_1470, %add3A_1473 : vector<16xi32>
    %gather3A_1475 = tpu.vector_load_idx %arg4[%add3A_1474] : memref<3856xi32, #tpu.memory_space<vmem>>[vector<16xi32>], vector<16xi32>,
    %bitcast3A_1476 = vector.bitcast %gather3A_1475 : vector<16xi32> to vector<16xf32>
    %mul3A_1477 = arith.constant 3 : i32
    %mul3A_1478 = vector.broadcast %mul3A_1477 : i32 to vector<16xi32>
    %mul3A_1479 = arith.muli %gather3A_1467, %mul3A_1478 : vector<16xi32>
    %add3A_1480 = arith.constant 1 : i32
    %add3A_1481 = arith.addi %mul3A_49, %add3A_1480 : i32
    %add3A_1482 = vector.broadcast %add3A_1481 : i32 to vector<16xi32>
    %add3A_1483 = arith.addi %mul3A_1479, %add3A_1482 : vector<16xi32>
    %gather3A_1484 = tpu.vector_load_idx %arg4[%add3A_1483] : memref<3856xi32, #tpu.memory_space<vmem>>[vector<16xi32>], vector<16xi32>,
    %bitcast3A_1485 = vector.bitcast %gather3A_1484 : vector<16xi32> to vector<16xf32>
    %mul3A_1486 = arith.constant 3 : i32
    %mul3A_1487 = vector.broadcast %mul3A_1486 : i32 to vector<16xi32>
    %mul3A_1488 = arith.muli %gather3A_1467, %mul3A_1487 : vector<16xi32>
    %add3A_1489 = arith.constant 2 : i32
    %add3A_1490 = arith.addi %mul3A_49, %add3A_1489 : i32
    %add3A_1491 = vector.broadcast %add3A_1490 : i32 to vector<16xi32>
    %add3A_1492 = arith.addi %mul3A_1488, %add3A_1491 : vector<16xi32>
    %gather3A_1493 = tpu.vector_load_idx %arg4[%add3A_1492] : memref<3856xi32, #tpu.memory_space<vmem>>[vector<16xi32>], vector<16xi32>,
    %bitcast3A_1494 = vector.bitcast %gather3A_1493 : vector<16xi32> to vector<16xf32>
    %mul3A_1495 = arith.constant 3 : i32
    %mul3A_1496 = vector.broadcast %mul3A_1495 : i32 to vector<16xi32>
    %mul3A_1497 = arith.muli %iota3A, %mul3A_1496 : vector<16xi32>
    %add3A_1498 = arith.constant 194 : i32
    %add3A_1499 = vector.broadcast %add3A_1498 : i32 to vector<16xi32>
    %add3A_1500 = arith.addi %mul3A_1497, %add3A_1499 : vector<16xi32>
    %gather3A_1501 = tpu.vector_load_idx %arg5[%add3A_1500] : memref<384xi32, #tpu.memory_space<vmem>>[vector<16xi32>], vector<16xi32>,
    %mul3A_1502 = arith.constant 3 : i32
    %mul3A_1503 = vector.broadcast %mul3A_1502 : i32 to vector<16xi32>
    %mul3A_1504 = arith.muli %gather3A_1501, %mul3A_1503 : vector<16xi32>
    %add3A_1505 = arith.constant 0 : i32
    %add3A_1506 = arith.addi %mul3A_49, %add3A_1505 : i32
    %add3A_1507 = vector.broadcast %add3A_1506 : i32 to vector<16xi32>
    %add3A_1508 = arith.addi %mul3A_1504, %add3A_1507 : vector<16xi32>
    %gather3A_1509 = tpu.vector_load_idx %arg4[%add3A_1508] : memref<3856xi32, #tpu.memory_space<vmem>>[vector<16xi32>], vector<16xi32>,
    %bitcast3A_1510 = vector.bitcast %gather3A_1509 : vector<16xi32> to vector<16xf32>
    %mul3A_1511 = arith.constant 3 : i32
    %mul3A_1512 = vector.broadcast %mul3A_1511 : i32 to vector<16xi32>
    %mul3A_1513 = arith.muli %gather3A_1501, %mul3A_1512 : vector<16xi32>
    %add3A_1514 = arith.constant 1 : i32
    %add3A_1515 = arith.addi %mul3A_49, %add3A_1514 : i32
    %add3A_1516 = vector.broadcast %add3A_1515 : i32 to vector<16xi32>
    %add3A_1517 = arith.addi %mul3A_1513, %add3A_1516 : vector<16xi32>
    %gather3A_1518 = tpu.vector_load_idx %arg4[%add3A_1517] : memref<3856xi32, #tpu.memory_space<vmem>>[vector<16xi32>], vector<16xi32>,
    %bitcast3A_1519 = vector.bitcast %gather3A_1518 : vector<16xi32> to vector<16xf32>
    %mul3A_1520 = arith.constant 3 : i32
    %mul3A_1521 = vector.broadcast %mul3A_1520 : i32 to vector<16xi32>
    %mul3A_1522 = arith.muli %gather3A_1501, %mul3A_1521 : vector<16xi32>
    %add3A_1523 = arith.constant 2 : i32
    %add3A_1524 = arith.addi %mul3A_49, %add3A_1523 : i32
    %add3A_1525 = vector.broadcast %add3A_1524 : i32 to vector<16xi32>
    %add3A_1526 = arith.addi %mul3A_1522, %add3A_1525 : vector<16xi32>
    %gather3A_1527 = tpu.vector_load_idx %arg4[%add3A_1526] : memref<3856xi32, #tpu.memory_space<vmem>>[vector<16xi32>], vector<16xi32>,
    %bitcast3A_1528 = vector.bitcast %gather3A_1527 : vector<16xi32> to vector<16xf32>
    %swap3A_1529 = arith.constant 64 : index
    %swap3A_1530 = tpu.vector_load %arg6[%swap3A_1529] {strides = array<i32>} : memref<3840xf32, #tpu.memory_space<vmem>>, vector<16xf32>,
    tpu.vector_store %arg6[%swap3A_1529], %bitcast3A_1510 {strides = array<i32>} : memref<3840xf32, #tpu.memory_space<vmem>>, vector<16xf32>,
    %swap3A_1531 = arith.constant 1344 : index
    %swap3A_1532 = tpu.vector_load %arg6[%swap3A_1531] {strides = array<i32>} : memref<3840xf32, #tpu.memory_space<vmem>>, vector<16xf32>,
    tpu.vector_store %arg6[%swap3A_1531], %bitcast3A_1519 {strides = array<i32>} : memref<3840xf32, #tpu.memory_space<vmem>>, vector<16xf32>,
    %swap3A_1533 = arith.constant 2624 : index
    %swap3A_1534 = tpu.vector_load %arg6[%swap3A_1533] {strides = array<i32>} : memref<3840xf32, #tpu.memory_space<vmem>>, vector<16xf32>,
    tpu.vector_store %arg6[%swap3A_1533], %bitcast3A_1528 {strides = array<i32>} : memref<3840xf32, #tpu.memory_space<vmem>>, vector<16xf32>,
    %mul3A_1535 = arith.constant 0.333333343 : f32
    %mul3A_1536 = vector.broadcast %mul3A_1535 : f32 to vector<16xf32>
    %mul3A_1537 = arith.mulf %mul3A_1536, %bitcast3A_1476 : vector<16xf32>
    %mul3A_1538 = arith.constant 0.666666686 : f32
    %mul3A_1539 = vector.broadcast %mul3A_1538 : f32 to vector<16xf32>
    %mul3A_1540 = arith.mulf %mul3A_1539, %bitcast3A_1510 : vector<16xf32>
    %add3A_1541 = arith.addf %mul3A_1537, %mul3A_1540 : vector<16xf32>
    %swap3A_1542 = arith.constant 192 : index
    %swap3A_1543 = tpu.vector_load %arg6[%swap3A_1542] {strides = array<i32>} : memref<3840xf32, #tpu.memory_space<vmem>>, vector<16xf32>,
    tpu.vector_store %arg6[%swap3A_1542], %add3A_1541 {strides = array<i32>} : memref<3840xf32, #tpu.memory_space<vmem>>, vector<16xf32>,
    %mul3A_1544 = arith.constant 0.333333343 : f32
    %mul3A_1545 = vector.broadcast %mul3A_1544 : f32 to vector<16xf32>
    %mul3A_1546 = arith.mulf %mul3A_1545, %bitcast3A_1485 : vector<16xf32>
    %mul3A_1547 = arith.constant 0.666666686 : f32
    %mul3A_1548 = vector.broadcast %mul3A_1547 : f32 to vector<16xf32>
    %mul3A_1549 = arith.mulf %mul3A_1548, %bitcast3A_1519 : vector<16xf32>
    %add3A_1550 = arith.addf %mul3A_1546, %mul3A_1549 : vector<16xf32>
    %swap3A_1551 = arith.constant 1472 : index
    %swap3A_1552 = tpu.vector_load %arg6[%swap3A_1551] {strides = array<i32>} : memref<3840xf32, #tpu.memory_space<vmem>>, vector<16xf32>,
    tpu.vector_store %arg6[%swap3A_1551], %add3A_1550 {strides = array<i32>} : memref<3840xf32, #tpu.memory_space<vmem>>, vector<16xf32>,
    %mul3A_1553 = arith.constant 0.333333343 : f32
    %mul3A_1554 = vector.broadcast %mul3A_1553 : f32 to vector<16xf32>
    %mul3A_1555 = arith.mulf %mul3A_1554, %bitcast3A_1494 : vector<16xf32>
    %mul3A_1556 = arith.constant 0.666666686 : f32
    %mul3A_1557 = vector.broadcast %mul3A_1556 : f32 to vector<16xf32>
    %mul3A_1558 = arith.mulf %mul3A_1557, %bitcast3A_1528 : vector<16xf32>
    %add3A_1559 = arith.addf %mul3A_1555, %mul3A_1558 : vector<16xf32>
    %swap3A_1560 = arith.constant 2752 : index
    %swap3A_1561 = tpu.vector_load %arg6[%swap3A_1560] {strides = array<i32>} : memref<3840xf32, #tpu.memory_space<vmem>>, vector<16xf32>,
    tpu.vector_store %arg6[%swap3A_1560], %add3A_1559 {strides = array<i32>} : memref<3840xf32, #tpu.memory_space<vmem>>, vector<16xf32>,
    %mul3A_1562 = arith.constant 0.666666686 : f32
    %mul3A_1563 = vector.broadcast %mul3A_1562 : f32 to vector<16xf32>
    %mul3A_1564 = arith.mulf %mul3A_1563, %bitcast3A_1476 : vector<16xf32>
    %mul3A_1565 = arith.constant 0.333333343 : f32
    %mul3A_1566 = vector.broadcast %mul3A_1565 : f32 to vector<16xf32>
    %mul3A_1567 = arith.mulf %mul3A_1566, %bitcast3A_1510 : vector<16xf32>
    %add3A_1568 = arith.addf %mul3A_1564, %mul3A_1567 : vector<16xf32>
    %swap3A_1569 = arith.constant 320 : index
    %swap3A_1570 = tpu.vector_load %arg6[%swap3A_1569] {strides = array<i32>} : memref<3840xf32, #tpu.memory_space<vmem>>, vector<16xf32>,
    tpu.vector_store %arg6[%swap3A_1569], %add3A_1568 {strides = array<i32>} : memref<3840xf32, #tpu.memory_space<vmem>>, vector<16xf32>,
    %mul3A_1571 = arith.constant 0.666666686 : f32
    %mul3A_1572 = vector.broadcast %mul3A_1571 : f32 to vector<16xf32>
    %mul3A_1573 = arith.mulf %mul3A_1572, %bitcast3A_1485 : vector<16xf32>
    %mul3A_1574 = arith.constant 0.333333343 : f32
    %mul3A_1575 = vector.broadcast %mul3A_1574 : f32 to vector<16xf32>
    %mul3A_1576 = arith.mulf %mul3A_1575, %bitcast3A_1519 : vector<16xf32>
    %add3A_1577 = arith.addf %mul3A_1573, %mul3A_1576 : vector<16xf32>
    %swap3A_1578 = arith.constant 1600 : index
    %swap3A_1579 = tpu.vector_load %arg6[%swap3A_1578] {strides = array<i32>} : memref<3840xf32, #tpu.memory_space<vmem>>, vector<16xf32>,
    tpu.vector_store %arg6[%swap3A_1578], %add3A_1577 {strides = array<i32>} : memref<3840xf32, #tpu.memory_space<vmem>>, vector<16xf32>,
    %mul3A_1580 = arith.constant 0.666666686 : f32
    %mul3A_1581 = vector.broadcast %mul3A_1580 : f32 to vector<16xf32>
    %mul3A_1582 = arith.mulf %mul3A_1581, %bitcast3A_1494 : vector<16xf32>
    %mul3A_1583 = arith.constant 0.333333343 : f32
    %mul3A_1584 = vector.broadcast %mul3A_1583 : f32 to vector<16xf32>
    %mul3A_1585 = arith.mulf %mul3A_1584, %bitcast3A_1528 : vector<16xf32>
    %add3A_1586 = arith.addf %mul3A_1582, %mul3A_1585 : vector<16xf32>
    %swap3A_1587 = arith.constant 2880 : index
    %swap3A_1588 = tpu.vector_load %arg6[%swap3A_1587] {strides = array<i32>} : memref<3840xf32, #tpu.memory_space<vmem>>, vector<16xf32>,
    tpu.vector_store %arg6[%swap3A_1587], %add3A_1586 {strides = array<i32>} : memref<3840xf32, #tpu.memory_space<vmem>>, vector<16xf32>,
    %swap3A_1589 = arith.constant 448 : index
    %swap3A_1590 = tpu.vector_load %arg6[%swap3A_1589] {strides = array<i32>} : memref<3840xf32, #tpu.memory_space<vmem>>, vector<16xf32>,
    tpu.vector_store %arg6[%swap3A_1589], %bitcast3A_1476 {strides = array<i32>} : memref<3840xf32, #tpu.memory_space<vmem>>, vector<16xf32>,
    %swap3A_1591 = arith.constant 1728 : index
    %swap3A_1592 = tpu.vector_load %arg6[%swap3A_1591] {strides = array<i32>} : memref<3840xf32, #tpu.memory_space<vmem>>, vector<16xf32>,
    tpu.vector_store %arg6[%swap3A_1591], %bitcast3A_1485 {strides = array<i32>} : memref<3840xf32, #tpu.memory_space<vmem>>, vector<16xf32>,
    %swap3A_1593 = arith.constant 3008 : index
    %swap3A_1594 = tpu.vector_load %arg6[%swap3A_1593] {strides = array<i32>} : memref<3840xf32, #tpu.memory_space<vmem>>, vector<16xf32>,
    tpu.vector_store %arg6[%swap3A_1593], %bitcast3A_1494 {strides = array<i32>} : memref<3840xf32, #tpu.memory_space<vmem>>, vector<16xf32>,
    %mul3A_1595 = arith.constant 0.333333343 : f32
    %mul3A_1596 = vector.broadcast %mul3A_1595 : f32 to vector<16xf32>
    %mul3A_1597 = arith.mulf %mul3A_1596, %bitcast3A_1442 : vector<16xf32>
    %mul3A_1598 = arith.constant 0.666666686 : f32
    %mul3A_1599 = vector.broadcast %mul3A_1598 : f32 to vector<16xf32>
    %mul3A_1600 = arith.mulf %mul3A_1599, %bitcast3A_1510 : vector<16xf32>
    %add3A_1601 = arith.addf %mul3A_1597, %mul3A_1600 : vector<16xf32>
    %swap3A_1602 = arith.constant 576 : index
    %swap3A_1603 = tpu.vector_load %arg6[%swap3A_1602] {strides = array<i32>} : memref<3840xf32, #tpu.memory_space<vmem>>, vector<16xf32>,
    tpu.vector_store %arg6[%swap3A_1602], %add3A_1601 {strides = array<i32>} : memref<3840xf32, #tpu.memory_space<vmem>>, vector<16xf32>,
    %mul3A_1604 = arith.constant 0.333333343 : f32
    %mul3A_1605 = vector.broadcast %mul3A_1604 : f32 to vector<16xf32>
    %mul3A_1606 = arith.mulf %mul3A_1605, %bitcast3A_1451 : vector<16xf32>
    %mul3A_1607 = arith.constant 0.666666686 : f32
    %mul3A_1608 = vector.broadcast %mul3A_1607 : f32 to vector<16xf32>
    %mul3A_1609 = arith.mulf %mul3A_1608, %bitcast3A_1519 : vector<16xf32>
    %add3A_1610 = arith.addf %mul3A_1606, %mul3A_1609 : vector<16xf32>
    %swap3A_1611 = arith.constant 1856 : index
    %swap3A_1612 = tpu.vector_load %arg6[%swap3A_1611] {strides = array<i32>} : memref<3840xf32, #tpu.memory_space<vmem>>, vector<16xf32>,
    tpu.vector_store %arg6[%swap3A_1611], %add3A_1610 {strides = array<i32>} : memref<3840xf32, #tpu.memory_space<vmem>>, vector<16xf32>,
    %mul3A_1613 = arith.constant 0.333333343 : f32
    %mul3A_1614 = vector.broadcast %mul3A_1613 : f32 to vector<16xf32>
    %mul3A_1615 = arith.mulf %mul3A_1614, %bitcast3A_1460 : vector<16xf32>
    %mul3A_1616 = arith.constant 0.666666686 : f32
    %mul3A_1617 = vector.broadcast %mul3A_1616 : f32 to vector<16xf32>
    %mul3A_1618 = arith.mulf %mul3A_1617, %bitcast3A_1528 : vector<16xf32>
    %add3A_1619 = arith.addf %mul3A_1615, %mul3A_1618 : vector<16xf32>
    %swap3A_1620 = arith.constant 3136 : index
    %swap3A_1621 = tpu.vector_load %arg6[%swap3A_1620] {strides = array<i32>} : memref<3840xf32, #tpu.memory_space<vmem>>, vector<16xf32>,
    tpu.vector_store %arg6[%swap3A_1620], %add3A_1619 {strides = array<i32>} : memref<3840xf32, #tpu.memory_space<vmem>>, vector<16xf32>,
    %mul3A_1622 = arith.constant 0.333333343 : f32
    %mul3A_1623 = vector.broadcast %mul3A_1622 : f32 to vector<16xf32>
    %mul3A_1624 = arith.mulf %mul3A_1623, %bitcast3A_1442 : vector<16xf32>
    %mul3A_1625 = arith.constant 0.333333343 : f32
    %mul3A_1626 = vector.broadcast %mul3A_1625 : f32 to vector<16xf32>
    %mul3A_1627 = arith.mulf %mul3A_1626, %bitcast3A_1476 : vector<16xf32>
    %add3A_1628 = arith.addf %mul3A_1624, %mul3A_1627 : vector<16xf32>
    %mul3A_1629 = arith.constant 0.333333343 : f32
    %mul3A_1630 = vector.broadcast %mul3A_1629 : f32 to vector<16xf32>
    %mul3A_1631 = arith.mulf %mul3A_1630, %bitcast3A_1510 : vector<16xf32>
    %add3A_1632 = arith.addf %add3A_1628, %mul3A_1631 : vector<16xf32>
    %swap3A_1633 = arith.constant 704 : index
    %swap3A_1634 = tpu.vector_load %arg6[%swap3A_1633] {strides = array<i32>} : memref<3840xf32, #tpu.memory_space<vmem>>, vector<16xf32>,
    tpu.vector_store %arg6[%swap3A_1633], %add3A_1632 {strides = array<i32>} : memref<3840xf32, #tpu.memory_space<vmem>>, vector<16xf32>,
    %mul3A_1635 = arith.constant 0.333333343 : f32
    %mul3A_1636 = vector.broadcast %mul3A_1635 : f32 to vector<16xf32>
    %mul3A_1637 = arith.mulf %mul3A_1636, %bitcast3A_1451 : vector<16xf32>
    %mul3A_1638 = arith.constant 0.333333343 : f32
    %mul3A_1639 = vector.broadcast %mul3A_1638 : f32 to vector<16xf32>
    %mul3A_1640 = arith.mulf %mul3A_1639, %bitcast3A_1485 : vector<16xf32>
    %add3A_1641 = arith.addf %mul3A_1637, %mul3A_1640 : vector<16xf32>
    %mul3A_1642 = arith.constant 0.333333343 : f32
    %mul3A_1643 = vector.broadcast %mul3A_1642 : f32 to vector<16xf32>
    %mul3A_1644 = arith.mulf %mul3A_1643, %bitcast3A_1519 : vector<16xf32>
    %add3A_1645 = arith.addf %add3A_1641, %mul3A_1644 : vector<16xf32>
    %swap3A_1646 = arith.constant 1984 : index
    %swap3A_1647 = tpu.vector_load %arg6[%swap3A_1646] {strides = array<i32>} : memref<3840xf32, #tpu.memory_space<vmem>>, vector<16xf32>,
    tpu.vector_store %arg6[%swap3A_1646], %add3A_1645 {strides = array<i32>} : memref<3840xf32, #tpu.memory_space<vmem>>, vector<16xf32>,
    %mul3A_1648 = arith.constant 0.333333343 : f32
    %mul3A_1649 = vector.broadcast %mul3A_1648 : f32 to vector<16xf32>
    %mul3A_1650 = arith.mulf %mul3A_1649, %bitcast3A_1460 : vector<16xf32>
    %mul3A_1651 = arith.constant 0.333333343 : f32
    %mul3A_1652 = vector.broadcast %mul3A_1651 : f32 to vector<16xf32>
    %mul3A_1653 = arith.mulf %mul3A_1652, %bitcast3A_1494 : vector<16xf32>
    %add3A_1654 = arith.addf %mul3A_1650, %mul3A_1653 : vector<16xf32>
    %mul3A_1655 = arith.constant 0.333333343 : f32
    %mul3A_1656 = vector.broadcast %mul3A_1655 : f32 to vector<16xf32>
    %mul3A_1657 = arith.mulf %mul3A_1656, %bitcast3A_1528 : vector<16xf32>
    %add3A_1658 = arith.addf %add3A_1654, %mul3A_1657 : vector<16xf32>
    %swap3A_1659 = arith.constant 3264 : index
    %swap3A_1660 = tpu.vector_load %arg6[%swap3A_1659] {strides = array<i32>} : memref<3840xf32, #tpu.memory_space<vmem>>, vector<16xf32>,
    tpu.vector_store %arg6[%swap3A_1659], %add3A_1658 {strides = array<i32>} : memref<3840xf32, #tpu.memory_space<vmem>>, vector<16xf32>,
    %mul3A_1661 = arith.constant 0.333333343 : f32
    %mul3A_1662 = vector.broadcast %mul3A_1661 : f32 to vector<16xf32>
    %mul3A_1663 = arith.mulf %mul3A_1662, %bitcast3A_1442 : vector<16xf32>
    %mul3A_1664 = arith.constant 0.666666686 : f32
    %mul3A_1665 = vector.broadcast %mul3A_1664 : f32 to vector<16xf32>
    %mul3A_1666 = arith.mulf %mul3A_1665, %bitcast3A_1476 : vector<16xf32>
    %add3A_1667 = arith.addf %mul3A_1663, %mul3A_1666 : vector<16xf32>
    %mul3A_1668 = arith.constant 1.11022302E-16 : f32
    %mul3A_1669 = vector.broadcast %mul3A_1668 : f32 to vector<16xf32>
    %mul3A_1670 = arith.mulf %mul3A_1669, %bitcast3A_1510 : vector<16xf32>
    %add3A_1671 = arith.addf %add3A_1667, %mul3A_1670 : vector<16xf32>
    %swap3A_1672 = arith.constant 832 : index
    %swap3A_1673 = tpu.vector_load %arg6[%swap3A_1672] {strides = array<i32>} : memref<3840xf32, #tpu.memory_space<vmem>>, vector<16xf32>,
    tpu.vector_store %arg6[%swap3A_1672], %add3A_1671 {strides = array<i32>} : memref<3840xf32, #tpu.memory_space<vmem>>, vector<16xf32>,
    %mul3A_1674 = arith.constant 0.333333343 : f32
    %mul3A_1675 = vector.broadcast %mul3A_1674 : f32 to vector<16xf32>
    %mul3A_1676 = arith.mulf %mul3A_1675, %bitcast3A_1451 : vector<16xf32>
    %mul3A_1677 = arith.constant 0.666666686 : f32
    %mul3A_1678 = vector.broadcast %mul3A_1677 : f32 to vector<16xf32>
    %mul3A_1679 = arith.mulf %mul3A_1678, %bitcast3A_1485 : vector<16xf32>
    %add3A_1680 = arith.addf %mul3A_1676, %mul3A_1679 : vector<16xf32>
    %mul3A_1681 = arith.constant 1.11022302E-16 : f32
    %mul3A_1682 = vector.broadcast %mul3A_1681 : f32 to vector<16xf32>
    %mul3A_1683 = arith.mulf %mul3A_1682, %bitcast3A_1519 : vector<16xf32>
    %add3A_1684 = arith.addf %add3A_1680, %mul3A_1683 : vector<16xf32>
    %swap3A_1685 = arith.constant 2112 : index
    %swap3A_1686 = tpu.vector_load %arg6[%swap3A_1685] {strides = array<i32>} : memref<3840xf32, #tpu.memory_space<vmem>>, vector<16xf32>,
    tpu.vector_store %arg6[%swap3A_1685], %add3A_1684 {strides = array<i32>} : memref<3840xf32, #tpu.memory_space<vmem>>, vector<16xf32>,
    %mul3A_1687 = arith.constant 0.333333343 : f32
    %mul3A_1688 = vector.broadcast %mul3A_1687 : f32 to vector<16xf32>
    %mul3A_1689 = arith.mulf %mul3A_1688, %bitcast3A_1460 : vector<16xf32>
    %mul3A_1690 = arith.constant 0.666666686 : f32
    %mul3A_1691 = vector.broadcast %mul3A_1690 : f32 to vector<16xf32>
    %mul3A_1692 = arith.mulf %mul3A_1691, %bitcast3A_1494 : vector<16xf32>
    %add3A_1693 = arith.addf %mul3A_1689, %mul3A_1692 : vector<16xf32>
    %mul3A_1694 = arith.constant 1.11022302E-16 : f32
    %mul3A_1695 = vector.broadcast %mul3A_1694 : f32 to vector<16xf32>
    %mul3A_1696 = arith.mulf %mul3A_1695, %bitcast3A_1528 : vector<16xf32>
    %add3A_1697 = arith.addf %add3A_1693, %mul3A_1696 : vector<16xf32>
    %swap3A_1698 = arith.constant 3392 : index
    %swap3A_1699 = tpu.vector_load %arg6[%swap3A_1698] {strides = array<i32>} : memref<3840xf32, #tpu.memory_space<vmem>>, vector<16xf32>,
    tpu.vector_store %arg6[%swap3A_1698], %add3A_1697 {strides = array<i32>} : memref<3840xf32, #tpu.memory_space<vmem>>, vector<16xf32>,
    %mul3A_1700 = arith.constant 0.666666686 : f32
    %mul3A_1701 = vector.broadcast %mul3A_1700 : f32 to vector<16xf32>
    %mul3A_1702 = arith.mulf %mul3A_1701, %bitcast3A_1442 : vector<16xf32>
    %mul3A_1703 = arith.constant 0.333333343 : f32
    %mul3A_1704 = vector.broadcast %mul3A_1703 : f32 to vector<16xf32>
    %mul3A_1705 = arith.mulf %mul3A_1704, %bitcast3A_1510 : vector<16xf32>
    %add3A_1706 = arith.addf %mul3A_1702, %mul3A_1705 : vector<16xf32>
    %swap3A_1707 = arith.constant 960 : index
    %swap3A_1708 = tpu.vector_load %arg6[%swap3A_1707] {strides = array<i32>} : memref<3840xf32, #tpu.memory_space<vmem>>, vector<16xf32>,
    tpu.vector_store %arg6[%swap3A_1707], %add3A_1706 {strides = array<i32>} : memref<3840xf32, #tpu.memory_space<vmem>>, vector<16xf32>,
    %mul3A_1709 = arith.constant 0.666666686 : f32
    %mul3A_1710 = vector.broadcast %mul3A_1709 : f32 to vector<16xf32>
    %mul3A_1711 = arith.mulf %mul3A_1710, %bitcast3A_1451 : vector<16xf32>
    %mul3A_1712 = arith.constant 0.333333343 : f32
    %mul3A_1713 = vector.broadcast %mul3A_1712 : f32 to vector<16xf32>
    %mul3A_1714 = arith.mulf %mul3A_1713, %bitcast3A_1519 : vector<16xf32>
    %add3A_1715 = arith.addf %mul3A_1711, %mul3A_1714 : vector<16xf32>
    %swap3A_1716 = arith.constant 2240 : index
    %swap3A_1717 = tpu.vector_load %arg6[%swap3A_1716] {strides = array<i32>} : memref<3840xf32, #tpu.memory_space<vmem>>, vector<16xf32>,
    tpu.vector_store %arg6[%swap3A_1716], %add3A_1715 {strides = array<i32>} : memref<3840xf32, #tpu.memory_space<vmem>>, vector<16xf32>,
    %mul3A_1718 = arith.constant 0.666666686 : f32
    %mul3A_1719 = vector.broadcast %mul3A_1718 : f32 to vector<16xf32>
    %mul3A_1720 = arith.mulf %mul3A_1719, %bitcast3A_1460 : vector<16xf32>
    %mul3A_1721 = arith.constant 0.333333343 : f32
    %mul3A_1722 = vector.broadcast %mul3A_1721 : f32 to vector<16xf32>
    %mul3A_1723 = arith.mulf %mul3A_1722, %bitcast3A_1528 : vector<16xf32>
    %add3A_1724 = arith.addf %mul3A_1720, %mul3A_1723 : vector<16xf32>
    %swap3A_1725 = arith.constant 3520 : index
    %swap3A_1726 = tpu.vector_load %arg6[%swap3A_1725] {strides = array<i32>} : memref<3840xf32, #tpu.memory_space<vmem>>, vector<16xf32>,
    tpu.vector_store %arg6[%swap3A_1725], %add3A_1724 {strides = array<i32>} : memref<3840xf32, #tpu.memory_space<vmem>>, vector<16xf32>,
    %mul3A_1727 = arith.constant 0.666666686 : f32
    %mul3A_1728 = vector.broadcast %mul3A_1727 : f32 to vector<16xf32>
    %mul3A_1729 = arith.mulf %mul3A_1728, %bitcast3A_1442 : vector<16xf32>
    %mul3A_1730 = arith.constant 0.333333343 : f32
    %mul3A_1731 = vector.broadcast %mul3A_1730 : f32 to vector<16xf32>
    %mul3A_1732 = arith.mulf %mul3A_1731, %bitcast3A_1476 : vector<16xf32>
    %add3A_1733 = arith.addf %mul3A_1729, %mul3A_1732 : vector<16xf32>
    %mul3A_1734 = arith.constant 5.55111512E-17 : f32
    %mul3A_1735 = vector.broadcast %mul3A_1734 : f32 to vector<16xf32>
    %mul3A_1736 = arith.mulf %mul3A_1735, %bitcast3A_1510 : vector<16xf32>
    %add3A_1737 = arith.addf %add3A_1733, %mul3A_1736 : vector<16xf32>
    %swap3A_1738 = arith.constant 1088 : index
    %swap3A_1739 = tpu.vector_load %arg6[%swap3A_1738] {strides = array<i32>} : memref<3840xf32, #tpu.memory_space<vmem>>, vector<16xf32>,
    tpu.vector_store %arg6[%swap3A_1738], %add3A_1737 {strides = array<i32>} : memref<3840xf32, #tpu.memory_space<vmem>>, vector<16xf32>,
    %mul3A_1740 = arith.constant 0.666666686 : f32
    %mul3A_1741 = vector.broadcast %mul3A_1740 : f32 to vector<16xf32>
    %mul3A_1742 = arith.mulf %mul3A_1741, %bitcast3A_1451 : vector<16xf32>
    %mul3A_1743 = arith.constant 0.333333343 : f32
    %mul3A_1744 = vector.broadcast %mul3A_1743 : f32 to vector<16xf32>
    %mul3A_1745 = arith.mulf %mul3A_1744, %bitcast3A_1485 : vector<16xf32>
    %add3A_1746 = arith.addf %mul3A_1742, %mul3A_1745 : vector<16xf32>
    %mul3A_1747 = arith.constant 5.55111512E-17 : f32
    %mul3A_1748 = vector.broadcast %mul3A_1747 : f32 to vector<16xf32>
    %mul3A_1749 = arith.mulf %mul3A_1748, %bitcast3A_1519 : vector<16xf32>
    %add3A_1750 = arith.addf %add3A_1746, %mul3A_1749 : vector<16xf32>
    %swap3A_1751 = arith.constant 2368 : index
    %swap3A_1752 = tpu.vector_load %arg6[%swap3A_1751] {strides = array<i32>} : memref<3840xf32, #tpu.memory_space<vmem>>, vector<16xf32>,
    tpu.vector_store %arg6[%swap3A_1751], %add3A_1750 {strides = array<i32>} : memref<3840xf32, #tpu.memory_space<vmem>>, vector<16xf32>,
    %mul3A_1753 = arith.constant 0.666666686 : f32
    %mul3A_1754 = vector.broadcast %mul3A_1753 : f32 to vector<16xf32>
    %mul3A_1755 = arith.mulf %mul3A_1754, %bitcast3A_1460 : vector<16xf32>
    %mul3A_1756 = arith.constant 0.333333343 : f32
    %mul3A_1757 = vector.broadcast %mul3A_1756 : f32 to vector<16xf32>
    %mul3A_1758 = arith.mulf %mul3A_1757, %bitcast3A_1494 : vector<16xf32>
    %add3A_1759 = arith.addf %mul3A_1755, %mul3A_1758 : vector<16xf32>
    %mul3A_1760 = arith.constant 5.55111512E-17 : f32
    %mul3A_1761 = vector.broadcast %mul3A_1760 : f32 to vector<16xf32>
    %mul3A_1762 = arith.mulf %mul3A_1761, %bitcast3A_1528 : vector<16xf32>
    %add3A_1763 = arith.addf %add3A_1759, %mul3A_1762 : vector<16xf32>
    %swap3A_1764 = arith.constant 3648 : index
    %swap3A_1765 = tpu.vector_load %arg6[%swap3A_1764] {strides = array<i32>} : memref<3840xf32, #tpu.memory_space<vmem>>, vector<16xf32>,
    tpu.vector_store %arg6[%swap3A_1764], %add3A_1763 {strides = array<i32>} : memref<3840xf32, #tpu.memory_space<vmem>>, vector<16xf32>,
    %swap3A_1766 = arith.constant 1216 : index
    %swap3A_1767 = tpu.vector_load %arg6[%swap3A_1766] {strides = array<i32>} : memref<3840xf32, #tpu.memory_space<vmem>>, vector<16xf32>,
    tpu.vector_store %arg6[%swap3A_1766], %bitcast3A_1442 {strides = array<i32>} : memref<3840xf32, #tpu.memory_space<vmem>>, vector<16xf32>,
    %swap3A_1768 = arith.constant 2496 : index
    %swap3A_1769 = tpu.vector_load %arg6[%swap3A_1768] {strides = array<i32>} : memref<3840xf32, #tpu.memory_space<vmem>>, vector<16xf32>,
    tpu.vector_store %arg6[%swap3A_1768], %bitcast3A_1451 {strides = array<i32>} : memref<3840xf32, #tpu.memory_space<vmem>>, vector<16xf32>,
    %swap3A_1770 = arith.constant 3776 : index
    %swap3A_1771 = tpu.vector_load %arg6[%swap3A_1770] {strides = array<i32>} : memref<3840xf32, #tpu.memory_space<vmem>>, vector<16xf32>,
    tpu.vector_store %arg6[%swap3A_1770], %bitcast3A_1460 {strides = array<i32>} : memref<3840xf32, #tpu.memory_space<vmem>>, vector<16xf32>,
    %mul3A_1772 = arith.constant 3 : i32
    %mul3A_1773 = vector.broadcast %mul3A_1772 : i32 to vector<16xi32>
    %mul3A_1774 = arith.muli %iota3A, %mul3A_1773 : vector<16xi32>
    %add3A_1775 = arith.constant 240 : i32
    %add3A_1776 = vector.broadcast %add3A_1775 : i32 to vector<16xi32>
    %add3A_1777 = arith.addi %mul3A_1774, %add3A_1776 : vector<16xi32>
    %gather3A_1778 = tpu.vector_load_idx %arg5[%add3A_1777] : memref<384xi32, #tpu.memory_space<vmem>>[vector<16xi32>], vector<16xi32>,
    %mul3A_1779 = arith.constant 3 : i32
    %mul3A_1780 = vector.broadcast %mul3A_1779 : i32 to vector<16xi32>
    %mul3A_1781 = arith.muli %gather3A_1778, %mul3A_1780 : vector<16xi32>
    %add3A_1782 = arith.constant 0 : i32
    %add3A_1783 = arith.addi %mul3A_49, %add3A_1782 : i32
    %add3A_1784 = vector.broadcast %add3A_1783 : i32 to vector<16xi32>
    %add3A_1785 = arith.addi %mul3A_1781, %add3A_1784 : vector<16xi32>
    %gather3A_1786 = tpu.vector_load_idx %arg4[%add3A_1785] : memref<3856xi32, #tpu.memory_space<vmem>>[vector<16xi32>], vector<16xi32>,
    %bitcast3A_1787 = vector.bitcast %gather3A_1786 : vector<16xi32> to vector<16xf32>
    %mul3A_1788 = arith.constant 3 : i32
    %mul3A_1789 = vector.broadcast %mul3A_1788 : i32 to vector<16xi32>
    %mul3A_1790 = arith.muli %gather3A_1778, %mul3A_1789 : vector<16xi32>
    %add3A_1791 = arith.constant 1 : i32
    %add3A_1792 = arith.addi %mul3A_49, %add3A_1791 : i32
    %add3A_1793 = vector.broadcast %add3A_1792 : i32 to vector<16xi32>
    %add3A_1794 = arith.addi %mul3A_1790, %add3A_1793 : vector<16xi32>
    %gather3A_1795 = tpu.vector_load_idx %arg4[%add3A_1794] : memref<3856xi32, #tpu.memory_space<vmem>>[vector<16xi32>], vector<16xi32>,
    %bitcast3A_1796 = vector.bitcast %gather3A_1795 : vector<16xi32> to vector<16xf32>
    %mul3A_1797 = arith.constant 3 : i32
    %mul3A_1798 = vector.broadcast %mul3A_1797 : i32 to vector<16xi32>
    %mul3A_1799 = arith.muli %gather3A_1778, %mul3A_1798 : vector<16xi32>
    %add3A_1800 = arith.constant 2 : i32
    %add3A_1801 = arith.addi %mul3A_49, %add3A_1800 : i32
    %add3A_1802 = vector.broadcast %add3A_1801 : i32 to vector<16xi32>
    %add3A_1803 = arith.addi %mul3A_1799, %add3A_1802 : vector<16xi32>
    %gather3A_1804 = tpu.vector_load_idx %arg4[%add3A_1803] : memref<3856xi32, #tpu.memory_space<vmem>>[vector<16xi32>], vector<16xi32>,
    %bitcast3A_1805 = vector.bitcast %gather3A_1804 : vector<16xi32> to vector<16xf32>
    %mul3A_1806 = arith.constant 3 : i32
    %mul3A_1807 = vector.broadcast %mul3A_1806 : i32 to vector<16xi32>
    %mul3A_1808 = arith.muli %iota3A, %mul3A_1807 : vector<16xi32>
    %add3A_1809 = arith.constant 241 : i32
    %add3A_1810 = vector.broadcast %add3A_1809 : i32 to vector<16xi32>
    %add3A_1811 = arith.addi %mul3A_1808, %add3A_1810 : vector<16xi32>
    %gather3A_1812 = tpu.vector_load_idx %arg5[%add3A_1811] : memref<384xi32, #tpu.memory_space<vmem>>[vector<16xi32>], vector<16xi32>,
    %mul3A_1813 = arith.constant 3 : i32
    %mul3A_1814 = vector.broadcast %mul3A_1813 : i32 to vector<16xi32>
    %mul3A_1815 = arith.muli %gather3A_1812, %mul3A_1814 : vector<16xi32>
    %add3A_1816 = arith.constant 0 : i32
    %add3A_1817 = arith.addi %mul3A_49, %add3A_1816 : i32
    %add3A_1818 = vector.broadcast %add3A_1817 : i32 to vector<16xi32>
    %add3A_1819 = arith.addi %mul3A_1815, %add3A_1818 : vector<16xi32>
    %gather3A_1820 = tpu.vector_load_idx %arg4[%add3A_1819] : memref<3856xi32, #tpu.memory_space<vmem>>[vector<16xi32>], vector<16xi32>,
    %bitcast3A_1821 = vector.bitcast %gather3A_1820 : vector<16xi32> to vector<16xf32>
    %mul3A_1822 = arith.constant 3 : i32
    %mul3A_1823 = vector.broadcast %mul3A_1822 : i32 to vector<16xi32>
    %mul3A_1824 = arith.muli %gather3A_1812, %mul3A_1823 : vector<16xi32>
    %add3A_1825 = arith.constant 1 : i32
    %add3A_1826 = arith.addi %mul3A_49, %add3A_1825 : i32
    %add3A_1827 = vector.broadcast %add3A_1826 : i32 to vector<16xi32>
    %add3A_1828 = arith.addi %mul3A_1824, %add3A_1827 : vector<16xi32>
    %gather3A_1829 = tpu.vector_load_idx %arg4[%add3A_1828] : memref<3856xi32, #tpu.memory_space<vmem>>[vector<16xi32>], vector<16xi32>,
    %bitcast3A_1830 = vector.bitcast %gather3A_1829 : vector<16xi32> to vector<16xf32>
    %mul3A_1831 = arith.constant 3 : i32
    %mul3A_1832 = vector.broadcast %mul3A_1831 : i32 to vector<16xi32>
    %mul3A_1833 = arith.muli %gather3A_1812, %mul3A_1832 : vector<16xi32>
    %add3A_1834 = arith.constant 2 : i32
    %add3A_1835 = arith.addi %mul3A_49, %add3A_1834 : i32
    %add3A_1836 = vector.broadcast %add3A_1835 : i32 to vector<16xi32>
    %add3A_1837 = arith.addi %mul3A_1833, %add3A_1836 : vector<16xi32>
    %gather3A_1838 = tpu.vector_load_idx %arg4[%add3A_1837] : memref<3856xi32, #tpu.memory_space<vmem>>[vector<16xi32>], vector<16xi32>,
    %bitcast3A_1839 = vector.bitcast %gather3A_1838 : vector<16xi32> to vector<16xf32>
    %mul3A_1840 = arith.constant 3 : i32
    %mul3A_1841 = vector.broadcast %mul3A_1840 : i32 to vector<16xi32>
    %mul3A_1842 = arith.muli %iota3A, %mul3A_1841 : vector<16xi32>
    %add3A_1843 = arith.constant 242 : i32
    %add3A_1844 = vector.broadcast %add3A_1843 : i32 to vector<16xi32>
    %add3A_1845 = arith.addi %mul3A_1842, %add3A_1844 : vector<16xi32>
    %gather3A_1846 = tpu.vector_load_idx %arg5[%add3A_1845] : memref<384xi32, #tpu.memory_space<vmem>>[vector<16xi32>], vector<16xi32>,
    %mul3A_1847 = arith.constant 3 : i32
    %mul3A_1848 = vector.broadcast %mul3A_1847 : i32 to vector<16xi32>
    %mul3A_1849 = arith.muli %gather3A_1846, %mul3A_1848 : vector<16xi32>
    %add3A_1850 = arith.constant 0 : i32
    %add3A_1851 = arith.addi %mul3A_49, %add3A_1850 : i32
    %add3A_1852 = vector.broadcast %add3A_1851 : i32 to vector<16xi32>
    %add3A_1853 = arith.addi %mul3A_1849, %add3A_1852 : vector<16xi32>
    %gather3A_1854 = tpu.vector_load_idx %arg4[%add3A_1853] : memref<3856xi32, #tpu.memory_space<vmem>>[vector<16xi32>], vector<16xi32>,
    %bitcast3A_1855 = vector.bitcast %gather3A_1854 : vector<16xi32> to vector<16xf32>
    %mul3A_1856 = arith.constant 3 : i32
    %mul3A_1857 = vector.broadcast %mul3A_1856 : i32 to vector<16xi32>
    %mul3A_1858 = arith.muli %gather3A_1846, %mul3A_1857 : vector<16xi32>
    %add3A_1859 = arith.constant 1 : i32
    %add3A_1860 = arith.addi %mul3A_49, %add3A_1859 : i32
    %add3A_1861 = vector.broadcast %add3A_1860 : i32 to vector<16xi32>
    %add3A_1862 = arith.addi %mul3A_1858, %add3A_1861 : vector<16xi32>
    %gather3A_1863 = tpu.vector_load_idx %arg4[%add3A_1862] : memref<3856xi32, #tpu.memory_space<vmem>>[vector<16xi32>], vector<16xi32>,
    %bitcast3A_1864 = vector.bitcast %gather3A_1863 : vector<16xi32> to vector<16xf32>
    %mul3A_1865 = arith.constant 3 : i32
    %mul3A_1866 = vector.broadcast %mul3A_1865 : i32 to vector<16xi32>
    %mul3A_1867 = arith.muli %gather3A_1846, %mul3A_1866 : vector<16xi32>
    %add3A_1868 = arith.constant 2 : i32
    %add3A_1869 = arith.addi %mul3A_49, %add3A_1868 : i32
    %add3A_1870 = vector.broadcast %add3A_1869 : i32 to vector<16xi32>
    %add3A_1871 = arith.addi %mul3A_1867, %add3A_1870 : vector<16xi32>
    %gather3A_1872 = tpu.vector_load_idx %arg4[%add3A_1871] : memref<3856xi32, #tpu.memory_space<vmem>>[vector<16xi32>], vector<16xi32>,
    %bitcast3A_1873 = vector.bitcast %gather3A_1872 : vector<16xi32> to vector<16xf32>
    %swap3A_1874 = arith.constant 80 : index
    %swap3A_1875 = tpu.vector_load %arg6[%swap3A_1874] {strides = array<i32>} : memref<3840xf32, #tpu.memory_space<vmem>>, vector<16xf32>,
    tpu.vector_store %arg6[%swap3A_1874], %bitcast3A_1855 {strides = array<i32>} : memref<3840xf32, #tpu.memory_space<vmem>>, vector<16xf32>,
    %swap3A_1876 = arith.constant 1360 : index
    %swap3A_1877 = tpu.vector_load %arg6[%swap3A_1876] {strides = array<i32>} : memref<3840xf32, #tpu.memory_space<vmem>>, vector<16xf32>,
    tpu.vector_store %arg6[%swap3A_1876], %bitcast3A_1864 {strides = array<i32>} : memref<3840xf32, #tpu.memory_space<vmem>>, vector<16xf32>,
    %swap3A_1878 = arith.constant 2640 : index
    %swap3A_1879 = tpu.vector_load %arg6[%swap3A_1878] {strides = array<i32>} : memref<3840xf32, #tpu.memory_space<vmem>>, vector<16xf32>,
    tpu.vector_store %arg6[%swap3A_1878], %bitcast3A_1873 {strides = array<i32>} : memref<3840xf32, #tpu.memory_space<vmem>>, vector<16xf32>,
    %mul3A_1880 = arith.constant 0.333333343 : f32
    %mul3A_1881 = vector.broadcast %mul3A_1880 : f32 to vector<16xf32>
    %mul3A_1882 = arith.mulf %mul3A_1881, %bitcast3A_1821 : vector<16xf32>
    %mul3A_1883 = arith.constant 0.666666686 : f32
    %mul3A_1884 = vector.broadcast %mul3A_1883 : f32 to vector<16xf32>
    %mul3A_1885 = arith.mulf %mul3A_1884, %bitcast3A_1855 : vector<16xf32>
    %add3A_1886 = arith.addf %mul3A_1882, %mul3A_1885 : vector<16xf32>
    %swap3A_1887 = arith.constant 208 : index
    %swap3A_1888 = tpu.vector_load %arg6[%swap3A_1887] {strides = array<i32>} : memref<3840xf32, #tpu.memory_space<vmem>>, vector<16xf32>,
    tpu.vector_store %arg6[%swap3A_1887], %add3A_1886 {strides = array<i32>} : memref<3840xf32, #tpu.memory_space<vmem>>, vector<16xf32>,
    %mul3A_1889 = arith.constant 0.333333343 : f32
    %mul3A_1890 = vector.broadcast %mul3A_1889 : f32 to vector<16xf32>
    %mul3A_1891 = arith.mulf %mul3A_1890, %bitcast3A_1830 : vector<16xf32>
    %mul3A_1892 = arith.constant 0.666666686 : f32
    %mul3A_1893 = vector.broadcast %mul3A_1892 : f32 to vector<16xf32>
    %mul3A_1894 = arith.mulf %mul3A_1893, %bitcast3A_1864 : vector<16xf32>
    %add3A_1895 = arith.addf %mul3A_1891, %mul3A_1894 : vector<16xf32>
    %swap3A_1896 = arith.constant 1488 : index
    %swap3A_1897 = tpu.vector_load %arg6[%swap3A_1896] {strides = array<i32>} : memref<3840xf32, #tpu.memory_space<vmem>>, vector<16xf32>,
    tpu.vector_store %arg6[%swap3A_1896], %add3A_1895 {strides = array<i32>} : memref<3840xf32, #tpu.memory_space<vmem>>, vector<16xf32>,
    %mul3A_1898 = arith.constant 0.333333343 : f32
    %mul3A_1899 = vector.broadcast %mul3A_1898 : f32 to vector<16xf32>
    %mul3A_1900 = arith.mulf %mul3A_1899, %bitcast3A_1839 : vector<16xf32>
    %mul3A_1901 = arith.constant 0.666666686 : f32
    %mul3A_1902 = vector.broadcast %mul3A_1901 : f32 to vector<16xf32>
    %mul3A_1903 = arith.mulf %mul3A_1902, %bitcast3A_1873 : vector<16xf32>
    %add3A_1904 = arith.addf %mul3A_1900, %mul3A_1903 : vector<16xf32>
    %swap3A_1905 = arith.constant 2768 : index
    %swap3A_1906 = tpu.vector_load %arg6[%swap3A_1905] {strides = array<i32>} : memref<3840xf32, #tpu.memory_space<vmem>>, vector<16xf32>,
    tpu.vector_store %arg6[%swap3A_1905], %add3A_1904 {strides = array<i32>} : memref<3840xf32, #tpu.memory_space<vmem>>, vector<16xf32>,
    %mul3A_1907 = arith.constant 0.666666686 : f32
    %mul3A_1908 = vector.broadcast %mul3A_1907 : f32 to vector<16xf32>
    %mul3A_1909 = arith.mulf %mul3A_1908, %bitcast3A_1821 : vector<16xf32>
    %mul3A_1910 = arith.constant 0.333333343 : f32
    %mul3A_1911 = vector.broadcast %mul3A_1910 : f32 to vector<16xf32>
    %mul3A_1912 = arith.mulf %mul3A_1911, %bitcast3A_1855 : vector<16xf32>
    %add3A_1913 = arith.addf %mul3A_1909, %mul3A_1912 : vector<16xf32>
    %swap3A_1914 = arith.constant 336 : index
    %swap3A_1915 = tpu.vector_load %arg6[%swap3A_1914] {strides = array<i32>} : memref<3840xf32, #tpu.memory_space<vmem>>, vector<16xf32>,
    tpu.vector_store %arg6[%swap3A_1914], %add3A_1913 {strides = array<i32>} : memref<3840xf32, #tpu.memory_space<vmem>>, vector<16xf32>,
    %mul3A_1916 = arith.constant 0.666666686 : f32
    %mul3A_1917 = vector.broadcast %mul3A_1916 : f32 to vector<16xf32>
    %mul3A_1918 = arith.mulf %mul3A_1917, %bitcast3A_1830 : vector<16xf32>
    %mul3A_1919 = arith.constant 0.333333343 : f32
    %mul3A_1920 = vector.broadcast %mul3A_1919 : f32 to vector<16xf32>
    %mul3A_1921 = arith.mulf %mul3A_1920, %bitcast3A_1864 : vector<16xf32>
    %add3A_1922 = arith.addf %mul3A_1918, %mul3A_1921 : vector<16xf32>
    %swap3A_1923 = arith.constant 1616 : index
    %swap3A_1924 = tpu.vector_load %arg6[%swap3A_1923] {strides = array<i32>} : memref<3840xf32, #tpu.memory_space<vmem>>, vector<16xf32>,
    tpu.vector_store %arg6[%swap3A_1923], %add3A_1922 {strides = array<i32>} : memref<3840xf32, #tpu.memory_space<vmem>>, vector<16xf32>,
    %mul3A_1925 = arith.constant 0.666666686 : f32
    %mul3A_1926 = vector.broadcast %mul3A_1925 : f32 to vector<16xf32>
    %mul3A_1927 = arith.mulf %mul3A_1926, %bitcast3A_1839 : vector<16xf32>
    %mul3A_1928 = arith.constant 0.333333343 : f32
    %mul3A_1929 = vector.broadcast %mul3A_1928 : f32 to vector<16xf32>
    %mul3A_1930 = arith.mulf %mul3A_1929, %bitcast3A_1873 : vector<16xf32>
    %add3A_1931 = arith.addf %mul3A_1927, %mul3A_1930 : vector<16xf32>
    %swap3A_1932 = arith.constant 2896 : index
    %swap3A_1933 = tpu.vector_load %arg6[%swap3A_1932] {strides = array<i32>} : memref<3840xf32, #tpu.memory_space<vmem>>, vector<16xf32>,
    tpu.vector_store %arg6[%swap3A_1932], %add3A_1931 {strides = array<i32>} : memref<3840xf32, #tpu.memory_space<vmem>>, vector<16xf32>,
    %swap3A_1934 = arith.constant 464 : index
    %swap3A_1935 = tpu.vector_load %arg6[%swap3A_1934] {strides = array<i32>} : memref<3840xf32, #tpu.memory_space<vmem>>, vector<16xf32>,
    tpu.vector_store %arg6[%swap3A_1934], %bitcast3A_1821 {strides = array<i32>} : memref<3840xf32, #tpu.memory_space<vmem>>, vector<16xf32>,
    %swap3A_1936 = arith.constant 1744 : index
    %swap3A_1937 = tpu.vector_load %arg6[%swap3A_1936] {strides = array<i32>} : memref<3840xf32, #tpu.memory_space<vmem>>, vector<16xf32>,
    tpu.vector_store %arg6[%swap3A_1936], %bitcast3A_1830 {strides = array<i32>} : memref<3840xf32, #tpu.memory_space<vmem>>, vector<16xf32>,
    %swap3A_1938 = arith.constant 3024 : index
    %swap3A_1939 = tpu.vector_load %arg6[%swap3A_1938] {strides = array<i32>} : memref<3840xf32, #tpu.memory_space<vmem>>, vector<16xf32>,
    tpu.vector_store %arg6[%swap3A_1938], %bitcast3A_1839 {strides = array<i32>} : memref<3840xf32, #tpu.memory_space<vmem>>, vector<16xf32>,
    %mul3A_1940 = arith.constant 0.333333343 : f32
    %mul3A_1941 = vector.broadcast %mul3A_1940 : f32 to vector<16xf32>
    %mul3A_1942 = arith.mulf %mul3A_1941, %bitcast3A_1787 : vector<16xf32>
    %mul3A_1943 = arith.constant 0.666666686 : f32
    %mul3A_1944 = vector.broadcast %mul3A_1943 : f32 to vector<16xf32>
    %mul3A_1945 = arith.mulf %mul3A_1944, %bitcast3A_1855 : vector<16xf32>
    %add3A_1946 = arith.addf %mul3A_1942, %mul3A_1945 : vector<16xf32>
    %swap3A_1947 = arith.constant 592 : index
    %swap3A_1948 = tpu.vector_load %arg6[%swap3A_1947] {strides = array<i32>} : memref<3840xf32, #tpu.memory_space<vmem>>, vector<16xf32>,
    tpu.vector_store %arg6[%swap3A_1947], %add3A_1946 {strides = array<i32>} : memref<3840xf32, #tpu.memory_space<vmem>>, vector<16xf32>,
    %mul3A_1949 = arith.constant 0.333333343 : f32
    %mul3A_1950 = vector.broadcast %mul3A_1949 : f32 to vector<16xf32>
    %mul3A_1951 = arith.mulf %mul3A_1950, %bitcast3A_1796 : vector<16xf32>
    %mul3A_1952 = arith.constant 0.666666686 : f32
    %mul3A_1953 = vector.broadcast %mul3A_1952 : f32 to vector<16xf32>
    %mul3A_1954 = arith.mulf %mul3A_1953, %bitcast3A_1864 : vector<16xf32>
    %add3A_1955 = arith.addf %mul3A_1951, %mul3A_1954 : vector<16xf32>
    %swap3A_1956 = arith.constant 1872 : index
    %swap3A_1957 = tpu.vector_load %arg6[%swap3A_1956] {strides = array<i32>} : memref<3840xf32, #tpu.memory_space<vmem>>, vector<16xf32>,
    tpu.vector_store %arg6[%swap3A_1956], %add3A_1955 {strides = array<i32>} : memref<3840xf32, #tpu.memory_space<vmem>>, vector<16xf32>,
    %mul3A_1958 = arith.constant 0.333333343 : f32
    %mul3A_1959 = vector.broadcast %mul3A_1958 : f32 to vector<16xf32>
    %mul3A_1960 = arith.mulf %mul3A_1959, %bitcast3A_1805 : vector<16xf32>
    %mul3A_1961 = arith.constant 0.666666686 : f32
    %mul3A_1962 = vector.broadcast %mul3A_1961 : f32 to vector<16xf32>
    %mul3A_1963 = arith.mulf %mul3A_1962, %bitcast3A_1873 : vector<16xf32>
    %add3A_1964 = arith.addf %mul3A_1960, %mul3A_1963 : vector<16xf32>
    %swap3A_1965 = arith.constant 3152 : index
    %swap3A_1966 = tpu.vector_load %arg6[%swap3A_1965] {strides = array<i32>} : memref<3840xf32, #tpu.memory_space<vmem>>, vector<16xf32>,
    tpu.vector_store %arg6[%swap3A_1965], %add3A_1964 {strides = array<i32>} : memref<3840xf32, #tpu.memory_space<vmem>>, vector<16xf32>,
    %mul3A_1967 = arith.constant 0.333333343 : f32
    %mul3A_1968 = vector.broadcast %mul3A_1967 : f32 to vector<16xf32>
    %mul3A_1969 = arith.mulf %mul3A_1968, %bitcast3A_1787 : vector<16xf32>
    %mul3A_1970 = arith.constant 0.333333343 : f32
    %mul3A_1971 = vector.broadcast %mul3A_1970 : f32 to vector<16xf32>
    %mul3A_1972 = arith.mulf %mul3A_1971, %bitcast3A_1821 : vector<16xf32>
    %add3A_1973 = arith.addf %mul3A_1969, %mul3A_1972 : vector<16xf32>
    %mul3A_1974 = arith.constant 0.333333343 : f32
    %mul3A_1975 = vector.broadcast %mul3A_1974 : f32 to vector<16xf32>
    %mul3A_1976 = arith.mulf %mul3A_1975, %bitcast3A_1855 : vector<16xf32>
    %add3A_1977 = arith.addf %add3A_1973, %mul3A_1976 : vector<16xf32>
    %swap3A_1978 = arith.constant 720 : index
    %swap3A_1979 = tpu.vector_load %arg6[%swap3A_1978] {strides = array<i32>} : memref<3840xf32, #tpu.memory_space<vmem>>, vector<16xf32>,
    tpu.vector_store %arg6[%swap3A_1978], %add3A_1977 {strides = array<i32>} : memref<3840xf32, #tpu.memory_space<vmem>>, vector<16xf32>,
    %mul3A_1980 = arith.constant 0.333333343 : f32
    %mul3A_1981 = vector.broadcast %mul3A_1980 : f32 to vector<16xf32>
    %mul3A_1982 = arith.mulf %mul3A_1981, %bitcast3A_1796 : vector<16xf32>
    %mul3A_1983 = arith.constant 0.333333343 : f32
    %mul3A_1984 = vector.broadcast %mul3A_1983 : f32 to vector<16xf32>
    %mul3A_1985 = arith.mulf %mul3A_1984, %bitcast3A_1830 : vector<16xf32>
    %add3A_1986 = arith.addf %mul3A_1982, %mul3A_1985 : vector<16xf32>
    %mul3A_1987 = arith.constant 0.333333343 : f32
    %mul3A_1988 = vector.broadcast %mul3A_1987 : f32 to vector<16xf32>
    %mul3A_1989 = arith.mulf %mul3A_1988, %bitcast3A_1864 : vector<16xf32>
    %add3A_1990 = arith.addf %add3A_1986, %mul3A_1989 : vector<16xf32>
    %swap3A_1991 = arith.constant 2000 : index
    %swap3A_1992 = tpu.vector_load %arg6[%swap3A_1991] {strides = array<i32>} : memref<3840xf32, #tpu.memory_space<vmem>>, vector<16xf32>,
    tpu.vector_store %arg6[%swap3A_1991], %add3A_1990 {strides = array<i32>} : memref<3840xf32, #tpu.memory_space<vmem>>, vector<16xf32>,
    %mul3A_1993 = arith.constant 0.333333343 : f32
    %mul3A_1994 = vector.broadcast %mul3A_1993 : f32 to vector<16xf32>
    %mul3A_1995 = arith.mulf %mul3A_1994, %bitcast3A_1805 : vector<16xf32>
    %mul3A_1996 = arith.constant 0.333333343 : f32
    %mul3A_1997 = vector.broadcast %mul3A_1996 : f32 to vector<16xf32>
    %mul3A_1998 = arith.mulf %mul3A_1997, %bitcast3A_1839 : vector<16xf32>
    %add3A_1999 = arith.addf %mul3A_1995, %mul3A_1998 : vector<16xf32>
    %mul3A_2000 = arith.constant 0.333333343 : f32
    %mul3A_2001 = vector.broadcast %mul3A_2000 : f32 to vector<16xf32>
    %mul3A_2002 = arith.mulf %mul3A_2001, %bitcast3A_1873 : vector<16xf32>
    %add3A_2003 = arith.addf %add3A_1999, %mul3A_2002 : vector<16xf32>
    %swap3A_2004 = arith.constant 3280 : index
    %swap3A_2005 = tpu.vector_load %arg6[%swap3A_2004] {strides = array<i32>} : memref<3840xf32, #tpu.memory_space<vmem>>, vector<16xf32>,
    tpu.vector_store %arg6[%swap3A_2004], %add3A_2003 {strides = array<i32>} : memref<3840xf32, #tpu.memory_space<vmem>>, vector<16xf32>,
    %mul3A_2006 = arith.constant 0.333333343 : f32
    %mul3A_2007 = vector.broadcast %mul3A_2006 : f32 to vector<16xf32>
    %mul3A_2008 = arith.mulf %mul3A_2007, %bitcast3A_1787 : vector<16xf32>
    %mul3A_2009 = arith.constant 0.666666686 : f32
    %mul3A_2010 = vector.broadcast %mul3A_2009 : f32 to vector<16xf32>
    %mul3A_2011 = arith.mulf %mul3A_2010, %bitcast3A_1821 : vector<16xf32>
    %add3A_2012 = arith.addf %mul3A_2008, %mul3A_2011 : vector<16xf32>
    %mul3A_2013 = arith.constant 1.11022302E-16 : f32
    %mul3A_2014 = vector.broadcast %mul3A_2013 : f32 to vector<16xf32>
    %mul3A_2015 = arith.mulf %mul3A_2014, %bitcast3A_1855 : vector<16xf32>
    %add3A_2016 = arith.addf %add3A_2012, %mul3A_2015 : vector<16xf32>
    %swap3A_2017 = arith.constant 848 : index
    %swap3A_2018 = tpu.vector_load %arg6[%swap3A_2017] {strides = array<i32>} : memref<3840xf32, #tpu.memory_space<vmem>>, vector<16xf32>,
    tpu.vector_store %arg6[%swap3A_2017], %add3A_2016 {strides = array<i32>} : memref<3840xf32, #tpu.memory_space<vmem>>, vector<16xf32>,
    %mul3A_2019 = arith.constant 0.333333343 : f32
    %mul3A_2020 = vector.broadcast %mul3A_2019 : f32 to vector<16xf32>
    %mul3A_2021 = arith.mulf %mul3A_2020, %bitcast3A_1796 : vector<16xf32>
    %mul3A_2022 = arith.constant 0.666666686 : f32
    %mul3A_2023 = vector.broadcast %mul3A_2022 : f32 to vector<16xf32>
    %mul3A_2024 = arith.mulf %mul3A_2023, %bitcast3A_1830 : vector<16xf32>
    %add3A_2025 = arith.addf %mul3A_2021, %mul3A_2024 : vector<16xf32>
    %mul3A_2026 = arith.constant 1.11022302E-16 : f32
    %mul3A_2027 = vector.broadcast %mul3A_2026 : f32 to vector<16xf32>
    %mul3A_2028 = arith.mulf %mul3A_2027, %bitcast3A_1864 : vector<16xf32>
    %add3A_2029 = arith.addf %add3A_2025, %mul3A_2028 : vector<16xf32>
    %swap3A_2030 = arith.constant 2128 : index
    %swap3A_2031 = tpu.vector_load %arg6[%swap3A_2030] {strides = array<i32>} : memref<3840xf32, #tpu.memory_space<vmem>>, vector<16xf32>,
    tpu.vector_store %arg6[%swap3A_2030], %add3A_2029 {strides = array<i32>} : memref<3840xf32, #tpu.memory_space<vmem>>, vector<16xf32>,
    %mul3A_2032 = arith.constant 0.333333343 : f32
    %mul3A_2033 = vector.broadcast %mul3A_2032 : f32 to vector<16xf32>
    %mul3A_2034 = arith.mulf %mul3A_2033, %bitcast3A_1805 : vector<16xf32>
    %mul3A_2035 = arith.constant 0.666666686 : f32
    %mul3A_2036 = vector.broadcast %mul3A_2035 : f32 to vector<16xf32>
    %mul3A_2037 = arith.mulf %mul3A_2036, %bitcast3A_1839 : vector<16xf32>
    %add3A_2038 = arith.addf %mul3A_2034, %mul3A_2037 : vector<16xf32>
    %mul3A_2039 = arith.constant 1.11022302E-16 : f32
    %mul3A_2040 = vector.broadcast %mul3A_2039 : f32 to vector<16xf32>
    %mul3A_2041 = arith.mulf %mul3A_2040, %bitcast3A_1873 : vector<16xf32>
    %add3A_2042 = arith.addf %add3A_2038, %mul3A_2041 : vector<16xf32>
    %swap3A_2043 = arith.constant 3408 : index
    %swap3A_2044 = tpu.vector_load %arg6[%swap3A_2043] {strides = array<i32>} : memref<3840xf32, #tpu.memory_space<vmem>>, vector<16xf32>,
    tpu.vector_store %arg6[%swap3A_2043], %add3A_2042 {strides = array<i32>} : memref<3840xf32, #tpu.memory_space<vmem>>, vector<16xf32>,
    %mul3A_2045 = arith.constant 0.666666686 : f32
    %mul3A_2046 = vector.broadcast %mul3A_2045 : f32 to vector<16xf32>
    %mul3A_2047 = arith.mulf %mul3A_2046, %bitcast3A_1787 : vector<16xf32>
    %mul3A_2048 = arith.constant 0.333333343 : f32
    %mul3A_2049 = vector.broadcast %mul3A_2048 : f32 to vector<16xf32>
    %mul3A_2050 = arith.mulf %mul3A_2049, %bitcast3A_1855 : vector<16xf32>
    %add3A_2051 = arith.addf %mul3A_2047, %mul3A_2050 : vector<16xf32>
    %swap3A_2052 = arith.constant 976 : index
    %swap3A_2053 = tpu.vector_load %arg6[%swap3A_2052] {strides = array<i32>} : memref<3840xf32, #tpu.memory_space<vmem>>, vector<16xf32>,
    tpu.vector_store %arg6[%swap3A_2052], %add3A_2051 {strides = array<i32>} : memref<3840xf32, #tpu.memory_space<vmem>>, vector<16xf32>,
    %mul3A_2054 = arith.constant 0.666666686 : f32
    %mul3A_2055 = vector.broadcast %mul3A_2054 : f32 to vector<16xf32>
    %mul3A_2056 = arith.mulf %mul3A_2055, %bitcast3A_1796 : vector<16xf32>
    %mul3A_2057 = arith.constant 0.333333343 : f32
    %mul3A_2058 = vector.broadcast %mul3A_2057 : f32 to vector<16xf32>
    %mul3A_2059 = arith.mulf %mul3A_2058, %bitcast3A_1864 : vector<16xf32>
    %add3A_2060 = arith.addf %mul3A_2056, %mul3A_2059 : vector<16xf32>
    %swap3A_2061 = arith.constant 2256 : index
    %swap3A_2062 = tpu.vector_load %arg6[%swap3A_2061] {strides = array<i32>} : memref<3840xf32, #tpu.memory_space<vmem>>, vector<16xf32>,
    tpu.vector_store %arg6[%swap3A_2061], %add3A_2060 {strides = array<i32>} : memref<3840xf32, #tpu.memory_space<vmem>>, vector<16xf32>,
    %mul3A_2063 = arith.constant 0.666666686 : f32
    %mul3A_2064 = vector.broadcast %mul3A_2063 : f32 to vector<16xf32>
    %mul3A_2065 = arith.mulf %mul3A_2064, %bitcast3A_1805 : vector<16xf32>
    %mul3A_2066 = arith.constant 0.333333343 : f32
    %mul3A_2067 = vector.broadcast %mul3A_2066 : f32 to vector<16xf32>
    %mul3A_2068 = arith.mulf %mul3A_2067, %bitcast3A_1873 : vector<16xf32>
    %add3A_2069 = arith.addf %mul3A_2065, %mul3A_2068 : vector<16xf32>
    %swap3A_2070 = arith.constant 3536 : index
    %swap3A_2071 = tpu.vector_load %arg6[%swap3A_2070] {strides = array<i32>} : memref<3840xf32, #tpu.memory_space<vmem>>, vector<16xf32>,
    tpu.vector_store %arg6[%swap3A_2070], %add3A_2069 {strides = array<i32>} : memref<3840xf32, #tpu.memory_space<vmem>>, vector<16xf32>,
    %mul3A_2072 = arith.constant 0.666666686 : f32
    %mul3A_2073 = vector.broadcast %mul3A_2072 : f32 to vector<16xf32>
    %mul3A_2074 = arith.mulf %mul3A_2073, %bitcast3A_1787 : vector<16xf32>
    %mul3A_2075 = arith.constant 0.333333343 : f32
    %mul3A_2076 = vector.broadcast %mul3A_2075 : f32 to vector<16xf32>
    %mul3A_2077 = arith.mulf %mul3A_2076, %bitcast3A_1821 : vector<16xf32>
    %add3A_2078 = arith.addf %mul3A_2074, %mul3A_2077 : vector<16xf32>
    %mul3A_2079 = arith.constant 5.55111512E-17 : f32
    %mul3A_2080 = vector.broadcast %mul3A_2079 : f32 to vector<16xf32>
    %mul3A_2081 = arith.mulf %mul3A_2080, %bitcast3A_1855 : vector<16xf32>
    %add3A_2082 = arith.addf %add3A_2078, %mul3A_2081 : vector<16xf32>
    %swap3A_2083 = arith.constant 1104 : index
    %swap3A_2084 = tpu.vector_load %arg6[%swap3A_2083] {strides = array<i32>} : memref<3840xf32, #tpu.memory_space<vmem>>, vector<16xf32>,
    tpu.vector_store %arg6[%swap3A_2083], %add3A_2082 {strides = array<i32>} : memref<3840xf32, #tpu.memory_space<vmem>>, vector<16xf32>,
    %mul3A_2085 = arith.constant 0.666666686 : f32
    %mul3A_2086 = vector.broadcast %mul3A_2085 : f32 to vector<16xf32>
    %mul3A_2087 = arith.mulf %mul3A_2086, %bitcast3A_1796 : vector<16xf32>
    %mul3A_2088 = arith.constant 0.333333343 : f32
    %mul3A_2089 = vector.broadcast %mul3A_2088 : f32 to vector<16xf32>
    %mul3A_2090 = arith.mulf %mul3A_2089, %bitcast3A_1830 : vector<16xf32>
    %add3A_2091 = arith.addf %mul3A_2087, %mul3A_2090 : vector<16xf32>
    %mul3A_2092 = arith.constant 5.55111512E-17 : f32
    %mul3A_2093 = vector.broadcast %mul3A_2092 : f32 to vector<16xf32>
    %mul3A_2094 = arith.mulf %mul3A_2093, %bitcast3A_1864 : vector<16xf32>
    %add3A_2095 = arith.addf %add3A_2091, %mul3A_2094 : vector<16xf32>
    %swap3A_2096 = arith.constant 2384 : index
    %swap3A_2097 = tpu.vector_load %arg6[%swap3A_2096] {strides = array<i32>} : memref<3840xf32, #tpu.memory_space<vmem>>, vector<16xf32>,
    tpu.vector_store %arg6[%swap3A_2096], %add3A_2095 {strides = array<i32>} : memref<3840xf32, #tpu.memory_space<vmem>>, vector<16xf32>,
    %mul3A_2098 = arith.constant 0.666666686 : f32
    %mul3A_2099 = vector.broadcast %mul3A_2098 : f32 to vector<16xf32>
    %mul3A_2100 = arith.mulf %mul3A_2099, %bitcast3A_1805 : vector<16xf32>
    %mul3A_2101 = arith.constant 0.333333343 : f32
    %mul3A_2102 = vector.broadcast %mul3A_2101 : f32 to vector<16xf32>
    %mul3A_2103 = arith.mulf %mul3A_2102, %bitcast3A_1839 : vector<16xf32>
    %add3A_2104 = arith.addf %mul3A_2100, %mul3A_2103 : vector<16xf32>
    %mul3A_2105 = arith.constant 5.55111512E-17 : f32
    %mul3A_2106 = vector.broadcast %mul3A_2105 : f32 to vector<16xf32>
    %mul3A_2107 = arith.mulf %mul3A_2106, %bitcast3A_1873 : vector<16xf32>
    %add3A_2108 = arith.addf %add3A_2104, %mul3A_2107 : vector<16xf32>
    %swap3A_2109 = arith.constant 3664 : index
    %swap3A_2110 = tpu.vector_load %arg6[%swap3A_2109] {strides = array<i32>} : memref<3840xf32, #tpu.memory_space<vmem>>, vector<16xf32>,
    tpu.vector_store %arg6[%swap3A_2109], %add3A_2108 {strides = array<i32>} : memref<3840xf32, #tpu.memory_space<vmem>>, vector<16xf32>,
    %swap3A_2111 = arith.constant 1232 : index
    %swap3A_2112 = tpu.vector_load %arg6[%swap3A_2111] {strides = array<i32>} : memref<3840xf32, #tpu.memory_space<vmem>>, vector<16xf32>,
    tpu.vector_store %arg6[%swap3A_2111], %bitcast3A_1787 {strides = array<i32>} : memref<3840xf32, #tpu.memory_space<vmem>>, vector<16xf32>,
    %swap3A_2113 = arith.constant 2512 : index
    %swap3A_2114 = tpu.vector_load %arg6[%swap3A_2113] {strides = array<i32>} : memref<3840xf32, #tpu.memory_space<vmem>>, vector<16xf32>,
    tpu.vector_store %arg6[%swap3A_2113], %bitcast3A_1796 {strides = array<i32>} : memref<3840xf32, #tpu.memory_space<vmem>>, vector<16xf32>,
    %swap3A_2115 = arith.constant 3792 : index
    %swap3A_2116 = tpu.vector_load %arg6[%swap3A_2115] {strides = array<i32>} : memref<3840xf32, #tpu.memory_space<vmem>>, vector<16xf32>,
    tpu.vector_store %arg6[%swap3A_2115], %bitcast3A_1805 {strides = array<i32>} : memref<3840xf32, #tpu.memory_space<vmem>>, vector<16xf32>,
    %mul3A_2117 = arith.constant 3 : i32
    %mul3A_2118 = vector.broadcast %mul3A_2117 : i32 to vector<16xi32>
    %mul3A_2119 = arith.muli %iota3A, %mul3A_2118 : vector<16xi32>
    %add3A_2120 = arith.constant 288 : i32
    %add3A_2121 = vector.broadcast %add3A_2120 : i32 to vector<16xi32>
    %add3A_2122 = arith.addi %mul3A_2119, %add3A_2121 : vector<16xi32>
    %gather3A_2123 = tpu.vector_load_idx %arg5[%add3A_2122] : memref<384xi32, #tpu.memory_space<vmem>>[vector<16xi32>], vector<16xi32>,
    %mul3A_2124 = arith.constant 3 : i32
    %mul3A_2125 = vector.broadcast %mul3A_2124 : i32 to vector<16xi32>
    %mul3A_2126 = arith.muli %gather3A_2123, %mul3A_2125 : vector<16xi32>
    %add3A_2127 = arith.constant 0 : i32
    %add3A_2128 = arith.addi %mul3A_49, %add3A_2127 : i32
    %add3A_2129 = vector.broadcast %add3A_2128 : i32 to vector<16xi32>
    %add3A_2130 = arith.addi %mul3A_2126, %add3A_2129 : vector<16xi32>
    %gather3A_2131 = tpu.vector_load_idx %arg4[%add3A_2130] : memref<3856xi32, #tpu.memory_space<vmem>>[vector<16xi32>], vector<16xi32>,
    %bitcast3A_2132 = vector.bitcast %gather3A_2131 : vector<16xi32> to vector<16xf32>
    %mul3A_2133 = arith.constant 3 : i32
    %mul3A_2134 = vector.broadcast %mul3A_2133 : i32 to vector<16xi32>
    %mul3A_2135 = arith.muli %gather3A_2123, %mul3A_2134 : vector<16xi32>
    %add3A_2136 = arith.constant 1 : i32
    %add3A_2137 = arith.addi %mul3A_49, %add3A_2136 : i32
    %add3A_2138 = vector.broadcast %add3A_2137 : i32 to vector<16xi32>
    %add3A_2139 = arith.addi %mul3A_2135, %add3A_2138 : vector<16xi32>
    %gather3A_2140 = tpu.vector_load_idx %arg4[%add3A_2139] : memref<3856xi32, #tpu.memory_space<vmem>>[vector<16xi32>], vector<16xi32>,
    %bitcast3A_2141 = vector.bitcast %gather3A_2140 : vector<16xi32> to vector<16xf32>
    %mul3A_2142 = arith.constant 3 : i32
    %mul3A_2143 = vector.broadcast %mul3A_2142 : i32 to vector<16xi32>
    %mul3A_2144 = arith.muli %gather3A_2123, %mul3A_2143 : vector<16xi32>
    %add3A_2145 = arith.constant 2 : i32
    %add3A_2146 = arith.addi %mul3A_49, %add3A_2145 : i32
    %add3A_2147 = vector.broadcast %add3A_2146 : i32 to vector<16xi32>
    %add3A_2148 = arith.addi %mul3A_2144, %add3A_2147 : vector<16xi32>
    %gather3A_2149 = tpu.vector_load_idx %arg4[%add3A_2148] : memref<3856xi32, #tpu.memory_space<vmem>>[vector<16xi32>], vector<16xi32>,
    %bitcast3A_2150 = vector.bitcast %gather3A_2149 : vector<16xi32> to vector<16xf32>
    %mul3A_2151 = arith.constant 3 : i32
    %mul3A_2152 = vector.broadcast %mul3A_2151 : i32 to vector<16xi32>
    %mul3A_2153 = arith.muli %iota3A, %mul3A_2152 : vector<16xi32>
    %add3A_2154 = arith.constant 289 : i32
    %add3A_2155 = vector.broadcast %add3A_2154 : i32 to vector<16xi32>
    %add3A_2156 = arith.addi %mul3A_2153, %add3A_2155 : vector<16xi32>
    %gather3A_2157 = tpu.vector_load_idx %arg5[%add3A_2156] : memref<384xi32, #tpu.memory_space<vmem>>[vector<16xi32>], vector<16xi32>,
    %mul3A_2158 = arith.constant 3 : i32
    %mul3A_2159 = vector.broadcast %mul3A_2158 : i32 to vector<16xi32>
    %mul3A_2160 = arith.muli %gather3A_2157, %mul3A_2159 : vector<16xi32>
    %add3A_2161 = arith.constant 0 : i32
    %add3A_2162 = arith.addi %mul3A_49, %add3A_2161 : i32
    %add3A_2163 = vector.broadcast %add3A_2162 : i32 to vector<16xi32>
    %add3A_2164 = arith.addi %mul3A_2160, %add3A_2163 : vector<16xi32>
    %gather3A_2165 = tpu.vector_load_idx %arg4[%add3A_2164] : memref<3856xi32, #tpu.memory_space<vmem>>[vector<16xi32>], vector<16xi32>,
    %bitcast3A_2166 = vector.bitcast %gather3A_2165 : vector<16xi32> to vector<16xf32>
    %mul3A_2167 = arith.constant 3 : i32
    %mul3A_2168 = vector.broadcast %mul3A_2167 : i32 to vector<16xi32>
    %mul3A_2169 = arith.muli %gather3A_2157, %mul3A_2168 : vector<16xi32>
    %add3A_2170 = arith.constant 1 : i32
    %add3A_2171 = arith.addi %mul3A_49, %add3A_2170 : i32
    %add3A_2172 = vector.broadcast %add3A_2171 : i32 to vector<16xi32>
    %add3A_2173 = arith.addi %mul3A_2169, %add3A_2172 : vector<16xi32>
    %gather3A_2174 = tpu.vector_load_idx %arg4[%add3A_2173] : memref<3856xi32, #tpu.memory_space<vmem>>[vector<16xi32>], vector<16xi32>,
    %bitcast3A_2175 = vector.bitcast %gather3A_2174 : vector<16xi32> to vector<16xf32>
    %mul3A_2176 = arith.constant 3 : i32
    %mul3A_2177 = vector.broadcast %mul3A_2176 : i32 to vector<16xi32>
    %mul3A_2178 = arith.muli %gather3A_2157, %mul3A_2177 : vector<16xi32>
    %add3A_2179 = arith.constant 2 : i32
    %add3A_2180 = arith.addi %mul3A_49, %add3A_2179 : i32
    %add3A_2181 = vector.broadcast %add3A_2180 : i32 to vector<16xi32>
    %add3A_2182 = arith.addi %mul3A_2178, %add3A_2181 : vector<16xi32>
    %gather3A_2183 = tpu.vector_load_idx %arg4[%add3A_2182] : memref<3856xi32, #tpu.memory_space<vmem>>[vector<16xi32>], vector<16xi32>,
    %bitcast3A_2184 = vector.bitcast %gather3A_2183 : vector<16xi32> to vector<16xf32>
    %mul3A_2185 = arith.constant 3 : i32
    %mul3A_2186 = vector.broadcast %mul3A_2185 : i32 to vector<16xi32>
    %mul3A_2187 = arith.muli %iota3A, %mul3A_2186 : vector<16xi32>
    %add3A_2188 = arith.constant 290 : i32
    %add3A_2189 = vector.broadcast %add3A_2188 : i32 to vector<16xi32>
    %add3A_2190 = arith.addi %mul3A_2187, %add3A_2189 : vector<16xi32>
    %gather3A_2191 = tpu.vector_load_idx %arg5[%add3A_2190] : memref<384xi32, #tpu.memory_space<vmem>>[vector<16xi32>], vector<16xi32>,
    %mul3A_2192 = arith.constant 3 : i32
    %mul3A_2193 = vector.broadcast %mul3A_2192 : i32 to vector<16xi32>
    %mul3A_2194 = arith.muli %gather3A_2191, %mul3A_2193 : vector<16xi32>
    %add3A_2195 = arith.constant 0 : i32
    %add3A_2196 = arith.addi %mul3A_49, %add3A_2195 : i32
    %add3A_2197 = vector.broadcast %add3A_2196 : i32 to vector<16xi32>
    %add3A_2198 = arith.addi %mul3A_2194, %add3A_2197 : vector<16xi32>
    %gather3A_2199 = tpu.vector_load_idx %arg4[%add3A_2198] : memref<3856xi32, #tpu.memory_space<vmem>>[vector<16xi32>], vector<16xi32>,
    %bitcast3A_2200 = vector.bitcast %gather3A_2199 : vector<16xi32> to vector<16xf32>
    %mul3A_2201 = arith.constant 3 : i32
    %mul3A_2202 = vector.broadcast %mul3A_2201 : i32 to vector<16xi32>
    %mul3A_2203 = arith.muli %gather3A_2191, %mul3A_2202 : vector<16xi32>
    %add3A_2204 = arith.constant 1 : i32
    %add3A_2205 = arith.addi %mul3A_49, %add3A_2204 : i32
    %add3A_2206 = vector.broadcast %add3A_2205 : i32 to vector<16xi32>
    %add3A_2207 = arith.addi %mul3A_2203, %add3A_2206 : vector<16xi32>
    %gather3A_2208 = tpu.vector_load_idx %arg4[%add3A_2207] : memref<3856xi32, #tpu.memory_space<vmem>>[vector<16xi32>], vector<16xi32>,
    %bitcast3A_2209 = vector.bitcast %gather3A_2208 : vector<16xi32> to vector<16xf32>
    %mul3A_2210 = arith.constant 3 : i32
    %mul3A_2211 = vector.broadcast %mul3A_2210 : i32 to vector<16xi32>
    %mul3A_2212 = arith.muli %gather3A_2191, %mul3A_2211 : vector<16xi32>
    %add3A_2213 = arith.constant 2 : i32
    %add3A_2214 = arith.addi %mul3A_49, %add3A_2213 : i32
    %add3A_2215 = vector.broadcast %add3A_2214 : i32 to vector<16xi32>
    %add3A_2216 = arith.addi %mul3A_2212, %add3A_2215 : vector<16xi32>
    %gather3A_2217 = tpu.vector_load_idx %arg4[%add3A_2216] : memref<3856xi32, #tpu.memory_space<vmem>>[vector<16xi32>], vector<16xi32>,
    %bitcast3A_2218 = vector.bitcast %gather3A_2217 : vector<16xi32> to vector<16xf32>
    %swap3A_2219 = arith.constant 96 : index
    %swap3A_2220 = tpu.vector_load %arg6[%swap3A_2219] {strides = array<i32>} : memref<3840xf32, #tpu.memory_space<vmem>>, vector<16xf32>,
    tpu.vector_store %arg6[%swap3A_2219], %bitcast3A_2200 {strides = array<i32>} : memref<3840xf32, #tpu.memory_space<vmem>>, vector<16xf32>,
    %swap3A_2221 = arith.constant 1376 : index
    %swap3A_2222 = tpu.vector_load %arg6[%swap3A_2221] {strides = array<i32>} : memref<3840xf32, #tpu.memory_space<vmem>>, vector<16xf32>,
    tpu.vector_store %arg6[%swap3A_2221], %bitcast3A_2209 {strides = array<i32>} : memref<3840xf32, #tpu.memory_space<vmem>>, vector<16xf32>,
    %swap3A_2223 = arith.constant 2656 : index
    %swap3A_2224 = tpu.vector_load %arg6[%swap3A_2223] {strides = array<i32>} : memref<3840xf32, #tpu.memory_space<vmem>>, vector<16xf32>,
    tpu.vector_store %arg6[%swap3A_2223], %bitcast3A_2218 {strides = array<i32>} : memref<3840xf32, #tpu.memory_space<vmem>>, vector<16xf32>,
    %mul3A_2225 = arith.constant 0.333333343 : f32
    %mul3A_2226 = vector.broadcast %mul3A_2225 : f32 to vector<16xf32>
    %mul3A_2227 = arith.mulf %mul3A_2226, %bitcast3A_2166 : vector<16xf32>
    %mul3A_2228 = arith.constant 0.666666686 : f32
    %mul3A_2229 = vector.broadcast %mul3A_2228 : f32 to vector<16xf32>
    %mul3A_2230 = arith.mulf %mul3A_2229, %bitcast3A_2200 : vector<16xf32>
    %add3A_2231 = arith.addf %mul3A_2227, %mul3A_2230 : vector<16xf32>
    %swap3A_2232 = arith.constant 224 : index
    %swap3A_2233 = tpu.vector_load %arg6[%swap3A_2232] {strides = array<i32>} : memref<3840xf32, #tpu.memory_space<vmem>>, vector<16xf32>,
    tpu.vector_store %arg6[%swap3A_2232], %add3A_2231 {strides = array<i32>} : memref<3840xf32, #tpu.memory_space<vmem>>, vector<16xf32>,
    %mul3A_2234 = arith.constant 0.333333343 : f32
    %mul3A_2235 = vector.broadcast %mul3A_2234 : f32 to vector<16xf32>
    %mul3A_2236 = arith.mulf %mul3A_2235, %bitcast3A_2175 : vector<16xf32>
    %mul3A_2237 = arith.constant 0.666666686 : f32
    %mul3A_2238 = vector.broadcast %mul3A_2237 : f32 to vector<16xf32>
    %mul3A_2239 = arith.mulf %mul3A_2238, %bitcast3A_2209 : vector<16xf32>
    %add3A_2240 = arith.addf %mul3A_2236, %mul3A_2239 : vector<16xf32>
    %swap3A_2241 = arith.constant 1504 : index
    %swap3A_2242 = tpu.vector_load %arg6[%swap3A_2241] {strides = array<i32>} : memref<3840xf32, #tpu.memory_space<vmem>>, vector<16xf32>,
    tpu.vector_store %arg6[%swap3A_2241], %add3A_2240 {strides = array<i32>} : memref<3840xf32, #tpu.memory_space<vmem>>, vector<16xf32>,
    %mul3A_2243 = arith.constant 0.333333343 : f32
    %mul3A_2244 = vector.broadcast %mul3A_2243 : f32 to vector<16xf32>
    %mul3A_2245 = arith.mulf %mul3A_2244, %bitcast3A_2184 : vector<16xf32>
    %mul3A_2246 = arith.constant 0.666666686 : f32
    %mul3A_2247 = vector.broadcast %mul3A_2246 : f32 to vector<16xf32>
    %mul3A_2248 = arith.mulf %mul3A_2247, %bitcast3A_2218 : vector<16xf32>
    %add3A_2249 = arith.addf %mul3A_2245, %mul3A_2248 : vector<16xf32>
    %swap3A_2250 = arith.constant 2784 : index
    %swap3A_2251 = tpu.vector_load %arg6[%swap3A_2250] {strides = array<i32>} : memref<3840xf32, #tpu.memory_space<vmem>>, vector<16xf32>,
    tpu.vector_store %arg6[%swap3A_2250], %add3A_2249 {strides = array<i32>} : memref<3840xf32, #tpu.memory_space<vmem>>, vector<16xf32>,
    %mul3A_2252 = arith.constant 0.666666686 : f32
    %mul3A_2253 = vector.broadcast %mul3A_2252 : f32 to vector<16xf32>
    %mul3A_2254 = arith.mulf %mul3A_2253, %bitcast3A_2166 : vector<16xf32>
    %mul3A_2255 = arith.constant 0.333333343 : f32
    %mul3A_2256 = vector.broadcast %mul3A_2255 : f32 to vector<16xf32>
    %mul3A_2257 = arith.mulf %mul3A_2256, %bitcast3A_2200 : vector<16xf32>
    %add3A_2258 = arith.addf %mul3A_2254, %mul3A_2257 : vector<16xf32>
    %swap3A_2259 = arith.constant 352 : index
    %swap3A_2260 = tpu.vector_load %arg6[%swap3A_2259] {strides = array<i32>} : memref<3840xf32, #tpu.memory_space<vmem>>, vector<16xf32>,
    tpu.vector_store %arg6[%swap3A_2259], %add3A_2258 {strides = array<i32>} : memref<3840xf32, #tpu.memory_space<vmem>>, vector<16xf32>,
    %mul3A_2261 = arith.constant 0.666666686 : f32
    %mul3A_2262 = vector.broadcast %mul3A_2261 : f32 to vector<16xf32>
    %mul3A_2263 = arith.mulf %mul3A_2262, %bitcast3A_2175 : vector<16xf32>
    %mul3A_2264 = arith.constant 0.333333343 : f32
    %mul3A_2265 = vector.broadcast %mul3A_2264 : f32 to vector<16xf32>
    %mul3A_2266 = arith.mulf %mul3A_2265, %bitcast3A_2209 : vector<16xf32>
    %add3A_2267 = arith.addf %mul3A_2263, %mul3A_2266 : vector<16xf32>
    %swap3A_2268 = arith.constant 1632 : index
    %swap3A_2269 = tpu.vector_load %arg6[%swap3A_2268] {strides = array<i32>} : memref<3840xf32, #tpu.memory_space<vmem>>, vector<16xf32>,
    tpu.vector_store %arg6[%swap3A_2268], %add3A_2267 {strides = array<i32>} : memref<3840xf32, #tpu.memory_space<vmem>>, vector<16xf32>,
    %mul3A_2270 = arith.constant 0.666666686 : f32
    %mul3A_2271 = vector.broadcast %mul3A_2270 : f32 to vector<16xf32>
    %mul3A_2272 = arith.mulf %mul3A_2271, %bitcast3A_2184 : vector<16xf32>
    %mul3A_2273 = arith.constant 0.333333343 : f32
    %mul3A_2274 = vector.broadcast %mul3A_2273 : f32 to vector<16xf32>
    %mul3A_2275 = arith.mulf %mul3A_2274, %bitcast3A_2218 : vector<16xf32>
    %add3A_2276 = arith.addf %mul3A_2272, %mul3A_2275 : vector<16xf32>
    %swap3A_2277 = arith.constant 2912 : index
    %swap3A_2278 = tpu.vector_load %arg6[%swap3A_2277] {strides = array<i32>} : memref<3840xf32, #tpu.memory_space<vmem>>, vector<16xf32>,
    tpu.vector_store %arg6[%swap3A_2277], %add3A_2276 {strides = array<i32>} : memref<3840xf32, #tpu.memory_space<vmem>>, vector<16xf32>,
    %swap3A_2279 = arith.constant 480 : index
    %swap3A_2280 = tpu.vector_load %arg6[%swap3A_2279] {strides = array<i32>} : memref<3840xf32, #tpu.memory_space<vmem>>, vector<16xf32>,
    tpu.vector_store %arg6[%swap3A_2279], %bitcast3A_2166 {strides = array<i32>} : memref<3840xf32, #tpu.memory_space<vmem>>, vector<16xf32>,
    %swap3A_2281 = arith.constant 1760 : index
    %swap3A_2282 = tpu.vector_load %arg6[%swap3A_2281] {strides = array<i32>} : memref<3840xf32, #tpu.memory_space<vmem>>, vector<16xf32>,
    tpu.vector_store %arg6[%swap3A_2281], %bitcast3A_2175 {strides = array<i32>} : memref<3840xf32, #tpu.memory_space<vmem>>, vector<16xf32>,
    %swap3A_2283 = arith.constant 3040 : index
    %swap3A_2284 = tpu.vector_load %arg6[%swap3A_2283] {strides = array<i32>} : memref<3840xf32, #tpu.memory_space<vmem>>, vector<16xf32>,
    tpu.vector_store %arg6[%swap3A_2283], %bitcast3A_2184 {strides = array<i32>} : memref<3840xf32, #tpu.memory_space<vmem>>, vector<16xf32>,
    %mul3A_2285 = arith.constant 0.333333343 : f32
    %mul3A_2286 = vector.broadcast %mul3A_2285 : f32 to vector<16xf32>
    %mul3A_2287 = arith.mulf %mul3A_2286, %bitcast3A_2132 : vector<16xf32>
    %mul3A_2288 = arith.constant 0.666666686 : f32
    %mul3A_2289 = vector.broadcast %mul3A_2288 : f32 to vector<16xf32>
    %mul3A_2290 = arith.mulf %mul3A_2289, %bitcast3A_2200 : vector<16xf32>
    %add3A_2291 = arith.addf %mul3A_2287, %mul3A_2290 : vector<16xf32>
    %swap3A_2292 = arith.constant 608 : index
    %swap3A_2293 = tpu.vector_load %arg6[%swap3A_2292] {strides = array<i32>} : memref<3840xf32, #tpu.memory_space<vmem>>, vector<16xf32>,
    tpu.vector_store %arg6[%swap3A_2292], %add3A_2291 {strides = array<i32>} : memref<3840xf32, #tpu.memory_space<vmem>>, vector<16xf32>,
    %mul3A_2294 = arith.constant 0.333333343 : f32
    %mul3A_2295 = vector.broadcast %mul3A_2294 : f32 to vector<16xf32>
    %mul3A_2296 = arith.mulf %mul3A_2295, %bitcast3A_2141 : vector<16xf32>
    %mul3A_2297 = arith.constant 0.666666686 : f32
    %mul3A_2298 = vector.broadcast %mul3A_2297 : f32 to vector<16xf32>
    %mul3A_2299 = arith.mulf %mul3A_2298, %bitcast3A_2209 : vector<16xf32>
    %add3A_2300 = arith.addf %mul3A_2296, %mul3A_2299 : vector<16xf32>
    %swap3A_2301 = arith.constant 1888 : index
    %swap3A_2302 = tpu.vector_load %arg6[%swap3A_2301] {strides = array<i32>} : memref<3840xf32, #tpu.memory_space<vmem>>, vector<16xf32>,
    tpu.vector_store %arg6[%swap3A_2301], %add3A_2300 {strides = array<i32>} : memref<3840xf32, #tpu.memory_space<vmem>>, vector<16xf32>,
    %mul3A_2303 = arith.constant 0.333333343 : f32
    %mul3A_2304 = vector.broadcast %mul3A_2303 : f32 to vector<16xf32>
    %mul3A_2305 = arith.mulf %mul3A_2304, %bitcast3A_2150 : vector<16xf32>
    %mul3A_2306 = arith.constant 0.666666686 : f32
    %mul3A_2307 = vector.broadcast %mul3A_2306 : f32 to vector<16xf32>
    %mul3A_2308 = arith.mulf %mul3A_2307, %bitcast3A_2218 : vector<16xf32>
    %add3A_2309 = arith.addf %mul3A_2305, %mul3A_2308 : vector<16xf32>
    %swap3A_2310 = arith.constant 3168 : index
    %swap3A_2311 = tpu.vector_load %arg6[%swap3A_2310] {strides = array<i32>} : memref<3840xf32, #tpu.memory_space<vmem>>, vector<16xf32>,
    tpu.vector_store %arg6[%swap3A_2310], %add3A_2309 {strides = array<i32>} : memref<3840xf32, #tpu.memory_space<vmem>>, vector<16xf32>,
    %mul3A_2312 = arith.constant 0.333333343 : f32
    %mul3A_2313 = vector.broadcast %mul3A_2312 : f32 to vector<16xf32>
    %mul3A_2314 = arith.mulf %mul3A_2313, %bitcast3A_2132 : vector<16xf32>
    %mul3A_2315 = arith.constant 0.333333343 : f32
    %mul3A_2316 = vector.broadcast %mul3A_2315 : f32 to vector<16xf32>
    %mul3A_2317 = arith.mulf %mul3A_2316, %bitcast3A_2166 : vector<16xf32>
    %add3A_2318 = arith.addf %mul3A_2314, %mul3A_2317 : vector<16xf32>
    %mul3A_2319 = arith.constant 0.333333343 : f32
    %mul3A_2320 = vector.broadcast %mul3A_2319 : f32 to vector<16xf32>
    %mul3A_2321 = arith.mulf %mul3A_2320, %bitcast3A_2200 : vector<16xf32>
    %add3A_2322 = arith.addf %add3A_2318, %mul3A_2321 : vector<16xf32>
    %swap3A_2323 = arith.constant 736 : index
    %swap3A_2324 = tpu.vector_load %arg6[%swap3A_2323] {strides = array<i32>} : memref<3840xf32, #tpu.memory_space<vmem>>, vector<16xf32>,
    tpu.vector_store %arg6[%swap3A_2323], %add3A_2322 {strides = array<i32>} : memref<3840xf32, #tpu.memory_space<vmem>>, vector<16xf32>,
    %mul3A_2325 = arith.constant 0.333333343 : f32
    %mul3A_2326 = vector.broadcast %mul3A_2325 : f32 to vector<16xf32>
    %mul3A_2327 = arith.mulf %mul3A_2326, %bitcast3A_2141 : vector<16xf32>
    %mul3A_2328 = arith.constant 0.333333343 : f32
    %mul3A_2329 = vector.broadcast %mul3A_2328 : f32 to vector<16xf32>
    %mul3A_2330 = arith.mulf %mul3A_2329, %bitcast3A_2175 : vector<16xf32>
    %add3A_2331 = arith.addf %mul3A_2327, %mul3A_2330 : vector<16xf32>
    %mul3A_2332 = arith.constant 0.333333343 : f32
    %mul3A_2333 = vector.broadcast %mul3A_2332 : f32 to vector<16xf32>
    %mul3A_2334 = arith.mulf %mul3A_2333, %bitcast3A_2209 : vector<16xf32>
    %add3A_2335 = arith.addf %add3A_2331, %mul3A_2334 : vector<16xf32>
    %swap3A_2336 = arith.constant 2016 : index
    %swap3A_2337 = tpu.vector_load %arg6[%swap3A_2336] {strides = array<i32>} : memref<3840xf32, #tpu.memory_space<vmem>>, vector<16xf32>,
    tpu.vector_store %arg6[%swap3A_2336], %add3A_2335 {strides = array<i32>} : memref<3840xf32, #tpu.memory_space<vmem>>, vector<16xf32>,
    %mul3A_2338 = arith.constant 0.333333343 : f32
    %mul3A_2339 = vector.broadcast %mul3A_2338 : f32 to vector<16xf32>
    %mul3A_2340 = arith.mulf %mul3A_2339, %bitcast3A_2150 : vector<16xf32>
    %mul3A_2341 = arith.constant 0.333333343 : f32
    %mul3A_2342 = vector.broadcast %mul3A_2341 : f32 to vector<16xf32>
    %mul3A_2343 = arith.mulf %mul3A_2342, %bitcast3A_2184 : vector<16xf32>
    %add3A_2344 = arith.addf %mul3A_2340, %mul3A_2343 : vector<16xf32>
    %mul3A_2345 = arith.constant 0.333333343 : f32
    %mul3A_2346 = vector.broadcast %mul3A_2345 : f32 to vector<16xf32>
    %mul3A_2347 = arith.mulf %mul3A_2346, %bitcast3A_2218 : vector<16xf32>
    %add3A_2348 = arith.addf %add3A_2344, %mul3A_2347 : vector<16xf32>
    %swap3A_2349 = arith.constant 3296 : index
    %swap3A_2350 = tpu.vector_load %arg6[%swap3A_2349] {strides = array<i32>} : memref<3840xf32, #tpu.memory_space<vmem>>, vector<16xf32>,
    tpu.vector_store %arg6[%swap3A_2349], %add3A_2348 {strides = array<i32>} : memref<3840xf32, #tpu.memory_space<vmem>>, vector<16xf32>,
    %mul3A_2351 = arith.constant 0.333333343 : f32
    %mul3A_2352 = vector.broadcast %mul3A_2351 : f32 to vector<16xf32>
    %mul3A_2353 = arith.mulf %mul3A_2352, %bitcast3A_2132 : vector<16xf32>
    %mul3A_2354 = arith.constant 0.666666686 : f32
    %mul3A_2355 = vector.broadcast %mul3A_2354 : f32 to vector<16xf32>
    %mul3A_2356 = arith.mulf %mul3A_2355, %bitcast3A_2166 : vector<16xf32>
    %add3A_2357 = arith.addf %mul3A_2353, %mul3A_2356 : vector<16xf32>
    %mul3A_2358 = arith.constant 1.11022302E-16 : f32
    %mul3A_2359 = vector.broadcast %mul3A_2358 : f32 to vector<16xf32>
    %mul3A_2360 = arith.mulf %mul3A_2359, %bitcast3A_2200 : vector<16xf32>
    %add3A_2361 = arith.addf %add3A_2357, %mul3A_2360 : vector<16xf32>
    %swap3A_2362 = arith.constant 864 : index
    %swap3A_2363 = tpu.vector_load %arg6[%swap3A_2362] {strides = array<i32>} : memref<3840xf32, #tpu.memory_space<vmem>>, vector<16xf32>,
    tpu.vector_store %arg6[%swap3A_2362], %add3A_2361 {strides = array<i32>} : memref<3840xf32, #tpu.memory_space<vmem>>, vector<16xf32>,
    %mul3A_2364 = arith.constant 0.333333343 : f32
    %mul3A_2365 = vector.broadcast %mul3A_2364 : f32 to vector<16xf32>
    %mul3A_2366 = arith.mulf %mul3A_2365, %bitcast3A_2141 : vector<16xf32>
    %mul3A_2367 = arith.constant 0.666666686 : f32
    %mul3A_2368 = vector.broadcast %mul3A_2367 : f32 to vector<16xf32>
    %mul3A_2369 = arith.mulf %mul3A_2368, %bitcast3A_2175 : vector<16xf32>
    %add3A_2370 = arith.addf %mul3A_2366, %mul3A_2369 : vector<16xf32>
    %mul3A_2371 = arith.constant 1.11022302E-16 : f32
    %mul3A_2372 = vector.broadcast %mul3A_2371 : f32 to vector<16xf32>
    %mul3A_2373 = arith.mulf %mul3A_2372, %bitcast3A_2209 : vector<16xf32>
    %add3A_2374 = arith.addf %add3A_2370, %mul3A_2373 : vector<16xf32>
    %swap3A_2375 = arith.constant 2144 : index
    %swap3A_2376 = tpu.vector_load %arg6[%swap3A_2375] {strides = array<i32>} : memref<3840xf32, #tpu.memory_space<vmem>>, vector<16xf32>,
    tpu.vector_store %arg6[%swap3A_2375], %add3A_2374 {strides = array<i32>} : memref<3840xf32, #tpu.memory_space<vmem>>, vector<16xf32>,
    %mul3A_2377 = arith.constant 0.333333343 : f32
    %mul3A_2378 = vector.broadcast %mul3A_2377 : f32 to vector<16xf32>
    %mul3A_2379 = arith.mulf %mul3A_2378, %bitcast3A_2150 : vector<16xf32>
    %mul3A_2380 = arith.constant 0.666666686 : f32
    %mul3A_2381 = vector.broadcast %mul3A_2380 : f32 to vector<16xf32>
    %mul3A_2382 = arith.mulf %mul3A_2381, %bitcast3A_2184 : vector<16xf32>
    %add3A_2383 = arith.addf %mul3A_2379, %mul3A_2382 : vector<16xf32>
    %mul3A_2384 = arith.constant 1.11022302E-16 : f32
    %mul3A_2385 = vector.broadcast %mul3A_2384 : f32 to vector<16xf32>
    %mul3A_2386 = arith.mulf %mul3A_2385, %bitcast3A_2218 : vector<16xf32>
    %add3A_2387 = arith.addf %add3A_2383, %mul3A_2386 : vector<16xf32>
    %swap3A_2388 = arith.constant 3424 : index
    %swap3A_2389 = tpu.vector_load %arg6[%swap3A_2388] {strides = array<i32>} : memref<3840xf32, #tpu.memory_space<vmem>>, vector<16xf32>,
    tpu.vector_store %arg6[%swap3A_2388], %add3A_2387 {strides = array<i32>} : memref<3840xf32, #tpu.memory_space<vmem>>, vector<16xf32>,
    %mul3A_2390 = arith.constant 0.666666686 : f32
    %mul3A_2391 = vector.broadcast %mul3A_2390 : f32 to vector<16xf32>
    %mul3A_2392 = arith.mulf %mul3A_2391, %bitcast3A_2132 : vector<16xf32>
    %mul3A_2393 = arith.constant 0.333333343 : f32
    %mul3A_2394 = vector.broadcast %mul3A_2393 : f32 to vector<16xf32>
    %mul3A_2395 = arith.mulf %mul3A_2394, %bitcast3A_2200 : vector<16xf32>
    %add3A_2396 = arith.addf %mul3A_2392, %mul3A_2395 : vector<16xf32>
    %swap3A_2397 = arith.constant 992 : index
    %swap3A_2398 = tpu.vector_load %arg6[%swap3A_2397] {strides = array<i32>} : memref<3840xf32, #tpu.memory_space<vmem>>, vector<16xf32>,
    tpu.vector_store %arg6[%swap3A_2397], %add3A_2396 {strides = array<i32>} : memref<3840xf32, #tpu.memory_space<vmem>>, vector<16xf32>,
    %mul3A_2399 = arith.constant 0.666666686 : f32
    %mul3A_2400 = vector.broadcast %mul3A_2399 : f32 to vector<16xf32>
    %mul3A_2401 = arith.mulf %mul3A_2400, %bitcast3A_2141 : vector<16xf32>
    %mul3A_2402 = arith.constant 0.333333343 : f32
    %mul3A_2403 = vector.broadcast %mul3A_2402 : f32 to vector<16xf32>
    %mul3A_2404 = arith.mulf %mul3A_2403, %bitcast3A_2209 : vector<16xf32>
    %add3A_2405 = arith.addf %mul3A_2401, %mul3A_2404 : vector<16xf32>
    %swap3A_2406 = arith.constant 2272 : index
    %swap3A_2407 = tpu.vector_load %arg6[%swap3A_2406] {strides = array<i32>} : memref<3840xf32, #tpu.memory_space<vmem>>, vector<16xf32>,
    tpu.vector_store %arg6[%swap3A_2406], %add3A_2405 {strides = array<i32>} : memref<3840xf32, #tpu.memory_space<vmem>>, vector<16xf32>,
    %mul3A_2408 = arith.constant 0.666666686 : f32
    %mul3A_2409 = vector.broadcast %mul3A_2408 : f32 to vector<16xf32>
    %mul3A_2410 = arith.mulf %mul3A_2409, %bitcast3A_2150 : vector<16xf32>
    %mul3A_2411 = arith.constant 0.333333343 : f32
    %mul3A_2412 = vector.broadcast %mul3A_2411 : f32 to vector<16xf32>
    %mul3A_2413 = arith.mulf %mul3A_2412, %bitcast3A_2218 : vector<16xf32>
    %add3A_2414 = arith.addf %mul3A_2410, %mul3A_2413 : vector<16xf32>
    %swap3A_2415 = arith.constant 3552 : index
    %swap3A_2416 = tpu.vector_load %arg6[%swap3A_2415] {strides = array<i32>} : memref<3840xf32, #tpu.memory_space<vmem>>, vector<16xf32>,
    tpu.vector_store %arg6[%swap3A_2415], %add3A_2414 {strides = array<i32>} : memref<3840xf32, #tpu.memory_space<vmem>>, vector<16xf32>,
    %mul3A_2417 = arith.constant 0.666666686 : f32
    %mul3A_2418 = vector.broadcast %mul3A_2417 : f32 to vector<16xf32>
    %mul3A_2419 = arith.mulf %mul3A_2418, %bitcast3A_2132 : vector<16xf32>
    %mul3A_2420 = arith.constant 0.333333343 : f32
    %mul3A_2421 = vector.broadcast %mul3A_2420 : f32 to vector<16xf32>
    %mul3A_2422 = arith.mulf %mul3A_2421, %bitcast3A_2166 : vector<16xf32>
    %add3A_2423 = arith.addf %mul3A_2419, %mul3A_2422 : vector<16xf32>
    %mul3A_2424 = arith.constant 5.55111512E-17 : f32
    %mul3A_2425 = vector.broadcast %mul3A_2424 : f32 to vector<16xf32>
    %mul3A_2426 = arith.mulf %mul3A_2425, %bitcast3A_2200 : vector<16xf32>
    %add3A_2427 = arith.addf %add3A_2423, %mul3A_2426 : vector<16xf32>
    %swap3A_2428 = arith.constant 1120 : index
    %swap3A_2429 = tpu.vector_load %arg6[%swap3A_2428] {strides = array<i32>} : memref<3840xf32, #tpu.memory_space<vmem>>, vector<16xf32>,
    tpu.vector_store %arg6[%swap3A_2428], %add3A_2427 {strides = array<i32>} : memref<3840xf32, #tpu.memory_space<vmem>>, vector<16xf32>,
    %mul3A_2430 = arith.constant 0.666666686 : f32
    %mul3A_2431 = vector.broadcast %mul3A_2430 : f32 to vector<16xf32>
    %mul3A_2432 = arith.mulf %mul3A_2431, %bitcast3A_2141 : vector<16xf32>
    %mul3A_2433 = arith.constant 0.333333343 : f32
    %mul3A_2434 = vector.broadcast %mul3A_2433 : f32 to vector<16xf32>
    %mul3A_2435 = arith.mulf %mul3A_2434, %bitcast3A_2175 : vector<16xf32>
    %add3A_2436 = arith.addf %mul3A_2432, %mul3A_2435 : vector<16xf32>
    %mul3A_2437 = arith.constant 5.55111512E-17 : f32
    %mul3A_2438 = vector.broadcast %mul3A_2437 : f32 to vector<16xf32>
    %mul3A_2439 = arith.mulf %mul3A_2438, %bitcast3A_2209 : vector<16xf32>
    %add3A_2440 = arith.addf %add3A_2436, %mul3A_2439 : vector<16xf32>
    %swap3A_2441 = arith.constant 2400 : index
    %swap3A_2442 = tpu.vector_load %arg6[%swap3A_2441] {strides = array<i32>} : memref<3840xf32, #tpu.memory_space<vmem>>, vector<16xf32>,
    tpu.vector_store %arg6[%swap3A_2441], %add3A_2440 {strides = array<i32>} : memref<3840xf32, #tpu.memory_space<vmem>>, vector<16xf32>,
    %mul3A_2443 = arith.constant 0.666666686 : f32
    %mul3A_2444 = vector.broadcast %mul3A_2443 : f32 to vector<16xf32>
    %mul3A_2445 = arith.mulf %mul3A_2444, %bitcast3A_2150 : vector<16xf32>
    %mul3A_2446 = arith.constant 0.333333343 : f32
    %mul3A_2447 = vector.broadcast %mul3A_2446 : f32 to vector<16xf32>
    %mul3A_2448 = arith.mulf %mul3A_2447, %bitcast3A_2184 : vector<16xf32>
    %add3A_2449 = arith.addf %mul3A_2445, %mul3A_2448 : vector<16xf32>
    %mul3A_2450 = arith.constant 5.55111512E-17 : f32
    %mul3A_2451 = vector.broadcast %mul3A_2450 : f32 to vector<16xf32>
    %mul3A_2452 = arith.mulf %mul3A_2451, %bitcast3A_2218 : vector<16xf32>
    %add3A_2453 = arith.addf %add3A_2449, %mul3A_2452 : vector<16xf32>
    %swap3A_2454 = arith.constant 3680 : index
    %swap3A_2455 = tpu.vector_load %arg6[%swap3A_2454] {strides = array<i32>} : memref<3840xf32, #tpu.memory_space<vmem>>, vector<16xf32>,
    tpu.vector_store %arg6[%swap3A_2454], %add3A_2453 {strides = array<i32>} : memref<3840xf32, #tpu.memory_space<vmem>>, vector<16xf32>,
    %swap3A_2456 = arith.constant 1248 : index
    %swap3A_2457 = tpu.vector_load %arg6[%swap3A_2456] {strides = array<i32>} : memref<3840xf32, #tpu.memory_space<vmem>>, vector<16xf32>,
    tpu.vector_store %arg6[%swap3A_2456], %bitcast3A_2132 {strides = array<i32>} : memref<3840xf32, #tpu.memory_space<vmem>>, vector<16xf32>,
    %swap3A_2458 = arith.constant 2528 : index
    %swap3A_2459 = tpu.vector_load %arg6[%swap3A_2458] {strides = array<i32>} : memref<3840xf32, #tpu.memory_space<vmem>>, vector<16xf32>,
    tpu.vector_store %arg6[%swap3A_2458], %bitcast3A_2141 {strides = array<i32>} : memref<3840xf32, #tpu.memory_space<vmem>>, vector<16xf32>,
    %swap3A_2460 = arith.constant 3808 : index
    %swap3A_2461 = tpu.vector_load %arg6[%swap3A_2460] {strides = array<i32>} : memref<3840xf32, #tpu.memory_space<vmem>>, vector<16xf32>,
    tpu.vector_store %arg6[%swap3A_2460], %bitcast3A_2150 {strides = array<i32>} : memref<3840xf32, #tpu.memory_space<vmem>>, vector<16xf32>,
    %mul3A_2462 = arith.constant 3 : i32
    %mul3A_2463 = vector.broadcast %mul3A_2462 : i32 to vector<16xi32>
    %mul3A_2464 = arith.muli %iota3A, %mul3A_2463 : vector<16xi32>
    %add3A_2465 = arith.constant 336 : i32
    %add3A_2466 = vector.broadcast %add3A_2465 : i32 to vector<16xi32>
    %add3A_2467 = arith.addi %mul3A_2464, %add3A_2466 : vector<16xi32>
    %gather3A_2468 = tpu.vector_load_idx %arg5[%add3A_2467] : memref<384xi32, #tpu.memory_space<vmem>>[vector<16xi32>], vector<16xi32>,
    %mul3A_2469 = arith.constant 3 : i32
    %mul3A_2470 = vector.broadcast %mul3A_2469 : i32 to vector<16xi32>
    %mul3A_2471 = arith.muli %gather3A_2468, %mul3A_2470 : vector<16xi32>
    %add3A_2472 = arith.constant 0 : i32
    %add3A_2473 = arith.addi %mul3A_49, %add3A_2472 : i32
    %add3A_2474 = vector.broadcast %add3A_2473 : i32 to vector<16xi32>
    %add3A_2475 = arith.addi %mul3A_2471, %add3A_2474 : vector<16xi32>
    %gather3A_2476 = tpu.vector_load_idx %arg4[%add3A_2475] : memref<3856xi32, #tpu.memory_space<vmem>>[vector<16xi32>], vector<16xi32>,
    %bitcast3A_2477 = vector.bitcast %gather3A_2476 : vector<16xi32> to vector<16xf32>
    %mul3A_2478 = arith.constant 3 : i32
    %mul3A_2479 = vector.broadcast %mul3A_2478 : i32 to vector<16xi32>
    %mul3A_2480 = arith.muli %gather3A_2468, %mul3A_2479 : vector<16xi32>
    %add3A_2481 = arith.constant 1 : i32
    %add3A_2482 = arith.addi %mul3A_49, %add3A_2481 : i32
    %add3A_2483 = vector.broadcast %add3A_2482 : i32 to vector<16xi32>
    %add3A_2484 = arith.addi %mul3A_2480, %add3A_2483 : vector<16xi32>
    %gather3A_2485 = tpu.vector_load_idx %arg4[%add3A_2484] : memref<3856xi32, #tpu.memory_space<vmem>>[vector<16xi32>], vector<16xi32>,
    %bitcast3A_2486 = vector.bitcast %gather3A_2485 : vector<16xi32> to vector<16xf32>
    %mul3A_2487 = arith.constant 3 : i32
    %mul3A_2488 = vector.broadcast %mul3A_2487 : i32 to vector<16xi32>
    %mul3A_2489 = arith.muli %gather3A_2468, %mul3A_2488 : vector<16xi32>
    %add3A_2490 = arith.constant 2 : i32
    %add3A_2491 = arith.addi %mul3A_49, %add3A_2490 : i32
    %add3A_2492 = vector.broadcast %add3A_2491 : i32 to vector<16xi32>
    %add3A_2493 = arith.addi %mul3A_2489, %add3A_2492 : vector<16xi32>
    %gather3A_2494 = tpu.vector_load_idx %arg4[%add3A_2493] : memref<3856xi32, #tpu.memory_space<vmem>>[vector<16xi32>], vector<16xi32>,
    %bitcast3A_2495 = vector.bitcast %gather3A_2494 : vector<16xi32> to vector<16xf32>
    %mul3A_2496 = arith.constant 3 : i32
    %mul3A_2497 = vector.broadcast %mul3A_2496 : i32 to vector<16xi32>
    %mul3A_2498 = arith.muli %iota3A, %mul3A_2497 : vector<16xi32>
    %add3A_2499 = arith.constant 337 : i32
    %add3A_2500 = vector.broadcast %add3A_2499 : i32 to vector<16xi32>
    %add3A_2501 = arith.addi %mul3A_2498, %add3A_2500 : vector<16xi32>
    %gather3A_2502 = tpu.vector_load_idx %arg5[%add3A_2501] : memref<384xi32, #tpu.memory_space<vmem>>[vector<16xi32>], vector<16xi32>,
    %mul3A_2503 = arith.constant 3 : i32
    %mul3A_2504 = vector.broadcast %mul3A_2503 : i32 to vector<16xi32>
    %mul3A_2505 = arith.muli %gather3A_2502, %mul3A_2504 : vector<16xi32>
    %add3A_2506 = arith.constant 0 : i32
    %add3A_2507 = arith.addi %mul3A_49, %add3A_2506 : i32
    %add3A_2508 = vector.broadcast %add3A_2507 : i32 to vector<16xi32>
    %add3A_2509 = arith.addi %mul3A_2505, %add3A_2508 : vector<16xi32>
    %gather3A_2510 = tpu.vector_load_idx %arg4[%add3A_2509] : memref<3856xi32, #tpu.memory_space<vmem>>[vector<16xi32>], vector<16xi32>,
    %bitcast3A_2511 = vector.bitcast %gather3A_2510 : vector<16xi32> to vector<16xf32>
    %mul3A_2512 = arith.constant 3 : i32
    %mul3A_2513 = vector.broadcast %mul3A_2512 : i32 to vector<16xi32>
    %mul3A_2514 = arith.muli %gather3A_2502, %mul3A_2513 : vector<16xi32>
    %add3A_2515 = arith.constant 1 : i32
    %add3A_2516 = arith.addi %mul3A_49, %add3A_2515 : i32
    %add3A_2517 = vector.broadcast %add3A_2516 : i32 to vector<16xi32>
    %add3A_2518 = arith.addi %mul3A_2514, %add3A_2517 : vector<16xi32>
    %gather3A_2519 = tpu.vector_load_idx %arg4[%add3A_2518] : memref<3856xi32, #tpu.memory_space<vmem>>[vector<16xi32>], vector<16xi32>,
    %bitcast3A_2520 = vector.bitcast %gather3A_2519 : vector<16xi32> to vector<16xf32>
    %mul3A_2521 = arith.constant 3 : i32
    %mul3A_2522 = vector.broadcast %mul3A_2521 : i32 to vector<16xi32>
    %mul3A_2523 = arith.muli %gather3A_2502, %mul3A_2522 : vector<16xi32>
    %add3A_2524 = arith.constant 2 : i32
    %add3A_2525 = arith.addi %mul3A_49, %add3A_2524 : i32
    %add3A_2526 = vector.broadcast %add3A_2525 : i32 to vector<16xi32>
    %add3A_2527 = arith.addi %mul3A_2523, %add3A_2526 : vector<16xi32>
    %gather3A_2528 = tpu.vector_load_idx %arg4[%add3A_2527] : memref<3856xi32, #tpu.memory_space<vmem>>[vector<16xi32>], vector<16xi32>,
    %bitcast3A_2529 = vector.bitcast %gather3A_2528 : vector<16xi32> to vector<16xf32>
    %mul3A_2530 = arith.constant 3 : i32
    %mul3A_2531 = vector.broadcast %mul3A_2530 : i32 to vector<16xi32>
    %mul3A_2532 = arith.muli %iota3A, %mul3A_2531 : vector<16xi32>
    %add3A_2533 = arith.constant 338 : i32
    %add3A_2534 = vector.broadcast %add3A_2533 : i32 to vector<16xi32>
    %add3A_2535 = arith.addi %mul3A_2532, %add3A_2534 : vector<16xi32>
    %gather3A_2536 = tpu.vector_load_idx %arg5[%add3A_2535] : memref<384xi32, #tpu.memory_space<vmem>>[vector<16xi32>], vector<16xi32>,
    %mul3A_2537 = arith.constant 3 : i32
    %mul3A_2538 = vector.broadcast %mul3A_2537 : i32 to vector<16xi32>
    %mul3A_2539 = arith.muli %gather3A_2536, %mul3A_2538 : vector<16xi32>
    %add3A_2540 = arith.constant 0 : i32
    %add3A_2541 = arith.addi %mul3A_49, %add3A_2540 : i32
    %add3A_2542 = vector.broadcast %add3A_2541 : i32 to vector<16xi32>
    %add3A_2543 = arith.addi %mul3A_2539, %add3A_2542 : vector<16xi32>
    %gather3A_2544 = tpu.vector_load_idx %arg4[%add3A_2543] : memref<3856xi32, #tpu.memory_space<vmem>>[vector<16xi32>], vector<16xi32>,
    %bitcast3A_2545 = vector.bitcast %gather3A_2544 : vector<16xi32> to vector<16xf32>
    %mul3A_2546 = arith.constant 3 : i32
    %mul3A_2547 = vector.broadcast %mul3A_2546 : i32 to vector<16xi32>
    %mul3A_2548 = arith.muli %gather3A_2536, %mul3A_2547 : vector<16xi32>
    %add3A_2549 = arith.constant 1 : i32
    %add3A_2550 = arith.addi %mul3A_49, %add3A_2549 : i32
    %add3A_2551 = vector.broadcast %add3A_2550 : i32 to vector<16xi32>
    %add3A_2552 = arith.addi %mul3A_2548, %add3A_2551 : vector<16xi32>
    %gather3A_2553 = tpu.vector_load_idx %arg4[%add3A_2552] : memref<3856xi32, #tpu.memory_space<vmem>>[vector<16xi32>], vector<16xi32>,
    %bitcast3A_2554 = vector.bitcast %gather3A_2553 : vector<16xi32> to vector<16xf32>
    %mul3A_2555 = arith.constant 3 : i32
    %mul3A_2556 = vector.broadcast %mul3A_2555 : i32 to vector<16xi32>
    %mul3A_2557 = arith.muli %gather3A_2536, %mul3A_2556 : vector<16xi32>
    %add3A_2558 = arith.constant 2 : i32
    %add3A_2559 = arith.addi %mul3A_49, %add3A_2558 : i32
    %add3A_2560 = vector.broadcast %add3A_2559 : i32 to vector<16xi32>
    %add3A_2561 = arith.addi %mul3A_2557, %add3A_2560 : vector<16xi32>
    %gather3A_2562 = tpu.vector_load_idx %arg4[%add3A_2561] : memref<3856xi32, #tpu.memory_space<vmem>>[vector<16xi32>], vector<16xi32>,
    %bitcast3A_2563 = vector.bitcast %gather3A_2562 : vector<16xi32> to vector<16xf32>
    %swap3A_2564 = arith.constant 112 : index
    %swap3A_2565 = tpu.vector_load %arg6[%swap3A_2564] {strides = array<i32>} : memref<3840xf32, #tpu.memory_space<vmem>>, vector<16xf32>,
    tpu.vector_store %arg6[%swap3A_2564], %bitcast3A_2545 {strides = array<i32>} : memref<3840xf32, #tpu.memory_space<vmem>>, vector<16xf32>,
    %swap3A_2566 = arith.constant 1392 : index
    %swap3A_2567 = tpu.vector_load %arg6[%swap3A_2566] {strides = array<i32>} : memref<3840xf32, #tpu.memory_space<vmem>>, vector<16xf32>,
    tpu.vector_store %arg6[%swap3A_2566], %bitcast3A_2554 {strides = array<i32>} : memref<3840xf32, #tpu.memory_space<vmem>>, vector<16xf32>,
    %swap3A_2568 = arith.constant 2672 : index
    %swap3A_2569 = tpu.vector_load %arg6[%swap3A_2568] {strides = array<i32>} : memref<3840xf32, #tpu.memory_space<vmem>>, vector<16xf32>,
    tpu.vector_store %arg6[%swap3A_2568], %bitcast3A_2563 {strides = array<i32>} : memref<3840xf32, #tpu.memory_space<vmem>>, vector<16xf32>,
    %mul3A_2570 = arith.constant 0.333333343 : f32
    %mul3A_2571 = vector.broadcast %mul3A_2570 : f32 to vector<16xf32>
    %mul3A_2572 = arith.mulf %mul3A_2571, %bitcast3A_2511 : vector<16xf32>
    %mul3A_2573 = arith.constant 0.666666686 : f32
    %mul3A_2574 = vector.broadcast %mul3A_2573 : f32 to vector<16xf32>
    %mul3A_2575 = arith.mulf %mul3A_2574, %bitcast3A_2545 : vector<16xf32>
    %add3A_2576 = arith.addf %mul3A_2572, %mul3A_2575 : vector<16xf32>
    %swap3A_2577 = arith.constant 240 : index
    %swap3A_2578 = tpu.vector_load %arg6[%swap3A_2577] {strides = array<i32>} : memref<3840xf32, #tpu.memory_space<vmem>>, vector<16xf32>,
    tpu.vector_store %arg6[%swap3A_2577], %add3A_2576 {strides = array<i32>} : memref<3840xf32, #tpu.memory_space<vmem>>, vector<16xf32>,
    %mul3A_2579 = arith.constant 0.333333343 : f32
    %mul3A_2580 = vector.broadcast %mul3A_2579 : f32 to vector<16xf32>
    %mul3A_2581 = arith.mulf %mul3A_2580, %bitcast3A_2520 : vector<16xf32>
    %mul3A_2582 = arith.constant 0.666666686 : f32
    %mul3A_2583 = vector.broadcast %mul3A_2582 : f32 to vector<16xf32>
    %mul3A_2584 = arith.mulf %mul3A_2583, %bitcast3A_2554 : vector<16xf32>
    %add3A_2585 = arith.addf %mul3A_2581, %mul3A_2584 : vector<16xf32>
    %swap3A_2586 = arith.constant 1520 : index
    %swap3A_2587 = tpu.vector_load %arg6[%swap3A_2586] {strides = array<i32>} : memref<3840xf32, #tpu.memory_space<vmem>>, vector<16xf32>,
    tpu.vector_store %arg6[%swap3A_2586], %add3A_2585 {strides = array<i32>} : memref<3840xf32, #tpu.memory_space<vmem>>, vector<16xf32>,
    %mul3A_2588 = arith.constant 0.333333343 : f32
    %mul3A_2589 = vector.broadcast %mul3A_2588 : f32 to vector<16xf32>
    %mul3A_2590 = arith.mulf %mul3A_2589, %bitcast3A_2529 : vector<16xf32>
    %mul3A_2591 = arith.constant 0.666666686 : f32
    %mul3A_2592 = vector.broadcast %mul3A_2591 : f32 to vector<16xf32>
    %mul3A_2593 = arith.mulf %mul3A_2592, %bitcast3A_2563 : vector<16xf32>
    %add3A_2594 = arith.addf %mul3A_2590, %mul3A_2593 : vector<16xf32>
    %swap3A_2595 = arith.constant 2800 : index
    %swap3A_2596 = tpu.vector_load %arg6[%swap3A_2595] {strides = array<i32>} : memref<3840xf32, #tpu.memory_space<vmem>>, vector<16xf32>,
    tpu.vector_store %arg6[%swap3A_2595], %add3A_2594 {strides = array<i32>} : memref<3840xf32, #tpu.memory_space<vmem>>, vector<16xf32>,
    %mul3A_2597 = arith.constant 0.666666686 : f32
    %mul3A_2598 = vector.broadcast %mul3A_2597 : f32 to vector<16xf32>
    %mul3A_2599 = arith.mulf %mul3A_2598, %bitcast3A_2511 : vector<16xf32>
    %mul3A_2600 = arith.constant 0.333333343 : f32
    %mul3A_2601 = vector.broadcast %mul3A_2600 : f32 to vector<16xf32>
    %mul3A_2602 = arith.mulf %mul3A_2601, %bitcast3A_2545 : vector<16xf32>
    %add3A_2603 = arith.addf %mul3A_2599, %mul3A_2602 : vector<16xf32>
    %swap3A_2604 = arith.constant 368 : index
    %swap3A_2605 = tpu.vector_load %arg6[%swap3A_2604] {strides = array<i32>} : memref<3840xf32, #tpu.memory_space<vmem>>, vector<16xf32>,
    tpu.vector_store %arg6[%swap3A_2604], %add3A_2603 {strides = array<i32>} : memref<3840xf32, #tpu.memory_space<vmem>>, vector<16xf32>,
    %mul3A_2606 = arith.constant 0.666666686 : f32
    %mul3A_2607 = vector.broadcast %mul3A_2606 : f32 to vector<16xf32>
    %mul3A_2608 = arith.mulf %mul3A_2607, %bitcast3A_2520 : vector<16xf32>
    %mul3A_2609 = arith.constant 0.333333343 : f32
    %mul3A_2610 = vector.broadcast %mul3A_2609 : f32 to vector<16xf32>
    %mul3A_2611 = arith.mulf %mul3A_2610, %bitcast3A_2554 : vector<16xf32>
    %add3A_2612 = arith.addf %mul3A_2608, %mul3A_2611 : vector<16xf32>
    %swap3A_2613 = arith.constant 1648 : index
    %swap3A_2614 = tpu.vector_load %arg6[%swap3A_2613] {strides = array<i32>} : memref<3840xf32, #tpu.memory_space<vmem>>, vector<16xf32>,
    tpu.vector_store %arg6[%swap3A_2613], %add3A_2612 {strides = array<i32>} : memref<3840xf32, #tpu.memory_space<vmem>>, vector<16xf32>,
    %mul3A_2615 = arith.constant 0.666666686 : f32
    %mul3A_2616 = vector.broadcast %mul3A_2615 : f32 to vector<16xf32>
    %mul3A_2617 = arith.mulf %mul3A_2616, %bitcast3A_2529 : vector<16xf32>
    %mul3A_2618 = arith.constant 0.333333343 : f32
    %mul3A_2619 = vector.broadcast %mul3A_2618 : f32 to vector<16xf32>
    %mul3A_2620 = arith.mulf %mul3A_2619, %bitcast3A_2563 : vector<16xf32>
    %add3A_2621 = arith.addf %mul3A_2617, %mul3A_2620 : vector<16xf32>
    %swap3A_2622 = arith.constant 2928 : index
    %swap3A_2623 = tpu.vector_load %arg6[%swap3A_2622] {strides = array<i32>} : memref<3840xf32, #tpu.memory_space<vmem>>, vector<16xf32>,
    tpu.vector_store %arg6[%swap3A_2622], %add3A_2621 {strides = array<i32>} : memref<3840xf32, #tpu.memory_space<vmem>>, vector<16xf32>,
    %swap3A_2624 = arith.constant 496 : index
    %swap3A_2625 = tpu.vector_load %arg6[%swap3A_2624] {strides = array<i32>} : memref<3840xf32, #tpu.memory_space<vmem>>, vector<16xf32>,
    tpu.vector_store %arg6[%swap3A_2624], %bitcast3A_2511 {strides = array<i32>} : memref<3840xf32, #tpu.memory_space<vmem>>, vector<16xf32>,
    %swap3A_2626 = arith.constant 1776 : index
    %swap3A_2627 = tpu.vector_load %arg6[%swap3A_2626] {strides = array<i32>} : memref<3840xf32, #tpu.memory_space<vmem>>, vector<16xf32>,
    tpu.vector_store %arg6[%swap3A_2626], %bitcast3A_2520 {strides = array<i32>} : memref<3840xf32, #tpu.memory_space<vmem>>, vector<16xf32>,
    %swap3A_2628 = arith.constant 3056 : index
    %swap3A_2629 = tpu.vector_load %arg6[%swap3A_2628] {strides = array<i32>} : memref<3840xf32, #tpu.memory_space<vmem>>, vector<16xf32>,
    tpu.vector_store %arg6[%swap3A_2628], %bitcast3A_2529 {strides = array<i32>} : memref<3840xf32, #tpu.memory_space<vmem>>, vector<16xf32>,
    %mul3A_2630 = arith.constant 0.333333343 : f32
    %mul3A_2631 = vector.broadcast %mul3A_2630 : f32 to vector<16xf32>
    %mul3A_2632 = arith.mulf %mul3A_2631, %bitcast3A_2477 : vector<16xf32>
    %mul3A_2633 = arith.constant 0.666666686 : f32
    %mul3A_2634 = vector.broadcast %mul3A_2633 : f32 to vector<16xf32>
    %mul3A_2635 = arith.mulf %mul3A_2634, %bitcast3A_2545 : vector<16xf32>
    %add3A_2636 = arith.addf %mul3A_2632, %mul3A_2635 : vector<16xf32>
    %swap3A_2637 = arith.constant 624 : index
    %swap3A_2638 = tpu.vector_load %arg6[%swap3A_2637] {strides = array<i32>} : memref<3840xf32, #tpu.memory_space<vmem>>, vector<16xf32>,
    tpu.vector_store %arg6[%swap3A_2637], %add3A_2636 {strides = array<i32>} : memref<3840xf32, #tpu.memory_space<vmem>>, vector<16xf32>,
    %mul3A_2639 = arith.constant 0.333333343 : f32
    %mul3A_2640 = vector.broadcast %mul3A_2639 : f32 to vector<16xf32>
    %mul3A_2641 = arith.mulf %mul3A_2640, %bitcast3A_2486 : vector<16xf32>
    %mul3A_2642 = arith.constant 0.666666686 : f32
    %mul3A_2643 = vector.broadcast %mul3A_2642 : f32 to vector<16xf32>
    %mul3A_2644 = arith.mulf %mul3A_2643, %bitcast3A_2554 : vector<16xf32>
    %add3A_2645 = arith.addf %mul3A_2641, %mul3A_2644 : vector<16xf32>
    %swap3A_2646 = arith.constant 1904 : index
    %swap3A_2647 = tpu.vector_load %arg6[%swap3A_2646] {strides = array<i32>} : memref<3840xf32, #tpu.memory_space<vmem>>, vector<16xf32>,
    tpu.vector_store %arg6[%swap3A_2646], %add3A_2645 {strides = array<i32>} : memref<3840xf32, #tpu.memory_space<vmem>>, vector<16xf32>,
    %mul3A_2648 = arith.constant 0.333333343 : f32
    %mul3A_2649 = vector.broadcast %mul3A_2648 : f32 to vector<16xf32>
    %mul3A_2650 = arith.mulf %mul3A_2649, %bitcast3A_2495 : vector<16xf32>
    %mul3A_2651 = arith.constant 0.666666686 : f32
    %mul3A_2652 = vector.broadcast %mul3A_2651 : f32 to vector<16xf32>
    %mul3A_2653 = arith.mulf %mul3A_2652, %bitcast3A_2563 : vector<16xf32>
    %add3A_2654 = arith.addf %mul3A_2650, %mul3A_2653 : vector<16xf32>
    %swap3A_2655 = arith.constant 3184 : index
    %swap3A_2656 = tpu.vector_load %arg6[%swap3A_2655] {strides = array<i32>} : memref<3840xf32, #tpu.memory_space<vmem>>, vector<16xf32>,
    tpu.vector_store %arg6[%swap3A_2655], %add3A_2654 {strides = array<i32>} : memref<3840xf32, #tpu.memory_space<vmem>>, vector<16xf32>,
    %mul3A_2657 = arith.constant 0.333333343 : f32
    %mul3A_2658 = vector.broadcast %mul3A_2657 : f32 to vector<16xf32>
    %mul3A_2659 = arith.mulf %mul3A_2658, %bitcast3A_2477 : vector<16xf32>
    %mul3A_2660 = arith.constant 0.333333343 : f32
    %mul3A_2661 = vector.broadcast %mul3A_2660 : f32 to vector<16xf32>
    %mul3A_2662 = arith.mulf %mul3A_2661, %bitcast3A_2511 : vector<16xf32>
    %add3A_2663 = arith.addf %mul3A_2659, %mul3A_2662 : vector<16xf32>
    %mul3A_2664 = arith.constant 0.333333343 : f32
    %mul3A_2665 = vector.broadcast %mul3A_2664 : f32 to vector<16xf32>
    %mul3A_2666 = arith.mulf %mul3A_2665, %bitcast3A_2545 : vector<16xf32>
    %add3A_2667 = arith.addf %add3A_2663, %mul3A_2666 : vector<16xf32>
    %swap3A_2668 = arith.constant 752 : index
    %swap3A_2669 = tpu.vector_load %arg6[%swap3A_2668] {strides = array<i32>} : memref<3840xf32, #tpu.memory_space<vmem>>, vector<16xf32>,
    tpu.vector_store %arg6[%swap3A_2668], %add3A_2667 {strides = array<i32>} : memref<3840xf32, #tpu.memory_space<vmem>>, vector<16xf32>,
    %mul3A_2670 = arith.constant 0.333333343 : f32
    %mul3A_2671 = vector.broadcast %mul3A_2670 : f32 to vector<16xf32>
    %mul3A_2672 = arith.mulf %mul3A_2671, %bitcast3A_2486 : vector<16xf32>
    %mul3A_2673 = arith.constant 0.333333343 : f32
    %mul3A_2674 = vector.broadcast %mul3A_2673 : f32 to vector<16xf32>
    %mul3A_2675 = arith.mulf %mul3A_2674, %bitcast3A_2520 : vector<16xf32>
    %add3A_2676 = arith.addf %mul3A_2672, %mul3A_2675 : vector<16xf32>
    %mul3A_2677 = arith.constant 0.333333343 : f32
    %mul3A_2678 = vector.broadcast %mul3A_2677 : f32 to vector<16xf32>
    %mul3A_2679 = arith.mulf %mul3A_2678, %bitcast3A_2554 : vector<16xf32>
    %add3A_2680 = arith.addf %add3A_2676, %mul3A_2679 : vector<16xf32>
    %swap3A_2681 = arith.constant 2032 : index
    %swap3A_2682 = tpu.vector_load %arg6[%swap3A_2681] {strides = array<i32>} : memref<3840xf32, #tpu.memory_space<vmem>>, vector<16xf32>,
    tpu.vector_store %arg6[%swap3A_2681], %add3A_2680 {strides = array<i32>} : memref<3840xf32, #tpu.memory_space<vmem>>, vector<16xf32>,
    %mul3A_2683 = arith.constant 0.333333343 : f32
    %mul3A_2684 = vector.broadcast %mul3A_2683 : f32 to vector<16xf32>
    %mul3A_2685 = arith.mulf %mul3A_2684, %bitcast3A_2495 : vector<16xf32>
    %mul3A_2686 = arith.constant 0.333333343 : f32
    %mul3A_2687 = vector.broadcast %mul3A_2686 : f32 to vector<16xf32>
    %mul3A_2688 = arith.mulf %mul3A_2687, %bitcast3A_2529 : vector<16xf32>
    %add3A_2689 = arith.addf %mul3A_2685, %mul3A_2688 : vector<16xf32>
    %mul3A_2690 = arith.constant 0.333333343 : f32
    %mul3A_2691 = vector.broadcast %mul3A_2690 : f32 to vector<16xf32>
    %mul3A_2692 = arith.mulf %mul3A_2691, %bitcast3A_2563 : vector<16xf32>
    %add3A_2693 = arith.addf %add3A_2689, %mul3A_2692 : vector<16xf32>
    %swap3A_2694 = arith.constant 3312 : index
    %swap3A_2695 = tpu.vector_load %arg6[%swap3A_2694] {strides = array<i32>} : memref<3840xf32, #tpu.memory_space<vmem>>, vector<16xf32>,
    tpu.vector_store %arg6[%swap3A_2694], %add3A_2693 {strides = array<i32>} : memref<3840xf32, #tpu.memory_space<vmem>>, vector<16xf32>,
    %mul3A_2696 = arith.constant 0.333333343 : f32
    %mul3A_2697 = vector.broadcast %mul3A_2696 : f32 to vector<16xf32>
    %mul3A_2698 = arith.mulf %mul3A_2697, %bitcast3A_2477 : vector<16xf32>
    %mul3A_2699 = arith.constant 0.666666686 : f32
    %mul3A_2700 = vector.broadcast %mul3A_2699 : f32 to vector<16xf32>
    %mul3A_2701 = arith.mulf %mul3A_2700, %bitcast3A_2511 : vector<16xf32>
    %add3A_2702 = arith.addf %mul3A_2698, %mul3A_2701 : vector<16xf32>
    %mul3A_2703 = arith.constant 1.11022302E-16 : f32
    %mul3A_2704 = vector.broadcast %mul3A_2703 : f32 to vector<16xf32>
    %mul3A_2705 = arith.mulf %mul3A_2704, %bitcast3A_2545 : vector<16xf32>
    %add3A_2706 = arith.addf %add3A_2702, %mul3A_2705 : vector<16xf32>
    %swap3A_2707 = arith.constant 880 : index
    %swap3A_2708 = tpu.vector_load %arg6[%swap3A_2707] {strides = array<i32>} : memref<3840xf32, #tpu.memory_space<vmem>>, vector<16xf32>,
    tpu.vector_store %arg6[%swap3A_2707], %add3A_2706 {strides = array<i32>} : memref<3840xf32, #tpu.memory_space<vmem>>, vector<16xf32>,
    %mul3A_2709 = arith.constant 0.333333343 : f32
    %mul3A_2710 = vector.broadcast %mul3A_2709 : f32 to vector<16xf32>
    %mul3A_2711 = arith.mulf %mul3A_2710, %bitcast3A_2486 : vector<16xf32>
    %mul3A_2712 = arith.constant 0.666666686 : f32
    %mul3A_2713 = vector.broadcast %mul3A_2712 : f32 to vector<16xf32>
    %mul3A_2714 = arith.mulf %mul3A_2713, %bitcast3A_2520 : vector<16xf32>
    %add3A_2715 = arith.addf %mul3A_2711, %mul3A_2714 : vector<16xf32>
    %mul3A_2716 = arith.constant 1.11022302E-16 : f32
    %mul3A_2717 = vector.broadcast %mul3A_2716 : f32 to vector<16xf32>
    %mul3A_2718 = arith.mulf %mul3A_2717, %bitcast3A_2554 : vector<16xf32>
    %add3A_2719 = arith.addf %add3A_2715, %mul3A_2718 : vector<16xf32>
    %swap3A_2720 = arith.constant 2160 : index
    %swap3A_2721 = tpu.vector_load %arg6[%swap3A_2720] {strides = array<i32>} : memref<3840xf32, #tpu.memory_space<vmem>>, vector<16xf32>,
    tpu.vector_store %arg6[%swap3A_2720], %add3A_2719 {strides = array<i32>} : memref<3840xf32, #tpu.memory_space<vmem>>, vector<16xf32>,
    %mul3A_2722 = arith.constant 0.333333343 : f32
    %mul3A_2723 = vector.broadcast %mul3A_2722 : f32 to vector<16xf32>
    %mul3A_2724 = arith.mulf %mul3A_2723, %bitcast3A_2495 : vector<16xf32>
    %mul3A_2725 = arith.constant 0.666666686 : f32
    %mul3A_2726 = vector.broadcast %mul3A_2725 : f32 to vector<16xf32>
    %mul3A_2727 = arith.mulf %mul3A_2726, %bitcast3A_2529 : vector<16xf32>
    %add3A_2728 = arith.addf %mul3A_2724, %mul3A_2727 : vector<16xf32>
    %mul3A_2729 = arith.constant 1.11022302E-16 : f32
    %mul3A_2730 = vector.broadcast %mul3A_2729 : f32 to vector<16xf32>
    %mul3A_2731 = arith.mulf %mul3A_2730, %bitcast3A_2563 : vector<16xf32>
    %add3A_2732 = arith.addf %add3A_2728, %mul3A_2731 : vector<16xf32>
    %swap3A_2733 = arith.constant 3440 : index
    %swap3A_2734 = tpu.vector_load %arg6[%swap3A_2733] {strides = array<i32>} : memref<3840xf32, #tpu.memory_space<vmem>>, vector<16xf32>,
    tpu.vector_store %arg6[%swap3A_2733], %add3A_2732 {strides = array<i32>} : memref<3840xf32, #tpu.memory_space<vmem>>, vector<16xf32>,
    %mul3A_2735 = arith.constant 0.666666686 : f32
    %mul3A_2736 = vector.broadcast %mul3A_2735 : f32 to vector<16xf32>
    %mul3A_2737 = arith.mulf %mul3A_2736, %bitcast3A_2477 : vector<16xf32>
    %mul3A_2738 = arith.constant 0.333333343 : f32
    %mul3A_2739 = vector.broadcast %mul3A_2738 : f32 to vector<16xf32>
    %mul3A_2740 = arith.mulf %mul3A_2739, %bitcast3A_2545 : vector<16xf32>
    %add3A_2741 = arith.addf %mul3A_2737, %mul3A_2740 : vector<16xf32>
    %swap3A_2742 = arith.constant 1008 : index
    %swap3A_2743 = tpu.vector_load %arg6[%swap3A_2742] {strides = array<i32>} : memref<3840xf32, #tpu.memory_space<vmem>>, vector<16xf32>,
    tpu.vector_store %arg6[%swap3A_2742], %add3A_2741 {strides = array<i32>} : memref<3840xf32, #tpu.memory_space<vmem>>, vector<16xf32>,
    %mul3A_2744 = arith.constant 0.666666686 : f32
    %mul3A_2745 = vector.broadcast %mul3A_2744 : f32 to vector<16xf32>
    %mul3A_2746 = arith.mulf %mul3A_2745, %bitcast3A_2486 : vector<16xf32>
    %mul3A_2747 = arith.constant 0.333333343 : f32
    %mul3A_2748 = vector.broadcast %mul3A_2747 : f32 to vector<16xf32>
    %mul3A_2749 = arith.mulf %mul3A_2748, %bitcast3A_2554 : vector<16xf32>
    %add3A_2750 = arith.addf %mul3A_2746, %mul3A_2749 : vector<16xf32>
    %swap3A_2751 = arith.constant 2288 : index
    %swap3A_2752 = tpu.vector_load %arg6[%swap3A_2751] {strides = array<i32>} : memref<3840xf32, #tpu.memory_space<vmem>>, vector<16xf32>,
    tpu.vector_store %arg6[%swap3A_2751], %add3A_2750 {strides = array<i32>} : memref<3840xf32, #tpu.memory_space<vmem>>, vector<16xf32>,
    %mul3A_2753 = arith.constant 0.666666686 : f32
    %mul3A_2754 = vector.broadcast %mul3A_2753 : f32 to vector<16xf32>
    %mul3A_2755 = arith.mulf %mul3A_2754, %bitcast3A_2495 : vector<16xf32>
    %mul3A_2756 = arith.constant 0.333333343 : f32
    %mul3A_2757 = vector.broadcast %mul3A_2756 : f32 to vector<16xf32>
    %mul3A_2758 = arith.mulf %mul3A_2757, %bitcast3A_2563 : vector<16xf32>
    %add3A_2759 = arith.addf %mul3A_2755, %mul3A_2758 : vector<16xf32>
    %swap3A_2760 = arith.constant 3568 : index
    %swap3A_2761 = tpu.vector_load %arg6[%swap3A_2760] {strides = array<i32>} : memref<3840xf32, #tpu.memory_space<vmem>>, vector<16xf32>,
    tpu.vector_store %arg6[%swap3A_2760], %add3A_2759 {strides = array<i32>} : memref<3840xf32, #tpu.memory_space<vmem>>, vector<16xf32>,
    %mul3A_2762 = arith.constant 0.666666686 : f32
    %mul3A_2763 = vector.broadcast %mul3A_2762 : f32 to vector<16xf32>
    %mul3A_2764 = arith.mulf %mul3A_2763, %bitcast3A_2477 : vector<16xf32>
    %mul3A_2765 = arith.constant 0.333333343 : f32
    %mul3A_2766 = vector.broadcast %mul3A_2765 : f32 to vector<16xf32>
    %mul3A_2767 = arith.mulf %mul3A_2766, %bitcast3A_2511 : vector<16xf32>
    %add3A_2768 = arith.addf %mul3A_2764, %mul3A_2767 : vector<16xf32>
    %mul3A_2769 = arith.constant 5.55111512E-17 : f32
    %mul3A_2770 = vector.broadcast %mul3A_2769 : f32 to vector<16xf32>
    %mul3A_2771 = arith.mulf %mul3A_2770, %bitcast3A_2545 : vector<16xf32>
    %add3A_2772 = arith.addf %add3A_2768, %mul3A_2771 : vector<16xf32>
    %swap3A_2773 = arith.constant 1136 : index
    %swap3A_2774 = tpu.vector_load %arg6[%swap3A_2773] {strides = array<i32>} : memref<3840xf32, #tpu.memory_space<vmem>>, vector<16xf32>,
    tpu.vector_store %arg6[%swap3A_2773], %add3A_2772 {strides = array<i32>} : memref<3840xf32, #tpu.memory_space<vmem>>, vector<16xf32>,
    %mul3A_2775 = arith.constant 0.666666686 : f32
    %mul3A_2776 = vector.broadcast %mul3A_2775 : f32 to vector<16xf32>
    %mul3A_2777 = arith.mulf %mul3A_2776, %bitcast3A_2486 : vector<16xf32>
    %mul3A_2778 = arith.constant 0.333333343 : f32
    %mul3A_2779 = vector.broadcast %mul3A_2778 : f32 to vector<16xf32>
    %mul3A_2780 = arith.mulf %mul3A_2779, %bitcast3A_2520 : vector<16xf32>
    %add3A_2781 = arith.addf %mul3A_2777, %mul3A_2780 : vector<16xf32>
    %mul3A_2782 = arith.constant 5.55111512E-17 : f32
    %mul3A_2783 = vector.broadcast %mul3A_2782 : f32 to vector<16xf32>
    %mul3A_2784 = arith.mulf %mul3A_2783, %bitcast3A_2554 : vector<16xf32>
    %add3A_2785 = arith.addf %add3A_2781, %mul3A_2784 : vector<16xf32>
    %swap3A_2786 = arith.constant 2416 : index
    %swap3A_2787 = tpu.vector_load %arg6[%swap3A_2786] {strides = array<i32>} : memref<3840xf32, #tpu.memory_space<vmem>>, vector<16xf32>,
    tpu.vector_store %arg6[%swap3A_2786], %add3A_2785 {strides = array<i32>} : memref<3840xf32, #tpu.memory_space<vmem>>, vector<16xf32>,
    %mul3A_2788 = arith.constant 0.666666686 : f32
    %mul3A_2789 = vector.broadcast %mul3A_2788 : f32 to vector<16xf32>
    %mul3A_2790 = arith.mulf %mul3A_2789, %bitcast3A_2495 : vector<16xf32>
    %mul3A_2791 = arith.constant 0.333333343 : f32
    %mul3A_2792 = vector.broadcast %mul3A_2791 : f32 to vector<16xf32>
    %mul3A_2793 = arith.mulf %mul3A_2792, %bitcast3A_2529 : vector<16xf32>
    %add3A_2794 = arith.addf %mul3A_2790, %mul3A_2793 : vector<16xf32>
    %mul3A_2795 = arith.constant 5.55111512E-17 : f32
    %mul3A_2796 = vector.broadcast %mul3A_2795 : f32 to vector<16xf32>
    %mul3A_2797 = arith.mulf %mul3A_2796, %bitcast3A_2563 : vector<16xf32>
    %add3A_2798 = arith.addf %add3A_2794, %mul3A_2797 : vector<16xf32>
    %swap3A_2799 = arith.constant 3696 : index
    %swap3A_2800 = tpu.vector_load %arg6[%swap3A_2799] {strides = array<i32>} : memref<3840xf32, #tpu.memory_space<vmem>>, vector<16xf32>,
    tpu.vector_store %arg6[%swap3A_2799], %add3A_2798 {strides = array<i32>} : memref<3840xf32, #tpu.memory_space<vmem>>, vector<16xf32>,
    %swap3A_2801 = arith.constant 1264 : index
    %swap3A_2802 = tpu.vector_load %arg6[%swap3A_2801] {strides = array<i32>} : memref<3840xf32, #tpu.memory_space<vmem>>, vector<16xf32>,
    tpu.vector_store %arg6[%swap3A_2801], %bitcast3A_2477 {strides = array<i32>} : memref<3840xf32, #tpu.memory_space<vmem>>, vector<16xf32>,
    %swap3A_2803 = arith.constant 2544 : index
    %swap3A_2804 = tpu.vector_load %arg6[%swap3A_2803] {strides = array<i32>} : memref<3840xf32, #tpu.memory_space<vmem>>, vector<16xf32>,
    tpu.vector_store %arg6[%swap3A_2803], %bitcast3A_2486 {strides = array<i32>} : memref<3840xf32, #tpu.memory_space<vmem>>, vector<16xf32>,
    %swap3A_2805 = arith.constant 3824 : index
    %swap3A_2806 = tpu.vector_load %arg6[%swap3A_2805] {strides = array<i32>} : memref<3840xf32, #tpu.memory_space<vmem>>, vector<16xf32>,
    tpu.vector_store %arg6[%swap3A_2805], %bitcast3A_2495 {strides = array<i32>} : memref<3840xf32, #tpu.memory_space<vmem>>, vector<16xf32>,
    %mul3A_2807 = arith.constant 30720 : i32
    %mul3A_2808 = arith.muli %select_n3A, %mul3A_2807 : i32
    %add3A_2809 = arith.constant 0 : i32
    %add3A_2810 = arith.addi %mul3A_2808, %add3A_2809 : i32
    %mul3A_2811 = arith.constant 1280 : i32
    %mul3A_2812 = arith.muli %select_n3A_30, %mul3A_2811 : i32
    %add3A_2813 = arith.addi %add3A_2810, %mul3A_2812 : i32
    %multiple_of3A_2814 = tpu.assume_multiple %add3A_2813, 8 : i32
    %dma_start3A_2815 = arith.constant 0 : i32
    %dma_start3A_2816 = tpu.memref_slice %arg6[%dma_start3A_2815] : memref<3840xf32, #tpu.memory_space<vmem>> -> memref<1280xf32, #tpu.memory_space<vmem>>
    %dma_start3A_2817 = tpu.memref_slice %arg3[%multiple_of3A_2814] : memref<61440xf32, #tpu.memory_space<hbm>> -> memref<1280xf32, #tpu.memory_space<hbm>>
    %dma_start3A_2818 = tpu.memref_slice %arg3[%multiple_of3A_2814] : memref<61440xf32, #tpu.memory_space<hbm>> -> memref<1280xf32, #tpu.memory_space<hbm>>
    %dma_start3A_2819 = arith.constant 0 : i32
    %dma_start3A_2820 = tpu.memref_slice %arg6[%dma_start3A_2819] : memref<3840xf32, #tpu.memory_space<vmem>> -> memref<1280xf32, #tpu.memory_space<vmem>>
    tpu.enqueue_dma source(%dma_start3A_2820 : memref<1280xf32, #tpu.memory_space<vmem>>) target(%dma_start3A_2818 : memref<1280xf32, #tpu.memory_space<hbm>>) target_semaphore(%arg7 : memref<!tpu.dma_semaphore, #tpu.memory_space<semaphore_mem>>)
    %mul3A_2821 = arith.constant 30720 : i32
    %mul3A_2822 = arith.muli %select_n3A, %mul3A_2821 : i32
    %add3A_2823 = arith.constant 10240 : i32
    %add3A_2824 = arith.addi %mul3A_2822, %add3A_2823 : i32
    %mul3A_2825 = arith.constant 1280 : i32
    %mul3A_2826 = arith.muli %select_n3A_30, %mul3A_2825 : i32
    %add3A_2827 = arith.addi %add3A_2824, %mul3A_2826 : i32
    %multiple_of3A_2828 = tpu.assume_multiple %add3A_2827, 8 : i32
    %dma_start3A_2829 = arith.constant 1280 : i32
    %dma_start3A_2830 = tpu.memref_slice %arg6[%dma_start3A_2829] : memref<3840xf32, #tpu.memory_space<vmem>> -> memref<1280xf32, #tpu.memory_space<vmem>>
    %dma_start3A_2831 = tpu.memref_slice %arg3[%multiple_of3A_2828] : memref<61440xf32, #tpu.memory_space<hbm>> -> memref<1280xf32, #tpu.memory_space<hbm>>
    %dma_start3A_2832 = tpu.memref_slice %arg3[%multiple_of3A_2828] : memref<61440xf32, #tpu.memory_space<hbm>> -> memref<1280xf32, #tpu.memory_space<hbm>>
    %dma_start3A_2833 = arith.constant 1280 : i32
    %dma_start3A_2834 = tpu.memref_slice %arg6[%dma_start3A_2833] : memref<3840xf32, #tpu.memory_space<vmem>> -> memref<1280xf32, #tpu.memory_space<vmem>>
    tpu.enqueue_dma source(%dma_start3A_2834 : memref<1280xf32, #tpu.memory_space<vmem>>) target(%dma_start3A_2832 : memref<1280xf32, #tpu.memory_space<hbm>>) target_semaphore(%arg7 : memref<!tpu.dma_semaphore, #tpu.memory_space<semaphore_mem>>)
    %mul3A_2835 = arith.constant 30720 : i32
    %mul3A_2836 = arith.muli %select_n3A, %mul3A_2835 : i32
    %add3A_2837 = arith.constant 20480 : i32
    %add3A_2838 = arith.addi %mul3A_2836, %add3A_2837 : i32
    %mul3A_2839 = arith.constant 1280 : i32
    %mul3A_2840 = arith.muli %select_n3A_30, %mul3A_2839 : i32
    %add3A_2841 = arith.addi %add3A_2838, %mul3A_2840 : i32
    %multiple_of3A_2842 = tpu.assume_multiple %add3A_2841, 8 : i32
    %dma_start3A_2843 = arith.constant 2560 : i32
    %dma_start3A_2844 = tpu.memref_slice %arg6[%dma_start3A_2843] : memref<3840xf32, #tpu.memory_space<vmem>> -> memref<1280xf32, #tpu.memory_space<vmem>>
    %dma_start3A_2845 = tpu.memref_slice %arg3[%multiple_of3A_2842] : memref<61440xf32, #tpu.memory_space<hbm>> -> memref<1280xf32, #tpu.memory_space<hbm>>
    %dma_start3A_2846 = tpu.memref_slice %arg3[%multiple_of3A_2842] : memref<61440xf32, #tpu.memory_space<hbm>> -> memref<1280xf32, #tpu.memory_space<hbm>>
    %dma_start3A_2847 = arith.constant 2560 : i32
    %dma_start3A_2848 = tpu.memref_slice %arg6[%dma_start3A_2847] : memref<3840xf32, #tpu.memory_space<vmem>> -> memref<1280xf32, #tpu.memory_space<vmem>>
    tpu.enqueue_dma source(%dma_start3A_2848 : memref<1280xf32, #tpu.memory_space<vmem>>) target(%dma_start3A_2846 : memref<1280xf32, #tpu.memory_space<hbm>>) target_semaphore(%arg7 : memref<!tpu.dma_semaphore, #tpu.memory_space<semaphore_mem>>)
    %dma_wait3A_2849 = arith.constant 0 : i32
    %dma_wait3A_2850 = tpu.memref_slice %arg6[%dma_wait3A_2849] : memref<3840xf32, #tpu.memory_space<vmem>> -> memref<1280xf32, #tpu.memory_space<vmem>>
    %dma_wait3A_2851 = tpu.memref_slice %arg3[%multiple_of3A_2814] : memref<61440xf32, #tpu.memory_space<hbm>> -> memref<1280xf32, #tpu.memory_space<hbm>>
    %dma_wait3A_2852 = tpu.memref_slice %arg3[%multiple_of3A_2814] : memref<61440xf32, #tpu.memory_space<hbm>> -> memref<1280xf32, #tpu.memory_space<hbm>>
    %dma_wait3A_2853 = arith.constant 0 : i32
    %dma_wait3A_2854 = tpu.memref_slice %arg6[%dma_wait3A_2853] : memref<3840xf32, #tpu.memory_space<vmem>> -> memref<1280xf32, #tpu.memory_space<vmem>>
    tpu.wait_dma2 semaphore(%arg7 : memref<!tpu.dma_semaphore, #tpu.memory_space<semaphore_mem>>) src(%dma_wait3A_2854 : memref<1280xf32, #tpu.memory_space<vmem>>) dst(%dma_wait3A_2852 : memref<1280xf32, #tpu.memory_space<hbm>>)
    %dma_wait3A_2855 = arith.constant 1280 : i32
    %dma_wait3A_2856 = tpu.memref_slice %arg6[%dma_wait3A_2855] : memref<3840xf32, #tpu.memory_space<vmem>> -> memref<1280xf32, #tpu.memory_space<vmem>>
    %dma_wait3A_2857 = tpu.memref_slice %arg3[%multiple_of3A_2828] : memref<61440xf32, #tpu.memory_space<hbm>> -> memref<1280xf32, #tpu.memory_space<hbm>>
    %dma_wait3A_2858 = tpu.memref_slice %arg3[%multiple_of3A_2828] : memref<61440xf32, #tpu.memory_space<hbm>> -> memref<1280xf32, #tpu.memory_space<hbm>>
    %dma_wait3A_2859 = arith.constant 1280 : i32
    %dma_wait3A_2860 = tpu.memref_slice %arg6[%dma_wait3A_2859] : memref<3840xf32, #tpu.memory_space<vmem>> -> memref<1280xf32, #tpu.memory_space<vmem>>
    tpu.wait_dma2 semaphore(%arg7 : memref<!tpu.dma_semaphore, #tpu.memory_space<semaphore_mem>>) src(%dma_wait3A_2860 : memref<1280xf32, #tpu.memory_space<vmem>>) dst(%dma_wait3A_2858 : memref<1280xf32, #tpu.memory_space<hbm>>)
    %dma_wait3A_2861 = arith.constant 2560 : i32
    %dma_wait3A_2862 = tpu.memref_slice %arg6[%dma_wait3A_2861] : memref<3840xf32, #tpu.memory_space<vmem>> -> memref<1280xf32, #tpu.memory_space<vmem>>
    %dma_wait3A_2863 = tpu.memref_slice %arg3[%multiple_of3A_2842] : memref<61440xf32, #tpu.memory_space<hbm>> -> memref<1280xf32, #tpu.memory_space<hbm>>
    %dma_wait3A_2864 = tpu.memref_slice %arg3[%multiple_of3A_2842] : memref<61440xf32, #tpu.memory_space<hbm>> -> memref<1280xf32, #tpu.memory_space<hbm>>
    %dma_wait3A_2865 = arith.constant 2560 : i32
    %dma_wait3A_2866 = tpu.memref_slice %arg6[%dma_wait3A_2865] : memref<3840xf32, #tpu.memory_space<vmem>> -> memref<1280xf32, #tpu.memory_space<vmem>>
    tpu.wait_dma2 semaphore(%arg7 : memref<!tpu.dma_semaphore, #tpu.memory_space<semaphore_mem>>) src(%dma_wait3A_2866 : memref<1280xf32, #tpu.memory_space<vmem>>) dst(%dma_wait3A_2864 : memref<1280xf32, #tpu.memory_space<hbm>>)
    return
  }
}

module attributes {stable_mosaic.version = 14 : i64} {
  func.func @body(%arg0: i32, %arg1: i32, %arg2: memref<30720xf32, #tpu.memory_space<vmem>>, %arg3: memref<1x2048x3xf32, #tpu.memory_space<vmem>>, %arg4: memref<1x1xf32, #tpu.memory_space<smem>>, %arg5: memref<2048x128xf32, #tpu.memory_space<vmem>>, %arg6: memref<2x1xf32, #tpu.memory_space<smem>>) attributes {dimension_semantics = [#tpu.dimension_semantics<arbitrary>, #tpu.dimension_semantics<arbitrary>], iteration_bounds = array<i64: 2, 2>, scalar_prefetch = 0 : i64, scratch_operands = 2 : i64, tpu.core_type = #tpu.core_type<tc>, window_params = [{transform_indices = @transform_0, window_bounds = array<i64: 30720>}, {transform_indices = @transform_1, window_bounds = array<i64: 1, 2048, 3>}, {transform_indices = @transform_2, window_bounds = array<i64: 1, 1>}]} {
    %eq3A = arith.constant 0 : i32
    %eq3A_0 = arith.cmpi eq, %arg1, %eq3A : i32
    %convert_element_type3A = arith.extui %eq3A_0 : i1 to i32
    %cond3A = arith.constant 0 : i32
    %cond3A_1 = arith.cmpi ne, %convert_element_type3A, %cond3A : i32
    scf.if %cond3A_1 {
      %broadcast_in_dim3A_287 = arith.constant 0x7F800000 : f32
      %broadcast_in_dim3A_288 = vector.broadcast %broadcast_in_dim3A_287 : f32 to vector<2048x128xf32>
      %swap3A_289 = arith.constant 0 : index
      %swap3A_290 = arith.constant 0 : index
      %swap3A_291 = vector.load %arg5[%swap3A_289, %swap3A_290] : memref<2048x128xf32, #tpu.memory_space<vmem>>, vector<2048x128xf32>
      tpu.vector_store %arg5[%swap3A_289, %swap3A_290], %broadcast_in_dim3A_288 {strides = array<i32>} : memref<2048x128xf32, #tpu.memory_space<vmem>>, vector<2048x128xf32>,
      %swap3A_292 = arith.constant 0.000000e+00 : f32
      %swap3A_293 = arith.constant 0 : index
      %swap3A_294 = arith.constant 0 : index
      %swap3A_295 = memref.load %arg6[%swap3A_293, %swap3A_294] : memref<2x1xf32, #tpu.memory_space<smem>>
      memref.store %swap3A_292, %arg6[%swap3A_293, %swap3A_294] : memref<2x1xf32, #tpu.memory_space<smem>>
      %swap3A_296 = arith.constant 0xFF800000 : f32
      %swap3A_297 = arith.constant 1 : index
      %swap3A_298 = arith.constant 0 : index
      %swap3A_299 = memref.load %arg6[%swap3A_297, %swap3A_298] : memref<2x1xf32, #tpu.memory_space<smem>>
      memref.store %swap3A_296, %arg6[%swap3A_297, %swap3A_298] : memref<2x1xf32, #tpu.memory_space<smem>>
    } else {
    }
    %mul3A = arith.constant 5120 : i32
    %mul3A_2 = arith.muli %arg1, %mul3A : i32
    %add3A = arith.constant 0 : i32
    %add3A_3 = arith.addi %add3A, %mul3A_2 : i32
    %get3A = arith.index_cast %add3A_3 : i32 to index
    %get3A_4 = vector.load %arg2[%get3A] : memref<30720xf32, #tpu.memory_space<vmem>>, vector<5120xf32>
    %broadcast_in_dim3A = vector.shape_cast %get3A_4 : vector<5120xf32> to vector<1x5120xf32>
    %mul3A_5 = arith.constant 5120 : i32
    %mul3A_6 = arith.muli %arg1, %mul3A_5 : i32
    %add3A_7 = arith.constant 10240 : i32
    %add3A_8 = arith.addi %add3A_7, %mul3A_6 : i32
    %get3A_9 = arith.index_cast %add3A_8 : i32 to index
    %get3A_10 = vector.load %arg2[%get3A_9] : memref<30720xf32, #tpu.memory_space<vmem>>, vector<5120xf32>
    %broadcast_in_dim3A_11 = vector.shape_cast %get3A_10 : vector<5120xf32> to vector<1x5120xf32>
    %mul3A_12 = arith.constant 5120 : i32
    %mul3A_13 = arith.muli %arg1, %mul3A_12 : i32
    %add3A_14 = arith.constant 20480 : i32
    %add3A_15 = arith.addi %add3A_14, %mul3A_13 : i32
    %get3A_16 = arith.index_cast %add3A_15 : i32 to index
    %get3A_17 = vector.load %arg2[%get3A_16] : memref<30720xf32, #tpu.memory_space<vmem>>, vector<5120xf32>
    %broadcast_in_dim3A_18 = vector.shape_cast %get3A_17 : vector<5120xf32> to vector<1x5120xf32>
    %mul3A_19 = arith.mulf %broadcast_in_dim3A, %broadcast_in_dim3A : vector<1x5120xf32>
    %mul3A_20 = arith.mulf %broadcast_in_dim3A_11, %broadcast_in_dim3A_11 : vector<1x5120xf32>
    %add3A_21 = arith.addf %mul3A_19, %mul3A_20 : vector<1x5120xf32>
    %mul3A_22 = arith.mulf %broadcast_in_dim3A_18, %broadcast_in_dim3A_18 : vector<1x5120xf32>
    %add3A_23 = arith.addf %add3A_21, %mul3A_22 : vector<1x5120xf32>
    %get3A_24 = arith.constant 0 : index
    %get3A_25 = arith.constant 0 : index
    %get3A_26 = arith.constant 0 : index
    %get3A_27 = vector.load %arg3[%get3A_24, %get3A_25, %get3A_26] : memref<1x2048x3xf32, #tpu.memory_space<vmem>>, vector<1x2048x1xf32>
    %get3A_28 = vector.shape_cast %get3A_27 : vector<1x2048x1xf32> to vector<2048x1xf32>
    %get3A_29 = arith.constant 0 : index
    %get3A_30 = arith.constant 0 : index
    %get3A_31 = arith.constant 1 : index
    %get3A_32 = vector.load %arg3[%get3A_29, %get3A_30, %get3A_31] : memref<1x2048x3xf32, #tpu.memory_space<vmem>>, vector<1x2048x1xf32>
    %get3A_33 = vector.shape_cast %get3A_32 : vector<1x2048x1xf32> to vector<2048x1xf32>
    %get3A_34 = arith.constant 0 : index
    %get3A_35 = arith.constant 0 : index
    %get3A_36 = arith.constant 2 : index
    %get3A_37 = vector.load %arg3[%get3A_34, %get3A_35, %get3A_36] : memref<1x2048x3xf32, #tpu.memory_space<vmem>>, vector<1x2048x1xf32>
    %get3A_38 = vector.shape_cast %get3A_37 : vector<1x2048x1xf32> to vector<2048x1xf32>
    %mul3A_39 = arith.mulf %get3A_28, %get3A_28 : vector<2048x1xf32>
    %mul3A_40 = arith.mulf %get3A_33, %get3A_33 : vector<2048x1xf32>
    %add3A_41 = arith.addf %mul3A_39, %mul3A_40 : vector<2048x1xf32>
    %mul3A_42 = arith.mulf %get3A_38, %get3A_38 : vector<2048x1xf32>
    %add3A_43 = arith.addf %add3A_41, %mul3A_42 : vector<2048x1xf32>
    %mul3A_44 = arith.constant -2.000000e+00 : f32
    %mul3A_45 = vector.broadcast %mul3A_44 : f32 to vector<2048x1xf32>
    %mul3A_46 = arith.mulf %mul3A_45, %get3A_28 : vector<2048x1xf32>
    %mul3A_47 = arith.constant -2.000000e+00 : f32
    %mul3A_48 = vector.broadcast %mul3A_47 : f32 to vector<2048x1xf32>
    %mul3A_49 = arith.mulf %mul3A_48, %get3A_33 : vector<2048x1xf32>
    %mul3A_50 = arith.constant -2.000000e+00 : f32
    %mul3A_51 = vector.broadcast %mul3A_50 : f32 to vector<2048x1xf32>
    %mul3A_52 = arith.mulf %mul3A_51, %get3A_38 : vector<2048x1xf32>
    %broadcast_in_dim3A_53 = arith.constant 1.000000e+00 : f32
    %broadcast_in_dim3A_54 = vector.broadcast %broadcast_in_dim3A_53 : f32 to vector<2048x1xf32>
    %concatenate3A = tpu.concatenate %mul3A_46, %mul3A_49, %mul3A_52, %broadcast_in_dim3A_54, %add3A_43 in 1 : vector<2048x1xf32>, vector<2048x1xf32>, vector<2048x1xf32>, vector<2048x1xf32>, vector<2048x1xf32> -> vector<2048x5xf32>
    %broadcast_in_dim3A_55 = arith.constant 1.000000e+00 : f32
    %broadcast_in_dim3A_56 = vector.broadcast %broadcast_in_dim3A_55 : f32 to vector<1x5120xf32>
    %concatenate3A_57 = tpu.concatenate %broadcast_in_dim3A, %broadcast_in_dim3A_11, %broadcast_in_dim3A_18, %add3A_23, %broadcast_in_dim3A_56 in 0 : vector<1x5120xf32>, vector<1x5120xf32>, vector<1x5120xf32>, vector<1x5120xf32>, vector<1x5120xf32> -> vector<5x5120xf32>
    %convert_element_type3A_58 = arith.truncf %concatenate3A : vector<2048x5xf32> to vector<2048x5xbf16>
    %convert_element_type3A_59 = arith.extf %convert_element_type3A_58 : vector<2048x5xbf16> to vector<2048x5xf32>
    %sub3A = arith.subf %concatenate3A, %convert_element_type3A_59 : vector<2048x5xf32>
    %convert_element_type3A_60 = arith.truncf %sub3A : vector<2048x5xf32> to vector<2048x5xbf16>
    %convert_element_type3A_61 = arith.truncf %concatenate3A_57 : vector<5x5120xf32> to vector<5x5120xbf16>
    %convert_element_type3A_62 = arith.extf %convert_element_type3A_61 : vector<5x5120xbf16> to vector<5x5120xf32>
    %sub3A_63 = arith.subf %concatenate3A_57, %convert_element_type3A_62 : vector<5x5120xf32>
    %convert_element_type3A_64 = arith.truncf %sub3A_63 : vector<5x5120xf32> to vector<5x5120xbf16>
    %concatenate3A_65 = tpu.concatenate %convert_element_type3A_58, %convert_element_type3A_58, %convert_element_type3A_60 in 1 : vector<2048x5xbf16>, vector<2048x5xbf16>, vector<2048x5xbf16> -> vector<2048x15xbf16>
    %concatenate3A_66 = tpu.concatenate %convert_element_type3A_61, %convert_element_type3A_64, %convert_element_type3A_61 in 0 : vector<5x5120xbf16>, vector<5x5120xbf16>, vector<5x5120xbf16> -> vector<15x5120xbf16>
    %slice3A = vector.extract_strided_slice %concatenate3A_66 {offsets = [0, 0], sizes = [15, 1280], strides = [1, 1]} : vector<15x5120xbf16> to vector<15x1280xbf16>
    %dot_general3A = arith.constant dense<0.000000e+00> : vector<2048x1280xf32>
    %dot_general3A_67 = tpu.matmul %concatenate3A_65, %slice3A, %dot_general3A {dimension_numbers = #tpu.dot_dimension_numbers<[1], [0], [0], [1], [0, 0, 1, 1], [], []>, transpose_lhs_hint = false} : vector<2048x15xbf16>, vector<15x1280xbf16>, vector<2048x1280xf32> -> vector<2048x1280xf32>
    %reduce_min3A = arith.constant dense<0x7F800000> : vector<1280xf32>
    %reduce_min3A_68 = vector.multi_reduction <minimumf>, %dot_general3A_67, %reduce_min3A [0] : vector<2048x1280xf32> to vector<1280xf32>
    %gt3A = arith.constant 5.000000e-02 : f32
    %gt3A_69 = vector.broadcast %gt3A : f32 to vector<1280xf32>
    %gt3A_70 = arith.cmpf ogt, %reduce_min3A_68, %gt3A_69 : vector<1280xf32>
    %jit3A = arith.constant 0.000000e+00 : f32
    %broadcast_in_dim3A_71 = vector.broadcast %jit3A : f32 to vector<1280xf32>
    %select_n3A = arith.select %gt3A_70, %reduce_min3A_68, %broadcast_in_dim3A_71 : vector<1280xi1>, vector<1280xf32>
    %get3A_72 = arith.constant 0 : index
    %get3A_73 = arith.constant 0 : index
    %get3A_74 = memref.load %arg6[%get3A_72, %get3A_73] : memref<2x1xf32, #tpu.memory_space<smem>>
    %reduce_sum3A = vector.shape_cast %select_n3A : vector<1280xf32> to vector<1x1280xf32>
    %reduce_sum3A_75 = arith.constant dense<0.000000e+00> : vector<1xf32>
    %reduce_sum3A_76 = vector.multi_reduction <add>, %reduce_sum3A, %reduce_sum3A_75 [1] : vector<1x1280xf32> to vector<1xf32>
    %reduce_sum3A_77 = vector.shape_cast %reduce_sum3A_76 : vector<1xf32> to vector<1x1xf32>
    %reduce_sum3A_78 = vector.extract %reduce_sum3A_77[0, 0] : f32 from vector<1x1xf32>
    %add3A_79 = arith.addf %get3A_74, %reduce_sum3A_78 : f32
    %swap3A = arith.constant 0 : index
    %swap3A_80 = arith.constant 0 : index
    %swap3A_81 = memref.load %arg6[%swap3A, %swap3A_80] : memref<2x1xf32, #tpu.memory_space<smem>>
    memref.store %add3A_79, %arg6[%swap3A, %swap3A_80] : memref<2x1xf32, #tpu.memory_space<smem>>
    %get3A_82 = arith.constant 1 : index
    %get3A_83 = arith.constant 0 : index
    %get3A_84 = memref.load %arg6[%get3A_82, %get3A_83] : memref<2x1xf32, #tpu.memory_space<smem>>
    %reduce_max3A = vector.shape_cast %select_n3A : vector<1280xf32> to vector<1x1280xf32>
    %reduce_max3A_85 = arith.constant dense<0xFF800000> : vector<1xf32>
    %reduce_max3A_86 = vector.multi_reduction <maximumf>, %reduce_max3A, %reduce_max3A_85 [1] : vector<1x1280xf32> to vector<1xf32>
    %reduce_max3A_87 = vector.shape_cast %reduce_max3A_86 : vector<1xf32> to vector<1x1xf32>
    %reduce_max3A_88 = vector.extract %reduce_max3A_87[0, 0] : f32 from vector<1x1xf32>
    %max3A = arith.maximumf %get3A_84, %reduce_max3A_88 : f32
    %swap3A_89 = arith.constant 1 : index
    %swap3A_90 = arith.constant 0 : index
    %swap3A_91 = memref.load %arg6[%swap3A_89, %swap3A_90] : memref<2x1xf32, #tpu.memory_space<smem>>
    memref.store %max3A, %arg6[%swap3A_89, %swap3A_90] : memref<2x1xf32, #tpu.memory_space<smem>>
    %slice3A_92 = vector.extract_strided_slice %dot_general3A_67 {offsets = [0, 0], sizes = [2048, 128], strides = [1, 1]} : vector<2048x1280xf32> to vector<2048x128xf32>
    %slice3A_93 = vector.extract_strided_slice %dot_general3A_67 {offsets = [0, 128], sizes = [2048, 128], strides = [1, 1]} : vector<2048x1280xf32> to vector<2048x128xf32>
    %min3A = arith.minimumf %slice3A_92, %slice3A_93 : vector<2048x128xf32>
    %slice3A_94 = vector.extract_strided_slice %dot_general3A_67 {offsets = [0, 256], sizes = [2048, 128], strides = [1, 1]} : vector<2048x1280xf32> to vector<2048x128xf32>
    %min3A_95 = arith.minimumf %min3A, %slice3A_94 : vector<2048x128xf32>
    %slice3A_96 = vector.extract_strided_slice %dot_general3A_67 {offsets = [0, 384], sizes = [2048, 128], strides = [1, 1]} : vector<2048x1280xf32> to vector<2048x128xf32>
    %min3A_97 = arith.minimumf %min3A_95, %slice3A_96 : vector<2048x128xf32>
    %slice3A_98 = vector.extract_strided_slice %dot_general3A_67 {offsets = [0, 512], sizes = [2048, 128], strides = [1, 1]} : vector<2048x1280xf32> to vector<2048x128xf32>
    %min3A_99 = arith.minimumf %min3A_97, %slice3A_98 : vector<2048x128xf32>
    %slice3A_100 = vector.extract_strided_slice %dot_general3A_67 {offsets = [0, 640], sizes = [2048, 128], strides = [1, 1]} : vector<2048x1280xf32> to vector<2048x128xf32>
    %min3A_101 = arith.minimumf %min3A_99, %slice3A_100 : vector<2048x128xf32>
    %slice3A_102 = vector.extract_strided_slice %dot_general3A_67 {offsets = [0, 768], sizes = [2048, 128], strides = [1, 1]} : vector<2048x1280xf32> to vector<2048x128xf32>
    %min3A_103 = arith.minimumf %min3A_101, %slice3A_102 : vector<2048x128xf32>
    %slice3A_104 = vector.extract_strided_slice %dot_general3A_67 {offsets = [0, 896], sizes = [2048, 128], strides = [1, 1]} : vector<2048x1280xf32> to vector<2048x128xf32>
    %min3A_105 = arith.minimumf %min3A_103, %slice3A_104 : vector<2048x128xf32>
    %slice3A_106 = vector.extract_strided_slice %dot_general3A_67 {offsets = [0, 1024], sizes = [2048, 128], strides = [1, 1]} : vector<2048x1280xf32> to vector<2048x128xf32>
    %min3A_107 = arith.minimumf %min3A_105, %slice3A_106 : vector<2048x128xf32>
    %slice3A_108 = vector.extract_strided_slice %dot_general3A_67 {offsets = [0, 1152], sizes = [2048, 128], strides = [1, 1]} : vector<2048x1280xf32> to vector<2048x128xf32>
    %min3A_109 = arith.minimumf %min3A_107, %slice3A_108 : vector<2048x128xf32>
    %slice3A_110 = vector.extract_strided_slice %concatenate3A_66 {offsets = [0, 1280], sizes = [15, 1280], strides = [1, 1]} : vector<15x5120xbf16> to vector<15x1280xbf16>
    %dot_general3A_111 = arith.constant dense<0.000000e+00> : vector<2048x1280xf32>
    %dot_general3A_112 = tpu.matmul %concatenate3A_65, %slice3A_110, %dot_general3A_111 {dimension_numbers = #tpu.dot_dimension_numbers<[1], [0], [0], [1], [0, 0, 1, 1], [], []>, transpose_lhs_hint = false} : vector<2048x15xbf16>, vector<15x1280xbf16>, vector<2048x1280xf32> -> vector<2048x1280xf32>
    %reduce_min3A_113 = arith.constant dense<0x7F800000> : vector<1280xf32>
    %reduce_min3A_114 = vector.multi_reduction <minimumf>, %dot_general3A_112, %reduce_min3A_113 [0] : vector<2048x1280xf32> to vector<1280xf32>
    %gt3A_115 = arith.constant 5.000000e-02 : f32
    %gt3A_116 = vector.broadcast %gt3A_115 : f32 to vector<1280xf32>
    %gt3A_117 = arith.cmpf ogt, %reduce_min3A_114, %gt3A_116 : vector<1280xf32>
    %jit3A_118 = arith.constant 0.000000e+00 : f32
    %broadcast_in_dim3A_119 = vector.broadcast %jit3A_118 : f32 to vector<1280xf32>
    %select_n3A_120 = arith.select %gt3A_117, %reduce_min3A_114, %broadcast_in_dim3A_119 : vector<1280xi1>, vector<1280xf32>
    %get3A_121 = arith.constant 0 : index
    %get3A_122 = arith.constant 0 : index
    %get3A_123 = memref.load %arg6[%get3A_121, %get3A_122] : memref<2x1xf32, #tpu.memory_space<smem>>
    %reduce_sum3A_124 = vector.shape_cast %select_n3A_120 : vector<1280xf32> to vector<1x1280xf32>
    %reduce_sum3A_125 = arith.constant dense<0.000000e+00> : vector<1xf32>
    %reduce_sum3A_126 = vector.multi_reduction <add>, %reduce_sum3A_124, %reduce_sum3A_125 [1] : vector<1x1280xf32> to vector<1xf32>
    %reduce_sum3A_127 = vector.shape_cast %reduce_sum3A_126 : vector<1xf32> to vector<1x1xf32>
    %reduce_sum3A_128 = vector.extract %reduce_sum3A_127[0, 0] : f32 from vector<1x1xf32>
    %add3A_129 = arith.addf %get3A_123, %reduce_sum3A_128 : f32
    %swap3A_130 = arith.constant 0 : index
    %swap3A_131 = arith.constant 0 : index
    %swap3A_132 = memref.load %arg6[%swap3A_130, %swap3A_131] : memref<2x1xf32, #tpu.memory_space<smem>>
    memref.store %add3A_129, %arg6[%swap3A_130, %swap3A_131] : memref<2x1xf32, #tpu.memory_space<smem>>
    %get3A_133 = arith.constant 1 : index
    %get3A_134 = arith.constant 0 : index
    %get3A_135 = memref.load %arg6[%get3A_133, %get3A_134] : memref<2x1xf32, #tpu.memory_space<smem>>
    %reduce_max3A_136 = vector.shape_cast %select_n3A_120 : vector<1280xf32> to vector<1x1280xf32>
    %reduce_max3A_137 = arith.constant dense<0xFF800000> : vector<1xf32>
    %reduce_max3A_138 = vector.multi_reduction <maximumf>, %reduce_max3A_136, %reduce_max3A_137 [1] : vector<1x1280xf32> to vector<1xf32>
    %reduce_max3A_139 = vector.shape_cast %reduce_max3A_138 : vector<1xf32> to vector<1x1xf32>
    %reduce_max3A_140 = vector.extract %reduce_max3A_139[0, 0] : f32 from vector<1x1xf32>
    %max3A_141 = arith.maximumf %get3A_135, %reduce_max3A_140 : f32
    %swap3A_142 = arith.constant 1 : index
    %swap3A_143 = arith.constant 0 : index
    %swap3A_144 = memref.load %arg6[%swap3A_142, %swap3A_143] : memref<2x1xf32, #tpu.memory_space<smem>>
    memref.store %max3A_141, %arg6[%swap3A_142, %swap3A_143] : memref<2x1xf32, #tpu.memory_space<smem>>
    %slice3A_145 = vector.extract_strided_slice %dot_general3A_112 {offsets = [0, 0], sizes = [2048, 128], strides = [1, 1]} : vector<2048x1280xf32> to vector<2048x128xf32>
    %min3A_146 = arith.minimumf %min3A_109, %slice3A_145 : vector<2048x128xf32>
    %slice3A_147 = vector.extract_strided_slice %dot_general3A_112 {offsets = [0, 128], sizes = [2048, 128], strides = [1, 1]} : vector<2048x1280xf32> to vector<2048x128xf32>
    %min3A_148 = arith.minimumf %min3A_146, %slice3A_147 : vector<2048x128xf32>
    %slice3A_149 = vector.extract_strided_slice %dot_general3A_112 {offsets = [0, 256], sizes = [2048, 128], strides = [1, 1]} : vector<2048x1280xf32> to vector<2048x128xf32>
    %min3A_150 = arith.minimumf %min3A_148, %slice3A_149 : vector<2048x128xf32>
    %slice3A_151 = vector.extract_strided_slice %dot_general3A_112 {offsets = [0, 384], sizes = [2048, 128], strides = [1, 1]} : vector<2048x1280xf32> to vector<2048x128xf32>
    %min3A_152 = arith.minimumf %min3A_150, %slice3A_151 : vector<2048x128xf32>
    %slice3A_153 = vector.extract_strided_slice %dot_general3A_112 {offsets = [0, 512], sizes = [2048, 128], strides = [1, 1]} : vector<2048x1280xf32> to vector<2048x128xf32>
    %min3A_154 = arith.minimumf %min3A_152, %slice3A_153 : vector<2048x128xf32>
    %slice3A_155 = vector.extract_strided_slice %dot_general3A_112 {offsets = [0, 640], sizes = [2048, 128], strides = [1, 1]} : vector<2048x1280xf32> to vector<2048x128xf32>
    %min3A_156 = arith.minimumf %min3A_154, %slice3A_155 : vector<2048x128xf32>
    %slice3A_157 = vector.extract_strided_slice %dot_general3A_112 {offsets = [0, 768], sizes = [2048, 128], strides = [1, 1]} : vector<2048x1280xf32> to vector<2048x128xf32>
    %min3A_158 = arith.minimumf %min3A_156, %slice3A_157 : vector<2048x128xf32>
    %slice3A_159 = vector.extract_strided_slice %dot_general3A_112 {offsets = [0, 896], sizes = [2048, 128], strides = [1, 1]} : vector<2048x1280xf32> to vector<2048x128xf32>
    %min3A_160 = arith.minimumf %min3A_158, %slice3A_159 : vector<2048x128xf32>
    %slice3A_161 = vector.extract_strided_slice %dot_general3A_112 {offsets = [0, 1024], sizes = [2048, 128], strides = [1, 1]} : vector<2048x1280xf32> to vector<2048x128xf32>
    %min3A_162 = arith.minimumf %min3A_160, %slice3A_161 : vector<2048x128xf32>
    %slice3A_163 = vector.extract_strided_slice %dot_general3A_112 {offsets = [0, 1152], sizes = [2048, 128], strides = [1, 1]} : vector<2048x1280xf32> to vector<2048x128xf32>
    %min3A_164 = arith.minimumf %min3A_162, %slice3A_163 : vector<2048x128xf32>
    %slice3A_165 = vector.extract_strided_slice %concatenate3A_66 {offsets = [0, 2560], sizes = [15, 1280], strides = [1, 1]} : vector<15x5120xbf16> to vector<15x1280xbf16>
    %dot_general3A_166 = arith.constant dense<0.000000e+00> : vector<2048x1280xf32>
    %dot_general3A_167 = tpu.matmul %concatenate3A_65, %slice3A_165, %dot_general3A_166 {dimension_numbers = #tpu.dot_dimension_numbers<[1], [0], [0], [1], [0, 0, 1, 1], [], []>, transpose_lhs_hint = false} : vector<2048x15xbf16>, vector<15x1280xbf16>, vector<2048x1280xf32> -> vector<2048x1280xf32>
    %reduce_min3A_168 = arith.constant dense<0x7F800000> : vector<1280xf32>
    %reduce_min3A_169 = vector.multi_reduction <minimumf>, %dot_general3A_167, %reduce_min3A_168 [0] : vector<2048x1280xf32> to vector<1280xf32>
    %gt3A_170 = arith.constant 5.000000e-02 : f32
    %gt3A_171 = vector.broadcast %gt3A_170 : f32 to vector<1280xf32>
    %gt3A_172 = arith.cmpf ogt, %reduce_min3A_169, %gt3A_171 : vector<1280xf32>
    %jit3A_173 = arith.constant 0.000000e+00 : f32
    %broadcast_in_dim3A_174 = vector.broadcast %jit3A_173 : f32 to vector<1280xf32>
    %select_n3A_175 = arith.select %gt3A_172, %reduce_min3A_169, %broadcast_in_dim3A_174 : vector<1280xi1>, vector<1280xf32>
    %get3A_176 = arith.constant 0 : index
    %get3A_177 = arith.constant 0 : index
    %get3A_178 = memref.load %arg6[%get3A_176, %get3A_177] : memref<2x1xf32, #tpu.memory_space<smem>>
    %reduce_sum3A_179 = vector.shape_cast %select_n3A_175 : vector<1280xf32> to vector<1x1280xf32>
    %reduce_sum3A_180 = arith.constant dense<0.000000e+00> : vector<1xf32>
    %reduce_sum3A_181 = vector.multi_reduction <add>, %reduce_sum3A_179, %reduce_sum3A_180 [1] : vector<1x1280xf32> to vector<1xf32>
    %reduce_sum3A_182 = vector.shape_cast %reduce_sum3A_181 : vector<1xf32> to vector<1x1xf32>
    %reduce_sum3A_183 = vector.extract %reduce_sum3A_182[0, 0] : f32 from vector<1x1xf32>
    %add3A_184 = arith.addf %get3A_178, %reduce_sum3A_183 : f32
    %swap3A_185 = arith.constant 0 : index
    %swap3A_186 = arith.constant 0 : index
    %swap3A_187 = memref.load %arg6[%swap3A_185, %swap3A_186] : memref<2x1xf32, #tpu.memory_space<smem>>
    memref.store %add3A_184, %arg6[%swap3A_185, %swap3A_186] : memref<2x1xf32, #tpu.memory_space<smem>>
    %get3A_188 = arith.constant 1 : index
    %get3A_189 = arith.constant 0 : index
    %get3A_190 = memref.load %arg6[%get3A_188, %get3A_189] : memref<2x1xf32, #tpu.memory_space<smem>>
    %reduce_max3A_191 = vector.shape_cast %select_n3A_175 : vector<1280xf32> to vector<1x1280xf32>
    %reduce_max3A_192 = arith.constant dense<0xFF800000> : vector<1xf32>
    %reduce_max3A_193 = vector.multi_reduction <maximumf>, %reduce_max3A_191, %reduce_max3A_192 [1] : vector<1x1280xf32> to vector<1xf32>
    %reduce_max3A_194 = vector.shape_cast %reduce_max3A_193 : vector<1xf32> to vector<1x1xf32>
    %reduce_max3A_195 = vector.extract %reduce_max3A_194[0, 0] : f32 from vector<1x1xf32>
    %max3A_196 = arith.maximumf %get3A_190, %reduce_max3A_195 : f32
    %swap3A_197 = arith.constant 1 : index
    %swap3A_198 = arith.constant 0 : index
    %swap3A_199 = memref.load %arg6[%swap3A_197, %swap3A_198] : memref<2x1xf32, #tpu.memory_space<smem>>
    memref.store %max3A_196, %arg6[%swap3A_197, %swap3A_198] : memref<2x1xf32, #tpu.memory_space<smem>>
    %slice3A_200 = vector.extract_strided_slice %dot_general3A_167 {offsets = [0, 0], sizes = [2048, 128], strides = [1, 1]} : vector<2048x1280xf32> to vector<2048x128xf32>
    %min3A_201 = arith.minimumf %min3A_164, %slice3A_200 : vector<2048x128xf32>
    %slice3A_202 = vector.extract_strided_slice %dot_general3A_167 {offsets = [0, 128], sizes = [2048, 128], strides = [1, 1]} : vector<2048x1280xf32> to vector<2048x128xf32>
    %min3A_203 = arith.minimumf %min3A_201, %slice3A_202 : vector<2048x128xf32>
    %slice3A_204 = vector.extract_strided_slice %dot_general3A_167 {offsets = [0, 256], sizes = [2048, 128], strides = [1, 1]} : vector<2048x1280xf32> to vector<2048x128xf32>
    %min3A_205 = arith.minimumf %min3A_203, %slice3A_204 : vector<2048x128xf32>
    %slice3A_206 = vector.extract_strided_slice %dot_general3A_167 {offsets = [0, 384], sizes = [2048, 128], strides = [1, 1]} : vector<2048x1280xf32> to vector<2048x128xf32>
    %min3A_207 = arith.minimumf %min3A_205, %slice3A_206 : vector<2048x128xf32>
    %slice3A_208 = vector.extract_strided_slice %dot_general3A_167 {offsets = [0, 512], sizes = [2048, 128], strides = [1, 1]} : vector<2048x1280xf32> to vector<2048x128xf32>
    %min3A_209 = arith.minimumf %min3A_207, %slice3A_208 : vector<2048x128xf32>
    %slice3A_210 = vector.extract_strided_slice %dot_general3A_167 {offsets = [0, 640], sizes = [2048, 128], strides = [1, 1]} : vector<2048x1280xf32> to vector<2048x128xf32>
    %min3A_211 = arith.minimumf %min3A_209, %slice3A_210 : vector<2048x128xf32>
    %slice3A_212 = vector.extract_strided_slice %dot_general3A_167 {offsets = [0, 768], sizes = [2048, 128], strides = [1, 1]} : vector<2048x1280xf32> to vector<2048x128xf32>
    %min3A_213 = arith.minimumf %min3A_211, %slice3A_212 : vector<2048x128xf32>
    %slice3A_214 = vector.extract_strided_slice %dot_general3A_167 {offsets = [0, 896], sizes = [2048, 128], strides = [1, 1]} : vector<2048x1280xf32> to vector<2048x128xf32>
    %min3A_215 = arith.minimumf %min3A_213, %slice3A_214 : vector<2048x128xf32>
    %slice3A_216 = vector.extract_strided_slice %dot_general3A_167 {offsets = [0, 1024], sizes = [2048, 128], strides = [1, 1]} : vector<2048x1280xf32> to vector<2048x128xf32>
    %min3A_217 = arith.minimumf %min3A_215, %slice3A_216 : vector<2048x128xf32>
    %slice3A_218 = vector.extract_strided_slice %dot_general3A_167 {offsets = [0, 1152], sizes = [2048, 128], strides = [1, 1]} : vector<2048x1280xf32> to vector<2048x128xf32>
    %min3A_219 = arith.minimumf %min3A_217, %slice3A_218 : vector<2048x128xf32>
    %slice3A_220 = vector.extract_strided_slice %concatenate3A_66 {offsets = [0, 3840], sizes = [15, 1280], strides = [1, 1]} : vector<15x5120xbf16> to vector<15x1280xbf16>
    %dot_general3A_221 = arith.constant dense<0.000000e+00> : vector<2048x1280xf32>
    %dot_general3A_222 = tpu.matmul %concatenate3A_65, %slice3A_220, %dot_general3A_221 {dimension_numbers = #tpu.dot_dimension_numbers<[1], [0], [0], [1], [0, 0, 1, 1], [], []>, transpose_lhs_hint = false} : vector<2048x15xbf16>, vector<15x1280xbf16>, vector<2048x1280xf32> -> vector<2048x1280xf32>
    %reduce_min3A_223 = arith.constant dense<0x7F800000> : vector<1280xf32>
    %reduce_min3A_224 = vector.multi_reduction <minimumf>, %dot_general3A_222, %reduce_min3A_223 [0] : vector<2048x1280xf32> to vector<1280xf32>
    %gt3A_225 = arith.constant 5.000000e-02 : f32
    %gt3A_226 = vector.broadcast %gt3A_225 : f32 to vector<1280xf32>
    %gt3A_227 = arith.cmpf ogt, %reduce_min3A_224, %gt3A_226 : vector<1280xf32>
    %jit3A_228 = arith.constant 0.000000e+00 : f32
    %broadcast_in_dim3A_229 = vector.broadcast %jit3A_228 : f32 to vector<1280xf32>
    %select_n3A_230 = arith.select %gt3A_227, %reduce_min3A_224, %broadcast_in_dim3A_229 : vector<1280xi1>, vector<1280xf32>
    %get3A_231 = arith.constant 0 : index
    %get3A_232 = arith.constant 0 : index
    %get3A_233 = memref.load %arg6[%get3A_231, %get3A_232] : memref<2x1xf32, #tpu.memory_space<smem>>
    %reduce_sum3A_234 = vector.shape_cast %select_n3A_230 : vector<1280xf32> to vector<1x1280xf32>
    %reduce_sum3A_235 = arith.constant dense<0.000000e+00> : vector<1xf32>
    %reduce_sum3A_236 = vector.multi_reduction <add>, %reduce_sum3A_234, %reduce_sum3A_235 [1] : vector<1x1280xf32> to vector<1xf32>
    %reduce_sum3A_237 = vector.shape_cast %reduce_sum3A_236 : vector<1xf32> to vector<1x1xf32>
    %reduce_sum3A_238 = vector.extract %reduce_sum3A_237[0, 0] : f32 from vector<1x1xf32>
    %add3A_239 = arith.addf %get3A_233, %reduce_sum3A_238 : f32
    %swap3A_240 = arith.constant 0 : index
    %swap3A_241 = arith.constant 0 : index
    %swap3A_242 = memref.load %arg6[%swap3A_240, %swap3A_241] : memref<2x1xf32, #tpu.memory_space<smem>>
    memref.store %add3A_239, %arg6[%swap3A_240, %swap3A_241] : memref<2x1xf32, #tpu.memory_space<smem>>
    %get3A_243 = arith.constant 1 : index
    %get3A_244 = arith.constant 0 : index
    %get3A_245 = memref.load %arg6[%get3A_243, %get3A_244] : memref<2x1xf32, #tpu.memory_space<smem>>
    %reduce_max3A_246 = vector.shape_cast %select_n3A_230 : vector<1280xf32> to vector<1x1280xf32>
    %reduce_max3A_247 = arith.constant dense<0xFF800000> : vector<1xf32>
    %reduce_max3A_248 = vector.multi_reduction <maximumf>, %reduce_max3A_246, %reduce_max3A_247 [1] : vector<1x1280xf32> to vector<1xf32>
    %reduce_max3A_249 = vector.shape_cast %reduce_max3A_248 : vector<1xf32> to vector<1x1xf32>
    %reduce_max3A_250 = vector.extract %reduce_max3A_249[0, 0] : f32 from vector<1x1xf32>
    %max3A_251 = arith.maximumf %get3A_245, %reduce_max3A_250 : f32
    %swap3A_252 = arith.constant 1 : index
    %swap3A_253 = arith.constant 0 : index
    %swap3A_254 = memref.load %arg6[%swap3A_252, %swap3A_253] : memref<2x1xf32, #tpu.memory_space<smem>>
    memref.store %max3A_251, %arg6[%swap3A_252, %swap3A_253] : memref<2x1xf32, #tpu.memory_space<smem>>
    %slice3A_255 = vector.extract_strided_slice %dot_general3A_222 {offsets = [0, 0], sizes = [2048, 128], strides = [1, 1]} : vector<2048x1280xf32> to vector<2048x128xf32>
    %min3A_256 = arith.minimumf %min3A_219, %slice3A_255 : vector<2048x128xf32>
    %slice3A_257 = vector.extract_strided_slice %dot_general3A_222 {offsets = [0, 128], sizes = [2048, 128], strides = [1, 1]} : vector<2048x1280xf32> to vector<2048x128xf32>
    %min3A_258 = arith.minimumf %min3A_256, %slice3A_257 : vector<2048x128xf32>
    %slice3A_259 = vector.extract_strided_slice %dot_general3A_222 {offsets = [0, 256], sizes = [2048, 128], strides = [1, 1]} : vector<2048x1280xf32> to vector<2048x128xf32>
    %min3A_260 = arith.minimumf %min3A_258, %slice3A_259 : vector<2048x128xf32>
    %slice3A_261 = vector.extract_strided_slice %dot_general3A_222 {offsets = [0, 384], sizes = [2048, 128], strides = [1, 1]} : vector<2048x1280xf32> to vector<2048x128xf32>
    %min3A_262 = arith.minimumf %min3A_260, %slice3A_261 : vector<2048x128xf32>
    %slice3A_263 = vector.extract_strided_slice %dot_general3A_222 {offsets = [0, 512], sizes = [2048, 128], strides = [1, 1]} : vector<2048x1280xf32> to vector<2048x128xf32>
    %min3A_264 = arith.minimumf %min3A_262, %slice3A_263 : vector<2048x128xf32>
    %slice3A_265 = vector.extract_strided_slice %dot_general3A_222 {offsets = [0, 640], sizes = [2048, 128], strides = [1, 1]} : vector<2048x1280xf32> to vector<2048x128xf32>
    %min3A_266 = arith.minimumf %min3A_264, %slice3A_265 : vector<2048x128xf32>
    %slice3A_267 = vector.extract_strided_slice %dot_general3A_222 {offsets = [0, 768], sizes = [2048, 128], strides = [1, 1]} : vector<2048x1280xf32> to vector<2048x128xf32>
    %min3A_268 = arith.minimumf %min3A_266, %slice3A_267 : vector<2048x128xf32>
    %slice3A_269 = vector.extract_strided_slice %dot_general3A_222 {offsets = [0, 896], sizes = [2048, 128], strides = [1, 1]} : vector<2048x1280xf32> to vector<2048x128xf32>
    %min3A_270 = arith.minimumf %min3A_268, %slice3A_269 : vector<2048x128xf32>
    %slice3A_271 = vector.extract_strided_slice %dot_general3A_222 {offsets = [0, 1024], sizes = [2048, 128], strides = [1, 1]} : vector<2048x1280xf32> to vector<2048x128xf32>
    %min3A_272 = arith.minimumf %min3A_270, %slice3A_271 : vector<2048x128xf32>
    %slice3A_273 = vector.extract_strided_slice %dot_general3A_222 {offsets = [0, 1152], sizes = [2048, 128], strides = [1, 1]} : vector<2048x1280xf32> to vector<2048x128xf32>
    %min3A_274 = arith.minimumf %min3A_272, %slice3A_273 : vector<2048x128xf32>
    %get3A_275 = arith.constant 0 : index
    %get3A_276 = arith.constant 0 : index
    %get3A_277 = vector.load %arg5[%get3A_275, %get3A_276] : memref<2048x128xf32, #tpu.memory_space<vmem>>, vector<2048x128xf32>
    %min3A_278 = arith.minimumf %get3A_277, %min3A_274 : vector<2048x128xf32>
    %swap3A_279 = arith.constant 0 : index
    %swap3A_280 = arith.constant 0 : index
    %swap3A_281 = vector.load %arg5[%swap3A_279, %swap3A_280] : memref<2048x128xf32, #tpu.memory_space<vmem>>, vector<2048x128xf32>
    tpu.vector_store %arg5[%swap3A_279, %swap3A_280], %min3A_278 {strides = array<i32>} : memref<2048x128xf32, #tpu.memory_space<vmem>>, vector<2048x128xf32>,
    %eq3A_282 = arith.constant 1 : i32
    %eq3A_283 = arith.cmpi eq, %arg1, %eq3A_282 : i32
    %convert_element_type3A_284 = arith.extui %eq3A_283 : i1 to i32
    %cond3A_285 = arith.constant 0 : i32
    %cond3A_286 = arith.cmpi ne, %convert_element_type3A_284, %cond3A_285 : i32
    scf.if %cond3A_286 {
      %get3A_287 = arith.constant 0 : index
      %get3A_288 = arith.constant 0 : index
      %get3A_289 = vector.load %arg5[%get3A_287, %get3A_288] : memref<2048x128xf32, #tpu.memory_space<vmem>>, vector<2048x128xf32>
      %reduce_min3A_290 = arith.constant dense<0x7F800000> : vector<2048xf32>
      %reduce_min3A_291 = vector.multi_reduction <minimumf>, %get3A_289, %reduce_min3A_290 [1] : vector<2048x128xf32> to vector<2048xf32>
      %broadcast_in_dim3A_292 = vector.shape_cast %reduce_min3A_291 : vector<2048xf32> to vector<2048x1xf32>
      %gt3A_293 = arith.constant 5.000000e-02 : f32
      %gt3A_294 = vector.broadcast %gt3A_293 : f32 to vector<2048x1xf32>
      %gt3A_295 = arith.cmpf ogt, %broadcast_in_dim3A_292, %gt3A_294 : vector<2048x1xf32>
      %jit3A_296 = arith.constant 0.000000e+00 : f32
      %broadcast_in_dim3A_297 = vector.broadcast %jit3A_296 : f32 to vector<2048x1xf32>
      %select_n3A_298 = arith.select %gt3A_295, %broadcast_in_dim3A_292, %broadcast_in_dim3A_297 : vector<2048x1xi1>, vector<2048x1xf32>
      %reduce_sum3A_299 = vector.shape_cast %select_n3A_298 : vector<2048x1xf32> to vector<1x2048x1xf32>
      %reduce_sum3A_300 = arith.constant dense<0.000000e+00> : vector<1xf32>
      %reduce_sum3A_301 = vector.multi_reduction <add>, %reduce_sum3A_299, %reduce_sum3A_300 [1, 2] : vector<1x2048x1xf32> to vector<1xf32>
      %reduce_sum3A_302 = vector.shape_cast %reduce_sum3A_301 : vector<1xf32> to vector<1x1x1xf32>
      %reduce_sum3A_303 = vector.extract %reduce_sum3A_302[0, 0, 0] : f32 from vector<1x1x1xf32>
      %div3A = arith.constant 2.048000e+03 : f32
      %div3A_304 = arith.divf %reduce_sum3A_303, %div3A : f32
      %mul3A_305 = arith.constant 1.000000e+00 : f32
      %mul3A_306 = arith.mulf %div3A_304, %mul3A_305 : f32
      %get3A_307 = arith.constant 0 : index
      %get3A_308 = arith.constant 0 : index
      %get3A_309 = memref.load %arg6[%get3A_307, %get3A_308] : memref<2x1xf32, #tpu.memory_space<smem>>
      %div3A_310 = arith.constant 1.024000e+04 : f32
      %div3A_311 = arith.divf %get3A_309, %div3A_310 : f32
      %add3A_312 = arith.addf %mul3A_306, %div3A_311 : f32
      %get3A_313 = arith.constant 1 : index
      %get3A_314 = arith.constant 0 : index
      %get3A_315 = memref.load %arg6[%get3A_313, %get3A_314] : memref<2x1xf32, #tpu.memory_space<smem>>
      %mul3A_316 = arith.constant 1.000000e+00 : f32
      %mul3A_317 = arith.mulf %mul3A_316, %get3A_315 : f32
      %add3A_318 = arith.addf %add3A_312, %mul3A_317 : f32
      %eq3A_319 = arith.constant 0 : i32
      %eq3A_320 = arith.cmpi eq, %arg0, %eq3A_319 : i32
      %convert_element_type3A_321 = arith.extui %eq3A_320 : i1 to i32
      %cond3A_322 = arith.constant 0 : i32
      %cond3A_323 = arith.cmpi ne, %convert_element_type3A_321, %cond3A_322 : i32
      scf.if %cond3A_323 {
        %div3A_328 = arith.constant 2.000000e+00 : f32
        %div3A_329 = arith.divf %add3A_318, %div3A_328 : f32
        %swap3A_330 = arith.constant 0 : index
        %swap3A_331 = arith.constant 0 : index
        %swap3A_332 = memref.load %arg4[%swap3A_330, %swap3A_331] : memref<1x1xf32, #tpu.memory_space<smem>>
        memref.store %div3A_329, %arg4[%swap3A_330, %swap3A_331] : memref<1x1xf32, #tpu.memory_space<smem>>
      } else {
      }
      %ne3A = arith.constant 0 : i32
      %ne3A_324 = arith.cmpi ne, %arg0, %ne3A : i32
      %convert_element_type3A_325 = arith.extui %ne3A_324 : i1 to i32
      %cond3A_326 = arith.constant 0 : i32
      %cond3A_327 = arith.cmpi ne, %convert_element_type3A_325, %cond3A_326 : i32
      scf.if %cond3A_327 {
        %get3A_328 = arith.constant 0 : index
        %get3A_329 = arith.constant 0 : index
        %get3A_330 = memref.load %arg4[%get3A_328, %get3A_329] : memref<1x1xf32, #tpu.memory_space<smem>>
        %div3A_331 = arith.constant 2.000000e+00 : f32
        %div3A_332 = arith.divf %add3A_318, %div3A_331 : f32
        %add3A_333 = arith.addf %get3A_330, %div3A_332 : f32
        %swap3A_334 = arith.constant 0 : index
        %swap3A_335 = arith.constant 0 : index
        %swap3A_336 = memref.load %arg4[%swap3A_334, %swap3A_335] : memref<1x1xf32, #tpu.memory_space<smem>>
        memref.store %add3A_333, %arg4[%swap3A_334, %swap3A_335] : memref<1x1xf32, #tpu.memory_space<smem>>
      } else {
      }
    } else {
    }
    return
  }
  func.func @transform_0(%arg0: i32, %arg1: i32) -> i32 {
    %c0_i32 = arith.constant 0 : i32
    return %arg0 : i32
  }
  func.func @transform_1(%arg0: i32, %arg1: i32) -> (i32, i32, i32) {
    %c0_i32 = arith.constant 0 : i32
    %c0_i32_0 = arith.constant 0 : i32
    %c0_i32_1 = arith.constant 0 : i32
    return %arg0, %c0_i32, %c0_i32_0 : i32, i32, i32
  }
  func.func @transform_2(%arg0: i32, %arg1: i32) -> (i32, i32) {
    %c0_i32 = arith.constant 0 : i32
    %c0_i32_0 = arith.constant 0 : i32
    %c0_i32_1 = arith.constant 0 : i32
    return %c0_i32, %c0_i32_0 : i32, i32
  }
}

</mosaic_0001>

<sc_bundles>
// kernel: kernel.4.cloned.1.call-start
scs
__scs_entry_jumppad:
0x0: {  	(pc) =	sbr.rel $0x88, $3  }
0x1: {  	(tag) =	ssettag $0x0;
	lr =	simm.s32 $0x1  }
0x2: {  	[smem:$0x3F9E] =	sst lr;
	_ =	strace $0xD0000000  }
0x3: {  	_ = 	snop  }
0x4: {  	_ = 	snop  }
0x5: {  	_ = 	snop  }
0x6: {  	_ = 	snop  }
0x7: {  	_ = 	snop  }
__scs_overlays_trampoline_lowered:
0x8: {  	[smem:$0x3FAD] =	sst s0  }
0x9: {  	[smem:$0x3FAE] =	sst s1  }
0xa: {  	[smem:$0x3FAF] =	sst s2  }
0xb: {  	[smem:$0x3FB0] =	sst s3  }
0xc: {  	[smem:$0x3FB1] =	sst s4  }
0xd: {  	[smem:$0x3FB2] =	sst s5  }
0xe: {  	[smem:$0x3FB3] =	sst s6  }
0xf: {  	[smem:$0x3FB4] =	sst s7  }
0x10: {  	[smem:$0x3FB5] =	sst s8  }
0x11: {  	[smem:$0x3FB6] =	sst s9;
	s0 =	simm.s32 @!p0 $0x0  }
0x12: {  	s1 =	sld [smem:$0x3F9C];
	s0 =	simm.s32 @p0 $0x1  }
0x13: {  	[smem:$0x3FB7] =	sst s0;
	s0 =	simm.s32 @!p1 $0x0  }
0x14: {  	s2 =	sld [smem:$0x3F9B];
	s0 =	simm.s32 @p1 $0x1  }
0x15: {  	[smem:$0x3FB8] =	sst s0;
	s0 =	simm.s32 @!p2 $0x0  }
0x16: {  	s3 =	sld [smem:$0x3FDB];
	s0 =	simm.s32 @p2 $0x1  }
0x17: {  	s4 =	simm.s32 $0x1BF5;
	[smem:$0x3FBA] =	sst s0  }
0x18: {  	s0 =	sld [smem:$0x3F9D];
	_ =	swait.ge [sflag:s4], $0x0  }
0x19: {  	s7 =	sld [smem:$0x3F9E]  }
0x1a: {  	s8 =	sadd.s32 $0xFFFFE003, lr  }
0x1b: {  	s9 =	sadd.s32 $0xFFFFFEF7, lr;
	s5 =	simm.s32 $0xFFFFFFFF;
	p2 =	slt.u32 s8, $0xFFFFF086  }
0x1c: {  	p1 =	slt.u32 s9, $0xF7A;
	s5 =	simm.s32 @!p2 $0x0  }
0x1d: {  	s5 =	simm.s32 @p1 $0x1;
	p0 =	seq.s32 s7, s2  }
0x1e: {  	s7 =	smul.u32 @!p0 $0xF7A, s2;
	p2 =	seq.s32 @!p0 s5, $0x0  }
0x1f: {  	s9 =	smul.u32 $0xF7A, s1;
	s8 =	simm.s32 @!p0 $0x1BF5;
	p2 =	por !p2, p0  }
0x20: {  	[sflag:s8] =	ssyncset.s32 @!p0 $0xFFFFF086;
	s6 =	sadd.s32 @!p0 s3, s7;
	s7 =	simm.s32 @!p0 $0x108  }
0x21: {  	s3 =	sadd.s32 s3, s9;
	s6 =	sadd.s32 @!p0 $0x88, s6;
	s7 =	simm.s32 @p2 $0x1082  }
0x22: {  	[simem:s7], [sflag:s8] =	dma.local @!p0 [hbm:s6], $0xF7A  }
0x23: {  	s9 =	sor.u32 $0xD0000000, s2;
	s6 =	simm.s32 $0x108;
	_ =	swait.ge @!p0 [sflag:s8], $0x0  }
0x24: {  	s3 =	sadd.s32 $0x88, s3;
	s6 =	simm.s32 @!p1 $0x1082;
	[sflag:s4] =	ssyncset.s32 $0xFFFFF086  }
0x25: {  	[simem:s6], [sflag:s4] =	dma.local [hbm:s3], $0xF7A  }
0x26: {  	[smem:$0x3F9E] =	sst s1;
	(tag) =	ssettag s2;
	_ =	strace s9  }
0x27: {  	s1 =	sld [smem:$0x3FAE]  }
0x28: {  	s2 =	sld [smem:$0x3FAF]  }
0x29: {  	s4 =	sld [smem:$0x3FB1]  }
0x2a: {  	p0 =	seq.s32 s5, $0x0;
	s5 =	sld [smem:$0x3FB2]  }
0x2b: {  	s6 =	sld [smem:$0x3FB3]  }
0x2c: {  	s7 =	sld [smem:$0x3FB4]  }
0x2d: {  	s3 =	simm.s32 $0x108;
	s8 =	sld [smem:$0x3FB5]  }
0x2e: {  	s3 =	simm.s32 @!p0 $0x1082;
	s9 =	sld [smem:$0x3FB6]  }
0x2f: {  	lr =	sadd.s32 s0, s3;
	s0 =	sld [smem:$0x3FAD]  }
0x30: {  	s3 =	sld [smem:$0x3FB0]  }
0x31: {  	[smem:$0x3FB9] =	sst s10  }
0x32: {  	s10 =	sld [smem:$0x3FB7];
	_ =	sdelay $0x3  }
0x33: {  	p0 =	seq.s32 s10, $0x1;
	s10 =	sld [smem:$0x3FB9];
	_ =	sdelay $0x3  }
0x34: {  	[smem:$0x3FB9] =	sst s10  }
0x35: {  	s10 =	sld [smem:$0x3FB8];
	_ =	sdelay $0x3  }
0x36: {  	p1 =	seq.s32 s10, $0x1;
	s10 =	sld [smem:$0x3FB9];
	_ =	sdelay $0x3  }
0x37: {  	[smem:$0x3FB9] =	sst s10  }
0x38: {  	s10 =	sld [smem:$0x3FBA]  }
0x39: {  	_ = 	snop;
	(pc) =	sbr.ind lr, $3  }
0x3a: {  	_ = 	snop  }
0x3b: {  	_ = 	snop  }
0x3c: {  	p2 =	seq.s32 s10, $0x1;
	s10 =	sld [smem:$0x3FB9]  }
0x3d: {  	_ =	shalt  }
0x3e: {  	_ =	shalt  }
0x3f: {  	_ =	shalt  }
0x40: {  	_ =	shalt  }
0x41: {  	_ =	shalt  }
0x42: {  	_ =	shalt  }
0x43: {  	_ =	shalt  }
0x44: {  	_ =	shalt  }
0x45: {  	_ =	shalt  }
0x46: {  	_ =	shalt  }
0x47: {  	_ =	shalt  }
0x48: {  	_ =	shalt  }
0x49: {  	_ =	shalt  }
0x4a: {  	_ =	shalt  }
0x4b: {  	_ =	shalt  }
0x4c: {  	_ =	shalt  }
0x4d: {  	_ =	shalt  }
0x4e: {  	_ =	shalt  }
0x4f: {  	_ =	shalt  }
0x50: {  	_ =	shalt  }
0x51: {  	_ =	shalt  }
0x52: {  	_ =	shalt  }
0x53: {  	_ =	shalt  }
0x54: {  	_ =	shalt  }
0x55: {  	_ =	shalt  }
0x56: {  	_ =	shalt  }
0x57: {  	_ =	shalt  }
0x58: {  	_ =	shalt  }
0x59: {  	_ =	shalt  }
0x5a: {  	_ =	shalt  }
0x5b: {  	_ =	shalt  }
0x5c: {  	_ =	shalt  }
0x5d: {  	_ =	shalt  }
0x5e: {  	_ =	shalt  }
0x5f: {  	_ =	shalt  }
0x60: {  	_ =	shalt  }
0x61: {  	_ =	shalt  }
0x62: {  	_ =	shalt  }
0x63: {  	_ =	shalt  }
0x64: {  	_ =	shalt  }
0x65: {  	_ =	shalt  }
0x66: {  	_ =	shalt  }
0x67: {  	_ =	shalt  }
0x68: {  	_ =	shalt  }
0x69: {  	_ =	shalt  }
0x6a: {  	_ =	shalt  }
0x6b: {  	_ =	shalt  }
0x6c: {  	_ =	shalt  }
0x6d: {  	_ =	shalt  }
0x6e: {  	_ =	shalt  }
0x6f: {  	_ =	shalt  }
0x70: {  	_ =	shalt  }
0x71: {  	_ =	shalt  }
0x72: {  	_ =	shalt  }
0x73: {  	_ =	shalt  }
0x74: {  	_ =	shalt  }
0x75: {  	_ =	shalt  }
0x76: {  	_ =	shalt  }
0x77: {  	_ =	shalt  }
0x78: {  	_ =	shalt  }
0x79: {  	_ =	shalt  }
0x7a: {  	_ =	shalt  }
0x7b: {  	_ =	shalt  }
0x7c: {  	_ =	shalt  }
0x7d: {  	_ =	shalt  }
0x7e: {  	_ =	shalt  }
0x7f: {  	_ =	shalt  }
0x80: {  	_ =	shalt  }
0x81: {  	_ =	shalt  }
0x82: {  	_ =	shalt  }
0x83: {  	_ =	shalt  }
0x84: {  	_ =	shalt  }
0x85: {  	_ =	shalt  }
0x86: {  	_ =	shalt  }
0x87: {  	_ =	shalt  }
.Lfunc_end0:
.L_simem_size_0:
called_computation_lowered:
.L_overlay_start_0:
0x88: {  	s0 =	sld [smem:$0x3FD9]  }
0x89: {  	s1 =	sld [smem:$0x3FFE];
	_ =	sdelay $0x3  }
0x8a: {  	s0 =	sadd.s32 s1, s0  }
0x8b: {  	[smem:$0x3FC5] =	sst s0  }
0x8c: {  	_ = 	snop  }
0x8d: {  	(tm) =	ssettm $0x1  }
0x8e: {  	s15 =	sld [smem:$0x3FFB];
	_ =	sdelay $0x3  }
0x8f: {  	_ =	strace s15  }
0x90: {  	s0 =	sld [smem:$0x3FFC];
	_ =	sdelay $0x3  }
0x91: {  	_ =	strace s0  }
0x92: {  	s0 =	sld [smem:$0x3FFD];
	_ =	sdelay $0x3  }
0x93: {  	_ =	strace s0  }
0x94: {  	_ =	strace $0x8FFFFFFF  }
0x95: {  	s16 =	sld [smem:$0x3FDB];
	_ =	sdelay $0x1  }
0x96: {  	s17 =	simm.s32 $_scs_section_size  }
0x97: {  	s2 =	simm.s32 $_size__tile_overlayer_lowered;
	s3 =	simm.s32 $_tile_overlayer_lowered  }
0x98: {  	s20 =	simm.s32 $0x1BFF;
	s19 =	sshll.u32 s3, $0x1;
	s0 =	sadd.s32 s17, s16  }
0x99: {  	s4 =	simm.s32 $0x0;
	s18 =	sshll.u32 s2, $0x1;
	s2 =	sadd.s32 s19, s0  }
0x9a: {  	[timem:s4], [sflag:s20] =	dma.local [hbm:s2], s18  }
0x9b: {  	_ =	swait.ge [sflag:s20], s18  }
0x9c: {  	s1 =	ssub.s32 $0x0, s18;
	[sflag:s20] =	ssyncset.done $0x0  }
0x9d: {  	[sflag:s20] =	ssyncadd.s32 s1;
	_ =	sdelay $0x1  }
0x9e: {  	s21 =	simm.s32 $0x1B8B  }
0x9f: {  	_ =	swait.ge [sflag:s21], $0x1  }
0xa0: {  	[sflag:s21] =	ssyncset.done $0x0  }
0xa1: {  	s23 =	simm.s32 $0x1B8E;
	s22 =	sld [smem:$0x3FFE];
	[sflag:s21] =	ssyncadd.s32 $0xFFFFFFFF  }
0xa2: {  	s24 =	simm.s32 $execute0_lowered;
	[smem:$0x3FD2] =	sst s23  }
0xa3: {  	s2 =	sshll.u32 s24, $0x1;
	_ =	strace $0x80000046;
	[dreg:$0x1] =	wrdreg $0xFFFFFFFF  }
0xa4: {  	s25 =	simm.s32 $_size_execute0_lowered;
	s0 =	sadd.s32 s0, s2;
	[dreg:$0x0] =	wrdreg $0x0  }
0xa5: {  	s2 =	sshll.u32 s25, $0x1;
	[dreg:$0x2] =	wrdreg s0  }
0xa6: {  	[dreg:$0x3] =	wrdreg s2  }
0xa7: {  	[dreg:$0x4] =	wrdreg $0xC0  }
0xa8: {  	_ =	task [dreg:s4], $0x5FFFF  }
0xa9: {  	[dreg:$0x1] =	wrdreg $0xFFFFFFFF  }
0xaa: {  	[dreg:$0x0] =	wrdreg $0x60  }
0xab: {  	[dreg:$0x2] =	wrdreg s22  }
0xac: {  	[dreg:$0x3] =	wrdreg $0x9  }
0xad: {  	_ =	task.clear_ibuf [dreg:s4], $0x4FFFF;
	_ =	strace $0x90000046  }
0xae: {  	s26 =	simm.s32 $0x9;
	_ =	strace $0x80000048  }
0xaf: {  	_ =	swait.ge [sflag:s26], $0x1  }
0xb0: {  	[sflag:s26] =	ssyncadd.s32 $0xFFFFFFFF  }
0xb1: {  	_ =	strace $0x90000048  }
0xb2: {  	_ =	sfence  }
0xb3: {  	s28 =	sld [smem:$0x0];
	_ =	sdelay $0x1  }
0xb4: {  	s29 =	srdreg.scid  }
0xb5: {  	s30 =	sshll.u32 s29, $0xD;
	s31 =	sshrl.u32 s29, $0x2  }
0xb6: {  	s1 =	sand.u32 $0x1, s29;
	s2 =	sand.u32 $0x4000, s30;
	s0 =	sadd.s32 s31, s28  }
0xb7: {  	s1 =	sor.u32 s2, s1;
	s0 =	sshll.u32 s0, $0x11  }
0xb8: {  	s0 =	sor.u32 s0, s1  }
0xb9: {  	s0 =	sadd.s32 $0x8F2B, s0  }
0xba: {  	[sflag:s0] =	ssyncadd.remote.s32 $0x1  }
0xbb: {  	_ =	sfence.sel $0xFFFF  }
0xbc: {  	[dreg:$0x0] =	wrdreg $0xFFFFFFFF;
	(pc) =	sbr.abs _section_cstart, $3  }
0xbd: {  	[dreg:$0x1] =	wrdreg $0xFFFFFFFF  }
0xbe: {  	_ =	task.clear_ibuf [dreg:s4], $0x2FFFF;
	_ =	strace $0x9FFFFFFF  }
0xbf: {  	(tm) =	ssettm $0x7FFFFFFF  }
tec
execute0_lowered:
.L_overlay_start_1:
0x0: {  	(tag) =	ssettag $0x1  }
0x1: {  	s0 =	stileid.u32;
	s4 =	rddreg [dreg:$0x0]  }
0x2: {  	s1 =	rddreg [dreg:$0x1];
	s2 =	simm.s32 $0x0;
	s6 =	sshrl.u32 s0, $0x3  }
0x3: {  	s5 =	sand.u32 $0x7, s0;
	[smem:$0x7FF] =	sst s2;
	s3 =	smul.u32 $0xC00, s6  }
0x4: {  	s24 =	sadd.s32 $0x800, s4;
	s7 =	smul.u32 $0x180, s5;
	_ =	strace $0x80000047  }
0x5: {  	[tilespmem:s2], [sflag:$0x1] =	stream.linear.gather [hbm4b:s24+s2], $0xF10, $0x38;
	[tilespmem:$0x2000] =	vst v63  }
0x6: {  	s3 =	sadd.s32 s7, s3  }
0x7: {  	s3 =	sshrl.u32 s3, $0x3  }
0x8: {  	s3 =	sadd.s32 s24, s3  }
0x9: {  	s25 =	simm.s32 $0xF80;
	v0 =	vlaneseq.u32;
	s26 =	simm.s32 $0x1;
	s3 =	sadd.s32 $0x1E2, s3  }
0xa: {  	v0 =	vmul.u32 $0x3, v0;
	[tilespmem:s25], [sflag:$0x1] =	stream.linear.gather [hbm4b:s3+s2], $0x180, $0x38;
	[tilespmem:$0x2000] =	vst v63  }
0xb: {  	_ =	swait.ge [sflag:s26], $0xF10  }
0xc: {  	v1 =	vadd.s32 $0x1, v0;
	[sflag:s26] =	ssyncset.done $0x0  }
0xd: {  	[sflag:s26] =	ssyncadd.s32 $0xFFFFF0F0  }
0xe: {  	_ =	swait.ge [sflag:s26], $0x180  }
0xf: {  	v2 =	vadd.s32 $0x2, v0;
	[sflag:s26] =	ssyncset.done $0x0  }
0x10: {  	[sflag:s26] =	ssyncadd.s32 $0xFFFFFE80  }
0x11: {  	v1 =	vld.idx.msk [tilespmem:v1+s25+$0x0], $0xffff;
	_ =	sdelay $0x2  }
0x12: {  	v2 =	vld.idx.msk [tilespmem:v2+s25+$0x0], $0xffff;
	_ =	sdelay $0x1  }
0x13: {  	s8 =	smul.u32 $0x786, s6;
	v1 =	vmul.u32 $0x3, v1  }
0x14: {  	v4 =	vld.idx.msk [tilespmem:v0+s25+$0x0], $0xffff  }
0x15: {  	s9 =	sor.u32 $0x1, s8;
	v3 =	vadd.s32 s8, v1  }
0x16: {  	s10 =	sadd.s32 $0x2, s8;
	v2 =	vmul.u32 $0x3, v2;
	v5 =	vadd.s32 s9, v1  }
0x17: {  	v1 =	vadd.s32 s10, v1  }
0x18: {  	v6 =	vadd.s32 s8, v2  }
0x19: {  	v4 =	vmul.u32 $0x3, v4;
	v7 =	vadd.s32 s9, v2  }
0x1a: {  	v2 =	vadd.s32 s10, v2;
	v3 =	vld.idx.msk [tilespmem:v3+s2+$0x0], $0xffff  }
0x1b: {  	v8 =	vadd.s32 s8, v4;
	v5 =	vld.idx.msk [tilespmem:v5+s2+$0x0], $0xffff  }
0x1c: {  	v9 =	vadd.s32 s9, v4;
	v1 =	vld.idx.msk [tilespmem:v1+s2+$0x0], $0xffff  }
0x1d: {  	v4 =	vadd.s32 s10, v4;
	v6 =	vld.idx.msk [tilespmem:v6+s2+$0x0], $0xffff  }
0x1e: {  	v7 =	vld.idx.msk [tilespmem:v7+s2+$0x0], $0xffff  }
0x1f: {  	v2 =	vld.idx.msk [tilespmem:v2+s2+$0x0], $0xffff  }
0x20: {  	v8 =	vld.idx.msk [tilespmem:v8+s2+$0x0], $0xffff  }
0x21: {  	v9 =	vld.idx.msk [tilespmem:v9+s2+$0x0], $0xffff  }
0x22: {  	v4 =	vld.idx.msk [tilespmem:v4+s2+$0x0], $0xffff;
	[tilespmem:$0x1100] =	vst v6  }
0x23: {  	[tilespmem:$0x1600] =	vst v7  }
0x24: {  	[tilespmem:$0x1B00] =	vst v2  }
0x25: {  	[tilespmem:$0x1280] =	vst v3  }
0x26: {  	[tilespmem:$0x1780] =	vst v5  }
0x27: {  	v10 =	vmul.f32 $3.333333430e-01, v3;
	v11 =	vmul.f32 $6.666666860e-01, v6;
	[tilespmem:$0x1C80] =	vst v1  }
0x28: {  	v12 =	vmul.f32 $3.333333430e-01, v5;
	v13 =	vmul.f32 $6.666666860e-01, v7;
	[tilespmem:$0x1580] =	vst v8  }
0x29: {  	v15 =	vmul.f32 $3.333333430e-01, v1;
	v16 =	vmul.f32 $6.666666860e-01, v2;
	[tilespmem:$0x1A80] =	vst v9;
	v14 =	vadd.f32 v11, v10  }
0x2a: {  	v18 =	vmul.f32 $6.666666860e-01, v3;
	v19 =	vmul.f32 $3.333333430e-01, v6;
	[tilespmem:$0x1F80] =	vst v4;
	v17 =	vadd.f32 v13, v12  }
0x2b: {  	v20 =	vmul.f32 $6.666666860e-01, v5;
	v21 =	vmul.f32 $3.333333430e-01, v7;
	v50 =	vadd.f32 v16, v15;
	[tilespmem:$0x1180] =	vst v14  }
0x2c: {  	v53 =	vmul.f32 $6.666666860e-01, v1;
	v22 =	vmul.f32 $3.333333430e-01, v2;
	v51 =	vadd.f32 v19, v18;
	[tilespmem:$0x1680] =	vst v17  }
0x2d: {  	v55 =	vmul.f32 $3.333333430e-01, v8;
	v52 =	vadd.f32 v21, v20;
	[tilespmem:$0x1B80] =	vst v50  }
0x2e: {  	v56 =	vmul.f32 $3.333333430e-01, v9;
	v54 =	vadd.f32 v22, v53;
	[tilespmem:$0x1200] =	vst v51  }
0x2f: {  	v58 =	vmul.f32 $3.333333430e-01, v4;
	v57 =	vadd.f32 v11, v55;
	[tilespmem:$0x1700] =	vst v52  }
0x30: {  	v31 =	vmul.f32 $6.666666860e-01, v8;
	v59 =	vadd.f32 v13, v56;
	[tilespmem:$0x1C00] =	vst v54  }
0x31: {  	v33 =	vmul.f32 $6.666666860e-01, v9;
	v61 =	vadd.f32 v16, v58;
	[tilespmem:$0x1300] =	vst v57  }
0x32: {  	v35 =	vmul.f32 $6.666666860e-01, v4;
	v34 =	vadd.f32 v19, v31;
	[tilespmem:$0x1800] =	vst v59  }
0x33: {  	v60 =	vadd.f32 v10, v55;
	v36 =	vadd.f32 v21, v33;
	[tilespmem:$0x1D00] =	vst v61  }
0x34: {  	v62 =	vadd.f32 v12, v56;
	v37 =	vadd.f32 v22, v35;
	[tilespmem:$0x1480] =	vst v34  }
0x35: {  	v41 =	vadd.s32 $0x31, v0;
	v23 =	vadd.f32 v15, v58;
	v63 =	vadd.f32 v19, v60;
	[tilespmem:$0x1980] =	vst v36  }
0x36: {  	v27 =	vmul.f32 $1.110223020e-16, v7;
	v3 =	vadd.f32 v20, v56;
	v24 =	vadd.f32 v21, v62;
	[tilespmem:$0x1E80] =	vst v37  }
0x37: {  	v29 =	vmul.f32 $1.110223020e-16, v2;
	v11 =	vadd.f32 v53, v58;
	v26 =	vadd.f32 v22, v23;
	[tilespmem:$0x1380] =	vst v63  }
0x38: {  	v7 =	vmul.f32 $5.551115120e-17, v7;
	v38 =	vadd.f32 v12, v33;
	v30 =	vadd.f32 v27, v3;
	[tilespmem:$0x1880] =	vst v24  }
0x39: {  	v2 =	vmul.f32 $5.551115120e-17, v2;
	v39 =	vadd.f32 v15, v35;
	v32 =	vadd.f32 v29, v11;
	[tilespmem:$0x1D80] =	vst v26  }
0x3a: {  	v25 =	vmul.f32 $1.110223020e-16, v6;
	v14 =	vadd.f32 v18, v55;
	v40 =	vadd.f32 v7, v38;
	[tilespmem:$0x1900] =	vst v30  }
0x3b: {  	v6 =	vmul.f32 $5.551115120e-17, v6;
	v3 =	vadd.f32 v10, v31;
	v2 =	vadd.f32 v2, v39;
	[tilespmem:$0x1E00] =	vst v32  }
0x3c: {  	v28 =	vadd.f32 v25, v14;
	[tilespmem:$0x1A00] =	vst v40  }
0x3d: {  	v3 =	vadd.f32 v6, v3;
	[tilespmem:$0x1F00] =	vst v2  }
0x3e: {  	v42 =	vadd.s32 $0x32, v0;
	[tilespmem:$0x1400] =	vst v28  }
0x3f: {  	[tilespmem:$0x1500] =	vst v3  }
0x40: {  	v1 =	vld.idx.msk [tilespmem:v41+s25+$0x0], $0xffff  }
0x41: {  	v43 =	vadd.s32 $0x30, v0;
	_ =	sdelay $0x1  }
0x42: {  	v2 =	vld.idx.msk [tilespmem:v42+s25+$0x0], $0xffff;
	_ =	sdelay $0x1  }
0x43: {  	v1 =	vmul.u32 $0x3, v1  }
0x44: {  	v3 =	vld.idx.msk [tilespmem:v43+s25+$0x0], $0xffff  }
0x45: {  	v44 =	vadd.s32 s8, v1  }
0x46: {  	v2 =	vmul.u32 $0x3, v2;
	v45 =	vadd.s32 s9, v1  }
0x47: {  	v1 =	vadd.s32 s10, v1  }
0x48: {  	v46 =	vadd.s32 s8, v2  }
0x49: {  	v3 =	vmul.u32 $0x3, v3;
	v47 =	vadd.s32 s9, v2  }
0x4a: {  	v2 =	vadd.s32 s10, v2;
	v4 =	vld.idx.msk [tilespmem:v44+s2+$0x0], $0xffff  }
0x4b: {  	v48 =	vadd.s32 s8, v3;
	v5 =	vld.idx.msk [tilespmem:v45+s2+$0x0], $0xffff  }
0x4c: {  	v49 =	vadd.s32 s9, v3;
	v1 =	vld.idx.msk [tilespmem:v1+s2+$0x0], $0xffff  }
0x4d: {  	v3 =	vadd.s32 s10, v3;
	v6 =	vld.idx.msk [tilespmem:v46+s2+$0x0], $0xffff  }
0x4e: {  	v7 =	vld.idx.msk [tilespmem:v47+s2+$0x0], $0xffff  }
0x4f: {  	v2 =	vld.idx.msk [tilespmem:v2+s2+$0x0], $0xffff  }
0x50: {  	v8 =	vld.idx.msk [tilespmem:v48+s2+$0x0], $0xffff  }
0x51: {  	v9 =	vld.idx.msk [tilespmem:v49+s2+$0x0], $0xffff  }
0x52: {  	v3 =	vld.idx.msk [tilespmem:v3+s2+$0x0], $0xffff;
	[tilespmem:$0x1110] =	vst v6  }
0x53: {  	[tilespmem:$0x1610] =	vst v7  }
0x54: {  	[tilespmem:$0x1B10] =	vst v2  }
0x55: {  	[tilespmem:$0x1290] =	vst v4  }
0x56: {  	[tilespmem:$0x1790] =	vst v5  }
0x57: {  	v10 =	vmul.f32 $3.333333430e-01, v4;
	v50 =	vmul.f32 $6.666666860e-01, v6;
	[tilespmem:$0x1C90] =	vst v1  }
0x58: {  	v51 =	vmul.f32 $3.333333430e-01, v5;
	v52 =	vmul.f32 $6.666666860e-01, v7;
	[tilespmem:$0x1590] =	vst v8  }
0x59: {  	v54 =	vmul.f32 $3.333333430e-01, v1;
	v55 =	vmul.f32 $6.666666860e-01, v2;
	[tilespmem:$0x1A90] =	vst v9;
	v53 =	vadd.f32 v50, v10  }
0x5a: {  	v57 =	vmul.f32 $6.666666860e-01, v4;
	v58 =	vmul.f32 $3.333333430e-01, v6;
	[tilespmem:$0x1F90] =	vst v3;
	v56 =	vadd.f32 v52, v51  }
0x5b: {  	v61 =	vmul.f32 $6.666666860e-01, v5;
	v62 =	vmul.f32 $3.333333430e-01, v7;
	v59 =	vadd.f32 v55, v54;
	[tilespmem:$0x1190] =	vst v53  }
0x5c: {  	v24 =	vmul.f32 $6.666666860e-01, v1;
	v25 =	vmul.f32 $3.333333430e-01, v2;
	v60 =	vadd.f32 v58, v57;
	[tilespmem:$0x1690] =	vst v56  }
0x5d: {  	v27 =	vmul.f32 $3.333333430e-01, v8;
	v63 =	vadd.f32 v62, v61;
	[tilespmem:$0x1B90] =	vst v59  }
0x5e: {  	v28 =	vmul.f32 $3.333333430e-01, v9;
	v26 =	vadd.f32 v25, v24;
	[tilespmem:$0x1210] =	vst v60  }
0x5f: {  	v30 =	vmul.f32 $3.333333430e-01, v3;
	v29 =	vadd.f32 v50, v27;
	[tilespmem:$0x1710] =	vst v63  }
0x60: {  	v44 =	vmul.f32 $6.666666860e-01, v8;
	v31 =	vadd.f32 v52, v28;
	[tilespmem:$0x1C10] =	vst v26  }
0x61: {  	v46 =	vmul.f32 $6.666666860e-01, v9;
	v33 =	vadd.f32 v55, v30;
	[tilespmem:$0x1310] =	vst v29  }
0x62: {  	v48 =	vmul.f32 $6.666666860e-01, v3;
	v47 =	vadd.f32 v58, v44;
	[tilespmem:$0x1810] =	vst v31  }
0x63: {  	v32 =	vadd.f32 v10, v27;
	v49 =	vadd.f32 v62, v46;
	[tilespmem:$0x1D10] =	vst v33  }
0x64: {  	v34 =	vadd.f32 v51, v28;
	v50 =	vadd.f32 v25, v48;
	[tilespmem:$0x1490] =	vst v47  }
0x65: {  	v38 =	vmul.f32 $1.110223020e-16, v6;
	v36 =	vadd.f32 v54, v30;
	v35 =	vadd.f32 v58, v32;
	[tilespmem:$0x1990] =	vst v49  }
0x66: {  	v40 =	vmul.f32 $1.110223020e-16, v7;
	v14 =	vadd.f32 v57, v27;
	v37 =	vadd.f32 v62, v34;
	[tilespmem:$0x1E90] =	vst v50  }
0x67: {  	v42 =	vmul.f32 $1.110223020e-16, v2;
	v4 =	vadd.f32 v61, v28;
	v39 =	vadd.f32 v25, v36;
	[tilespmem:$0x1390] =	vst v35  }
0x68: {  	v6 =	vmul.f32 $5.551115120e-17, v6;
	v11 =	vadd.f32 v24, v30;
	v41 =	vadd.f32 v38, v14;
	[tilespmem:$0x1890] =	vst v37  }
0x69: {  	v7 =	vmul.f32 $5.551115120e-17, v7;
	v51 =	vadd.f32 v51, v46;
	v43 =	vadd.f32 v40, v4;
	[tilespmem:$0x1D90] =	vst v39  }
0x6a: {  	v2 =	vmul.f32 $5.551115120e-17, v2;
	v52 =	vadd.f32 v54, v48;
	v45 =	vadd.f32 v42, v11;
	[tilespmem:$0x1410] =	vst v41  }
0x6b: {  	v54 =	vadd.s32 $0x61, v0;
	v4 =	vadd.f32 v10, v44;
	v53 =	vadd.f32 v7, v51;
	[tilespmem:$0x1910] =	vst v43  }
0x6c: {  	v2 =	vadd.f32 v2, v52;
	[tilespmem:$0x1E10] =	vst v45  }
0x6d: {  	v4 =	vadd.f32 v6, v4;
	[tilespmem:$0x1A10] =	vst v53  }
0x6e: {  	v55 =	vadd.s32 $0x62, v0;
	[tilespmem:$0x1F10] =	vst v2  }
0x6f: {  	[tilespmem:$0x1510] =	vst v4  }
0x70: {  	v1 =	vld.idx.msk [tilespmem:v54+s25+$0x0], $0xffff  }
0x71: {  	v56 =	vadd.s32 $0x60, v0;
	_ =	sdelay $0x1  }
0x72: {  	v2 =	vld.idx.msk [tilespmem:v55+s25+$0x0], $0xffff;
	_ =	sdelay $0x1  }
0x73: {  	v1 =	vmul.u32 $0x3, v1  }
0x74: {  	v3 =	vld.idx.msk [tilespmem:v56+s25+$0x0], $0xffff  }
0x75: {  	v57 =	vadd.s32 s8, v1  }
0x76: {  	v2 =	vmul.u32 $0x3, v2;
	v58 =	vadd.s32 s9, v1  }
0x77: {  	v1 =	vadd.s32 s10, v1  }
0x78: {  	v59 =	vadd.s32 s8, v2  }
0x79: {  	v3 =	vmul.u32 $0x3, v3;
	v60 =	vadd.s32 s9, v2  }
0x7a: {  	v2 =	vadd.s32 s10, v2;
	v4 =	vld.idx.msk [tilespmem:v57+s2+$0x0], $0xffff  }
0x7b: {  	v61 =	vadd.s32 s8, v3;
	v5 =	vld.idx.msk [tilespmem:v58+s2+$0x0], $0xffff  }
0x7c: {  	v62 =	vadd.s32 s9, v3;
	v1 =	vld.idx.msk [tilespmem:v1+s2+$0x0], $0xffff  }
0x7d: {  	v3 =	vadd.s32 s10, v3;
	v6 =	vld.idx.msk [tilespmem:v59+s2+$0x0], $0xffff  }
0x7e: {  	v7 =	vld.idx.msk [tilespmem:v60+s2+$0x0], $0xffff  }
0x7f: {  	v2 =	vld.idx.msk [tilespmem:v2+s2+$0x0], $0xffff  }
0x80: {  	v8 =	vld.idx.msk [tilespmem:v61+s2+$0x0], $0xffff  }
0x81: {  	v9 =	vld.idx.msk [tilespmem:v62+s2+$0x0], $0xffff  }
0x82: {  	v3 =	vld.idx.msk [tilespmem:v3+s2+$0x0], $0xffff;
	[tilespmem:$0x1120] =	vst v6  }
0x83: {  	[tilespmem:$0x1620] =	vst v7  }
0x84: {  	[tilespmem:$0x1B20] =	vst v2  }
0x85: {  	[tilespmem:$0x12A0] =	vst v4  }
0x86: {  	[tilespmem:$0x17A0] =	vst v5  }
0x87: {  	v10 =	vmul.f32 $3.333333430e-01, v4;
	v63 =	vmul.f32 $6.666666860e-01, v6;
	[tilespmem:$0x1CA0] =	vst v1  }
0x88: {  	v24 =	vmul.f32 $3.333333430e-01, v5;
	v25 =	vmul.f32 $6.666666860e-01, v7;
	[tilespmem:$0x15A0] =	vst v8  }
0x89: {  	v27 =	vmul.f32 $3.333333430e-01, v1;
	v28 =	vmul.f32 $6.666666860e-01, v2;
	[tilespmem:$0x1AA0] =	vst v9;
	v26 =	vadd.f32 v63, v10  }
0x8a: {  	v30 =	vmul.f32 $6.666666860e-01, v4;
	v31 =	vmul.f32 $3.333333430e-01, v6;
	[tilespmem:$0x1FA0] =	vst v3;
	v29 =	vadd.f32 v25, v24  }
0x8b: {  	v34 =	vmul.f32 $6.666666860e-01, v5;
	v35 =	vmul.f32 $3.333333430e-01, v7;
	v32 =	vadd.f32 v28, v27;
	[tilespmem:$0x11A0] =	vst v26  }
0x8c: {  	v37 =	vmul.f32 $6.666666860e-01, v1;
	v38 =	vmul.f32 $3.333333430e-01, v2;
	v33 =	vadd.f32 v31, v30;
	[tilespmem:$0x16A0] =	vst v29  }
0x8d: {  	v40 =	vmul.f32 $3.333333430e-01, v8;
	v36 =	vadd.f32 v35, v34;
	[tilespmem:$0x1BA0] =	vst v32  }
0x8e: {  	v41 =	vmul.f32 $3.333333430e-01, v9;
	v39 =	vadd.f32 v38, v37;
	[tilespmem:$0x1220] =	vst v33  }
0x8f: {  	v43 =	vmul.f32 $3.333333430e-01, v3;
	v42 =	vadd.f32 v63, v40;
	[tilespmem:$0x1720] =	vst v36  }
0x90: {  	v57 =	vmul.f32 $6.666666860e-01, v8;
	v44 =	vadd.f32 v25, v41;
	[tilespmem:$0x1C20] =	vst v39  }
0x91: {  	v59 =	vmul.f32 $6.666666860e-01, v9;
	v46 =	vadd.f32 v28, v43;
	[tilespmem:$0x1320] =	vst v42  }
0x92: {  	v61 =	vmul.f32 $6.666666860e-01, v3;
	v60 =	vadd.f32 v31, v57;
	[tilespmem:$0x1820] =	vst v44  }
0x93: {  	v45 =	vadd.f32 v10, v40;
	v62 =	vadd.f32 v35, v59;
	[tilespmem:$0x1D20] =	vst v46  }
0x94: {  	v47 =	vadd.f32 v24, v41;
	v63 =	vadd.f32 v38, v61;
	[tilespmem:$0x14A0] =	vst v60  }
0x95: {  	v15 =	vadd.s32 $0x91, v0;
	v49 =	vadd.f32 v27, v43;
	v48 =	vadd.f32 v31, v45;
	[tilespmem:$0x19A0] =	vst v62  }
0x96: {  	v51 =	vmul.f32 $1.110223020e-16, v6;
	v14 =	vadd.f32 v30, v40;
	v50 =	vadd.f32 v35, v47;
	[tilespmem:$0x1EA0] =	vst v63  }
0x97: {  	v53 =	vmul.f32 $1.110223020e-16, v7;
	v4 =	vadd.f32 v34, v41;
	v52 =	vadd.f32 v38, v49;
	[tilespmem:$0x13A0] =	vst v48  }
0x98: {  	v55 =	vmul.f32 $1.110223020e-16, v2;
	v11 =	vadd.f32 v37, v43;
	v54 =	vadd.f32 v51, v14;
	[tilespmem:$0x18A0] =	vst v50  }
0x99: {  	v7 =	vmul.f32 $5.551115120e-17, v7;
	v12 =	vadd.f32 v24, v59;
	v56 =	vadd.f32 v53, v4;
	[tilespmem:$0x1DA0] =	vst v52  }
0x9a: {  	v2 =	vmul.f32 $5.551115120e-17, v2;
	v13 =	vadd.f32 v27, v61;
	v58 =	vadd.f32 v55, v11;
	[tilespmem:$0x1420] =	vst v54  }
0x9b: {  	v6 =	vmul.f32 $5.551115120e-17, v6;
	v4 =	vadd.f32 v10, v57;
	v14 =	vadd.f32 v7, v12;
	[tilespmem:$0x1920] =	vst v56  }
0x9c: {  	v2 =	vadd.f32 v2, v13;
	[tilespmem:$0x1E20] =	vst v58  }
0x9d: {  	v4 =	vadd.f32 v6, v4;
	[tilespmem:$0x1A20] =	vst v14  }
0x9e: {  	v16 =	vadd.s32 $0x92, v0;
	[tilespmem:$0x1F20] =	vst v2  }
0x9f: {  	[tilespmem:$0x1520] =	vst v4  }
0xa0: {  	v1 =	vld.idx.msk [tilespmem:v15+s25+$0x0], $0xffff  }
0xa1: {  	v17 =	vadd.s32 $0x90, v0;
	_ =	sdelay $0x1  }
0xa2: {  	v2 =	vld.idx.msk [tilespmem:v16+s25+$0x0], $0xffff;
	_ =	sdelay $0x1  }
0xa3: {  	v1 =	vmul.u32 $0x3, v1  }
0xa4: {  	v3 =	vld.idx.msk [tilespmem:v17+s25+$0x0], $0xffff  }
0xa5: {  	v18 =	vadd.s32 s8, v1  }
0xa6: {  	v2 =	vmul.u32 $0x3, v2;
	v19 =	vadd.s32 s9, v1  }
0xa7: {  	v1 =	vadd.s32 s10, v1  }
0xa8: {  	v20 =	vadd.s32 s8, v2  }
0xa9: {  	v3 =	vmul.u32 $0x3, v3;
	v21 =	vadd.s32 s9, v2  }
0xaa: {  	v2 =	vadd.s32 s10, v2;
	v4 =	vld.idx.msk [tilespmem:v18+s2+$0x0], $0xffff  }
0xab: {  	v22 =	vadd.s32 s8, v3;
	v5 =	vld.idx.msk [tilespmem:v19+s2+$0x0], $0xffff  }
0xac: {  	v23 =	vadd.s32 s9, v3;
	v1 =	vld.idx.msk [tilespmem:v1+s2+$0x0], $0xffff  }
0xad: {  	v3 =	vadd.s32 s10, v3;
	v6 =	vld.idx.msk [tilespmem:v20+s2+$0x0], $0xffff  }
0xae: {  	v7 =	vld.idx.msk [tilespmem:v21+s2+$0x0], $0xffff  }
0xaf: {  	v2 =	vld.idx.msk [tilespmem:v2+s2+$0x0], $0xffff  }
0xb0: {  	v8 =	vld.idx.msk [tilespmem:v22+s2+$0x0], $0xffff  }
0xb1: {  	v9 =	vld.idx.msk [tilespmem:v23+s2+$0x0], $0xffff  }
0xb2: {  	v3 =	vld.idx.msk [tilespmem:v3+s2+$0x0], $0xffff;
	[tilespmem:$0x1130] =	vst v6  }
0xb3: {  	[tilespmem:$0x1630] =	vst v7  }
0xb4: {  	[tilespmem:$0x1B30] =	vst v2  }
0xb5: {  	[tilespmem:$0x12B0] =	vst v4  }
0xb6: {  	[tilespmem:$0x17B0] =	vst v5  }
0xb7: {  	v24 =	vmul.f32 $3.333333430e-01, v4;
	v25 =	vmul.f32 $6.666666860e-01, v6;
	[tilespmem:$0x1CB0] =	vst v1  }
0xb8: {  	v26 =	vmul.f32 $3.333333430e-01, v5;
	v27 =	vmul.f32 $6.666666860e-01, v7;
	[tilespmem:$0x15B0] =	vst v8  }
0xb9: {  	v29 =	vmul.f32 $3.333333430e-01, v1;
	v30 =	vmul.f32 $6.666666860e-01, v2;
	[tilespmem:$0x1AB0] =	vst v9;
	v28 =	vadd.f32 v25, v24  }
0xba: {  	v32 =	vmul.f32 $6.666666860e-01, v4;
	v33 =	vmul.f32 $3.333333430e-01, v6;
	[tilespmem:$0x1FB0] =	vst v3;
	v31 =	vadd.f32 v27, v26  }
0xbb: {  	v36 =	vmul.f32 $6.666666860e-01, v5;
	v37 =	vmul.f32 $3.333333430e-01, v7;
	v34 =	vadd.f32 v30, v29;
	[tilespmem:$0x11B0] =	vst v28  }
0xbc: {  	v39 =	vmul.f32 $6.666666860e-01, v1;
	v40 =	vmul.f32 $3.333333430e-01, v2;
	v35 =	vadd.f32 v33, v32;
	[tilespmem:$0x16B0] =	vst v31  }
0xbd: {  	v42 =	vmul.f32 $3.333333430e-01, v8;
	v38 =	vadd.f32 v37, v36;
	[tilespmem:$0x1BB0] =	vst v34  }
0xbe: {  	v43 =	vmul.f32 $3.333333430e-01, v9;
	v41 =	vadd.f32 v40, v39;
	[tilespmem:$0x1230] =	vst v35  }
0xbf: {  	v45 =	vmul.f32 $3.333333430e-01, v3;
	v44 =	vadd.f32 v25, v42;
	[tilespmem:$0x1730] =	vst v38  }
0xc0: {  	v59 =	vmul.f32 $6.666666860e-01, v8;
	v46 =	vadd.f32 v27, v43;
	[tilespmem:$0x1C30] =	vst v41  }
0xc1: {  	v61 =	vmul.f32 $6.666666860e-01, v9;
	v48 =	vadd.f32 v30, v45;
	[tilespmem:$0x1330] =	vst v44  }
0xc2: {  	v63 =	vmul.f32 $6.666666860e-01, v3;
	v62 =	vadd.f32 v33, v59;
	[tilespmem:$0x1830] =	vst v46  }
0xc3: {  	v47 =	vadd.f32 v24, v42;
	v16 =	vadd.f32 v37, v61;
	[tilespmem:$0x1D30] =	vst v48  }
0xc4: {  	v49 =	vadd.f32 v26, v43;
	v17 =	vadd.f32 v40, v63;
	[tilespmem:$0x14B0] =	vst v62  }
0xc5: {  	v21 =	vadd.s32 $0xC1, v0;
	v51 =	vadd.f32 v29, v45;
	v50 =	vadd.f32 v33, v47;
	[tilespmem:$0x19B0] =	vst v16  }
0xc6: {  	v53 =	vmul.f32 $1.110223020e-16, v6;
	v14 =	vadd.f32 v32, v42;
	v52 =	vadd.f32 v37, v49;
	[tilespmem:$0x1EB0] =	vst v17  }
0xc7: {  	v55 =	vmul.f32 $1.110223020e-16, v7;
	v4 =	vadd.f32 v36, v43;
	v54 =	vadd.f32 v40, v51;
	[tilespmem:$0x13B0] =	vst v50  }
0xc8: {  	v57 =	vmul.f32 $1.110223020e-16, v2;
	v11 =	vadd.f32 v39, v45;
	v56 =	vadd.f32 v53, v14;
	[tilespmem:$0x18B0] =	vst v52  }
0xc9: {  	v7 =	vmul.f32 $5.551115120e-17, v7;
	v18 =	vadd.f32 v26, v61;
	v58 =	vadd.f32 v55, v4;
	[tilespmem:$0x1DB0] =	vst v54  }
0xca: {  	v2 =	vmul.f32 $5.551115120e-17, v2;
	v19 =	vadd.f32 v29, v63;
	v60 =	vadd.f32 v57, v11;
	[tilespmem:$0x1430] =	vst v56  }
0xcb: {  	v6 =	vmul.f32 $5.551115120e-17, v6;
	v4 =	vadd.f32 v24, v59;
	v20 =	vadd.f32 v7, v18;
	[tilespmem:$0x1930] =	vst v58  }
0xcc: {  	v2 =	vadd.f32 v2, v19;
	[tilespmem:$0x1E30] =	vst v60  }
0xcd: {  	v4 =	vadd.f32 v6, v4;
	[tilespmem:$0x1A30] =	vst v20  }
0xce: {  	v22 =	vadd.s32 $0xC2, v0;
	[tilespmem:$0x1F30] =	vst v2  }
0xcf: {  	[tilespmem:$0x1530] =	vst v4  }
0xd0: {  	v1 =	vld.idx.msk [tilespmem:v21+s25+$0x0], $0xffff  }
0xd1: {  	v23 =	vor.u32 $0xC0, v0;
	_ =	sdelay $0x1  }
0xd2: {  	v2 =	vld.idx.msk [tilespmem:v22+s25+$0x0], $0xffff;
	_ =	sdelay $0x1  }
0xd3: {  	v1 =	vmul.u32 $0x3, v1  }
0xd4: {  	v3 =	vld.idx.msk [tilespmem:v23+s25+$0x0], $0xffff  }
0xd5: {  	v24 =	vadd.s32 s8, v1  }
0xd6: {  	v2 =	vmul.u32 $0x3, v2;
	v25 =	vadd.s32 s9, v1  }
0xd7: {  	v1 =	vadd.s32 s10, v1  }
0xd8: {  	v26 =	vadd.s32 s8, v2  }
0xd9: {  	v3 =	vmul.u32 $0x3, v3;
	v27 =	vadd.s32 s9, v2  }
0xda: {  	v2 =	vadd.s32 s10, v2;
	v4 =	vld.idx.msk [tilespmem:v24+s2+$0x0], $0xffff  }
0xdb: {  	v28 =	vadd.s32 s8, v3;
	v5 =	vld.idx.msk [tilespmem:v25+s2+$0x0], $0xffff  }
0xdc: {  	v29 =	vadd.s32 s9, v3;
	v1 =	vld.idx.msk [tilespmem:v1+s2+$0x0], $0xffff  }
0xdd: {  	v3 =	vadd.s32 s10, v3;
	v6 =	vld.idx.msk [tilespmem:v26+s2+$0x0], $0xffff  }
0xde: {  	v7 =	vld.idx.msk [tilespmem:v27+s2+$0x0], $0xffff  }
0xdf: {  	v2 =	vld.idx.msk [tilespmem:v2+s2+$0x0], $0xffff  }
0xe0: {  	v8 =	vld.idx.msk [tilespmem:v28+s2+$0x0], $0xffff  }
0xe1: {  	v9 =	vld.idx.msk [tilespmem:v29+s2+$0x0], $0xffff  }
0xe2: {  	v3 =	vld.idx.msk [tilespmem:v3+s2+$0x0], $0xffff;
	[tilespmem:$0x1140] =	vst v6  }
0xe3: {  	[tilespmem:$0x1640] =	vst v7  }
0xe4: {  	[tilespmem:$0x1B40] =	vst v2  }
0xe5: {  	[tilespmem:$0x12C0] =	vst v4  }
0xe6: {  	[tilespmem:$0x17C0] =	vst v5  }
0xe7: {  	v30 =	vmul.f32 $3.333333430e-01, v4;
	v31 =	vmul.f32 $6.666666860e-01, v6;
	[tilespmem:$0x1CC0] =	vst v1  }
0xe8: {  	v32 =	vmul.f32 $3.333333430e-01, v5;
	v33 =	vmul.f32 $6.666666860e-01, v7;
	[tilespmem:$0x15C0] =	vst v8  }
0xe9: {  	v35 =	vmul.f32 $3.333333430e-01, v1;
	v36 =	vmul.f32 $6.666666860e-01, v2;
	[tilespmem:$0x1AC0] =	vst v9;
	v34 =	vadd.f32 v31, v30  }
0xea: {  	v38 =	vmul.f32 $6.666666860e-01, v4;
	v39 =	vmul.f32 $3.333333430e-01, v6;
	[tilespmem:$0x1FC0] =	vst v3;
	v37 =	vadd.f32 v33, v32  }
0xeb: {  	v42 =	vmul.f32 $6.666666860e-01, v5;
	v43 =	vmul.f32 $3.333333430e-01, v7;
	v40 =	vadd.f32 v36, v35;
	[tilespmem:$0x11C0] =	vst v34  }
0xec: {  	v45 =	vmul.f32 $6.666666860e-01, v1;
	v46 =	vmul.f32 $3.333333430e-01, v2;
	v41 =	vadd.f32 v39, v38;
	[tilespmem:$0x16C0] =	vst v37  }
0xed: {  	v48 =	vmul.f32 $3.333333430e-01, v8;
	v44 =	vadd.f32 v43, v42;
	[tilespmem:$0x1BC0] =	vst v40  }
0xee: {  	v49 =	vmul.f32 $3.333333430e-01, v9;
	v47 =	vadd.f32 v46, v45;
	[tilespmem:$0x1240] =	vst v41  }
0xef: {  	v51 =	vmul.f32 $3.333333430e-01, v3;
	v50 =	vadd.f32 v31, v48;
	[tilespmem:$0x1740] =	vst v44  }
0xf0: {  	v16 =	vmul.f32 $6.666666860e-01, v8;
	v52 =	vadd.f32 v33, v49;
	[tilespmem:$0x1C40] =	vst v47  }
0xf1: {  	v18 =	vmul.f32 $6.666666860e-01, v9;
	v54 =	vadd.f32 v36, v51;
	[tilespmem:$0x1340] =	vst v50  }
0xf2: {  	v20 =	vmul.f32 $6.666666860e-01, v3;
	v19 =	vadd.f32 v39, v16;
	[tilespmem:$0x1840] =	vst v52  }
0xf3: {  	v53 =	vadd.f32 v30, v48;
	v21 =	vadd.f32 v43, v18;
	[tilespmem:$0x1D40] =	vst v54  }
0xf4: {  	v55 =	vadd.f32 v32, v49;
	v22 =	vadd.f32 v46, v20;
	[tilespmem:$0x14C0] =	vst v19  }
0xf5: {  	v26 =	vadd.s32 $0xF1, v0;
	v57 =	vadd.f32 v35, v51;
	v56 =	vadd.f32 v39, v53;
	[tilespmem:$0x19C0] =	vst v21  }
0xf6: {  	v59 =	vmul.f32 $1.110223020e-16, v6;
	v14 =	vadd.f32 v38, v48;
	v58 =	vadd.f32 v43, v55;
	[tilespmem:$0x1EC0] =	vst v22  }
0xf7: {  	v61 =	vmul.f32 $1.110223020e-16, v7;
	v4 =	vadd.f32 v42, v49;
	v60 =	vadd.f32 v46, v57;
	[tilespmem:$0x13C0] =	vst v56  }
0xf8: {  	v63 =	vmul.f32 $1.110223020e-16, v2;
	v11 =	vadd.f32 v45, v51;
	v62 =	vadd.f32 v59, v14;
	[tilespmem:$0x18C0] =	vst v58  }
0xf9: {  	v7 =	vmul.f32 $5.551115120e-17, v7;
	v23 =	vadd.f32 v32, v18;
	v13 =	vadd.f32 v61, v4;
	[tilespmem:$0x1DC0] =	vst v60  }
0xfa: {  	v2 =	vmul.f32 $5.551115120e-17, v2;
	v24 =	vadd.f32 v35, v20;
	v17 =	vadd.f32 v63, v11;
	[tilespmem:$0x1440] =	vst v62  }
0xfb: {  	v6 =	vmul.f32 $5.551115120e-17, v6;
	v4 =	vadd.f32 v30, v16;
	v25 =	vadd.f32 v7, v23;
	[tilespmem:$0x1940] =	vst v13  }
0xfc: {  	v2 =	vadd.f32 v2, v24;
	[tilespmem:$0x1E40] =	vst v17  }
0xfd: {  	v4 =	vadd.f32 v6, v4;
	[tilespmem:$0x1A40] =	vst v25  }
0xfe: {  	v27 =	vadd.s32 $0xF2, v0;
	[tilespmem:$0x1F40] =	vst v2  }
0xff: {  	[tilespmem:$0x1540] =	vst v4  }
0x100: {  	v1 =	vld.idx.msk [tilespmem:v26+s25+$0x0], $0xffff  }
0x101: {  	v28 =	vadd.s32 $0xF0, v0;
	_ =	sdelay $0x1  }
0x102: {  	v2 =	vld.idx.msk [tilespmem:v27+s25+$0x0], $0xffff;
	_ =	sdelay $0x1  }
0x103: {  	v1 =	vmul.u32 $0x3, v1  }
0x104: {  	v3 =	vld.idx.msk [tilespmem:v28+s25+$0x0], $0xffff  }
0x105: {  	v29 =	vadd.s32 s8, v1  }
0x106: {  	v2 =	vmul.u32 $0x3, v2;
	v30 =	vadd.s32 s9, v1  }
0x107: {  	v1 =	vadd.s32 s10, v1  }
0x108: {  	v31 =	vadd.s32 s8, v2  }
0x109: {  	v3 =	vmul.u32 $0x3, v3;
	v32 =	vadd.s32 s9, v2  }
0x10a: {  	v2 =	vadd.s32 s10, v2;
	v4 =	vld.idx.msk [tilespmem:v29+s2+$0x0], $0xffff  }
0x10b: {  	v33 =	vadd.s32 s8, v3;
	v5 =	vld.idx.msk [tilespmem:v30+s2+$0x0], $0xffff  }
0x10c: {  	v34 =	vadd.s32 s9, v3;
	v1 =	vld.idx.msk [tilespmem:v1+s2+$0x0], $0xffff  }
0x10d: {  	v3 =	vadd.s32 s10, v3;
	v6 =	vld.idx.msk [tilespmem:v31+s2+$0x0], $0xffff  }
0x10e: {  	v7 =	vld.idx.msk [tilespmem:v32+s2+$0x0], $0xffff  }
0x10f: {  	v2 =	vld.idx.msk [tilespmem:v2+s2+$0x0], $0xffff  }
0x110: {  	v8 =	vld.idx.msk [tilespmem:v33+s2+$0x0], $0xffff  }
0x111: {  	v9 =	vld.idx.msk [tilespmem:v34+s2+$0x0], $0xffff  }
0x112: {  	v3 =	vld.idx.msk [tilespmem:v3+s2+$0x0], $0xffff;
	[tilespmem:$0x1150] =	vst v6  }
0x113: {  	[tilespmem:$0x1650] =	vst v7  }
0x114: {  	[tilespmem:$0x1B50] =	vst v2  }
0x115: {  	[tilespmem:$0x12D0] =	vst v4  }
0x116: {  	[tilespmem:$0x17D0] =	vst v5  }
0x117: {  	v35 =	vmul.f32 $3.333333430e-01, v4;
	v36 =	vmul.f32 $6.666666860e-01, v6;
	[tilespmem:$0x1CD0] =	vst v1  }
0x118: {  	v37 =	vmul.f32 $3.333333430e-01, v5;
	v38 =	vmul.f32 $6.666666860e-01, v7;
	[tilespmem:$0x15D0] =	vst v8  }
0x119: {  	v40 =	vmul.f32 $3.333333430e-01, v1;
	v41 =	vmul.f32 $6.666666860e-01, v2;
	[tilespmem:$0x1AD0] =	vst v9;
	v39 =	vadd.f32 v36, v35  }
0x11a: {  	v43 =	vmul.f32 $6.666666860e-01, v4;
	v44 =	vmul.f32 $3.333333430e-01, v6;
	[tilespmem:$0x1FD0] =	vst v3;
	v42 =	vadd.f32 v38, v37  }
0x11b: {  	v47 =	vmul.f32 $6.666666860e-01, v5;
	v48 =	vmul.f32 $3.333333430e-01, v7;
	v45 =	vadd.f32 v41, v40;
	[tilespmem:$0x11D0] =	vst v39  }
0x11c: {  	v50 =	vmul.f32 $6.666666860e-01, v1;
	v51 =	vmul.f32 $3.333333430e-01, v2;
	v46 =	vadd.f32 v44, v43;
	[tilespmem:$0x16D0] =	vst v42  }
0x11d: {  	v53 =	vmul.f32 $3.333333430e-01, v8;
	v49 =	vadd.f32 v48, v47;
	[tilespmem:$0x1BD0] =	vst v45  }
0x11e: {  	v54 =	vmul.f32 $3.333333430e-01, v9;
	v52 =	vadd.f32 v51, v50;
	[tilespmem:$0x1250] =	vst v46  }
0x11f: {  	v56 =	vmul.f32 $3.333333430e-01, v3;
	v55 =	vadd.f32 v36, v53;
	[tilespmem:$0x1750] =	vst v49  }
0x120: {  	v29 =	vmul.f32 $6.666666860e-01, v8;
	v57 =	vadd.f32 v38, v54;
	[tilespmem:$0x1C50] =	vst v52  }
0x121: {  	v31 =	vmul.f32 $6.666666860e-01, v9;
	v59 =	vadd.f32 v41, v56;
	[tilespmem:$0x1350] =	vst v55  }
0x122: {  	v58 =	vadd.f32 v35, v53;
	v32 =	vadd.f32 v44, v29;
	[tilespmem:$0x1850] =	vst v57  }
0x123: {  	v60 =	vadd.f32 v37, v54;
	v34 =	vadd.f32 v48, v31;
	[tilespmem:$0x1D50] =	vst v59  }
0x124: {  	v23 =	vmul.f32 $1.110223020e-16, v6;
	v62 =	vadd.f32 v40, v56;
	v61 =	vadd.f32 v44, v58;
	[tilespmem:$0x14D0] =	vst v32  }
0x125: {  	v25 =	vmul.f32 $1.110223020e-16, v7;
	v14 =	vadd.f32 v43, v53;
	v63 =	vadd.f32 v48, v60;
	[tilespmem:$0x19D0] =	vst v34  }
0x126: {  	v27 =	vmul.f32 $1.110223020e-16, v2;
	v4 =	vadd.f32 v47, v54;
	v24 =	vadd.f32 v51, v62;
	[tilespmem:$0x13D0] =	vst v61  }
0x127: {  	v33 =	vmul.f32 $6.666666860e-01, v3;
	v11 =	vadd.f32 v50, v56;
	v26 =	vadd.f32 v23, v14;
	[tilespmem:$0x18D0] =	vst v63  }
0x128: {  	v36 =	vadd.f32 v37, v31;
	v28 =	vadd.f32 v25, v4;
	[tilespmem:$0x1DD0] =	vst v24  }
0x129: {  	v7 =	vmul.f32 $5.551115120e-17, v7;
	v37 =	vadd.f32 v40, v33;
	v30 =	vadd.f32 v27, v11;
	[tilespmem:$0x1450] =	vst v26  }
0x12a: {  	v2 =	vmul.f32 $5.551115120e-17, v2;
	v4 =	vadd.f32 v35, v29;
	v35 =	vadd.f32 v51, v33;
	[tilespmem:$0x1950] =	vst v28  }
0x12b: {  	v6 =	vmul.f32 $5.551115120e-17, v6;
	v38 =	vadd.f32 v7, v36;
	v39 =	vadd.s32 $0x121, v0;
	[tilespmem:$0x1E50] =	vst v30  }
0x12c: {  	v2 =	vadd.f32 v2, v37;
	[tilespmem:$0x1ED0] =	vst v35  }
0x12d: {  	v4 =	vadd.f32 v6, v4;
	[tilespmem:$0x1A50] =	vst v38  }
0x12e: {  	v40 =	vadd.s32 $0x122, v0;
	[tilespmem:$0x1F50] =	vst v2  }
0x12f: {  	[tilespmem:$0x1550] =	vst v4  }
0x130: {  	v1 =	vld.idx.msk [tilespmem:v39+s25+$0x0], $0xffff  }
0x131: {  	v41 =	vadd.s32 $0x120, v0;
	_ =	sdelay $0x1  }
0x132: {  	v2 =	vld.idx.msk [tilespmem:v40+s25+$0x0], $0xffff;
	_ =	sdelay $0x1  }
0x133: {  	v1 =	vmul.u32 $0x3, v1  }
0x134: {  	v3 =	vld.idx.msk [tilespmem:v41+s25+$0x0], $0xffff  }
0x135: {  	v42 =	vadd.s32 s8, v1  }
0x136: {  	v2 =	vmul.u32 $0x3, v2;
	v43 =	vadd.s32 s9, v1  }
0x137: {  	v1 =	vadd.s32 s10, v1  }
0x138: {  	v44 =	vadd.s32 s8, v2  }
0x139: {  	v3 =	vmul.u32 $0x3, v3;
	v45 =	vadd.s32 s9, v2  }
0x13a: {  	v2 =	vadd.s32 s10, v2;
	v4 =	vld.idx.msk [tilespmem:v42+s2+$0x0], $0xffff  }
0x13b: {  	v46 =	vadd.s32 s8, v3;
	v5 =	vld.idx.msk [tilespmem:v43+s2+$0x0], $0xffff  }
0x13c: {  	v47 =	vadd.s32 s9, v3;
	v1 =	vld.idx.msk [tilespmem:v1+s2+$0x0], $0xffff  }
0x13d: {  	v3 =	vadd.s32 s10, v3;
	v6 =	vld.idx.msk [tilespmem:v44+s2+$0x0], $0xffff  }
0x13e: {  	v7 =	vld.idx.msk [tilespmem:v45+s2+$0x0], $0xffff  }
0x13f: {  	v2 =	vld.idx.msk [tilespmem:v2+s2+$0x0], $0xffff  }
0x140: {  	v8 =	vld.idx.msk [tilespmem:v46+s2+$0x0], $0xffff  }
0x141: {  	v9 =	vld.idx.msk [tilespmem:v47+s2+$0x0], $0xffff  }
0x142: {  	v3 =	vld.idx.msk [tilespmem:v3+s2+$0x0], $0xffff;
	[tilespmem:$0x1160] =	vst v6  }
0x143: {  	[tilespmem:$0x1660] =	vst v7  }
0x144: {  	[tilespmem:$0x1B60] =	vst v2  }
0x145: {  	[tilespmem:$0x12E0] =	vst v4  }
0x146: {  	[tilespmem:$0x17E0] =	vst v5  }
0x147: {  	v10 =	vmul.f32 $3.333333430e-01, v4;
	v48 =	vmul.f32 $6.666666860e-01, v6;
	[tilespmem:$0x1CE0] =	vst v1  }
0x148: {  	v49 =	vmul.f32 $3.333333430e-01, v5;
	v50 =	vmul.f32 $6.666666860e-01, v7;
	[tilespmem:$0x15E0] =	vst v8  }
0x149: {  	v52 =	vmul.f32 $3.333333430e-01, v1;
	v53 =	vmul.f32 $6.666666860e-01, v2;
	[tilespmem:$0x1AE0] =	vst v9;
	v51 =	vadd.f32 v48, v10  }
0x14a: {  	v55 =	vmul.f32 $6.666666860e-01, v4;
	v56 =	vmul.f32 $3.333333430e-01, v6;
	[tilespmem:$0x1FE0] =	vst v3;
	v54 =	vadd.f32 v50, v49  }
0x14b: {  	v59 =	vmul.f32 $6.666666860e-01, v5;
	v60 =	vmul.f32 $3.333333430e-01, v7;
	v57 =	vadd.f32 v53, v52;
	[tilespmem:$0x11E0] =	vst v51  }
0x14c: {  	v62 =	vmul.f32 $6.666666860e-01, v1;
	v63 =	vmul.f32 $3.333333430e-01, v2;
	v58 =	vadd.f32 v56, v55;
	[tilespmem:$0x16E0] =	vst v54  }
0x14d: {  	v25 =	vmul.f32 $3.333333430e-01, v8;
	v61 =	vadd.f32 v60, v59;
	[tilespmem:$0x1BE0] =	vst v57  }
0x14e: {  	v26 =	vmul.f32 $3.333333430e-01, v9;
	v24 =	vadd.f32 v63, v62;
	[tilespmem:$0x1260] =	vst v58  }
0x14f: {  	v28 =	vmul.f32 $3.333333430e-01, v3;
	v27 =	vadd.f32 v48, v25;
	[tilespmem:$0x1760] =	vst v61  }
0x150: {  	v42 =	vmul.f32 $6.666666860e-01, v8;
	v29 =	vadd.f32 v50, v26;
	[tilespmem:$0x1C60] =	vst v24  }
0x151: {  	v44 =	vmul.f32 $6.666666860e-01, v9;
	v31 =	vadd.f32 v53, v28;
	[tilespmem:$0x1360] =	vst v27  }
0x152: {  	v46 =	vmul.f32 $6.666666860e-01, v3;
	v45 =	vadd.f32 v56, v42;
	[tilespmem:$0x1860] =	vst v29  }
0x153: {  	v30 =	vadd.f32 v10, v25;
	v47 =	vadd.f32 v60, v44;
	[tilespmem:$0x1D60] =	vst v31  }
0x154: {  	v32 =	vadd.f32 v49, v26;
	v48 =	vadd.f32 v63, v46;
	[tilespmem:$0x14E0] =	vst v45  }
0x155: {  	v36 =	vmul.f32 $1.110223020e-16, v6;
	v34 =	vadd.f32 v52, v28;
	v33 =	vadd.f32 v56, v30;
	[tilespmem:$0x19E0] =	vst v47  }
0x156: {  	v38 =	vmul.f32 $1.110223020e-16, v7;
	v14 =	vadd.f32 v55, v25;
	v35 =	vadd.f32 v60, v32;
	[tilespmem:$0x1EE0] =	vst v48  }
0x157: {  	v40 =	vmul.f32 $1.110223020e-16, v2;
	v4 =	vadd.f32 v59, v26;
	v37 =	vadd.f32 v63, v34;
	[tilespmem:$0x13E0] =	vst v33  }
0x158: {  	v6 =	vmul.f32 $5.551115120e-17, v6;
	v11 =	vadd.f32 v62, v28;
	v39 =	vadd.f32 v36, v14;
	[tilespmem:$0x18E0] =	vst v35  }
0x159: {  	v7 =	vmul.f32 $5.551115120e-17, v7;
	v49 =	vadd.f32 v49, v44;
	v41 =	vadd.f32 v38, v4;
	[tilespmem:$0x1DE0] =	vst v37  }
0x15a: {  	v2 =	vmul.f32 $5.551115120e-17, v2;
	v50 =	vadd.f32 v52, v46;
	v43 =	vadd.f32 v40, v11;
	[tilespmem:$0x1460] =	vst v39  }
0x15b: {  	v52 =	vadd.s32 $0x151, v0;
	v4 =	vadd.f32 v10, v42;
	v51 =	vadd.f32 v7, v49;
	[tilespmem:$0x1960] =	vst v41  }
0x15c: {  	v2 =	vadd.f32 v2, v50;
	[tilespmem:$0x1E60] =	vst v43  }
0x15d: {  	v4 =	vadd.f32 v6, v4;
	[tilespmem:$0x1A60] =	vst v51  }
0x15e: {  	v53 =	vadd.s32 $0x152, v0;
	[tilespmem:$0x1F60] =	vst v2  }
0x15f: {  	[tilespmem:$0x1560] =	vst v4  }
0x160: {  	v1 =	vld.idx.msk [tilespmem:v52+s25+$0x0], $0xffff  }
0x161: {  	v0 =	vadd.s32 $0x150, v0;
	_ =	sdelay $0x1  }
0x162: {  	v2 =	vld.idx.msk [tilespmem:v53+s25+$0x0], $0xffff;
	_ =	sdelay $0x1  }
0x163: {  	v1 =	vmul.u32 $0x3, v1  }
0x164: {  	v0 =	vld.idx.msk [tilespmem:v0+s25+$0x0], $0xffff  }
0x165: {  	v54 =	vadd.s32 s8, v1  }
0x166: {  	v2 =	vmul.u32 $0x3, v2;
	v55 =	vadd.s32 s9, v1  }
0x167: {  	v1 =	vadd.s32 s10, v1  }
0x168: {  	v56 =	vadd.s32 s8, v2  }
0x169: {  	v0 =	vmul.u32 $0x3, v0;
	v57 =	vadd.s32 s9, v2  }
0x16a: {  	v2 =	vadd.s32 s10, v2;
	v3 =	vld.idx.msk [tilespmem:v54+s2+$0x0], $0xffff  }
0x16b: {  	v58 =	vadd.s32 s8, v0;
	v4 =	vld.idx.msk [tilespmem:v55+s2+$0x0], $0xffff  }
0x16c: {  	v59 =	vadd.s32 s9, v0;
	v1 =	vld.idx.msk [tilespmem:v1+s2+$0x0], $0xffff  }
0x16d: {  	v0 =	vadd.s32 s10, v0;
	v5 =	vld.idx.msk [tilespmem:v56+s2+$0x0], $0xffff  }
0x16e: {  	v6 =	vld.idx.msk [tilespmem:v57+s2+$0x0], $0xffff  }
0x16f: {  	v2 =	vld.idx.msk [tilespmem:v2+s2+$0x0], $0xffff  }
0x170: {  	v7 =	vld.idx.msk [tilespmem:v58+s2+$0x0], $0xffff  }
0x171: {  	v8 =	vld.idx.msk [tilespmem:v59+s2+$0x0], $0xffff  }
0x172: {  	v0 =	vld.idx.msk [tilespmem:v0+s2+$0x0], $0xffff;
	[tilespmem:$0x1170] =	vst v5  }
0x173: {  	[tilespmem:$0x1670] =	vst v6  }
0x174: {  	[tilespmem:$0x1B70] =	vst v2  }
0x175: {  	[tilespmem:$0x12F0] =	vst v3  }
0x176: {  	[tilespmem:$0x17F0] =	vst v4  }
0x177: {  	v60 =	vmul.f32 $3.333333430e-01, v3;
	v61 =	vmul.f32 $6.666666860e-01, v5;
	[tilespmem:$0x1CF0] =	vst v1  }
0x178: {  	v62 =	vmul.f32 $3.333333430e-01, v4;
	v63 =	vmul.f32 $6.666666860e-01, v6;
	[tilespmem:$0x15F0] =	vst v7  }
0x179: {  	v24 =	vmul.f32 $3.333333430e-01, v1;
	v25 =	vmul.f32 $6.666666860e-01, v2;
	[tilespmem:$0x1AF0] =	vst v8;
	v23 =	vadd.f32 v61, v60  }
0x17a: {  	v27 =	vmul.f32 $6.666666860e-01, v3;
	v28 =	vmul.f32 $3.333333430e-01, v5;
	[tilespmem:$0x1FF0] =	vst v0;
	v26 =	vadd.f32 v63, v62  }
0x17b: {  	v30 =	vmul.f32 $6.666666860e-01, v4;
	v31 =	vmul.f32 $3.333333430e-01, v6;
	v29 =	vadd.f32 v25, v24;
	[tilespmem:$0x11F0] =	vst v23  }
0x17c: {  	v33 =	vmul.f32 $6.666666860e-01, v1;
	v34 =	vmul.f32 $3.333333430e-01, v2;
	v32 =	vadd.f32 v28, v27;
	[tilespmem:$0x16F0] =	vst v26  }
0x17d: {  	v37 =	vmul.f32 $3.333333430e-01, v7;
	v35 =	vadd.f32 v31, v30;
	[tilespmem:$0x1BF0] =	vst v29  }
0x17e: {  	v38 =	vmul.f32 $3.333333430e-01, v8;
	v36 =	vadd.f32 v34, v33;
	[tilespmem:$0x1270] =	vst v32  }
0x17f: {  	v40 =	vmul.f32 $3.333333430e-01, v0;
	v39 =	vadd.f32 v61, v37;
	[tilespmem:$0x1770] =	vst v35  }
0x180: {  	v54 =	vmul.f32 $6.666666860e-01, v7;
	v41 =	vadd.f32 v63, v38;
	[tilespmem:$0x1C70] =	vst v36  }
0x181: {  	v56 =	vmul.f32 $6.666666860e-01, v8;
	v43 =	vadd.f32 v25, v40;
	[tilespmem:$0x1370] =	vst v39  }
0x182: {  	v42 =	vadd.f32 v60, v37;
	v57 =	vadd.f32 v28, v54;
	[tilespmem:$0x1870] =	vst v41  }
0x183: {  	v44 =	vadd.f32 v62, v38;
	v59 =	vadd.f32 v31, v56;
	[tilespmem:$0x1D70] =	vst v43  }
0x184: {  	v48 =	vmul.f32 $1.110223020e-16, v5;
	v46 =	vadd.f32 v24, v40;
	v45 =	vadd.f32 v28, v42;
	[tilespmem:$0x14F0] =	vst v57  }
0x185: {  	v50 =	vmul.f32 $1.110223020e-16, v6;
	v13 =	vadd.f32 v27, v37;
	v47 =	vadd.f32 v31, v44;
	[tilespmem:$0x19F0] =	vst v59  }
0x186: {  	v52 =	vmul.f32 $1.110223020e-16, v2;
	v3 =	vadd.f32 v30, v38;
	v49 =	vadd.f32 v34, v46;
	[tilespmem:$0x13F0] =	vst v45  }
0x187: {  	v58 =	vmul.f32 $6.666666860e-01, v0;
	v10 =	vadd.f32 v33, v40;
	v51 =	vadd.f32 v48, v13;
	[tilespmem:$0x18F0] =	vst v47  }
0x188: {  	v61 =	vadd.f32 v62, v56;
	v53 =	vadd.f32 v50, v3;
	[tilespmem:$0x1DF0] =	vst v49  }
0x189: {  	s6 =	smul.u32 $0x7800, s6;
	v6 =	vmul.f32 $5.551115120e-17, v6;
	v62 =	vadd.f32 v24, v58;
	v55 =	vadd.f32 v52, v10;
	[tilespmem:$0x1470] =	vst v51  }
0x18a: {  	s5 =	smul.u32 $0x500, s5;
	v2 =	vmul.f32 $5.551115120e-17, v2;
	v3 =	vadd.f32 v60, v54;
	v60 =	vadd.f32 v34, v58;
	[tilespmem:$0x1970] =	vst v53  }
0x18b: {  	v5 =	vmul.f32 $5.551115120e-17, v5;
	v63 =	vadd.f32 v6, v61;
	[tilespmem:$0x1E70] =	vst v55  }
0x18c: {  	s5 =	sadd.s32 s5, s6;
	v2 =	vadd.f32 v2, v62;
	[tilespmem:$0x1EF0] =	vst v60  }
0x18d: {  	s5 =	sshrl.u32 s5, $0x3;
	v3 =	vadd.f32 v5, v3;
	[tilespmem:$0x1A70] =	vst v63  }
0x18e: {  	s4 =	sadd.s32 s5, s4;
	[tilespmem:$0x1F70] =	vst v2  }
0x18f: {  	s28 =	simm.s32 $0x1100;
	s5 =	sadd.s32 $0xE00, s4;
	[tilespmem:$0x1570] =	vst v3  }
0x190: {  	[hbm4b:s5+s2] =	stream.linear.scatter [tilespmem:s28], [sflag:$0x1], $0x500, $0x38;
	[tilespmem:$0x2000] =	vst v63  }
0x191: {  	s30 =	simm.s32 $0x1600;
	s29 =	sadd.s32 $0x1300, s4  }
0x192: {  	[hbm4b:s29+s2] =	stream.linear.scatter [tilespmem:s30], [sflag:$0x1], $0x500, $0x38;
	[tilespmem:$0x2000] =	vst v63  }
0x193: {  	s31 =	simm.s32 $0x1B00;
	s4 =	sadd.s32 $0x1800, s4  }
0x194: {  	[hbm4b:s4+s2] =	stream.linear.scatter [tilespmem:s31], [sflag:$0x1], $0x500, $0x38;
	[tilespmem:$0x2000] =	vst v63  }
0x195: {  	_ =	swait.ge [sflag:s26], $0x500  }
0x196: {  	[sflag:s26] =	ssyncset.done $0x0  }
0x197: {  	[sflag:s26] =	ssyncadd.s32 $0xFFFFFB00  }
0x198: {  	_ =	swait.ge [sflag:s26], $0x500  }
0x199: {  	[sflag:s26] =	ssyncset.done $0x0  }
0x19a: {  	[sflag:s26] =	ssyncadd.s32 $0xFFFFFB00  }
0x19b: {  	_ =	swait.ge [sflag:s26], $0x500  }
0x19c: {  	[sflag:s26] =	ssyncset.done $0x0  }
0x19d: {  	[sflag:s26] =	ssyncadd.s32 $0xFFFFFB00  }
0x19e: {  	_ =	sfence.sel $0x180000  }
0x19f: {  	[bflag:$0x0] =	sbarrier.arrive $0xFFFF  }
0x1a0: {  	p0 =	sne.s32 s0, $0x0;
	_ =	strace $0x90000047  }
0x1a1: {  	s0 =	sadd.s32 @!p0 $0x100000, s1;
	[bflag:$0x2] =	sbarrier.arrive $0xFFFF  }
0x1a2: {  	[sflag:s0] =	ssyncadd.tile.s32 @!p0 $0x1;
	_ =	shalt  }
.Lfunc_end2:
_tile_overlayer_lowered:
.L_overlay_start_2:
0x1a3: {  	(tag) =	ssettag $0x2  }
0x1a4: {  	s0 =	rddreg [dreg:$0x0];
	s2 =	stileid.u32  }
0x1a5: {  	s1 =	rddreg [dreg:$0x1];
	p0 =	sne.s32 s2, $0x0  }
0x1a6: {  	s3 =	rddreg [dreg:$0x2];
	[bflag:$0x3] =	sbarrier.arrive $0xFFFF;
	s2 =	simm.s32 @!p0 $0x1C02  }
0x1a7: {  	[timem:s3], [sflag:s2] =	dma.local @!p0 [hbm:s0], s1  }
0x1a8: {  	s0 =	simm.s32 @!p0 $0x2  }
0x1a9: {  	_ =	swait.ge @!p0 [sflag:s0], s1  }
0x1aa: {  	s1 =	ssub.s32 @!p0 $0x0, s1;
	[sflag:s0] =	ssyncset.done @!p0 $0x0  }
0x1ab: {  	[sflag:s0] =	ssyncadd.s32 @!p0 s1  }
0x1ac: {  	[bflag:$0x3] =	sbarrier.arrive $0xFFFF  }
0x1ad: {  	_ =	shalt  }

</sc_bundles>
